<compile_context>
chip_gen: v7x
topology: tpu7x:2x2x1
jax: 0.10.2.dev20260603
libtpu: 0.0.44.dev20260713+nightly
codegen_flags: <defaults>
</compile_context>

<pallas_src>
import functools

import jax
import jax.numpy as jnp
from jax import lax
from jax.experimental import pallas as pl
from jax.experimental.pallas import tpu as pltpu
from jax.experimental.pallas import tpu_sc as plsc

N_ROWS = 10000
D = 128
E = 320000
CHUNK = 128
N_CHUNKS = E // CHUNK
NS = 16
NC = 2
STRIPE = 624
ZROWS = 208
ROW_BLOCK = 1000


def _sc_body(table_hbm, dst_hbm, src_hbm, vals_hbm, out_hbm,
             didx_v, sidx_v, vals_v, rows_v, zbuf_v, acc_sh, sem, sem_i):
    cid = lax.axis_index("c")
    sid = lax.axis_index("s")
    row0 = sid * STRIPE

    zeros16 = jnp.zeros((16,), jnp.float32)

    def _zrow(r, _):
        for j in range(D // 16):
            zbuf_v[r, pl.ds(16 * j, 16)] = zeros16
        return 0

    lax.fori_loop(0, ZROWS, _zrow, 0)

    def _mul_group(g, _):
        vv = vals_v[pl.ds(16 * g, 16)]
        for e in range(16):
            splat = jnp.full((16,), vv[e], jnp.float32)
            r = 16 * g + e
            for j in range(D // 16):
                sl = rows_v[r, pl.ds(16 * j, 16)]
                rows_v[r, pl.ds(16 * j, 16)] = sl * splat
        return 0

    for b in range(2):
        for k in range(STRIPE // ZROWS):
            pltpu.sync_copy(zbuf_v, acc_sh.at[pl.ds(row0 + ZROWS * k, ZROWS)])

        @pl.when(sid == NS - 1)
        def _():
            pltpu.sync_copy(zbuf_v.at[pl.ds(0, 16)],
                            acc_sh.at[pl.ds(NS * STRIPE, 16)])

        plsc.subcore_barrier()

        eb = (2 * b + cid) * E

        def _chunk(k, _):
            c = sid + NS * k

            @pl.when(c < N_CHUNKS)
            def _():
                off = eb + c * CHUNK
                ca = pltpu.async_copy(dst_hbm.at[pl.ds(off, CHUNK)], didx_v,
                                      sem_i)
                cb = pltpu.async_copy(src_hbm.at[pl.ds(off, CHUNK)], sidx_v,
                                      sem_i)
                cc = pltpu.async_copy(vals_hbm.at[pl.ds(off, CHUNK)], vals_v,
                                      sem_i)
                ca.wait()
                cb.wait()
                cc.wait()
                pltpu.async_copy(table_hbm.at[sidx_v], rows_v, sem).wait()
                lax.fori_loop(0, CHUNK // 16, _mul_group, 0)
                pltpu.sync_copy(rows_v, acc_sh.at[didx_v], add=True)

            return 0

        lax.fori_loop(0, (N_CHUNKS + NS - 1) // NS, _chunk, 0)
        plsc.subcore_barrier()

        for k in range(STRIPE // ZROWS):
            r0 = row0 + ZROWS * k
            pltpu.sync_copy(acc_sh.at[pl.ds(r0, ZROWS)],
                            out_hbm.at[b, cid, pl.ds(r0, ZROWS)])

        @pl.when(sid == NS - 1)
        def _():
            pltpu.sync_copy(acc_sh.at[pl.ds(NS * STRIPE, 16)],
                            out_hbm.at[b, cid, pl.ds(NS * STRIPE, 16)])

        plsc.subcore_barrier()


@functools.partial(jax.jit, donate_argnums=())
def _sc_spmm(table_cat, dst_idx, src_idx, vals):
    mesh = plsc.VectorSubcoreMesh(core_axis_name="c", subcore_axis_name="s")
    return pl.kernel(
        _sc_body,
        out_type=jax.ShapeDtypeStruct((2, NC, N_ROWS, D), jnp.float32),
        mesh=mesh,
        scratch_types=[
            pltpu.VMEM((CHUNK,), jnp.int32),
            pltpu.VMEM((CHUNK,), jnp.int32),
            pltpu.VMEM((CHUNK,), jnp.float32),
            pltpu.VMEM((CHUNK, D), jnp.float32),
            pltpu.VMEM((ZROWS, D), jnp.float32),
            pltpu.VMEM_SHARED((N_ROWS, D), jnp.float32),
            pltpu.SemaphoreType.DMA,
            pltpu.SemaphoreType.DMA,
        ],
    )(table_cat, dst_idx, src_idx, vals)


def _dense_body(agg_ref, uw_ref, iw_ref, ue_ref, ie_ref, ues_ref, ies_ref):
    uw = uw_ref[...]
    iw = iw_ref[...]
    z0 = lax.dot(agg_ref[0, 0], uw, preferred_element_type=jnp.float32)
    z1 = lax.dot(agg_ref[1, 0], uw, preferred_element_type=jnp.float32)
    ues_ref[0] = jax.nn.sigmoid(z0)
    ues_ref[1] = jax.nn.sigmoid(z1)
    ue_ref[...] = jax.nn.sigmoid(0.5 * (z0 + z1))
    y0 = lax.dot(agg_ref[0, 1], iw, preferred_element_type=jnp.float32)
    y1 = lax.dot(agg_ref[1, 1], iw, preferred_element_type=jnp.float32)
    ies_ref[0] = jax.nn.sigmoid(y0)
    ies_ref[1] = jax.nn.sigmoid(y1)
    ie_ref[...] = jax.nn.sigmoid(0.5 * (y0 + y1))


@functools.partial(jax.jit)
def _dense_stage(aggs, u_w, i_w):
    grid = (N_ROWS // ROW_BLOCK,)
    agg_spec = pl.BlockSpec((2, NC, ROW_BLOCK, D), lambda i: (0, 0, i, 0))
    w_spec = pl.BlockSpec((D, D), lambda i: (0, 0))
    out_spec2 = pl.BlockSpec((ROW_BLOCK, D), lambda i: (i, 0))
    out_spec3 = pl.BlockSpec((2, ROW_BLOCK, D), lambda i: (0, i, 0))
    return pl.pallas_call(
        _dense_body,
        grid=grid,
        in_specs=[agg_spec, w_spec, w_spec],
        out_specs=[out_spec2, out_spec2, out_spec3, out_spec3],
        out_shape=[
            jax.ShapeDtypeStruct((N_ROWS, D), jnp.float32),
            jax.ShapeDtypeStruct((N_ROWS, D), jnp.float32),
            jax.ShapeDtypeStruct((2, N_ROWS, D), jnp.float32),
            jax.ShapeDtypeStruct((2, N_ROWS, D), jnp.float32),
        ],
    )(aggs, u_w, i_w)


def kernel(user_embedding, item_embedding, edge_index_b0, vals_u2i_b0,
           vals_i2u_b0, edge_index_b1, vals_u2i_b1, vals_i2u_b1, u_w, i_w):
    table_cat = jnp.concatenate([item_embedding, user_embedding], axis=0)
    u0 = edge_index_b0[0].astype(jnp.int32)
    i0 = edge_index_b0[1].astype(jnp.int32)
    u1 = edge_index_b1[0].astype(jnp.int32)
    i1 = edge_index_b1[1].astype(jnp.int32)
    dst_idx = jnp.concatenate([u0, i0, u1, i1])
    src_idx = jnp.concatenate([i0, u0 + N_ROWS, i1, u1 + N_ROWS])
    vals = jnp.concatenate([vals_u2i_b0, vals_i2u_b0,
                            vals_u2i_b1, vals_i2u_b1])
    aggs = _sc_spmm(table_cat, dst_idx, src_idx, vals)
    user_emb, item_emb, user_embeddings, item_embeddings = _dense_stage(
        aggs, u_w, i_w)
    return (user_emb, item_emb, user_embeddings, item_embeddings)

# --- scband reference (transcript-rebuilt; emitter-appended) ---
"""Pipeline reference for scband-gcn-layer-5248450036422 (READ-ONLY COPY).

The authoritative reference and input builder live on the scoring server;
editing this copy changes nothing except your own understanding.
"""

import jax, jax.numpy as jnp
import numpy as np

N_USERS = 10000
N_ITEMS = 10000
E = 320000
D_IN = 128
D_OUT = 128


def _xavier(key, shape):
    a = np.sqrt(6.0 / (shape[0] + shape[1]))
    return jax.random.uniform(key, shape, jnp.float32, minval=-a, maxval=a)


def setup_inputs(seed: int = 0) -> dict:
    key = jax.random.key(seed)
    ks = jax.random.split(key, 10)
    return {
        "user_embedding": jax.random.normal(ks[0], (N_USERS, D_IN), jnp.float32),
        "item_embedding": jax.random.normal(ks[1], (N_ITEMS, D_IN), jnp.float32),
        "edge_index_b0": jax.random.randint(ks[2], (2, E), 0, N_USERS, jnp.int64),
        "vals_u2i_b0": jax.random.uniform(ks[3], (E,), jnp.float32),
        "vals_i2u_b0": jax.random.uniform(ks[4], (E,), jnp.float32),
        "edge_index_b1": jax.random.randint(ks[5], (2, E), 0, N_USERS, jnp.int64),
        "vals_u2i_b1": jax.random.uniform(ks[6], (E,), jnp.float32),
        "vals_i2u_b1": jax.random.uniform(ks[7], (E,), jnp.float32),
        "u_w": _xavier(ks[8], (D_IN, D_OUT)),
        "i_w": _xavier(ks[9], (D_IN, D_OUT)),
    }


def _spmm(rows, cols, vals, dense, n_rows):
    # sparse[n_rows, n_cols] @ dense : gather rows of dense by col index,
    # scale by values, scatter-add into output rows (== torch.spmm).
    gathered = jnp.take(dense, cols, axis=0) * vals[:, None]
    return jax.ops.segment_sum(gathered, rows, num_segments=n_rows)


def reference(user_embedding, item_embedding, edge_index_b0, vals_u2i_b0, vals_i2u_b0, edge_index_b1, vals_u2i_b1, vals_i2u_b1, u_w, i_w):
    # NOTE: the torch module's row-fold split + concat of torch.spmm results is
    # mathematically identical to one full spmm over the whole matrix; we compute
    # the full spmm per behavior here.
    user_list = []
    item_list = []
    for ei, v_u2i, v_i2u in ((edge_index_b0, vals_u2i_b0, vals_i2u_b0),
                             (edge_index_b1, vals_u2i_b1, vals_i2u_b1)):
        u_idx = ei[0]
        i_idx = ei[1]
        # u2i sparse mat [N_USERS, N_ITEMS] @ item_embedding -> aggregated at users
        i2u_agg = _spmm(u_idx, i_idx, v_u2i, item_embedding, N_USERS)
        # i2u sparse mat [N_ITEMS, N_USERS] @ user_embedding -> aggregated at items
        u2i_agg = _spmm(i_idx, u_idx, v_i2u, user_embedding, N_ITEMS)
        user_list.append(i2u_agg)
        item_list.append(u2i_agg)
    user_embeddings = jnp.stack(user_list, axis=0)
    item_embeddings = jnp.stack(item_list, axis=0)
    user_emb = jax.nn.sigmoid(jnp.matmul(jnp.mean(user_embeddings, axis=0), u_w))
    item_emb = jax.nn.sigmoid(jnp.matmul(jnp.mean(item_embeddings, axis=0), i_w))
    user_embeddings = jax.nn.sigmoid(jnp.matmul(user_embeddings, u_w))
    item_embeddings = jax.nn.sigmoid(jnp.matmul(item_embeddings, i_w))
    return (user_emb, item_emb, user_embeddings, item_embeddings)

if __name__ == "__main__":
    import jax
    _d = setup_inputs()
    print(jax.jit(kernel)(*tuple(_d.values())))

</pallas_src>

<mosaic_0001>
#map = affine_map<(d0, d1) -> (0, 0)>
#map1 = affine_map<(d0, d1) -> (0)>
#map2 = affine_map<(d0, d1) -> (0, 0, 0, 0)>
module attributes {stable_mosaic.version = 14 : i64} {
  func.func @_sc_body(%arg0: i32, %arg1: i32, %arg2: memref<20000x128xf32, #tpu.memory_space<hbm>>, %arg3: memref<1280000xi32, #tpu.memory_space<hbm>>, %arg4: memref<1280000xi32, #tpu.memory_space<hbm>>, %arg5: memref<1280000xf32, #tpu.memory_space<hbm>>, %arg6: memref<2x2x10000x128xf32, #tpu.memory_space<hbm>>, %arg7: memref<128xi32, #tpu.memory_space<vmem>>, %arg8: memref<128xi32, #tpu.memory_space<vmem>>, %arg9: memref<128xf32, #tpu.memory_space<vmem>>, %arg10: memref<128x128xf32, #tpu.memory_space<vmem>>, %arg11: memref<208x128xf32, #tpu.memory_space<vmem>>, %arg12: memref<10000x128xf32, #tpu.memory_space<vmem_shared>>, %arg13: memref<!tpu.dma_semaphore, #tpu.memory_space<semaphore_mem>>, %arg14: memref<!tpu.dma_semaphore, #tpu.memory_space<semaphore_mem>>) attributes {dimension_semantics = [#tpu.dimension_semantics<core_parallel>, #tpu.dimension_semantics<subcore_parallel>], iteration_bounds = array<i64: 2, 16>, scalar_prefetch = 0 : i64, scratch_operands = 8 : i64, tpu.core_type = #tpu.core_type<sc_vector_subcore>, window_params = [{transform_indices = #map}, {transform_indices = #map1}, {transform_indices = #map1}, {transform_indices = #map1}, {transform_indices = #map2}]} {
    %mul3A = arith.constant 624 : i32
    %mul3A_0 = arith.muli %arg1, %mul3A : i32
    %broadcast_in_dim3A = arith.constant 0.000000e+00 : f32
    %broadcast_in_dim3A_1 = vector.broadcast %broadcast_in_dim3A : f32 to vector<16xf32>
    %scan3A = arith.constant 0 : i32
    %scan3A_2 = arith.constant 0 : i32
    %scan3A_3 = arith.constant 208 : i32
    %scan3A_4 = arith.addi %scan3A_2, %scan3A_3 : i32
    %scan3A_5 = arith.constant 1 : i32
    %scan3A_6 = scf.for %scan3A_80 = %scan3A_2 to %scan3A_4 step %scan3A_5 iter_args(%scan3A_81 = %scan3A) -> (i32)  : i32 {
      %swap3A = arith.index_cast %scan3A_80 : i32 to index
      %swap3A_82 = arith.constant 0 : index
      %swap3A_83 = tpu.vector_load %arg11[%swap3A, %swap3A_82] {strides = array<i32>} : memref<208x128xf32, #tpu.memory_space<vmem>>, vector<1x16xf32>,
      %swap3A_84 = vector.shape_cast %swap3A_83 : vector<1x16xf32> to vector<16xf32>
      %swap3A_85 = vector.shape_cast %broadcast_in_dim3A_1 : vector<16xf32> to vector<1x16xf32>
      tpu.vector_store %arg11[%swap3A, %swap3A_82], %swap3A_85 {strides = array<i32>} : memref<208x128xf32, #tpu.memory_space<vmem>>, vector<1x16xf32>,
      %swap3A_86 = arith.index_cast %scan3A_80 : i32 to index
      %swap3A_87 = arith.constant 16 : index
      %swap3A_88 = tpu.vector_load %arg11[%swap3A_86, %swap3A_87] {strides = array<i32>} : memref<208x128xf32, #tpu.memory_space<vmem>>, vector<1x16xf32>,
      %swap3A_89 = vector.shape_cast %swap3A_88 : vector<1x16xf32> to vector<16xf32>
      %swap3A_90 = vector.shape_cast %broadcast_in_dim3A_1 : vector<16xf32> to vector<1x16xf32>
      tpu.vector_store %arg11[%swap3A_86, %swap3A_87], %swap3A_90 {strides = array<i32>} : memref<208x128xf32, #tpu.memory_space<vmem>>, vector<1x16xf32>,
      %swap3A_91 = arith.index_cast %scan3A_80 : i32 to index
      %swap3A_92 = arith.constant 32 : index
      %swap3A_93 = tpu.vector_load %arg11[%swap3A_91, %swap3A_92] {strides = array<i32>} : memref<208x128xf32, #tpu.memory_space<vmem>>, vector<1x16xf32>,
      %swap3A_94 = vector.shape_cast %swap3A_93 : vector<1x16xf32> to vector<16xf32>
      %swap3A_95 = vector.shape_cast %broadcast_in_dim3A_1 : vector<16xf32> to vector<1x16xf32>
      tpu.vector_store %arg11[%swap3A_91, %swap3A_92], %swap3A_95 {strides = array<i32>} : memref<208x128xf32, #tpu.memory_space<vmem>>, vector<1x16xf32>,
      %swap3A_96 = arith.index_cast %scan3A_80 : i32 to index
      %swap3A_97 = arith.constant 48 : index
      %swap3A_98 = tpu.vector_load %arg11[%swap3A_96, %swap3A_97] {strides = array<i32>} : memref<208x128xf32, #tpu.memory_space<vmem>>, vector<1x16xf32>,
      %swap3A_99 = vector.shape_cast %swap3A_98 : vector<1x16xf32> to vector<16xf32>
      %swap3A_100 = vector.shape_cast %broadcast_in_dim3A_1 : vector<16xf32> to vector<1x16xf32>
      tpu.vector_store %arg11[%swap3A_96, %swap3A_97], %swap3A_100 {strides = array<i32>} : memref<208x128xf32, #tpu.memory_space<vmem>>, vector<1x16xf32>,
      %swap3A_101 = arith.index_cast %scan3A_80 : i32 to index
      %swap3A_102 = arith.constant 64 : index
      %swap3A_103 = tpu.vector_load %arg11[%swap3A_101, %swap3A_102] {strides = array<i32>} : memref<208x128xf32, #tpu.memory_space<vmem>>, vector<1x16xf32>,
      %swap3A_104 = vector.shape_cast %swap3A_103 : vector<1x16xf32> to vector<16xf32>
      %swap3A_105 = vector.shape_cast %broadcast_in_dim3A_1 : vector<16xf32> to vector<1x16xf32>
      tpu.vector_store %arg11[%swap3A_101, %swap3A_102], %swap3A_105 {strides = array<i32>} : memref<208x128xf32, #tpu.memory_space<vmem>>, vector<1x16xf32>,
      %swap3A_106 = arith.index_cast %scan3A_80 : i32 to index
      %swap3A_107 = arith.constant 80 : index
      %swap3A_108 = tpu.vector_load %arg11[%swap3A_106, %swap3A_107] {strides = array<i32>} : memref<208x128xf32, #tpu.memory_space<vmem>>, vector<1x16xf32>,
      %swap3A_109 = vector.shape_cast %swap3A_108 : vector<1x16xf32> to vector<16xf32>
      %swap3A_110 = vector.shape_cast %broadcast_in_dim3A_1 : vector<16xf32> to vector<1x16xf32>
      tpu.vector_store %arg11[%swap3A_106, %swap3A_107], %swap3A_110 {strides = array<i32>} : memref<208x128xf32, #tpu.memory_space<vmem>>, vector<1x16xf32>,
      %swap3A_111 = arith.index_cast %scan3A_80 : i32 to index
      %swap3A_112 = arith.constant 96 : index
      %swap3A_113 = tpu.vector_load %arg11[%swap3A_111, %swap3A_112] {strides = array<i32>} : memref<208x128xf32, #tpu.memory_space<vmem>>, vector<1x16xf32>,
      %swap3A_114 = vector.shape_cast %swap3A_113 : vector<1x16xf32> to vector<16xf32>
      %swap3A_115 = vector.shape_cast %broadcast_in_dim3A_1 : vector<16xf32> to vector<1x16xf32>
      tpu.vector_store %arg11[%swap3A_111, %swap3A_112], %swap3A_115 {strides = array<i32>} : memref<208x128xf32, #tpu.memory_space<vmem>>, vector<1x16xf32>,
      %swap3A_116 = arith.index_cast %scan3A_80 : i32 to index
      %swap3A_117 = arith.constant 112 : index
      %swap3A_118 = tpu.vector_load %arg11[%swap3A_116, %swap3A_117] {strides = array<i32>} : memref<208x128xf32, #tpu.memory_space<vmem>>, vector<1x16xf32>,
      %swap3A_119 = vector.shape_cast %swap3A_118 : vector<1x16xf32> to vector<16xf32>
      %swap3A_120 = vector.shape_cast %broadcast_in_dim3A_1 : vector<16xf32> to vector<1x16xf32>
      tpu.vector_store %arg11[%swap3A_116, %swap3A_117], %swap3A_120 {strides = array<i32>} : memref<208x128xf32, #tpu.memory_space<vmem>>, vector<1x16xf32>,
      %scan3A_121 = arith.constant 0 : i32
      scf.yield %scan3A_121 : i32
    }
    %scan3A_7 = arith.constant 208 : i32
    %add3A = arith.constant 0 : i32
    %add3A_8 = arith.addi %mul3A_0, %add3A : i32
    "tpu.region"() ({
      %run_scoped3A_80 = tpu.sem_alloc : memref<!tpu.dma_semaphore, #tpu.memory_space<semaphore_mem>>
      %dma_start3A = arith.constant 0 : i32
      %dma_start3A_81 = tpu.memref_slice %arg12[%add3A_8, %dma_start3A] : memref<10000x128xf32, #tpu.memory_space<vmem_shared>> -> memref<208x128xf32, #tpu.memory_space<vmem_shared>>
      %dma_start3A_82 = arith.constant 0 : i32
      %dma_start3A_83 = tpu.memref_slice %arg12[%add3A_8, %dma_start3A_82] : memref<10000x128xf32, #tpu.memory_space<vmem_shared>> -> memref<208x128xf32, #tpu.memory_space<vmem_shared>>
      tpu.enqueue_dma source(%arg11 : memref<208x128xf32, #tpu.memory_space<vmem>>) target(%dma_start3A_83 : memref<208x128xf32, #tpu.memory_space<vmem_shared>>) target_semaphore(%run_scoped3A_80 : memref<!tpu.dma_semaphore, #tpu.memory_space<semaphore_mem>>)
      %dma_wait3A = arith.constant 0 : i32
      %dma_wait3A_84 = tpu.memref_slice %arg12[%add3A_8, %dma_wait3A] : memref<10000x128xf32, #tpu.memory_space<vmem_shared>> -> memref<208x128xf32, #tpu.memory_space<vmem_shared>>
      %dma_wait3A_85 = arith.constant 0 : i32
      %dma_wait3A_86 = tpu.memref_slice %arg12[%add3A_8, %dma_wait3A_85] : memref<10000x128xf32, #tpu.memory_space<vmem_shared>> -> memref<208x128xf32, #tpu.memory_space<vmem_shared>>
      tpu.wait_dma2 semaphore(%run_scoped3A_80 : memref<!tpu.dma_semaphore, #tpu.memory_space<semaphore_mem>>) src(%arg11 : memref<208x128xf32, #tpu.memory_space<vmem>>) dst(%dma_wait3A_86 : memref<208x128xf32, #tpu.memory_space<vmem_shared>>)
      tpu.yield
    }) : () -> ()
    %add3A_9 = arith.constant 208 : i32
    %add3A_10 = arith.addi %mul3A_0, %add3A_9 : i32
    "tpu.region"() ({
      %run_scoped3A_80 = tpu.sem_alloc : memref<!tpu.dma_semaphore, #tpu.memory_space<semaphore_mem>>
      %dma_start3A = arith.constant 0 : i32
      %dma_start3A_81 = tpu.memref_slice %arg12[%add3A_10, %dma_start3A] : memref<10000x128xf32, #tpu.memory_space<vmem_shared>> -> memref<208x128xf32, #tpu.memory_space<vmem_shared>>
      %dma_start3A_82 = arith.constant 0 : i32
      %dma_start3A_83 = tpu.memref_slice %arg12[%add3A_10, %dma_start3A_82] : memref<10000x128xf32, #tpu.memory_space<vmem_shared>> -> memref<208x128xf32, #tpu.memory_space<vmem_shared>>
      tpu.enqueue_dma source(%arg11 : memref<208x128xf32, #tpu.memory_space<vmem>>) target(%dma_start3A_83 : memref<208x128xf32, #tpu.memory_space<vmem_shared>>) target_semaphore(%run_scoped3A_80 : memref<!tpu.dma_semaphore, #tpu.memory_space<semaphore_mem>>)
      %dma_wait3A = arith.constant 0 : i32
      %dma_wait3A_84 = tpu.memref_slice %arg12[%add3A_10, %dma_wait3A] : memref<10000x128xf32, #tpu.memory_space<vmem_shared>> -> memref<208x128xf32, #tpu.memory_space<vmem_shared>>
      %dma_wait3A_85 = arith.constant 0 : i32
      %dma_wait3A_86 = tpu.memref_slice %arg12[%add3A_10, %dma_wait3A_85] : memref<10000x128xf32, #tpu.memory_space<vmem_shared>> -> memref<208x128xf32, #tpu.memory_space<vmem_shared>>
      tpu.wait_dma2 semaphore(%run_scoped3A_80 : memref<!tpu.dma_semaphore, #tpu.memory_space<semaphore_mem>>) src(%arg11 : memref<208x128xf32, #tpu.memory_space<vmem>>) dst(%dma_wait3A_86 : memref<208x128xf32, #tpu.memory_space<vmem_shared>>)
      tpu.yield
    }) : () -> ()
    %add3A_11 = arith.constant 416 : i32
    %add3A_12 = arith.addi %mul3A_0, %add3A_11 : i32
    "tpu.region"() ({
      %run_scoped3A_80 = tpu.sem_alloc : memref<!tpu.dma_semaphore, #tpu.memory_space<semaphore_mem>>
      %dma_start3A = arith.constant 0 : i32
      %dma_start3A_81 = tpu.memref_slice %arg12[%add3A_12, %dma_start3A] : memref<10000x128xf32, #tpu.memory_space<vmem_shared>> -> memref<208x128xf32, #tpu.memory_space<vmem_shared>>
      %dma_start3A_82 = arith.constant 0 : i32
      %dma_start3A_83 = tpu.memref_slice %arg12[%add3A_12, %dma_start3A_82] : memref<10000x128xf32, #tpu.memory_space<vmem_shared>> -> memref<208x128xf32, #tpu.memory_space<vmem_shared>>
      tpu.enqueue_dma source(%arg11 : memref<208x128xf32, #tpu.memory_space<vmem>>) target(%dma_start3A_83 : memref<208x128xf32, #tpu.memory_space<vmem_shared>>) target_semaphore(%run_scoped3A_80 : memref<!tpu.dma_semaphore, #tpu.memory_space<semaphore_mem>>)
      %dma_wait3A = arith.constant 0 : i32
      %dma_wait3A_84 = tpu.memref_slice %arg12[%add3A_12, %dma_wait3A] : memref<10000x128xf32, #tpu.memory_space<vmem_shared>> -> memref<208x128xf32, #tpu.memory_space<vmem_shared>>
      %dma_wait3A_85 = arith.constant 0 : i32
      %dma_wait3A_86 = tpu.memref_slice %arg12[%add3A_12, %dma_wait3A_85] : memref<10000x128xf32, #tpu.memory_space<vmem_shared>> -> memref<208x128xf32, #tpu.memory_space<vmem_shared>>
      tpu.wait_dma2 semaphore(%run_scoped3A_80 : memref<!tpu.dma_semaphore, #tpu.memory_space<semaphore_mem>>) src(%arg11 : memref<208x128xf32, #tpu.memory_space<vmem>>) dst(%dma_wait3A_86 : memref<208x128xf32, #tpu.memory_space<vmem_shared>>)
      tpu.yield
    }) : () -> ()
    %eq3A = arith.constant 15 : i32
    %eq3A_13 = arith.cmpi eq, %arg1, %eq3A : i32
    %convert_element_type3A = arith.extui %eq3A_13 : i1 to i32
    %cond3A = arith.constant 0 : i32
    %cond3A_14 = arith.cmpi ne, %convert_element_type3A, %cond3A : i32
    scf.if %cond3A_14 {
      "tpu.region"() ({
        %run_scoped3A_80 = tpu.sem_alloc : memref<!tpu.dma_semaphore, #tpu.memory_space<semaphore_mem>>
        %dma_start3A = arith.constant 0 : i32
        %dma_start3A_81 = arith.constant 0 : i32
        %dma_start3A_82 = tpu.memref_slice %arg11[%dma_start3A, %dma_start3A_81] : memref<208x128xf32, #tpu.memory_space<vmem>> -> memref<16x128xf32, #tpu.memory_space<vmem>>
        %dma_start3A_83 = arith.constant 9984 : i32
        %dma_start3A_84 = arith.constant 0 : i32
        %dma_start3A_85 = tpu.memref_slice %arg12[%dma_start3A_83, %dma_start3A_84] : memref<10000x128xf32, #tpu.memory_space<vmem_shared>> -> memref<16x128xf32, #tpu.memory_space<vmem_shared>>
        %dma_start3A_86 = arith.constant 9984 : i32
        %dma_start3A_87 = arith.constant 0 : i32
        %dma_start3A_88 = tpu.memref_slice %arg12[%dma_start3A_86, %dma_start3A_87] : memref<10000x128xf32, #tpu.memory_space<vmem_shared>> -> memref<16x128xf32, #tpu.memory_space<vmem_shared>>
        %dma_start3A_89 = arith.constant 0 : i32
        %dma_start3A_90 = arith.constant 0 : i32
        %dma_start3A_91 = tpu.memref_slice %arg11[%dma_start3A_89, %dma_start3A_90] : memref<208x128xf32, #tpu.memory_space<vmem>> -> memref<16x128xf32, #tpu.memory_space<vmem>>
        tpu.enqueue_dma source(%dma_start3A_91 : memref<16x128xf32, #tpu.memory_space<vmem>>) target(%dma_start3A_88 : memref<16x128xf32, #tpu.memory_space<vmem_shared>>) target_semaphore(%run_scoped3A_80 : memref<!tpu.dma_semaphore, #tpu.memory_space<semaphore_mem>>)
        %dma_wait3A = arith.constant 0 : i32
        %dma_wait3A_92 = arith.constant 0 : i32
        %dma_wait3A_93 = tpu.memref_slice %arg11[%dma_wait3A, %dma_wait3A_92] : memref<208x128xf32, #tpu.memory_space<vmem>> -> memref<16x128xf32, #tpu.memory_space<vmem>>
        %dma_wait3A_94 = arith.constant 9984 : i32
        %dma_wait3A_95 = arith.constant 0 : i32
        %dma_wait3A_96 = tpu.memref_slice %arg12[%dma_wait3A_94, %dma_wait3A_95] : memref<10000x128xf32, #tpu.memory_space<vmem_shared>> -> memref<16x128xf32, #tpu.memory_space<vmem_shared>>
        %dma_wait3A_97 = arith.constant 9984 : i32
        %dma_wait3A_98 = arith.constant 0 : i32
        %dma_wait3A_99 = tpu.memref_slice %arg12[%dma_wait3A_97, %dma_wait3A_98] : memref<10000x128xf32, #tpu.memory_space<vmem_shared>> -> memref<16x128xf32, #tpu.memory_space<vmem_shared>>
        %dma_wait3A_100 = arith.constant 0 : i32
        %dma_wait3A_101 = arith.constant 0 : i32
        %dma_wait3A_102 = tpu.memref_slice %arg11[%dma_wait3A_100, %dma_wait3A_101] : memref<208x128xf32, #tpu.memory_space<vmem>> -> memref<16x128xf32, #tpu.memory_space<vmem>>
        tpu.wait_dma2 semaphore(%run_scoped3A_80 : memref<!tpu.dma_semaphore, #tpu.memory_space<semaphore_mem>>) src(%dma_wait3A_102 : memref<16x128xf32, #tpu.memory_space<vmem>>) dst(%dma_wait3A_99 : memref<16x128xf32, #tpu.memory_space<vmem_shared>>)
        tpu.yield
      }) : () -> ()
    } else {
    }
    %barrier3A = arith.constant 0 : index
    tpu.barrier barrier_id(%barrier3A)
    %add3A_15 = arith.constant 0 : i32
    %add3A_16 = arith.addi %add3A_15, %arg0 : i32
    %mul3A_17 = arith.constant 320000 : i32
    %mul3A_18 = arith.muli %add3A_16, %mul3A_17 : i32
    %scan3A_19 = arith.constant 0 : i32
    %scan3A_20 = arith.constant 0 : i32
    %scan3A_21 = arith.constant 157 : i32
    %scan3A_22 = arith.addi %scan3A_20, %scan3A_21 : i32
    %scan3A_23 = arith.constant 1 : i32
    %scan3A_24 = scf.for %scan3A_80 = %scan3A_20 to %scan3A_22 step %scan3A_23 iter_args(%scan3A_81 = %scan3A_19) -> (i32)  : i32 {
      %mul3A_82 = arith.constant 16 : i32
      %mul3A_83 = arith.muli %mul3A_82, %scan3A_80 : i32
      %add3A_84 = arith.addi %arg1, %mul3A_83 : i32
      %lt3A = arith.constant 2500 : i32
      %lt3A_85 = arith.cmpi slt, %add3A_84, %lt3A : i32
      %convert_element_type3A_86 = arith.extui %lt3A_85 : i1 to i32
      %cond3A_87 = arith.constant 0 : i32
      %cond3A_88 = arith.cmpi ne, %convert_element_type3A_86, %cond3A_87 : i32
      scf.if %cond3A_88 {
        %mul3A_90 = arith.constant 128 : i32
        %mul3A_91 = arith.muli %add3A_84, %mul3A_90 : i32
        %add3A_92 = arith.addi %mul3A_18, %mul3A_91 : i32
        %dma_start3A = tpu.memref_slice %arg3[%add3A_92] : memref<1280000xi32, #tpu.memory_space<hbm>> -> memref<128xi32, #tpu.memory_space<hbm>>
        %dma_start3A_93 = tpu.memref_slice %arg3[%add3A_92] : memref<1280000xi32, #tpu.memory_space<hbm>> -> memref<128xi32, #tpu.memory_space<hbm>>
        tpu.enqueue_dma source(%dma_start3A_93 : memref<128xi32, #tpu.memory_space<hbm>>) target(%arg7 : memref<128xi32, #tpu.memory_space<vmem>>) target_semaphore(%arg14 : memref<!tpu.dma_semaphore, #tpu.memory_space<semaphore_mem>>)
        %dma_start3A_94 = tpu.memref_slice %arg4[%add3A_92] : memref<1280000xi32, #tpu.memory_space<hbm>> -> memref<128xi32, #tpu.memory_space<hbm>>
        %dma_start3A_95 = tpu.memref_slice %arg4[%add3A_92] : memref<1280000xi32, #tpu.memory_space<hbm>> -> memref<128xi32, #tpu.memory_space<hbm>>
        tpu.enqueue_dma source(%dma_start3A_95 : memref<128xi32, #tpu.memory_space<hbm>>) target(%arg8 : memref<128xi32, #tpu.memory_space<vmem>>) target_semaphore(%arg14 : memref<!tpu.dma_semaphore, #tpu.memory_space<semaphore_mem>>)
        %dma_start3A_96 = tpu.memref_slice %arg5[%add3A_92] : memref<1280000xf32, #tpu.memory_space<hbm>> -> memref<128xf32, #tpu.memory_space<hbm>>
        %dma_start3A_97 = tpu.memref_slice %arg5[%add3A_92] : memref<1280000xf32, #tpu.memory_space<hbm>> -> memref<128xf32, #tpu.memory_space<hbm>>
        tpu.enqueue_dma source(%dma_start3A_97 : memref<128xf32, #tpu.memory_space<hbm>>) target(%arg9 : memref<128xf32, #tpu.memory_space<vmem>>) target_semaphore(%arg14 : memref<!tpu.dma_semaphore, #tpu.memory_space<semaphore_mem>>)
        %dma_wait3A = tpu.memref_slice %arg3[%add3A_92] : memref<1280000xi32, #tpu.memory_space<hbm>> -> memref<128xi32, #tpu.memory_space<hbm>>
        %dma_wait3A_98 = tpu.memref_slice %arg3[%add3A_92] : memref<1280000xi32, #tpu.memory_space<hbm>> -> memref<128xi32, #tpu.memory_space<hbm>>
        tpu.wait_dma2 semaphore(%arg14 : memref<!tpu.dma_semaphore, #tpu.memory_space<semaphore_mem>>) src(%dma_wait3A_98 : memref<128xi32, #tpu.memory_space<hbm>>) dst(%arg7 : memref<128xi32, #tpu.memory_space<vmem>>)
        %dma_wait3A_99 = tpu.memref_slice %arg4[%add3A_92] : memref<1280000xi32, #tpu.memory_space<hbm>> -> memref<128xi32, #tpu.memory_space<hbm>>
        %dma_wait3A_100 = tpu.memref_slice %arg4[%add3A_92] : memref<1280000xi32, #tpu.memory_space<hbm>> -> memref<128xi32, #tpu.memory_space<hbm>>
        tpu.wait_dma2 semaphore(%arg14 : memref<!tpu.dma_semaphore, #tpu.memory_space<semaphore_mem>>) src(%dma_wait3A_100 : memref<128xi32, #tpu.memory_space<hbm>>) dst(%arg8 : memref<128xi32, #tpu.memory_space<vmem>>)
        %dma_wait3A_101 = tpu.memref_slice %arg5[%add3A_92] : memref<1280000xf32, #tpu.memory_space<hbm>> -> memref<128xf32, #tpu.memory_space<hbm>>
        %dma_wait3A_102 = tpu.memref_slice %arg5[%add3A_92] : memref<1280000xf32, #tpu.memory_space<hbm>> -> memref<128xf32, #tpu.memory_space<hbm>>
        tpu.wait_dma2 semaphore(%arg14 : memref<!tpu.dma_semaphore, #tpu.memory_space<semaphore_mem>>) src(%dma_wait3A_102 : memref<128xf32, #tpu.memory_space<hbm>>) dst(%arg9 : memref<128xf32, #tpu.memory_space<vmem>>)
        %dma_start3A_103 = arith.constant 0 : i32
        %dma_start3A_104 = arith.constant 0 : i32
        %dma_start3A_105 = tpu.memref_slice %arg2[%dma_start3A_103, %dma_start3A_104] : memref<20000x128xf32, #tpu.memory_space<hbm>> -> memref<20000x128xf32, #tpu.memory_space<hbm>>
        tpu.enqueue_indirect_dma source(%dma_start3A_105 : memref<20000x128xf32, #tpu.memory_space<hbm>>) target(%arg10 : memref<128x128xf32, #tpu.memory_space<vmem>>) offsets(%arg8 : memref<128xi32, #tpu.memory_space<vmem>>) semaphore(%arg13 : memref<!tpu.dma_semaphore, #tpu.memory_space<semaphore_mem>>)
        %dma_wait3A_106 = arith.constant 0 : i32
        %dma_wait3A_107 = arith.constant 0 : i32
        %dma_wait3A_108 = tpu.memref_slice %arg2[%dma_wait3A_106, %dma_wait3A_107] : memref<20000x128xf32, #tpu.memory_space<hbm>> -> memref<20000x128xf32, #tpu.memory_space<hbm>>
        tpu.wait_indirect_dma semaphore(%arg13 : memref<!tpu.dma_semaphore, #tpu.memory_space<semaphore_mem>>) src(%dma_wait3A_108 : memref<20000x128xf32, #tpu.memory_space<hbm>>) dst(%arg10 : memref<128x128xf32, #tpu.memory_space<vmem>>)
        %scan3A_109 = arith.constant 0 : i32
        %scan3A_110 = arith.constant 0 : i32
        %scan3A_111 = arith.constant 8 : i32
        %scan3A_112 = arith.addi %scan3A_110, %scan3A_111 : i32
        %scan3A_113 = arith.constant 1 : i32
        %scan3A_114 = scf.for %scan3A_116 = %scan3A_110 to %scan3A_112 step %scan3A_113 iter_args(%scan3A_117 = %scan3A_109) -> (i32)  : i32 {
          %mul3A_118 = arith.constant 16 : i32
          %mul3A_119 = arith.muli %mul3A_118, %scan3A_116 : i32
          %get3A = arith.index_cast %mul3A_119 : i32 to index
          %get3A_120 = tpu.vector_load %arg9[%get3A] {strides = array<i32>} : memref<128xf32, #tpu.memory_space<vmem>>, vector<16xf32>,
          %get3A_121 = vector.shape_cast %get3A_120 : vector<16xf32> to vector<16xf32>
          %slice3A = vector.extract_strided_slice %get3A_121 {offsets = [0], sizes = [1], strides = [1]} : vector<16xf32> to vector<1xf32>
          %squeeze3A = vector.extract %slice3A[0] : f32 from vector<1xf32>
          %broadcast_in_dim3A_122 = vector.broadcast %squeeze3A : f32 to vector<16xf32>
          %mul3A_123 = arith.constant 16 : i32
          %mul3A_124 = arith.muli %mul3A_123, %scan3A_116 : i32
          %add3A_125 = arith.constant 0 : i32
          %add3A_126 = arith.addi %mul3A_124, %add3A_125 : i32
          %get3A_127 = arith.index_cast %add3A_126 : i32 to index
          %get3A_128 = arith.constant 0 : index
          %get3A_129 = tpu.vector_load %arg10[%get3A_127, %get3A_128] {strides = array<i32>} : memref<128x128xf32, #tpu.memory_space<vmem>>, vector<1x16xf32>,
          %get3A_130 = vector.shape_cast %get3A_129 : vector<1x16xf32> to vector<16xf32>
          %mul3A_131 = arith.mulf %get3A_130, %broadcast_in_dim3A_122 : vector<16xf32>
          %swap3A = arith.index_cast %add3A_126 : i32 to index
          %swap3A_132 = arith.constant 0 : index
          %swap3A_133 = tpu.vector_load %arg10[%swap3A, %swap3A_132] {strides = array<i32>} : memref<128x128xf32, #tpu.memory_space<vmem>>, vector<1x16xf32>,
          %swap3A_134 = vector.shape_cast %swap3A_133 : vector<1x16xf32> to vector<16xf32>
          %swap3A_135 = vector.shape_cast %mul3A_131 : vector<16xf32> to vector<1x16xf32>
          tpu.vector_store %arg10[%swap3A, %swap3A_132], %swap3A_135 {strides = array<i32>} : memref<128x128xf32, #tpu.memory_space<vmem>>, vector<1x16xf32>,
          %get3A_136 = arith.index_cast %add3A_126 : i32 to index
          %get3A_137 = arith.constant 16 : index
          %get3A_138 = tpu.vector_load %arg10[%get3A_136, %get3A_137] {strides = array<i32>} : memref<128x128xf32, #tpu.memory_space<vmem>>, vector<1x16xf32>,
          %get3A_139 = vector.shape_cast %get3A_138 : vector<1x16xf32> to vector<16xf32>
          %mul3A_140 = arith.mulf %get3A_139, %broadcast_in_dim3A_122 : vector<16xf32>
          %swap3A_141 = arith.index_cast %add3A_126 : i32 to index
          %swap3A_142 = arith.constant 16 : index
          %swap3A_143 = tpu.vector_load %arg10[%swap3A_141, %swap3A_142] {strides = array<i32>} : memref<128x128xf32, #tpu.memory_space<vmem>>, vector<1x16xf32>,
          %swap3A_144 = vector.shape_cast %swap3A_143 : vector<1x16xf32> to vector<16xf32>
          %swap3A_145 = vector.shape_cast %mul3A_140 : vector<16xf32> to vector<1x16xf32>
          tpu.vector_store %arg10[%swap3A_141, %swap3A_142], %swap3A_145 {strides = array<i32>} : memref<128x128xf32, #tpu.memory_space<vmem>>, vector<1x16xf32>,
          %get3A_146 = arith.index_cast %add3A_126 : i32 to index
          %get3A_147 = arith.constant 32 : index
          %get3A_148 = tpu.vector_load %arg10[%get3A_146, %get3A_147] {strides = array<i32>} : memref<128x128xf32, #tpu.memory_space<vmem>>, vector<1x16xf32>,
          %get3A_149 = vector.shape_cast %get3A_148 : vector<1x16xf32> to vector<16xf32>
          %mul3A_150 = arith.mulf %get3A_149, %broadcast_in_dim3A_122 : vector<16xf32>
          %swap3A_151 = arith.index_cast %add3A_126 : i32 to index
          %swap3A_152 = arith.constant 32 : index
          %swap3A_153 = tpu.vector_load %arg10[%swap3A_151, %swap3A_152] {strides = array<i32>} : memref<128x128xf32, #tpu.memory_space<vmem>>, vector<1x16xf32>,
          %swap3A_154 = vector.shape_cast %swap3A_153 : vector<1x16xf32> to vector<16xf32>
          %swap3A_155 = vector.shape_cast %mul3A_150 : vector<16xf32> to vector<1x16xf32>
          tpu.vector_store %arg10[%swap3A_151, %swap3A_152], %swap3A_155 {strides = array<i32>} : memref<128x128xf32, #tpu.memory_space<vmem>>, vector<1x16xf32>,
          %get3A_156 = arith.index_cast %add3A_126 : i32 to index
          %get3A_157 = arith.constant 48 : index
          %get3A_158 = tpu.vector_load %arg10[%get3A_156, %get3A_157] {strides = array<i32>} : memref<128x128xf32, #tpu.memory_space<vmem>>, vector<1x16xf32>,
          %get3A_159 = vector.shape_cast %get3A_158 : vector<1x16xf32> to vector<16xf32>
          %mul3A_160 = arith.mulf %get3A_159, %broadcast_in_dim3A_122 : vector<16xf32>
          %swap3A_161 = arith.index_cast %add3A_126 : i32 to index
          %swap3A_162 = arith.constant 48 : index
          %swap3A_163 = tpu.vector_load %arg10[%swap3A_161, %swap3A_162] {strides = array<i32>} : memref<128x128xf32, #tpu.memory_space<vmem>>, vector<1x16xf32>,
          %swap3A_164 = vector.shape_cast %swap3A_163 : vector<1x16xf32> to vector<16xf32>
          %swap3A_165 = vector.shape_cast %mul3A_160 : vector<16xf32> to vector<1x16xf32>
          tpu.vector_store %arg10[%swap3A_161, %swap3A_162], %swap3A_165 {strides = array<i32>} : memref<128x128xf32, #tpu.memory_space<vmem>>, vector<1x16xf32>,
          %get3A_166 = arith.index_cast %add3A_126 : i32 to index
          %get3A_167 = arith.constant 64 : index
          %get3A_168 = tpu.vector_load %arg10[%get3A_166, %get3A_167] {strides = array<i32>} : memref<128x128xf32, #tpu.memory_space<vmem>>, vector<1x16xf32>,
          %get3A_169 = vector.shape_cast %get3A_168 : vector<1x16xf32> to vector<16xf32>
          %mul3A_170 = arith.mulf %get3A_169, %broadcast_in_dim3A_122 : vector<16xf32>
          %swap3A_171 = arith.index_cast %add3A_126 : i32 to index
          %swap3A_172 = arith.constant 64 : index
          %swap3A_173 = tpu.vector_load %arg10[%swap3A_171, %swap3A_172] {strides = array<i32>} : memref<128x128xf32, #tpu.memory_space<vmem>>, vector<1x16xf32>,
          %swap3A_174 = vector.shape_cast %swap3A_173 : vector<1x16xf32> to vector<16xf32>
          %swap3A_175 = vector.shape_cast %mul3A_170 : vector<16xf32> to vector<1x16xf32>
          tpu.vector_store %arg10[%swap3A_171, %swap3A_172], %swap3A_175 {strides = array<i32>} : memref<128x128xf32, #tpu.memory_space<vmem>>, vector<1x16xf32>,
          %get3A_176 = arith.index_cast %add3A_126 : i32 to index
          %get3A_177 = arith.constant 80 : index
          %get3A_178 = tpu.vector_load %arg10[%get3A_176, %get3A_177] {strides = array<i32>} : memref<128x128xf32, #tpu.memory_space<vmem>>, vector<1x16xf32>,
          %get3A_179 = vector.shape_cast %get3A_178 : vector<1x16xf32> to vector<16xf32>
          %mul3A_180 = arith.mulf %get3A_179, %broadcast_in_dim3A_122 : vector<16xf32>
          %swap3A_181 = arith.index_cast %add3A_126 : i32 to index
          %swap3A_182 = arith.constant 80 : index
          %swap3A_183 = tpu.vector_load %arg10[%swap3A_181, %swap3A_182] {strides = array<i32>} : memref<128x128xf32, #tpu.memory_space<vmem>>, vector<1x16xf32>,
          %swap3A_184 = vector.shape_cast %swap3A_183 : vector<1x16xf32> to vector<16xf32>
          %swap3A_185 = vector.shape_cast %mul3A_180 : vector<16xf32> to vector<1x16xf32>
          tpu.vector_store %arg10[%swap3A_181, %swap3A_182], %swap3A_185 {strides = array<i32>} : memref<128x128xf32, #tpu.memory_space<vmem>>, vector<1x16xf32>,
          %get3A_186 = arith.index_cast %add3A_126 : i32 to index
          %get3A_187 = arith.constant 96 : index
          %get3A_188 = tpu.vector_load %arg10[%get3A_186, %get3A_187] {strides = array<i32>} : memref<128x128xf32, #tpu.memory_space<vmem>>, vector<1x16xf32>,
          %get3A_189 = vector.shape_cast %get3A_188 : vector<1x16xf32> to vector<16xf32>
          %mul3A_190 = arith.mulf %get3A_189, %broadcast_in_dim3A_122 : vector<16xf32>
          %swap3A_191 = arith.index_cast %add3A_126 : i32 to index
          %swap3A_192 = arith.constant 96 : index
          %swap3A_193 = tpu.vector_load %arg10[%swap3A_191, %swap3A_192] {strides = array<i32>} : memref<128x128xf32, #tpu.memory_space<vmem>>, vector<1x16xf32>,
          %swap3A_194 = vector.shape_cast %swap3A_193 : vector<1x16xf32> to vector<16xf32>
          %swap3A_195 = vector.shape_cast %mul3A_190 : vector<16xf32> to vector<1x16xf32>
          tpu.vector_store %arg10[%swap3A_191, %swap3A_192], %swap3A_195 {strides = array<i32>} : memref<128x128xf32, #tpu.memory_space<vmem>>, vector<1x16xf32>,
          %get3A_196 = arith.index_cast %add3A_126 : i32 to index
          %get3A_197 = arith.constant 112 : index
          %get3A_198 = tpu.vector_load %arg10[%get3A_196, %get3A_197] {strides = array<i32>} : memref<128x128xf32, #tpu.memory_space<vmem>>, vector<1x16xf32>,
          %get3A_199 = vector.shape_cast %get3A_198 : vector<1x16xf32> to vector<16xf32>
          %mul3A_200 = arith.mulf %get3A_199, %broadcast_in_dim3A_122 : vector<16xf32>
          %swap3A_201 = arith.index_cast %add3A_126 : i32 to index
          %swap3A_202 = arith.constant 112 : index
          %swap3A_203 = tpu.vector_load %arg10[%swap3A_201, %swap3A_202] {strides = array<i32>} : memref<128x128xf32, #tpu.memory_space<vmem>>, vector<1x16xf32>,
          %swap3A_204 = vector.shape_cast %swap3A_203 : vector<1x16xf32> to vector<16xf32>
          %swap3A_205 = vector.shape_cast %mul3A_200 : vector<16xf32> to vector<1x16xf32>
          tpu.vector_store %arg10[%swap3A_201, %swap3A_202], %swap3A_205 {strides = array<i32>} : memref<128x128xf32, #tpu.memory_space<vmem>>, vector<1x16xf32>,
          %slice3A_206 = vector.extract_strided_slice %get3A_121 {offsets = [1], sizes = [1], strides = [1]} : vector<16xf32> to vector<1xf32>
          %squeeze3A_207 = vector.extract %slice3A_206[0] : f32 from vector<1xf32>
          %broadcast_in_dim3A_208 = vector.broadcast %squeeze3A_207 : f32 to vector<16xf32>
          %mul3A_209 = arith.constant 16 : i32
          %mul3A_210 = arith.muli %mul3A_209, %scan3A_116 : i32
          %add3A_211 = arith.constant 1 : i32
          %add3A_212 = arith.addi %mul3A_210, %add3A_211 : i32
          %get3A_213 = arith.index_cast %add3A_212 : i32 to index
          %get3A_214 = arith.constant 0 : index
          %get3A_215 = tpu.vector_load %arg10[%get3A_213, %get3A_214] {strides = array<i32>} : memref<128x128xf32, #tpu.memory_space<vmem>>, vector<1x16xf32>,
          %get3A_216 = vector.shape_cast %get3A_215 : vector<1x16xf32> to vector<16xf32>
          %mul3A_217 = arith.mulf %get3A_216, %broadcast_in_dim3A_208 : vector<16xf32>
          %swap3A_218 = arith.index_cast %add3A_212 : i32 to index
          %swap3A_219 = arith.constant 0 : index
          %swap3A_220 = tpu.vector_load %arg10[%swap3A_218, %swap3A_219] {strides = array<i32>} : memref<128x128xf32, #tpu.memory_space<vmem>>, vector<1x16xf32>,
          %swap3A_221 = vector.shape_cast %swap3A_220 : vector<1x16xf32> to vector<16xf32>
          %swap3A_222 = vector.shape_cast %mul3A_217 : vector<16xf32> to vector<1x16xf32>
          tpu.vector_store %arg10[%swap3A_218, %swap3A_219], %swap3A_222 {strides = array<i32>} : memref<128x128xf32, #tpu.memory_space<vmem>>, vector<1x16xf32>,
          %get3A_223 = arith.index_cast %add3A_212 : i32 to index
          %get3A_224 = arith.constant 16 : index
          %get3A_225 = tpu.vector_load %arg10[%get3A_223, %get3A_224] {strides = array<i32>} : memref<128x128xf32, #tpu.memory_space<vmem>>, vector<1x16xf32>,
          %get3A_226 = vector.shape_cast %get3A_225 : vector<1x16xf32> to vector<16xf32>
          %mul3A_227 = arith.mulf %get3A_226, %broadcast_in_dim3A_208 : vector<16xf32>
          %swap3A_228 = arith.index_cast %add3A_212 : i32 to index
          %swap3A_229 = arith.constant 16 : index
          %swap3A_230 = tpu.vector_load %arg10[%swap3A_228, %swap3A_229] {strides = array<i32>} : memref<128x128xf32, #tpu.memory_space<vmem>>, vector<1x16xf32>,
          %swap3A_231 = vector.shape_cast %swap3A_230 : vector<1x16xf32> to vector<16xf32>
          %swap3A_232 = vector.shape_cast %mul3A_227 : vector<16xf32> to vector<1x16xf32>
          tpu.vector_store %arg10[%swap3A_228, %swap3A_229], %swap3A_232 {strides = array<i32>} : memref<128x128xf32, #tpu.memory_space<vmem>>, vector<1x16xf32>,
          %get3A_233 = arith.index_cast %add3A_212 : i32 to index
          %get3A_234 = arith.constant 32 : index
          %get3A_235 = tpu.vector_load %arg10[%get3A_233, %get3A_234] {strides = array<i32>} : memref<128x128xf32, #tpu.memory_space<vmem>>, vector<1x16xf32>,
          %get3A_236 = vector.shape_cast %get3A_235 : vector<1x16xf32> to vector<16xf32>
          %mul3A_237 = arith.mulf %get3A_236, %broadcast_in_dim3A_208 : vector<16xf32>
          %swap3A_238 = arith.index_cast %add3A_212 : i32 to index
          %swap3A_239 = arith.constant 32 : index
          %swap3A_240 = tpu.vector_load %arg10[%swap3A_238, %swap3A_239] {strides = array<i32>} : memref<128x128xf32, #tpu.memory_space<vmem>>, vector<1x16xf32>,
          %swap3A_241 = vector.shape_cast %swap3A_240 : vector<1x16xf32> to vector<16xf32>
          %swap3A_242 = vector.shape_cast %mul3A_237 : vector<16xf32> to vector<1x16xf32>
          tpu.vector_store %arg10[%swap3A_238, %swap3A_239], %swap3A_242 {strides = array<i32>} : memref<128x128xf32, #tpu.memory_space<vmem>>, vector<1x16xf32>,
          %get3A_243 = arith.index_cast %add3A_212 : i32 to index
          %get3A_244 = arith.constant 48 : index
          %get3A_245 = tpu.vector_load %arg10[%get3A_243, %get3A_244] {strides = array<i32>} : memref<128x128xf32, #tpu.memory_space<vmem>>, vector<1x16xf32>,
          %get3A_246 = vector.shape_cast %get3A_245 : vector<1x16xf32> to vector<16xf32>
          %mul3A_247 = arith.mulf %get3A_246, %broadcast_in_dim3A_208 : vector<16xf32>
          %swap3A_248 = arith.index_cast %add3A_212 : i32 to index
          %swap3A_249 = arith.constant 48 : index
          %swap3A_250 = tpu.vector_load %arg10[%swap3A_248, %swap3A_249] {strides = array<i32>} : memref<128x128xf32, #tpu.memory_space<vmem>>, vector<1x16xf32>,
          %swap3A_251 = vector.shape_cast %swap3A_250 : vector<1x16xf32> to vector<16xf32>
          %swap3A_252 = vector.shape_cast %mul3A_247 : vector<16xf32> to vector<1x16xf32>
          tpu.vector_store %arg10[%swap3A_248, %swap3A_249], %swap3A_252 {strides = array<i32>} : memref<128x128xf32, #tpu.memory_space<vmem>>, vector<1x16xf32>,
          %get3A_253 = arith.index_cast %add3A_212 : i32 to index
          %get3A_254 = arith.constant 64 : index
          %get3A_255 = tpu.vector_load %arg10[%get3A_253, %get3A_254] {strides = array<i32>} : memref<128x128xf32, #tpu.memory_space<vmem>>, vector<1x16xf32>,
          %get3A_256 = vector.shape_cast %get3A_255 : vector<1x16xf32> to vector<16xf32>
          %mul3A_257 = arith.mulf %get3A_256, %broadcast_in_dim3A_208 : vector<16xf32>
          %swap3A_258 = arith.index_cast %add3A_212 : i32 to index
          %swap3A_259 = arith.constant 64 : index
          %swap3A_260 = tpu.vector_load %arg10[%swap3A_258, %swap3A_259] {strides = array<i32>} : memref<128x128xf32, #tpu.memory_space<vmem>>, vector<1x16xf32>,
          %swap3A_261 = vector.shape_cast %swap3A_260 : vector<1x16xf32> to vector<16xf32>
          %swap3A_262 = vector.shape_cast %mul3A_257 : vector<16xf32> to vector<1x16xf32>
          tpu.vector_store %arg10[%swap3A_258, %swap3A_259], %swap3A_262 {strides = array<i32>} : memref<128x128xf32, #tpu.memory_space<vmem>>, vector<1x16xf32>,
          %get3A_263 = arith.index_cast %add3A_212 : i32 to index
          %get3A_264 = arith.constant 80 : index
          %get3A_265 = tpu.vector_load %arg10[%get3A_263, %get3A_264] {strides = array<i32>} : memref<128x128xf32, #tpu.memory_space<vmem>>, vector<1x16xf32>,
          %get3A_266 = vector.shape_cast %get3A_265 : vector<1x16xf32> to vector<16xf32>
          %mul3A_267 = arith.mulf %get3A_266, %broadcast_in_dim3A_208 : vector<16xf32>
          %swap3A_268 = arith.index_cast %add3A_212 : i32 to index
          %swap3A_269 = arith.constant 80 : index
          %swap3A_270 = tpu.vector_load %arg10[%swap3A_268, %swap3A_269] {strides = array<i32>} : memref<128x128xf32, #tpu.memory_space<vmem>>, vector<1x16xf32>,
          %swap3A_271 = vector.shape_cast %swap3A_270 : vector<1x16xf32> to vector<16xf32>
          %swap3A_272 = vector.shape_cast %mul3A_267 : vector<16xf32> to vector<1x16xf32>
          tpu.vector_store %arg10[%swap3A_268, %swap3A_269], %swap3A_272 {strides = array<i32>} : memref<128x128xf32, #tpu.memory_space<vmem>>, vector<1x16xf32>,
          %get3A_273 = arith.index_cast %add3A_212 : i32 to index
          %get3A_274 = arith.constant 96 : index
          %get3A_275 = tpu.vector_load %arg10[%get3A_273, %get3A_274] {strides = array<i32>} : memref<128x128xf32, #tpu.memory_space<vmem>>, vector<1x16xf32>,
          %get3A_276 = vector.shape_cast %get3A_275 : vector<1x16xf32> to vector<16xf32>
          %mul3A_277 = arith.mulf %get3A_276, %broadcast_in_dim3A_208 : vector<16xf32>
          %swap3A_278 = arith.index_cast %add3A_212 : i32 to index
          %swap3A_279 = arith.constant 96 : index
          %swap3A_280 = tpu.vector_load %arg10[%swap3A_278, %swap3A_279] {strides = array<i32>} : memref<128x128xf32, #tpu.memory_space<vmem>>, vector<1x16xf32>,
          %swap3A_281 = vector.shape_cast %swap3A_280 : vector<1x16xf32> to vector<16xf32>
          %swap3A_282 = vector.shape_cast %mul3A_277 : vector<16xf32> to vector<1x16xf32>
          tpu.vector_store %arg10[%swap3A_278, %swap3A_279], %swap3A_282 {strides = array<i32>} : memref<128x128xf32, #tpu.memory_space<vmem>>, vector<1x16xf32>,
          %get3A_283 = arith.index_cast %add3A_212 : i32 to index
          %get3A_284 = arith.constant 112 : index
          %get3A_285 = tpu.vector_load %arg10[%get3A_283, %get3A_284] {strides = array<i32>} : memref<128x128xf32, #tpu.memory_space<vmem>>, vector<1x16xf32>,
          %get3A_286 = vector.shape_cast %get3A_285 : vector<1x16xf32> to vector<16xf32>
          %mul3A_287 = arith.mulf %get3A_286, %broadcast_in_dim3A_208 : vector<16xf32>
          %swap3A_288 = arith.index_cast %add3A_212 : i32 to index
          %swap3A_289 = arith.constant 112 : index
          %swap3A_290 = tpu.vector_load %arg10[%swap3A_288, %swap3A_289] {strides = array<i32>} : memref<128x128xf32, #tpu.memory_space<vmem>>, vector<1x16xf32>,
          %swap3A_291 = vector.shape_cast %swap3A_290 : vector<1x16xf32> to vector<16xf32>
          %swap3A_292 = vector.shape_cast %mul3A_287 : vector<16xf32> to vector<1x16xf32>
          tpu.vector_store %arg10[%swap3A_288, %swap3A_289], %swap3A_292 {strides = array<i32>} : memref<128x128xf32, #tpu.memory_space<vmem>>, vector<1x16xf32>,
          %slice3A_293 = vector.extract_strided_slice %get3A_121 {offsets = [2], sizes = [1], strides = [1]} : vector<16xf32> to vector<1xf32>
          %squeeze3A_294 = vector.extract %slice3A_293[0] : f32 from vector<1xf32>
          %broadcast_in_dim3A_295 = vector.broadcast %squeeze3A_294 : f32 to vector<16xf32>
          %mul3A_296 = arith.constant 16 : i32
          %mul3A_297 = arith.muli %mul3A_296, %scan3A_116 : i32
          %add3A_298 = arith.constant 2 : i32
          %add3A_299 = arith.addi %mul3A_297, %add3A_298 : i32
          %get3A_300 = arith.index_cast %add3A_299 : i32 to index
          %get3A_301 = arith.constant 0 : index
          %get3A_302 = tpu.vector_load %arg10[%get3A_300, %get3A_301] {strides = array<i32>} : memref<128x128xf32, #tpu.memory_space<vmem>>, vector<1x16xf32>,
          %get3A_303 = vector.shape_cast %get3A_302 : vector<1x16xf32> to vector<16xf32>
          %mul3A_304 = arith.mulf %get3A_303, %broadcast_in_dim3A_295 : vector<16xf32>
          %swap3A_305 = arith.index_cast %add3A_299 : i32 to index
          %swap3A_306 = arith.constant 0 : index
          %swap3A_307 = tpu.vector_load %arg10[%swap3A_305, %swap3A_306] {strides = array<i32>} : memref<128x128xf32, #tpu.memory_space<vmem>>, vector<1x16xf32>,
          %swap3A_308 = vector.shape_cast %swap3A_307 : vector<1x16xf32> to vector<16xf32>
          %swap3A_309 = vector.shape_cast %mul3A_304 : vector<16xf32> to vector<1x16xf32>
          tpu.vector_store %arg10[%swap3A_305, %swap3A_306], %swap3A_309 {strides = array<i32>} : memref<128x128xf32, #tpu.memory_space<vmem>>, vector<1x16xf32>,
          %get3A_310 = arith.index_cast %add3A_299 : i32 to index
          %get3A_311 = arith.constant 16 : index
          %get3A_312 = tpu.vector_load %arg10[%get3A_310, %get3A_311] {strides = array<i32>} : memref<128x128xf32, #tpu.memory_space<vmem>>, vector<1x16xf32>,
          %get3A_313 = vector.shape_cast %get3A_312 : vector<1x16xf32> to vector<16xf32>
          %mul3A_314 = arith.mulf %get3A_313, %broadcast_in_dim3A_295 : vector<16xf32>
          %swap3A_315 = arith.index_cast %add3A_299 : i32 to index
          %swap3A_316 = arith.constant 16 : index
          %swap3A_317 = tpu.vector_load %arg10[%swap3A_315, %swap3A_316] {strides = array<i32>} : memref<128x128xf32, #tpu.memory_space<vmem>>, vector<1x16xf32>,
          %swap3A_318 = vector.shape_cast %swap3A_317 : vector<1x16xf32> to vector<16xf32>
          %swap3A_319 = vector.shape_cast %mul3A_314 : vector<16xf32> to vector<1x16xf32>
          tpu.vector_store %arg10[%swap3A_315, %swap3A_316], %swap3A_319 {strides = array<i32>} : memref<128x128xf32, #tpu.memory_space<vmem>>, vector<1x16xf32>,
          %get3A_320 = arith.index_cast %add3A_299 : i32 to index
          %get3A_321 = arith.constant 32 : index
          %get3A_322 = tpu.vector_load %arg10[%get3A_320, %get3A_321] {strides = array<i32>} : memref<128x128xf32, #tpu.memory_space<vmem>>, vector<1x16xf32>,
          %get3A_323 = vector.shape_cast %get3A_322 : vector<1x16xf32> to vector<16xf32>
          %mul3A_324 = arith.mulf %get3A_323, %broadcast_in_dim3A_295 : vector<16xf32>
          %swap3A_325 = arith.index_cast %add3A_299 : i32 to index
          %swap3A_326 = arith.constant 32 : index
          %swap3A_327 = tpu.vector_load %arg10[%swap3A_325, %swap3A_326] {strides = array<i32>} : memref<128x128xf32, #tpu.memory_space<vmem>>, vector<1x16xf32>,
          %swap3A_328 = vector.shape_cast %swap3A_327 : vector<1x16xf32> to vector<16xf32>
          %swap3A_329 = vector.shape_cast %mul3A_324 : vector<16xf32> to vector<1x16xf32>
          tpu.vector_store %arg10[%swap3A_325, %swap3A_326], %swap3A_329 {strides = array<i32>} : memref<128x128xf32, #tpu.memory_space<vmem>>, vector<1x16xf32>,
          %get3A_330 = arith.index_cast %add3A_299 : i32 to index
          %get3A_331 = arith.constant 48 : index
          %get3A_332 = tpu.vector_load %arg10[%get3A_330, %get3A_331] {strides = array<i32>} : memref<128x128xf32, #tpu.memory_space<vmem>>, vector<1x16xf32>,
          %get3A_333 = vector.shape_cast %get3A_332 : vector<1x16xf32> to vector<16xf32>
          %mul3A_334 = arith.mulf %get3A_333, %broadcast_in_dim3A_295 : vector<16xf32>
          %swap3A_335 = arith.index_cast %add3A_299 : i32 to index
          %swap3A_336 = arith.constant 48 : index
          %swap3A_337 = tpu.vector_load %arg10[%swap3A_335, %swap3A_336] {strides = array<i32>} : memref<128x128xf32, #tpu.memory_space<vmem>>, vector<1x16xf32>,
          %swap3A_338 = vector.shape_cast %swap3A_337 : vector<1x16xf32> to vector<16xf32>
          %swap3A_339 = vector.shape_cast %mul3A_334 : vector<16xf32> to vector<1x16xf32>
          tpu.vector_store %arg10[%swap3A_335, %swap3A_336], %swap3A_339 {strides = array<i32>} : memref<128x128xf32, #tpu.memory_space<vmem>>, vector<1x16xf32>,
          %get3A_340 = arith.index_cast %add3A_299 : i32 to index
          %get3A_341 = arith.constant 64 : index
          %get3A_342 = tpu.vector_load %arg10[%get3A_340, %get3A_341] {strides = array<i32>} : memref<128x128xf32, #tpu.memory_space<vmem>>, vector<1x16xf32>,
          %get3A_343 = vector.shape_cast %get3A_342 : vector<1x16xf32> to vector<16xf32>
          %mul3A_344 = arith.mulf %get3A_343, %broadcast_in_dim3A_295 : vector<16xf32>
          %swap3A_345 = arith.index_cast %add3A_299 : i32 to index
          %swap3A_346 = arith.constant 64 : index
          %swap3A_347 = tpu.vector_load %arg10[%swap3A_345, %swap3A_346] {strides = array<i32>} : memref<128x128xf32, #tpu.memory_space<vmem>>, vector<1x16xf32>,
          %swap3A_348 = vector.shape_cast %swap3A_347 : vector<1x16xf32> to vector<16xf32>
          %swap3A_349 = vector.shape_cast %mul3A_344 : vector<16xf32> to vector<1x16xf32>
          tpu.vector_store %arg10[%swap3A_345, %swap3A_346], %swap3A_349 {strides = array<i32>} : memref<128x128xf32, #tpu.memory_space<vmem>>, vector<1x16xf32>,
          %get3A_350 = arith.index_cast %add3A_299 : i32 to index
          %get3A_351 = arith.constant 80 : index
          %get3A_352 = tpu.vector_load %arg10[%get3A_350, %get3A_351] {strides = array<i32>} : memref<128x128xf32, #tpu.memory_space<vmem>>, vector<1x16xf32>,
          %get3A_353 = vector.shape_cast %get3A_352 : vector<1x16xf32> to vector<16xf32>
          %mul3A_354 = arith.mulf %get3A_353, %broadcast_in_dim3A_295 : vector<16xf32>
          %swap3A_355 = arith.index_cast %add3A_299 : i32 to index
          %swap3A_356 = arith.constant 80 : index
          %swap3A_357 = tpu.vector_load %arg10[%swap3A_355, %swap3A_356] {strides = array<i32>} : memref<128x128xf32, #tpu.memory_space<vmem>>, vector<1x16xf32>,
          %swap3A_358 = vector.shape_cast %swap3A_357 : vector<1x16xf32> to vector<16xf32>
          %swap3A_359 = vector.shape_cast %mul3A_354 : vector<16xf32> to vector<1x16xf32>
          tpu.vector_store %arg10[%swap3A_355, %swap3A_356], %swap3A_359 {strides = array<i32>} : memref<128x128xf32, #tpu.memory_space<vmem>>, vector<1x16xf32>,
          %get3A_360 = arith.index_cast %add3A_299 : i32 to index
          %get3A_361 = arith.constant 96 : index
          %get3A_362 = tpu.vector_load %arg10[%get3A_360, %get3A_361] {strides = array<i32>} : memref<128x128xf32, #tpu.memory_space<vmem>>, vector<1x16xf32>,
          %get3A_363 = vector.shape_cast %get3A_362 : vector<1x16xf32> to vector<16xf32>
          %mul3A_364 = arith.mulf %get3A_363, %broadcast_in_dim3A_295 : vector<16xf32>
          %swap3A_365 = arith.index_cast %add3A_299 : i32 to index
          %swap3A_366 = arith.constant 96 : index
          %swap3A_367 = tpu.vector_load %arg10[%swap3A_365, %swap3A_366] {strides = array<i32>} : memref<128x128xf32, #tpu.memory_space<vmem>>, vector<1x16xf32>,
          %swap3A_368 = vector.shape_cast %swap3A_367 : vector<1x16xf32> to vector<16xf32>
          %swap3A_369 = vector.shape_cast %mul3A_364 : vector<16xf32> to vector<1x16xf32>
          tpu.vector_store %arg10[%swap3A_365, %swap3A_366], %swap3A_369 {strides = array<i32>} : memref<128x128xf32, #tpu.memory_space<vmem>>, vector<1x16xf32>,
          %get3A_370 = arith.index_cast %add3A_299 : i32 to index
          %get3A_371 = arith.constant 112 : index
          %get3A_372 = tpu.vector_load %arg10[%get3A_370, %get3A_371] {strides = array<i32>} : memref<128x128xf32, #tpu.memory_space<vmem>>, vector<1x16xf32>,
          %get3A_373 = vector.shape_cast %get3A_372 : vector<1x16xf32> to vector<16xf32>
          %mul3A_374 = arith.mulf %get3A_373, %broadcast_in_dim3A_295 : vector<16xf32>
          %swap3A_375 = arith.index_cast %add3A_299 : i32 to index
          %swap3A_376 = arith.constant 112 : index
          %swap3A_377 = tpu.vector_load %arg10[%swap3A_375, %swap3A_376] {strides = array<i32>} : memref<128x128xf32, #tpu.memory_space<vmem>>, vector<1x16xf32>,
          %swap3A_378 = vector.shape_cast %swap3A_377 : vector<1x16xf32> to vector<16xf32>
          %swap3A_379 = vector.shape_cast %mul3A_374 : vector<16xf32> to vector<1x16xf32>
          tpu.vector_store %arg10[%swap3A_375, %swap3A_376], %swap3A_379 {strides = array<i32>} : memref<128x128xf32, #tpu.memory_space<vmem>>, vector<1x16xf32>,
          %slice3A_380 = vector.extract_strided_slice %get3A_121 {offsets = [3], sizes = [1], strides = [1]} : vector<16xf32> to vector<1xf32>
          %squeeze3A_381 = vector.extract %slice3A_380[0] : f32 from vector<1xf32>
          %broadcast_in_dim3A_382 = vector.broadcast %squeeze3A_381 : f32 to vector<16xf32>
          %mul3A_383 = arith.constant 16 : i32
          %mul3A_384 = arith.muli %mul3A_383, %scan3A_116 : i32
          %add3A_385 = arith.constant 3 : i32
          %add3A_386 = arith.addi %mul3A_384, %add3A_385 : i32
          %get3A_387 = arith.index_cast %add3A_386 : i32 to index
          %get3A_388 = arith.constant 0 : index
          %get3A_389 = tpu.vector_load %arg10[%get3A_387, %get3A_388] {strides = array<i32>} : memref<128x128xf32, #tpu.memory_space<vmem>>, vector<1x16xf32>,
          %get3A_390 = vector.shape_cast %get3A_389 : vector<1x16xf32> to vector<16xf32>
          %mul3A_391 = arith.mulf %get3A_390, %broadcast_in_dim3A_382 : vector<16xf32>
          %swap3A_392 = arith.index_cast %add3A_386 : i32 to index
          %swap3A_393 = arith.constant 0 : index
          %swap3A_394 = tpu.vector_load %arg10[%swap3A_392, %swap3A_393] {strides = array<i32>} : memref<128x128xf32, #tpu.memory_space<vmem>>, vector<1x16xf32>,
          %swap3A_395 = vector.shape_cast %swap3A_394 : vector<1x16xf32> to vector<16xf32>
          %swap3A_396 = vector.shape_cast %mul3A_391 : vector<16xf32> to vector<1x16xf32>
          tpu.vector_store %arg10[%swap3A_392, %swap3A_393], %swap3A_396 {strides = array<i32>} : memref<128x128xf32, #tpu.memory_space<vmem>>, vector<1x16xf32>,
          %get3A_397 = arith.index_cast %add3A_386 : i32 to index
          %get3A_398 = arith.constant 16 : index
          %get3A_399 = tpu.vector_load %arg10[%get3A_397, %get3A_398] {strides = array<i32>} : memref<128x128xf32, #tpu.memory_space<vmem>>, vector<1x16xf32>,
          %get3A_400 = vector.shape_cast %get3A_399 : vector<1x16xf32> to vector<16xf32>
          %mul3A_401 = arith.mulf %get3A_400, %broadcast_in_dim3A_382 : vector<16xf32>
          %swap3A_402 = arith.index_cast %add3A_386 : i32 to index
          %swap3A_403 = arith.constant 16 : index
          %swap3A_404 = tpu.vector_load %arg10[%swap3A_402, %swap3A_403] {strides = array<i32>} : memref<128x128xf32, #tpu.memory_space<vmem>>, vector<1x16xf32>,
          %swap3A_405 = vector.shape_cast %swap3A_404 : vector<1x16xf32> to vector<16xf32>
          %swap3A_406 = vector.shape_cast %mul3A_401 : vector<16xf32> to vector<1x16xf32>
          tpu.vector_store %arg10[%swap3A_402, %swap3A_403], %swap3A_406 {strides = array<i32>} : memref<128x128xf32, #tpu.memory_space<vmem>>, vector<1x16xf32>,
          %get3A_407 = arith.index_cast %add3A_386 : i32 to index
          %get3A_408 = arith.constant 32 : index
          %get3A_409 = tpu.vector_load %arg10[%get3A_407, %get3A_408] {strides = array<i32>} : memref<128x128xf32, #tpu.memory_space<vmem>>, vector<1x16xf32>,
          %get3A_410 = vector.shape_cast %get3A_409 : vector<1x16xf32> to vector<16xf32>
          %mul3A_411 = arith.mulf %get3A_410, %broadcast_in_dim3A_382 : vector<16xf32>
          %swap3A_412 = arith.index_cast %add3A_386 : i32 to index
          %swap3A_413 = arith.constant 32 : index
          %swap3A_414 = tpu.vector_load %arg10[%swap3A_412, %swap3A_413] {strides = array<i32>} : memref<128x128xf32, #tpu.memory_space<vmem>>, vector<1x16xf32>,
          %swap3A_415 = vector.shape_cast %swap3A_414 : vector<1x16xf32> to vector<16xf32>
          %swap3A_416 = vector.shape_cast %mul3A_411 : vector<16xf32> to vector<1x16xf32>
          tpu.vector_store %arg10[%swap3A_412, %swap3A_413], %swap3A_416 {strides = array<i32>} : memref<128x128xf32, #tpu.memory_space<vmem>>, vector<1x16xf32>,
          %get3A_417 = arith.index_cast %add3A_386 : i32 to index
          %get3A_418 = arith.constant 48 : index
          %get3A_419 = tpu.vector_load %arg10[%get3A_417, %get3A_418] {strides = array<i32>} : memref<128x128xf32, #tpu.memory_space<vmem>>, vector<1x16xf32>,
          %get3A_420 = vector.shape_cast %get3A_419 : vector<1x16xf32> to vector<16xf32>
          %mul3A_421 = arith.mulf %get3A_420, %broadcast_in_dim3A_382 : vector<16xf32>
          %swap3A_422 = arith.index_cast %add3A_386 : i32 to index
          %swap3A_423 = arith.constant 48 : index
          %swap3A_424 = tpu.vector_load %arg10[%swap3A_422, %swap3A_423] {strides = array<i32>} : memref<128x128xf32, #tpu.memory_space<vmem>>, vector<1x16xf32>,
          %swap3A_425 = vector.shape_cast %swap3A_424 : vector<1x16xf32> to vector<16xf32>
          %swap3A_426 = vector.shape_cast %mul3A_421 : vector<16xf32> to vector<1x16xf32>
          tpu.vector_store %arg10[%swap3A_422, %swap3A_423], %swap3A_426 {strides = array<i32>} : memref<128x128xf32, #tpu.memory_space<vmem>>, vector<1x16xf32>,
          %get3A_427 = arith.index_cast %add3A_386 : i32 to index
          %get3A_428 = arith.constant 64 : index
          %get3A_429 = tpu.vector_load %arg10[%get3A_427, %get3A_428] {strides = array<i32>} : memref<128x128xf32, #tpu.memory_space<vmem>>, vector<1x16xf32>,
          %get3A_430 = vector.shape_cast %get3A_429 : vector<1x16xf32> to vector<16xf32>
          %mul3A_431 = arith.mulf %get3A_430, %broadcast_in_dim3A_382 : vector<16xf32>
          %swap3A_432 = arith.index_cast %add3A_386 : i32 to index
          %swap3A_433 = arith.constant 64 : index
          %swap3A_434 = tpu.vector_load %arg10[%swap3A_432, %swap3A_433] {strides = array<i32>} : memref<128x128xf32, #tpu.memory_space<vmem>>, vector<1x16xf32>,
          %swap3A_435 = vector.shape_cast %swap3A_434 : vector<1x16xf32> to vector<16xf32>
          %swap3A_436 = vector.shape_cast %mul3A_431 : vector<16xf32> to vector<1x16xf32>
          tpu.vector_store %arg10[%swap3A_432, %swap3A_433], %swap3A_436 {strides = array<i32>} : memref<128x128xf32, #tpu.memory_space<vmem>>, vector<1x16xf32>,
          %get3A_437 = arith.index_cast %add3A_386 : i32 to index
          %get3A_438 = arith.constant 80 : index
          %get3A_439 = tpu.vector_load %arg10[%get3A_437, %get3A_438] {strides = array<i32>} : memref<128x128xf32, #tpu.memory_space<vmem>>, vector<1x16xf32>,
          %get3A_440 = vector.shape_cast %get3A_439 : vector<1x16xf32> to vector<16xf32>
          %mul3A_441 = arith.mulf %get3A_440, %broadcast_in_dim3A_382 : vector<16xf32>
          %swap3A_442 = arith.index_cast %add3A_386 : i32 to index
          %swap3A_443 = arith.constant 80 : index
          %swap3A_444 = tpu.vector_load %arg10[%swap3A_442, %swap3A_443] {strides = array<i32>} : memref<128x128xf32, #tpu.memory_space<vmem>>, vector<1x16xf32>,
          %swap3A_445 = vector.shape_cast %swap3A_444 : vector<1x16xf32> to vector<16xf32>
          %swap3A_446 = vector.shape_cast %mul3A_441 : vector<16xf32> to vector<1x16xf32>
          tpu.vector_store %arg10[%swap3A_442, %swap3A_443], %swap3A_446 {strides = array<i32>} : memref<128x128xf32, #tpu.memory_space<vmem>>, vector<1x16xf32>,
          %get3A_447 = arith.index_cast %add3A_386 : i32 to index
          %get3A_448 = arith.constant 96 : index
          %get3A_449 = tpu.vector_load %arg10[%get3A_447, %get3A_448] {strides = array<i32>} : memref<128x128xf32, #tpu.memory_space<vmem>>, vector<1x16xf32>,
          %get3A_450 = vector.shape_cast %get3A_449 : vector<1x16xf32> to vector<16xf32>
          %mul3A_451 = arith.mulf %get3A_450, %broadcast_in_dim3A_382 : vector<16xf32>
          %swap3A_452 = arith.index_cast %add3A_386 : i32 to index
          %swap3A_453 = arith.constant 96 : index
          %swap3A_454 = tpu.vector_load %arg10[%swap3A_452, %swap3A_453] {strides = array<i32>} : memref<128x128xf32, #tpu.memory_space<vmem>>, vector<1x16xf32>,
          %swap3A_455 = vector.shape_cast %swap3A_454 : vector<1x16xf32> to vector<16xf32>
          %swap3A_456 = vector.shape_cast %mul3A_451 : vector<16xf32> to vector<1x16xf32>
          tpu.vector_store %arg10[%swap3A_452, %swap3A_453], %swap3A_456 {strides = array<i32>} : memref<128x128xf32, #tpu.memory_space<vmem>>, vector<1x16xf32>,
          %get3A_457 = arith.index_cast %add3A_386 : i32 to index
          %get3A_458 = arith.constant 112 : index
          %get3A_459 = tpu.vector_load %arg10[%get3A_457, %get3A_458] {strides = array<i32>} : memref<128x128xf32, #tpu.memory_space<vmem>>, vector<1x16xf32>,
          %get3A_460 = vector.shape_cast %get3A_459 : vector<1x16xf32> to vector<16xf32>
          %mul3A_461 = arith.mulf %get3A_460, %broadcast_in_dim3A_382 : vector<16xf32>
          %swap3A_462 = arith.index_cast %add3A_386 : i32 to index
          %swap3A_463 = arith.constant 112 : index
          %swap3A_464 = tpu.vector_load %arg10[%swap3A_462, %swap3A_463] {strides = array<i32>} : memref<128x128xf32, #tpu.memory_space<vmem>>, vector<1x16xf32>,
          %swap3A_465 = vector.shape_cast %swap3A_464 : vector<1x16xf32> to vector<16xf32>
          %swap3A_466 = vector.shape_cast %mul3A_461 : vector<16xf32> to vector<1x16xf32>
          tpu.vector_store %arg10[%swap3A_462, %swap3A_463], %swap3A_466 {strides = array<i32>} : memref<128x128xf32, #tpu.memory_space<vmem>>, vector<1x16xf32>,
          %slice3A_467 = vector.extract_strided_slice %get3A_121 {offsets = [4], sizes = [1], strides = [1]} : vector<16xf32> to vector<1xf32>
          %squeeze3A_468 = vector.extract %slice3A_467[0] : f32 from vector<1xf32>
          %broadcast_in_dim3A_469 = vector.broadcast %squeeze3A_468 : f32 to vector<16xf32>
          %mul3A_470 = arith.constant 16 : i32
          %mul3A_471 = arith.muli %mul3A_470, %scan3A_116 : i32
          %add3A_472 = arith.constant 4 : i32
          %add3A_473 = arith.addi %mul3A_471, %add3A_472 : i32
          %get3A_474 = arith.index_cast %add3A_473 : i32 to index
          %get3A_475 = arith.constant 0 : index
          %get3A_476 = tpu.vector_load %arg10[%get3A_474, %get3A_475] {strides = array<i32>} : memref<128x128xf32, #tpu.memory_space<vmem>>, vector<1x16xf32>,
          %get3A_477 = vector.shape_cast %get3A_476 : vector<1x16xf32> to vector<16xf32>
          %mul3A_478 = arith.mulf %get3A_477, %broadcast_in_dim3A_469 : vector<16xf32>
          %swap3A_479 = arith.index_cast %add3A_473 : i32 to index
          %swap3A_480 = arith.constant 0 : index
          %swap3A_481 = tpu.vector_load %arg10[%swap3A_479, %swap3A_480] {strides = array<i32>} : memref<128x128xf32, #tpu.memory_space<vmem>>, vector<1x16xf32>,
          %swap3A_482 = vector.shape_cast %swap3A_481 : vector<1x16xf32> to vector<16xf32>
          %swap3A_483 = vector.shape_cast %mul3A_478 : vector<16xf32> to vector<1x16xf32>
          tpu.vector_store %arg10[%swap3A_479, %swap3A_480], %swap3A_483 {strides = array<i32>} : memref<128x128xf32, #tpu.memory_space<vmem>>, vector<1x16xf32>,
          %get3A_484 = arith.index_cast %add3A_473 : i32 to index
          %get3A_485 = arith.constant 16 : index
          %get3A_486 = tpu.vector_load %arg10[%get3A_484, %get3A_485] {strides = array<i32>} : memref<128x128xf32, #tpu.memory_space<vmem>>, vector<1x16xf32>,
          %get3A_487 = vector.shape_cast %get3A_486 : vector<1x16xf32> to vector<16xf32>
          %mul3A_488 = arith.mulf %get3A_487, %broadcast_in_dim3A_469 : vector<16xf32>
          %swap3A_489 = arith.index_cast %add3A_473 : i32 to index
          %swap3A_490 = arith.constant 16 : index
          %swap3A_491 = tpu.vector_load %arg10[%swap3A_489, %swap3A_490] {strides = array<i32>} : memref<128x128xf32, #tpu.memory_space<vmem>>, vector<1x16xf32>,
          %swap3A_492 = vector.shape_cast %swap3A_491 : vector<1x16xf32> to vector<16xf32>
          %swap3A_493 = vector.shape_cast %mul3A_488 : vector<16xf32> to vector<1x16xf32>
          tpu.vector_store %arg10[%swap3A_489, %swap3A_490], %swap3A_493 {strides = array<i32>} : memref<128x128xf32, #tpu.memory_space<vmem>>, vector<1x16xf32>,
          %get3A_494 = arith.index_cast %add3A_473 : i32 to index
          %get3A_495 = arith.constant 32 : index
          %get3A_496 = tpu.vector_load %arg10[%get3A_494, %get3A_495] {strides = array<i32>} : memref<128x128xf32, #tpu.memory_space<vmem>>, vector<1x16xf32>,
          %get3A_497 = vector.shape_cast %get3A_496 : vector<1x16xf32> to vector<16xf32>
          %mul3A_498 = arith.mulf %get3A_497, %broadcast_in_dim3A_469 : vector<16xf32>
          %swap3A_499 = arith.index_cast %add3A_473 : i32 to index
          %swap3A_500 = arith.constant 32 : index
          %swap3A_501 = tpu.vector_load %arg10[%swap3A_499, %swap3A_500] {strides = array<i32>} : memref<128x128xf32, #tpu.memory_space<vmem>>, vector<1x16xf32>,
          %swap3A_502 = vector.shape_cast %swap3A_501 : vector<1x16xf32> to vector<16xf32>
          %swap3A_503 = vector.shape_cast %mul3A_498 : vector<16xf32> to vector<1x16xf32>
          tpu.vector_store %arg10[%swap3A_499, %swap3A_500], %swap3A_503 {strides = array<i32>} : memref<128x128xf32, #tpu.memory_space<vmem>>, vector<1x16xf32>,
          %get3A_504 = arith.index_cast %add3A_473 : i32 to index
          %get3A_505 = arith.constant 48 : index
          %get3A_506 = tpu.vector_load %arg10[%get3A_504, %get3A_505] {strides = array<i32>} : memref<128x128xf32, #tpu.memory_space<vmem>>, vector<1x16xf32>,
          %get3A_507 = vector.shape_cast %get3A_506 : vector<1x16xf32> to vector<16xf32>
          %mul3A_508 = arith.mulf %get3A_507, %broadcast_in_dim3A_469 : vector<16xf32>
          %swap3A_509 = arith.index_cast %add3A_473 : i32 to index
          %swap3A_510 = arith.constant 48 : index
          %swap3A_511 = tpu.vector_load %arg10[%swap3A_509, %swap3A_510] {strides = array<i32>} : memref<128x128xf32, #tpu.memory_space<vmem>>, vector<1x16xf32>,
          %swap3A_512 = vector.shape_cast %swap3A_511 : vector<1x16xf32> to vector<16xf32>
          %swap3A_513 = vector.shape_cast %mul3A_508 : vector<16xf32> to vector<1x16xf32>
          tpu.vector_store %arg10[%swap3A_509, %swap3A_510], %swap3A_513 {strides = array<i32>} : memref<128x128xf32, #tpu.memory_space<vmem>>, vector<1x16xf32>,
          %get3A_514 = arith.index_cast %add3A_473 : i32 to index
          %get3A_515 = arith.constant 64 : index
          %get3A_516 = tpu.vector_load %arg10[%get3A_514, %get3A_515] {strides = array<i32>} : memref<128x128xf32, #tpu.memory_space<vmem>>, vector<1x16xf32>,
          %get3A_517 = vector.shape_cast %get3A_516 : vector<1x16xf32> to vector<16xf32>
          %mul3A_518 = arith.mulf %get3A_517, %broadcast_in_dim3A_469 : vector<16xf32>
          %swap3A_519 = arith.index_cast %add3A_473 : i32 to index
          %swap3A_520 = arith.constant 64 : index
          %swap3A_521 = tpu.vector_load %arg10[%swap3A_519, %swap3A_520] {strides = array<i32>} : memref<128x128xf32, #tpu.memory_space<vmem>>, vector<1x16xf32>,
          %swap3A_522 = vector.shape_cast %swap3A_521 : vector<1x16xf32> to vector<16xf32>
          %swap3A_523 = vector.shape_cast %mul3A_518 : vector<16xf32> to vector<1x16xf32>
          tpu.vector_store %arg10[%swap3A_519, %swap3A_520], %swap3A_523 {strides = array<i32>} : memref<128x128xf32, #tpu.memory_space<vmem>>, vector<1x16xf32>,
          %get3A_524 = arith.index_cast %add3A_473 : i32 to index
          %get3A_525 = arith.constant 80 : index
          %get3A_526 = tpu.vector_load %arg10[%get3A_524, %get3A_525] {strides = array<i32>} : memref<128x128xf32, #tpu.memory_space<vmem>>, vector<1x16xf32>,
          %get3A_527 = vector.shape_cast %get3A_526 : vector<1x16xf32> to vector<16xf32>
          %mul3A_528 = arith.mulf %get3A_527, %broadcast_in_dim3A_469 : vector<16xf32>
          %swap3A_529 = arith.index_cast %add3A_473 : i32 to index
          %swap3A_530 = arith.constant 80 : index
          %swap3A_531 = tpu.vector_load %arg10[%swap3A_529, %swap3A_530] {strides = array<i32>} : memref<128x128xf32, #tpu.memory_space<vmem>>, vector<1x16xf32>,
          %swap3A_532 = vector.shape_cast %swap3A_531 : vector<1x16xf32> to vector<16xf32>
          %swap3A_533 = vector.shape_cast %mul3A_528 : vector<16xf32> to vector<1x16xf32>
          tpu.vector_store %arg10[%swap3A_529, %swap3A_530], %swap3A_533 {strides = array<i32>} : memref<128x128xf32, #tpu.memory_space<vmem>>, vector<1x16xf32>,
          %get3A_534 = arith.index_cast %add3A_473 : i32 to index
          %get3A_535 = arith.constant 96 : index
          %get3A_536 = tpu.vector_load %arg10[%get3A_534, %get3A_535] {strides = array<i32>} : memref<128x128xf32, #tpu.memory_space<vmem>>, vector<1x16xf32>,
          %get3A_537 = vector.shape_cast %get3A_536 : vector<1x16xf32> to vector<16xf32>
          %mul3A_538 = arith.mulf %get3A_537, %broadcast_in_dim3A_469 : vector<16xf32>
          %swap3A_539 = arith.index_cast %add3A_473 : i32 to index
          %swap3A_540 = arith.constant 96 : index
          %swap3A_541 = tpu.vector_load %arg10[%swap3A_539, %swap3A_540] {strides = array<i32>} : memref<128x128xf32, #tpu.memory_space<vmem>>, vector<1x16xf32>,
          %swap3A_542 = vector.shape_cast %swap3A_541 : vector<1x16xf32> to vector<16xf32>
          %swap3A_543 = vector.shape_cast %mul3A_538 : vector<16xf32> to vector<1x16xf32>
          tpu.vector_store %arg10[%swap3A_539, %swap3A_540], %swap3A_543 {strides = array<i32>} : memref<128x128xf32, #tpu.memory_space<vmem>>, vector<1x16xf32>,
          %get3A_544 = arith.index_cast %add3A_473 : i32 to index
          %get3A_545 = arith.constant 112 : index
          %get3A_546 = tpu.vector_load %arg10[%get3A_544, %get3A_545] {strides = array<i32>} : memref<128x128xf32, #tpu.memory_space<vmem>>, vector<1x16xf32>,
          %get3A_547 = vector.shape_cast %get3A_546 : vector<1x16xf32> to vector<16xf32>
          %mul3A_548 = arith.mulf %get3A_547, %broadcast_in_dim3A_469 : vector<16xf32>
          %swap3A_549 = arith.index_cast %add3A_473 : i32 to index
          %swap3A_550 = arith.constant 112 : index
          %swap3A_551 = tpu.vector_load %arg10[%swap3A_549, %swap3A_550] {strides = array<i32>} : memref<128x128xf32, #tpu.memory_space<vmem>>, vector<1x16xf32>,
          %swap3A_552 = vector.shape_cast %swap3A_551 : vector<1x16xf32> to vector<16xf32>
          %swap3A_553 = vector.shape_cast %mul3A_548 : vector<16xf32> to vector<1x16xf32>
          tpu.vector_store %arg10[%swap3A_549, %swap3A_550], %swap3A_553 {strides = array<i32>} : memref<128x128xf32, #tpu.memory_space<vmem>>, vector<1x16xf32>,
          %slice3A_554 = vector.extract_strided_slice %get3A_121 {offsets = [5], sizes = [1], strides = [1]} : vector<16xf32> to vector<1xf32>
          %squeeze3A_555 = vector.extract %slice3A_554[0] : f32 from vector<1xf32>
          %broadcast_in_dim3A_556 = vector.broadcast %squeeze3A_555 : f32 to vector<16xf32>
          %mul3A_557 = arith.constant 16 : i32
          %mul3A_558 = arith.muli %mul3A_557, %scan3A_116 : i32
          %add3A_559 = arith.constant 5 : i32
          %add3A_560 = arith.addi %mul3A_558, %add3A_559 : i32
          %get3A_561 = arith.index_cast %add3A_560 : i32 to index
          %get3A_562 = arith.constant 0 : index
          %get3A_563 = tpu.vector_load %arg10[%get3A_561, %get3A_562] {strides = array<i32>} : memref<128x128xf32, #tpu.memory_space<vmem>>, vector<1x16xf32>,
          %get3A_564 = vector.shape_cast %get3A_563 : vector<1x16xf32> to vector<16xf32>
          %mul3A_565 = arith.mulf %get3A_564, %broadcast_in_dim3A_556 : vector<16xf32>
          %swap3A_566 = arith.index_cast %add3A_560 : i32 to index
          %swap3A_567 = arith.constant 0 : index
          %swap3A_568 = tpu.vector_load %arg10[%swap3A_566, %swap3A_567] {strides = array<i32>} : memref<128x128xf32, #tpu.memory_space<vmem>>, vector<1x16xf32>,
          %swap3A_569 = vector.shape_cast %swap3A_568 : vector<1x16xf32> to vector<16xf32>
          %swap3A_570 = vector.shape_cast %mul3A_565 : vector<16xf32> to vector<1x16xf32>
          tpu.vector_store %arg10[%swap3A_566, %swap3A_567], %swap3A_570 {strides = array<i32>} : memref<128x128xf32, #tpu.memory_space<vmem>>, vector<1x16xf32>,
          %get3A_571 = arith.index_cast %add3A_560 : i32 to index
          %get3A_572 = arith.constant 16 : index
          %get3A_573 = tpu.vector_load %arg10[%get3A_571, %get3A_572] {strides = array<i32>} : memref<128x128xf32, #tpu.memory_space<vmem>>, vector<1x16xf32>,
          %get3A_574 = vector.shape_cast %get3A_573 : vector<1x16xf32> to vector<16xf32>
          %mul3A_575 = arith.mulf %get3A_574, %broadcast_in_dim3A_556 : vector<16xf32>
          %swap3A_576 = arith.index_cast %add3A_560 : i32 to index
          %swap3A_577 = arith.constant 16 : index
          %swap3A_578 = tpu.vector_load %arg10[%swap3A_576, %swap3A_577] {strides = array<i32>} : memref<128x128xf32, #tpu.memory_space<vmem>>, vector<1x16xf32>,
          %swap3A_579 = vector.shape_cast %swap3A_578 : vector<1x16xf32> to vector<16xf32>
          %swap3A_580 = vector.shape_cast %mul3A_575 : vector<16xf32> to vector<1x16xf32>
          tpu.vector_store %arg10[%swap3A_576, %swap3A_577], %swap3A_580 {strides = array<i32>} : memref<128x128xf32, #tpu.memory_space<vmem>>, vector<1x16xf32>,
          %get3A_581 = arith.index_cast %add3A_560 : i32 to index
          %get3A_582 = arith.constant 32 : index
          %get3A_583 = tpu.vector_load %arg10[%get3A_581, %get3A_582] {strides = array<i32>} : memref<128x128xf32, #tpu.memory_space<vmem>>, vector<1x16xf32>,
          %get3A_584 = vector.shape_cast %get3A_583 : vector<1x16xf32> to vector<16xf32>
          %mul3A_585 = arith.mulf %get3A_584, %broadcast_in_dim3A_556 : vector<16xf32>
          %swap3A_586 = arith.index_cast %add3A_560 : i32 to index
          %swap3A_587 = arith.constant 32 : index
          %swap3A_588 = tpu.vector_load %arg10[%swap3A_586, %swap3A_587] {strides = array<i32>} : memref<128x128xf32, #tpu.memory_space<vmem>>, vector<1x16xf32>,
          %swap3A_589 = vector.shape_cast %swap3A_588 : vector<1x16xf32> to vector<16xf32>
          %swap3A_590 = vector.shape_cast %mul3A_585 : vector<16xf32> to vector<1x16xf32>
          tpu.vector_store %arg10[%swap3A_586, %swap3A_587], %swap3A_590 {strides = array<i32>} : memref<128x128xf32, #tpu.memory_space<vmem>>, vector<1x16xf32>,
          %get3A_591 = arith.index_cast %add3A_560 : i32 to index
          %get3A_592 = arith.constant 48 : index
          %get3A_593 = tpu.vector_load %arg10[%get3A_591, %get3A_592] {strides = array<i32>} : memref<128x128xf32, #tpu.memory_space<vmem>>, vector<1x16xf32>,
          %get3A_594 = vector.shape_cast %get3A_593 : vector<1x16xf32> to vector<16xf32>
          %mul3A_595 = arith.mulf %get3A_594, %broadcast_in_dim3A_556 : vector<16xf32>
          %swap3A_596 = arith.index_cast %add3A_560 : i32 to index
          %swap3A_597 = arith.constant 48 : index
          %swap3A_598 = tpu.vector_load %arg10[%swap3A_596, %swap3A_597] {strides = array<i32>} : memref<128x128xf32, #tpu.memory_space<vmem>>, vector<1x16xf32>,
          %swap3A_599 = vector.shape_cast %swap3A_598 : vector<1x16xf32> to vector<16xf32>
          %swap3A_600 = vector.shape_cast %mul3A_595 : vector<16xf32> to vector<1x16xf32>
          tpu.vector_store %arg10[%swap3A_596, %swap3A_597], %swap3A_600 {strides = array<i32>} : memref<128x128xf32, #tpu.memory_space<vmem>>, vector<1x16xf32>,
          %get3A_601 = arith.index_cast %add3A_560 : i32 to index
          %get3A_602 = arith.constant 64 : index
          %get3A_603 = tpu.vector_load %arg10[%get3A_601, %get3A_602] {strides = array<i32>} : memref<128x128xf32, #tpu.memory_space<vmem>>, vector<1x16xf32>,
          %get3A_604 = vector.shape_cast %get3A_603 : vector<1x16xf32> to vector<16xf32>
          %mul3A_605 = arith.mulf %get3A_604, %broadcast_in_dim3A_556 : vector<16xf32>
          %swap3A_606 = arith.index_cast %add3A_560 : i32 to index
          %swap3A_607 = arith.constant 64 : index
          %swap3A_608 = tpu.vector_load %arg10[%swap3A_606, %swap3A_607] {strides = array<i32>} : memref<128x128xf32, #tpu.memory_space<vmem>>, vector<1x16xf32>,
          %swap3A_609 = vector.shape_cast %swap3A_608 : vector<1x16xf32> to vector<16xf32>
          %swap3A_610 = vector.shape_cast %mul3A_605 : vector<16xf32> to vector<1x16xf32>
          tpu.vector_store %arg10[%swap3A_606, %swap3A_607], %swap3A_610 {strides = array<i32>} : memref<128x128xf32, #tpu.memory_space<vmem>>, vector<1x16xf32>,
          %get3A_611 = arith.index_cast %add3A_560 : i32 to index
          %get3A_612 = arith.constant 80 : index
          %get3A_613 = tpu.vector_load %arg10[%get3A_611, %get3A_612] {strides = array<i32>} : memref<128x128xf32, #tpu.memory_space<vmem>>, vector<1x16xf32>,
          %get3A_614 = vector.shape_cast %get3A_613 : vector<1x16xf32> to vector<16xf32>
          %mul3A_615 = arith.mulf %get3A_614, %broadcast_in_dim3A_556 : vector<16xf32>
          %swap3A_616 = arith.index_cast %add3A_560 : i32 to index
          %swap3A_617 = arith.constant 80 : index
          %swap3A_618 = tpu.vector_load %arg10[%swap3A_616, %swap3A_617] {strides = array<i32>} : memref<128x128xf32, #tpu.memory_space<vmem>>, vector<1x16xf32>,
          %swap3A_619 = vector.shape_cast %swap3A_618 : vector<1x16xf32> to vector<16xf32>
          %swap3A_620 = vector.shape_cast %mul3A_615 : vector<16xf32> to vector<1x16xf32>
          tpu.vector_store %arg10[%swap3A_616, %swap3A_617], %swap3A_620 {strides = array<i32>} : memref<128x128xf32, #tpu.memory_space<vmem>>, vector<1x16xf32>,
          %get3A_621 = arith.index_cast %add3A_560 : i32 to index
          %get3A_622 = arith.constant 96 : index
          %get3A_623 = tpu.vector_load %arg10[%get3A_621, %get3A_622] {strides = array<i32>} : memref<128x128xf32, #tpu.memory_space<vmem>>, vector<1x16xf32>,
          %get3A_624 = vector.shape_cast %get3A_623 : vector<1x16xf32> to vector<16xf32>
          %mul3A_625 = arith.mulf %get3A_624, %broadcast_in_dim3A_556 : vector<16xf32>
          %swap3A_626 = arith.index_cast %add3A_560 : i32 to index
          %swap3A_627 = arith.constant 96 : index
          %swap3A_628 = tpu.vector_load %arg10[%swap3A_626, %swap3A_627] {strides = array<i32>} : memref<128x128xf32, #tpu.memory_space<vmem>>, vector<1x16xf32>,
          %swap3A_629 = vector.shape_cast %swap3A_628 : vector<1x16xf32> to vector<16xf32>
          %swap3A_630 = vector.shape_cast %mul3A_625 : vector<16xf32> to vector<1x16xf32>
          tpu.vector_store %arg10[%swap3A_626, %swap3A_627], %swap3A_630 {strides = array<i32>} : memref<128x128xf32, #tpu.memory_space<vmem>>, vector<1x16xf32>,
          %get3A_631 = arith.index_cast %add3A_560 : i32 to index
          %get3A_632 = arith.constant 112 : index
          %get3A_633 = tpu.vector_load %arg10[%get3A_631, %get3A_632] {strides = array<i32>} : memref<128x128xf32, #tpu.memory_space<vmem>>, vector<1x16xf32>,
          %get3A_634 = vector.shape_cast %get3A_633 : vector<1x16xf32> to vector<16xf32>
          %mul3A_635 = arith.mulf %get3A_634, %broadcast_in_dim3A_556 : vector<16xf32>
          %swap3A_636 = arith.index_cast %add3A_560 : i32 to index
          %swap3A_637 = arith.constant 112 : index
          %swap3A_638 = tpu.vector_load %arg10[%swap3A_636, %swap3A_637] {strides = array<i32>} : memref<128x128xf32, #tpu.memory_space<vmem>>, vector<1x16xf32>,
          %swap3A_639 = vector.shape_cast %swap3A_638 : vector<1x16xf32> to vector<16xf32>
          %swap3A_640 = vector.shape_cast %mul3A_635 : vector<16xf32> to vector<1x16xf32>
          tpu.vector_store %arg10[%swap3A_636, %swap3A_637], %swap3A_640 {strides = array<i32>} : memref<128x128xf32, #tpu.memory_space<vmem>>, vector<1x16xf32>,
          %slice3A_641 = vector.extract_strided_slice %get3A_121 {offsets = [6], sizes = [1], strides = [1]} : vector<16xf32> to vector<1xf32>
          %squeeze3A_642 = vector.extract %slice3A_641[0] : f32 from vector<1xf32>
          %broadcast_in_dim3A_643 = vector.broadcast %squeeze3A_642 : f32 to vector<16xf32>
          %mul3A_644 = arith.constant 16 : i32
          %mul3A_645 = arith.muli %mul3A_644, %scan3A_116 : i32
          %add3A_646 = arith.constant 6 : i32
          %add3A_647 = arith.addi %mul3A_645, %add3A_646 : i32
          %get3A_648 = arith.index_cast %add3A_647 : i32 to index
          %get3A_649 = arith.constant 0 : index
          %get3A_650 = tpu.vector_load %arg10[%get3A_648, %get3A_649] {strides = array<i32>} : memref<128x128xf32, #tpu.memory_space<vmem>>, vector<1x16xf32>,
          %get3A_651 = vector.shape_cast %get3A_650 : vector<1x16xf32> to vector<16xf32>
          %mul3A_652 = arith.mulf %get3A_651, %broadcast_in_dim3A_643 : vector<16xf32>
          %swap3A_653 = arith.index_cast %add3A_647 : i32 to index
          %swap3A_654 = arith.constant 0 : index
          %swap3A_655 = tpu.vector_load %arg10[%swap3A_653, %swap3A_654] {strides = array<i32>} : memref<128x128xf32, #tpu.memory_space<vmem>>, vector<1x16xf32>,
          %swap3A_656 = vector.shape_cast %swap3A_655 : vector<1x16xf32> to vector<16xf32>
          %swap3A_657 = vector.shape_cast %mul3A_652 : vector<16xf32> to vector<1x16xf32>
          tpu.vector_store %arg10[%swap3A_653, %swap3A_654], %swap3A_657 {strides = array<i32>} : memref<128x128xf32, #tpu.memory_space<vmem>>, vector<1x16xf32>,
          %get3A_658 = arith.index_cast %add3A_647 : i32 to index
          %get3A_659 = arith.constant 16 : index
          %get3A_660 = tpu.vector_load %arg10[%get3A_658, %get3A_659] {strides = array<i32>} : memref<128x128xf32, #tpu.memory_space<vmem>>, vector<1x16xf32>,
          %get3A_661 = vector.shape_cast %get3A_660 : vector<1x16xf32> to vector<16xf32>
          %mul3A_662 = arith.mulf %get3A_661, %broadcast_in_dim3A_643 : vector<16xf32>
          %swap3A_663 = arith.index_cast %add3A_647 : i32 to index
          %swap3A_664 = arith.constant 16 : index
          %swap3A_665 = tpu.vector_load %arg10[%swap3A_663, %swap3A_664] {strides = array<i32>} : memref<128x128xf32, #tpu.memory_space<vmem>>, vector<1x16xf32>,
          %swap3A_666 = vector.shape_cast %swap3A_665 : vector<1x16xf32> to vector<16xf32>
          %swap3A_667 = vector.shape_cast %mul3A_662 : vector<16xf32> to vector<1x16xf32>
          tpu.vector_store %arg10[%swap3A_663, %swap3A_664], %swap3A_667 {strides = array<i32>} : memref<128x128xf32, #tpu.memory_space<vmem>>, vector<1x16xf32>,
          %get3A_668 = arith.index_cast %add3A_647 : i32 to index
          %get3A_669 = arith.constant 32 : index
          %get3A_670 = tpu.vector_load %arg10[%get3A_668, %get3A_669] {strides = array<i32>} : memref<128x128xf32, #tpu.memory_space<vmem>>, vector<1x16xf32>,
          %get3A_671 = vector.shape_cast %get3A_670 : vector<1x16xf32> to vector<16xf32>
          %mul3A_672 = arith.mulf %get3A_671, %broadcast_in_dim3A_643 : vector<16xf32>
          %swap3A_673 = arith.index_cast %add3A_647 : i32 to index
          %swap3A_674 = arith.constant 32 : index
          %swap3A_675 = tpu.vector_load %arg10[%swap3A_673, %swap3A_674] {strides = array<i32>} : memref<128x128xf32, #tpu.memory_space<vmem>>, vector<1x16xf32>,
          %swap3A_676 = vector.shape_cast %swap3A_675 : vector<1x16xf32> to vector<16xf32>
          %swap3A_677 = vector.shape_cast %mul3A_672 : vector<16xf32> to vector<1x16xf32>
          tpu.vector_store %arg10[%swap3A_673, %swap3A_674], %swap3A_677 {strides = array<i32>} : memref<128x128xf32, #tpu.memory_space<vmem>>, vector<1x16xf32>,
          %get3A_678 = arith.index_cast %add3A_647 : i32 to index
          %get3A_679 = arith.constant 48 : index
          %get3A_680 = tpu.vector_load %arg10[%get3A_678, %get3A_679] {strides = array<i32>} : memref<128x128xf32, #tpu.memory_space<vmem>>, vector<1x16xf32>,
          %get3A_681 = vector.shape_cast %get3A_680 : vector<1x16xf32> to vector<16xf32>
          %mul3A_682 = arith.mulf %get3A_681, %broadcast_in_dim3A_643 : vector<16xf32>
          %swap3A_683 = arith.index_cast %add3A_647 : i32 to index
          %swap3A_684 = arith.constant 48 : index
          %swap3A_685 = tpu.vector_load %arg10[%swap3A_683, %swap3A_684] {strides = array<i32>} : memref<128x128xf32, #tpu.memory_space<vmem>>, vector<1x16xf32>,
          %swap3A_686 = vector.shape_cast %swap3A_685 : vector<1x16xf32> to vector<16xf32>
          %swap3A_687 = vector.shape_cast %mul3A_682 : vector<16xf32> to vector<1x16xf32>
          tpu.vector_store %arg10[%swap3A_683, %swap3A_684], %swap3A_687 {strides = array<i32>} : memref<128x128xf32, #tpu.memory_space<vmem>>, vector<1x16xf32>,
          %get3A_688 = arith.index_cast %add3A_647 : i32 to index
          %get3A_689 = arith.constant 64 : index
          %get3A_690 = tpu.vector_load %arg10[%get3A_688, %get3A_689] {strides = array<i32>} : memref<128x128xf32, #tpu.memory_space<vmem>>, vector<1x16xf32>,
          %get3A_691 = vector.shape_cast %get3A_690 : vector<1x16xf32> to vector<16xf32>
          %mul3A_692 = arith.mulf %get3A_691, %broadcast_in_dim3A_643 : vector<16xf32>
          %swap3A_693 = arith.index_cast %add3A_647 : i32 to index
          %swap3A_694 = arith.constant 64 : index
          %swap3A_695 = tpu.vector_load %arg10[%swap3A_693, %swap3A_694] {strides = array<i32>} : memref<128x128xf32, #tpu.memory_space<vmem>>, vector<1x16xf32>,
          %swap3A_696 = vector.shape_cast %swap3A_695 : vector<1x16xf32> to vector<16xf32>
          %swap3A_697 = vector.shape_cast %mul3A_692 : vector<16xf32> to vector<1x16xf32>
          tpu.vector_store %arg10[%swap3A_693, %swap3A_694], %swap3A_697 {strides = array<i32>} : memref<128x128xf32, #tpu.memory_space<vmem>>, vector<1x16xf32>,
          %get3A_698 = arith.index_cast %add3A_647 : i32 to index
          %get3A_699 = arith.constant 80 : index
          %get3A_700 = tpu.vector_load %arg10[%get3A_698, %get3A_699] {strides = array<i32>} : memref<128x128xf32, #tpu.memory_space<vmem>>, vector<1x16xf32>,
          %get3A_701 = vector.shape_cast %get3A_700 : vector<1x16xf32> to vector<16xf32>
          %mul3A_702 = arith.mulf %get3A_701, %broadcast_in_dim3A_643 : vector<16xf32>
          %swap3A_703 = arith.index_cast %add3A_647 : i32 to index
          %swap3A_704 = arith.constant 80 : index
          %swap3A_705 = tpu.vector_load %arg10[%swap3A_703, %swap3A_704] {strides = array<i32>} : memref<128x128xf32, #tpu.memory_space<vmem>>, vector<1x16xf32>,
          %swap3A_706 = vector.shape_cast %swap3A_705 : vector<1x16xf32> to vector<16xf32>
          %swap3A_707 = vector.shape_cast %mul3A_702 : vector<16xf32> to vector<1x16xf32>
          tpu.vector_store %arg10[%swap3A_703, %swap3A_704], %swap3A_707 {strides = array<i32>} : memref<128x128xf32, #tpu.memory_space<vmem>>, vector<1x16xf32>,
          %get3A_708 = arith.index_cast %add3A_647 : i32 to index
          %get3A_709 = arith.constant 96 : index
          %get3A_710 = tpu.vector_load %arg10[%get3A_708, %get3A_709] {strides = array<i32>} : memref<128x128xf32, #tpu.memory_space<vmem>>, vector<1x16xf32>,
          %get3A_711 = vector.shape_cast %get3A_710 : vector<1x16xf32> to vector<16xf32>
          %mul3A_712 = arith.mulf %get3A_711, %broadcast_in_dim3A_643 : vector<16xf32>
          %swap3A_713 = arith.index_cast %add3A_647 : i32 to index
          %swap3A_714 = arith.constant 96 : index
          %swap3A_715 = tpu.vector_load %arg10[%swap3A_713, %swap3A_714] {strides = array<i32>} : memref<128x128xf32, #tpu.memory_space<vmem>>, vector<1x16xf32>,
          %swap3A_716 = vector.shape_cast %swap3A_715 : vector<1x16xf32> to vector<16xf32>
          %swap3A_717 = vector.shape_cast %mul3A_712 : vector<16xf32> to vector<1x16xf32>
          tpu.vector_store %arg10[%swap3A_713, %swap3A_714], %swap3A_717 {strides = array<i32>} : memref<128x128xf32, #tpu.memory_space<vmem>>, vector<1x16xf32>,
          %get3A_718 = arith.index_cast %add3A_647 : i32 to index
          %get3A_719 = arith.constant 112 : index
          %get3A_720 = tpu.vector_load %arg10[%get3A_718, %get3A_719] {strides = array<i32>} : memref<128x128xf32, #tpu.memory_space<vmem>>, vector<1x16xf32>,
          %get3A_721 = vector.shape_cast %get3A_720 : vector<1x16xf32> to vector<16xf32>
          %mul3A_722 = arith.mulf %get3A_721, %broadcast_in_dim3A_643 : vector<16xf32>
          %swap3A_723 = arith.index_cast %add3A_647 : i32 to index
          %swap3A_724 = arith.constant 112 : index
          %swap3A_725 = tpu.vector_load %arg10[%swap3A_723, %swap3A_724] {strides = array<i32>} : memref<128x128xf32, #tpu.memory_space<vmem>>, vector<1x16xf32>,
          %swap3A_726 = vector.shape_cast %swap3A_725 : vector<1x16xf32> to vector<16xf32>
          %swap3A_727 = vector.shape_cast %mul3A_722 : vector<16xf32> to vector<1x16xf32>
          tpu.vector_store %arg10[%swap3A_723, %swap3A_724], %swap3A_727 {strides = array<i32>} : memref<128x128xf32, #tpu.memory_space<vmem>>, vector<1x16xf32>,
          %slice3A_728 = vector.extract_strided_slice %get3A_121 {offsets = [7], sizes = [1], strides = [1]} : vector<16xf32> to vector<1xf32>
          %squeeze3A_729 = vector.extract %slice3A_728[0] : f32 from vector<1xf32>
          %broadcast_in_dim3A_730 = vector.broadcast %squeeze3A_729 : f32 to vector<16xf32>
          %mul3A_731 = arith.constant 16 : i32
          %mul3A_732 = arith.muli %mul3A_731, %scan3A_116 : i32
          %add3A_733 = arith.constant 7 : i32
          %add3A_734 = arith.addi %mul3A_732, %add3A_733 : i32
          %get3A_735 = arith.index_cast %add3A_734 : i32 to index
          %get3A_736 = arith.constant 0 : index
          %get3A_737 = tpu.vector_load %arg10[%get3A_735, %get3A_736] {strides = array<i32>} : memref<128x128xf32, #tpu.memory_space<vmem>>, vector<1x16xf32>,
          %get3A_738 = vector.shape_cast %get3A_737 : vector<1x16xf32> to vector<16xf32>
          %mul3A_739 = arith.mulf %get3A_738, %broadcast_in_dim3A_730 : vector<16xf32>
          %swap3A_740 = arith.index_cast %add3A_734 : i32 to index
          %swap3A_741 = arith.constant 0 : index
          %swap3A_742 = tpu.vector_load %arg10[%swap3A_740, %swap3A_741] {strides = array<i32>} : memref<128x128xf32, #tpu.memory_space<vmem>>, vector<1x16xf32>,
          %swap3A_743 = vector.shape_cast %swap3A_742 : vector<1x16xf32> to vector<16xf32>
          %swap3A_744 = vector.shape_cast %mul3A_739 : vector<16xf32> to vector<1x16xf32>
          tpu.vector_store %arg10[%swap3A_740, %swap3A_741], %swap3A_744 {strides = array<i32>} : memref<128x128xf32, #tpu.memory_space<vmem>>, vector<1x16xf32>,
          %get3A_745 = arith.index_cast %add3A_734 : i32 to index
          %get3A_746 = arith.constant 16 : index
          %get3A_747 = tpu.vector_load %arg10[%get3A_745, %get3A_746] {strides = array<i32>} : memref<128x128xf32, #tpu.memory_space<vmem>>, vector<1x16xf32>,
          %get3A_748 = vector.shape_cast %get3A_747 : vector<1x16xf32> to vector<16xf32>
          %mul3A_749 = arith.mulf %get3A_748, %broadcast_in_dim3A_730 : vector<16xf32>
          %swap3A_750 = arith.index_cast %add3A_734 : i32 to index
          %swap3A_751 = arith.constant 16 : index
          %swap3A_752 = tpu.vector_load %arg10[%swap3A_750, %swap3A_751] {strides = array<i32>} : memref<128x128xf32, #tpu.memory_space<vmem>>, vector<1x16xf32>,
          %swap3A_753 = vector.shape_cast %swap3A_752 : vector<1x16xf32> to vector<16xf32>
          %swap3A_754 = vector.shape_cast %mul3A_749 : vector<16xf32> to vector<1x16xf32>
          tpu.vector_store %arg10[%swap3A_750, %swap3A_751], %swap3A_754 {strides = array<i32>} : memref<128x128xf32, #tpu.memory_space<vmem>>, vector<1x16xf32>,
          %get3A_755 = arith.index_cast %add3A_734 : i32 to index
          %get3A_756 = arith.constant 32 : index
          %get3A_757 = tpu.vector_load %arg10[%get3A_755, %get3A_756] {strides = array<i32>} : memref<128x128xf32, #tpu.memory_space<vmem>>, vector<1x16xf32>,
          %get3A_758 = vector.shape_cast %get3A_757 : vector<1x16xf32> to vector<16xf32>
          %mul3A_759 = arith.mulf %get3A_758, %broadcast_in_dim3A_730 : vector<16xf32>
          %swap3A_760 = arith.index_cast %add3A_734 : i32 to index
          %swap3A_761 = arith.constant 32 : index
          %swap3A_762 = tpu.vector_load %arg10[%swap3A_760, %swap3A_761] {strides = array<i32>} : memref<128x128xf32, #tpu.memory_space<vmem>>, vector<1x16xf32>,
          %swap3A_763 = vector.shape_cast %swap3A_762 : vector<1x16xf32> to vector<16xf32>
          %swap3A_764 = vector.shape_cast %mul3A_759 : vector<16xf32> to vector<1x16xf32>
          tpu.vector_store %arg10[%swap3A_760, %swap3A_761], %swap3A_764 {strides = array<i32>} : memref<128x128xf32, #tpu.memory_space<vmem>>, vector<1x16xf32>,
          %get3A_765 = arith.index_cast %add3A_734 : i32 to index
          %get3A_766 = arith.constant 48 : index
          %get3A_767 = tpu.vector_load %arg10[%get3A_765, %get3A_766] {strides = array<i32>} : memref<128x128xf32, #tpu.memory_space<vmem>>, vector<1x16xf32>,
          %get3A_768 = vector.shape_cast %get3A_767 : vector<1x16xf32> to vector<16xf32>
          %mul3A_769 = arith.mulf %get3A_768, %broadcast_in_dim3A_730 : vector<16xf32>
          %swap3A_770 = arith.index_cast %add3A_734 : i32 to index
          %swap3A_771 = arith.constant 48 : index
          %swap3A_772 = tpu.vector_load %arg10[%swap3A_770, %swap3A_771] {strides = array<i32>} : memref<128x128xf32, #tpu.memory_space<vmem>>, vector<1x16xf32>,
          %swap3A_773 = vector.shape_cast %swap3A_772 : vector<1x16xf32> to vector<16xf32>
          %swap3A_774 = vector.shape_cast %mul3A_769 : vector<16xf32> to vector<1x16xf32>
          tpu.vector_store %arg10[%swap3A_770, %swap3A_771], %swap3A_774 {strides = array<i32>} : memref<128x128xf32, #tpu.memory_space<vmem>>, vector<1x16xf32>,
          %get3A_775 = arith.index_cast %add3A_734 : i32 to index
          %get3A_776 = arith.constant 64 : index
          %get3A_777 = tpu.vector_load %arg10[%get3A_775, %get3A_776] {strides = array<i32>} : memref<128x128xf32, #tpu.memory_space<vmem>>, vector<1x16xf32>,
          %get3A_778 = vector.shape_cast %get3A_777 : vector<1x16xf32> to vector<16xf32>
          %mul3A_779 = arith.mulf %get3A_778, %broadcast_in_dim3A_730 : vector<16xf32>
          %swap3A_780 = arith.index_cast %add3A_734 : i32 to index
          %swap3A_781 = arith.constant 64 : index
          %swap3A_782 = tpu.vector_load %arg10[%swap3A_780, %swap3A_781] {strides = array<i32>} : memref<128x128xf32, #tpu.memory_space<vmem>>, vector<1x16xf32>,
          %swap3A_783 = vector.shape_cast %swap3A_782 : vector<1x16xf32> to vector<16xf32>
          %swap3A_784 = vector.shape_cast %mul3A_779 : vector<16xf32> to vector<1x16xf32>
          tpu.vector_store %arg10[%swap3A_780, %swap3A_781], %swap3A_784 {strides = array<i32>} : memref<128x128xf32, #tpu.memory_space<vmem>>, vector<1x16xf32>,
          %get3A_785 = arith.index_cast %add3A_734 : i32 to index
          %get3A_786 = arith.constant 80 : index
          %get3A_787 = tpu.vector_load %arg10[%get3A_785, %get3A_786] {strides = array<i32>} : memref<128x128xf32, #tpu.memory_space<vmem>>, vector<1x16xf32>,
          %get3A_788 = vector.shape_cast %get3A_787 : vector<1x16xf32> to vector<16xf32>
          %mul3A_789 = arith.mulf %get3A_788, %broadcast_in_dim3A_730 : vector<16xf32>
          %swap3A_790 = arith.index_cast %add3A_734 : i32 to index
          %swap3A_791 = arith.constant 80 : index
          %swap3A_792 = tpu.vector_load %arg10[%swap3A_790, %swap3A_791] {strides = array<i32>} : memref<128x128xf32, #tpu.memory_space<vmem>>, vector<1x16xf32>,
          %swap3A_793 = vector.shape_cast %swap3A_792 : vector<1x16xf32> to vector<16xf32>
          %swap3A_794 = vector.shape_cast %mul3A_789 : vector<16xf32> to vector<1x16xf32>
          tpu.vector_store %arg10[%swap3A_790, %swap3A_791], %swap3A_794 {strides = array<i32>} : memref<128x128xf32, #tpu.memory_space<vmem>>, vector<1x16xf32>,
          %get3A_795 = arith.index_cast %add3A_734 : i32 to index
          %get3A_796 = arith.constant 96 : index
          %get3A_797 = tpu.vector_load %arg10[%get3A_795, %get3A_796] {strides = array<i32>} : memref<128x128xf32, #tpu.memory_space<vmem>>, vector<1x16xf32>,
          %get3A_798 = vector.shape_cast %get3A_797 : vector<1x16xf32> to vector<16xf32>
          %mul3A_799 = arith.mulf %get3A_798, %broadcast_in_dim3A_730 : vector<16xf32>
          %swap3A_800 = arith.index_cast %add3A_734 : i32 to index
          %swap3A_801 = arith.constant 96 : index
          %swap3A_802 = tpu.vector_load %arg10[%swap3A_800, %swap3A_801] {strides = array<i32>} : memref<128x128xf32, #tpu.memory_space<vmem>>, vector<1x16xf32>,
          %swap3A_803 = vector.shape_cast %swap3A_802 : vector<1x16xf32> to vector<16xf32>
          %swap3A_804 = vector.shape_cast %mul3A_799 : vector<16xf32> to vector<1x16xf32>
          tpu.vector_store %arg10[%swap3A_800, %swap3A_801], %swap3A_804 {strides = array<i32>} : memref<128x128xf32, #tpu.memory_space<vmem>>, vector<1x16xf32>,
          %get3A_805 = arith.index_cast %add3A_734 : i32 to index
          %get3A_806 = arith.constant 112 : index
          %get3A_807 = tpu.vector_load %arg10[%get3A_805, %get3A_806] {strides = array<i32>} : memref<128x128xf32, #tpu.memory_space<vmem>>, vector<1x16xf32>,
          %get3A_808 = vector.shape_cast %get3A_807 : vector<1x16xf32> to vector<16xf32>
          %mul3A_809 = arith.mulf %get3A_808, %broadcast_in_dim3A_730 : vector<16xf32>
          %swap3A_810 = arith.index_cast %add3A_734 : i32 to index
          %swap3A_811 = arith.constant 112 : index
          %swap3A_812 = tpu.vector_load %arg10[%swap3A_810, %swap3A_811] {strides = array<i32>} : memref<128x128xf32, #tpu.memory_space<vmem>>, vector<1x16xf32>,
          %swap3A_813 = vector.shape_cast %swap3A_812 : vector<1x16xf32> to vector<16xf32>
          %swap3A_814 = vector.shape_cast %mul3A_809 : vector<16xf32> to vector<1x16xf32>
          tpu.vector_store %arg10[%swap3A_810, %swap3A_811], %swap3A_814 {strides = array<i32>} : memref<128x128xf32, #tpu.memory_space<vmem>>, vector<1x16xf32>,
          %slice3A_815 = vector.extract_strided_slice %get3A_121 {offsets = [8], sizes = [1], strides = [1]} : vector<16xf32> to vector<1xf32>
          %squeeze3A_816 = vector.extract %slice3A_815[0] : f32 from vector<1xf32>
          %broadcast_in_dim3A_817 = vector.broadcast %squeeze3A_816 : f32 to vector<16xf32>
          %mul3A_818 = arith.constant 16 : i32
          %mul3A_819 = arith.muli %mul3A_818, %scan3A_116 : i32
          %add3A_820 = arith.constant 8 : i32
          %add3A_821 = arith.addi %mul3A_819, %add3A_820 : i32
          %get3A_822 = arith.index_cast %add3A_821 : i32 to index
          %get3A_823 = arith.constant 0 : index
          %get3A_824 = tpu.vector_load %arg10[%get3A_822, %get3A_823] {strides = array<i32>} : memref<128x128xf32, #tpu.memory_space<vmem>>, vector<1x16xf32>,
          %get3A_825 = vector.shape_cast %get3A_824 : vector<1x16xf32> to vector<16xf32>
          %mul3A_826 = arith.mulf %get3A_825, %broadcast_in_dim3A_817 : vector<16xf32>
          %swap3A_827 = arith.index_cast %add3A_821 : i32 to index
          %swap3A_828 = arith.constant 0 : index
          %swap3A_829 = tpu.vector_load %arg10[%swap3A_827, %swap3A_828] {strides = array<i32>} : memref<128x128xf32, #tpu.memory_space<vmem>>, vector<1x16xf32>,
          %swap3A_830 = vector.shape_cast %swap3A_829 : vector<1x16xf32> to vector<16xf32>
          %swap3A_831 = vector.shape_cast %mul3A_826 : vector<16xf32> to vector<1x16xf32>
          tpu.vector_store %arg10[%swap3A_827, %swap3A_828], %swap3A_831 {strides = array<i32>} : memref<128x128xf32, #tpu.memory_space<vmem>>, vector<1x16xf32>,
          %get3A_832 = arith.index_cast %add3A_821 : i32 to index
          %get3A_833 = arith.constant 16 : index
          %get3A_834 = tpu.vector_load %arg10[%get3A_832, %get3A_833] {strides = array<i32>} : memref<128x128xf32, #tpu.memory_space<vmem>>, vector<1x16xf32>,
          %get3A_835 = vector.shape_cast %get3A_834 : vector<1x16xf32> to vector<16xf32>
          %mul3A_836 = arith.mulf %get3A_835, %broadcast_in_dim3A_817 : vector<16xf32>
          %swap3A_837 = arith.index_cast %add3A_821 : i32 to index
          %swap3A_838 = arith.constant 16 : index
          %swap3A_839 = tpu.vector_load %arg10[%swap3A_837, %swap3A_838] {strides = array<i32>} : memref<128x128xf32, #tpu.memory_space<vmem>>, vector<1x16xf32>,
          %swap3A_840 = vector.shape_cast %swap3A_839 : vector<1x16xf32> to vector<16xf32>
          %swap3A_841 = vector.shape_cast %mul3A_836 : vector<16xf32> to vector<1x16xf32>
          tpu.vector_store %arg10[%swap3A_837, %swap3A_838], %swap3A_841 {strides = array<i32>} : memref<128x128xf32, #tpu.memory_space<vmem>>, vector<1x16xf32>,
          %get3A_842 = arith.index_cast %add3A_821 : i32 to index
          %get3A_843 = arith.constant 32 : index
          %get3A_844 = tpu.vector_load %arg10[%get3A_842, %get3A_843] {strides = array<i32>} : memref<128x128xf32, #tpu.memory_space<vmem>>, vector<1x16xf32>,
          %get3A_845 = vector.shape_cast %get3A_844 : vector<1x16xf32> to vector<16xf32>
          %mul3A_846 = arith.mulf %get3A_845, %broadcast_in_dim3A_817 : vector<16xf32>
          %swap3A_847 = arith.index_cast %add3A_821 : i32 to index
          %swap3A_848 = arith.constant 32 : index
          %swap3A_849 = tpu.vector_load %arg10[%swap3A_847, %swap3A_848] {strides = array<i32>} : memref<128x128xf32, #tpu.memory_space<vmem>>, vector<1x16xf32>,
          %swap3A_850 = vector.shape_cast %swap3A_849 : vector<1x16xf32> to vector<16xf32>
          %swap3A_851 = vector.shape_cast %mul3A_846 : vector<16xf32> to vector<1x16xf32>
          tpu.vector_store %arg10[%swap3A_847, %swap3A_848], %swap3A_851 {strides = array<i32>} : memref<128x128xf32, #tpu.memory_space<vmem>>, vector<1x16xf32>,
          %get3A_852 = arith.index_cast %add3A_821 : i32 to index
          %get3A_853 = arith.constant 48 : index
          %get3A_854 = tpu.vector_load %arg10[%get3A_852, %get3A_853] {strides = array<i32>} : memref<128x128xf32, #tpu.memory_space<vmem>>, vector<1x16xf32>,
          %get3A_855 = vector.shape_cast %get3A_854 : vector<1x16xf32> to vector<16xf32>
          %mul3A_856 = arith.mulf %get3A_855, %broadcast_in_dim3A_817 : vector<16xf32>
          %swap3A_857 = arith.index_cast %add3A_821 : i32 to index
          %swap3A_858 = arith.constant 48 : index
          %swap3A_859 = tpu.vector_load %arg10[%swap3A_857, %swap3A_858] {strides = array<i32>} : memref<128x128xf32, #tpu.memory_space<vmem>>, vector<1x16xf32>,
          %swap3A_860 = vector.shape_cast %swap3A_859 : vector<1x16xf32> to vector<16xf32>
          %swap3A_861 = vector.shape_cast %mul3A_856 : vector<16xf32> to vector<1x16xf32>
          tpu.vector_store %arg10[%swap3A_857, %swap3A_858], %swap3A_861 {strides = array<i32>} : memref<128x128xf32, #tpu.memory_space<vmem>>, vector<1x16xf32>,
          %get3A_862 = arith.index_cast %add3A_821 : i32 to index
          %get3A_863 = arith.constant 64 : index
          %get3A_864 = tpu.vector_load %arg10[%get3A_862, %get3A_863] {strides = array<i32>} : memref<128x128xf32, #tpu.memory_space<vmem>>, vector<1x16xf32>,
          %get3A_865 = vector.shape_cast %get3A_864 : vector<1x16xf32> to vector<16xf32>
          %mul3A_866 = arith.mulf %get3A_865, %broadcast_in_dim3A_817 : vector<16xf32>
          %swap3A_867 = arith.index_cast %add3A_821 : i32 to index
          %swap3A_868 = arith.constant 64 : index
          %swap3A_869 = tpu.vector_load %arg10[%swap3A_867, %swap3A_868] {strides = array<i32>} : memref<128x128xf32, #tpu.memory_space<vmem>>, vector<1x16xf32>,
          %swap3A_870 = vector.shape_cast %swap3A_869 : vector<1x16xf32> to vector<16xf32>
          %swap3A_871 = vector.shape_cast %mul3A_866 : vector<16xf32> to vector<1x16xf32>
          tpu.vector_store %arg10[%swap3A_867, %swap3A_868], %swap3A_871 {strides = array<i32>} : memref<128x128xf32, #tpu.memory_space<vmem>>, vector<1x16xf32>,
          %get3A_872 = arith.index_cast %add3A_821 : i32 to index
          %get3A_873 = arith.constant 80 : index
          %get3A_874 = tpu.vector_load %arg10[%get3A_872, %get3A_873] {strides = array<i32>} : memref<128x128xf32, #tpu.memory_space<vmem>>, vector<1x16xf32>,
          %get3A_875 = vector.shape_cast %get3A_874 : vector<1x16xf32> to vector<16xf32>
          %mul3A_876 = arith.mulf %get3A_875, %broadcast_in_dim3A_817 : vector<16xf32>
          %swap3A_877 = arith.index_cast %add3A_821 : i32 to index
          %swap3A_878 = arith.constant 80 : index
          %swap3A_879 = tpu.vector_load %arg10[%swap3A_877, %swap3A_878] {strides = array<i32>} : memref<128x128xf32, #tpu.memory_space<vmem>>, vector<1x16xf32>,
          %swap3A_880 = vector.shape_cast %swap3A_879 : vector<1x16xf32> to vector<16xf32>
          %swap3A_881 = vector.shape_cast %mul3A_876 : vector<16xf32> to vector<1x16xf32>
          tpu.vector_store %arg10[%swap3A_877, %swap3A_878], %swap3A_881 {strides = array<i32>} : memref<128x128xf32, #tpu.memory_space<vmem>>, vector<1x16xf32>,
          %get3A_882 = arith.index_cast %add3A_821 : i32 to index
          %get3A_883 = arith.constant 96 : index
          %get3A_884 = tpu.vector_load %arg10[%get3A_882, %get3A_883] {strides = array<i32>} : memref<128x128xf32, #tpu.memory_space<vmem>>, vector<1x16xf32>,
          %get3A_885 = vector.shape_cast %get3A_884 : vector<1x16xf32> to vector<16xf32>
          %mul3A_886 = arith.mulf %get3A_885, %broadcast_in_dim3A_817 : vector<16xf32>
          %swap3A_887 = arith.index_cast %add3A_821 : i32 to index
          %swap3A_888 = arith.constant 96 : index
          %swap3A_889 = tpu.vector_load %arg10[%swap3A_887, %swap3A_888] {strides = array<i32>} : memref<128x128xf32, #tpu.memory_space<vmem>>, vector<1x16xf32>,
          %swap3A_890 = vector.shape_cast %swap3A_889 : vector<1x16xf32> to vector<16xf32>
          %swap3A_891 = vector.shape_cast %mul3A_886 : vector<16xf32> to vector<1x16xf32>
          tpu.vector_store %arg10[%swap3A_887, %swap3A_888], %swap3A_891 {strides = array<i32>} : memref<128x128xf32, #tpu.memory_space<vmem>>, vector<1x16xf32>,
          %get3A_892 = arith.index_cast %add3A_821 : i32 to index
          %get3A_893 = arith.constant 112 : index
          %get3A_894 = tpu.vector_load %arg10[%get3A_892, %get3A_893] {strides = array<i32>} : memref<128x128xf32, #tpu.memory_space<vmem>>, vector<1x16xf32>,
          %get3A_895 = vector.shape_cast %get3A_894 : vector<1x16xf32> to vector<16xf32>
          %mul3A_896 = arith.mulf %get3A_895, %broadcast_in_dim3A_817 : vector<16xf32>
          %swap3A_897 = arith.index_cast %add3A_821 : i32 to index
          %swap3A_898 = arith.constant 112 : index
          %swap3A_899 = tpu.vector_load %arg10[%swap3A_897, %swap3A_898] {strides = array<i32>} : memref<128x128xf32, #tpu.memory_space<vmem>>, vector<1x16xf32>,
          %swap3A_900 = vector.shape_cast %swap3A_899 : vector<1x16xf32> to vector<16xf32>
          %swap3A_901 = vector.shape_cast %mul3A_896 : vector<16xf32> to vector<1x16xf32>
          tpu.vector_store %arg10[%swap3A_897, %swap3A_898], %swap3A_901 {strides = array<i32>} : memref<128x128xf32, #tpu.memory_space<vmem>>, vector<1x16xf32>,
          %slice3A_902 = vector.extract_strided_slice %get3A_121 {offsets = [9], sizes = [1], strides = [1]} : vector<16xf32> to vector<1xf32>
          %squeeze3A_903 = vector.extract %slice3A_902[0] : f32 from vector<1xf32>
          %broadcast_in_dim3A_904 = vector.broadcast %squeeze3A_903 : f32 to vector<16xf32>
          %mul3A_905 = arith.constant 16 : i32
          %mul3A_906 = arith.muli %mul3A_905, %scan3A_116 : i32
          %add3A_907 = arith.constant 9 : i32
          %add3A_908 = arith.addi %mul3A_906, %add3A_907 : i32
          %get3A_909 = arith.index_cast %add3A_908 : i32 to index
          %get3A_910 = arith.constant 0 : index
          %get3A_911 = tpu.vector_load %arg10[%get3A_909, %get3A_910] {strides = array<i32>} : memref<128x128xf32, #tpu.memory_space<vmem>>, vector<1x16xf32>,
          %get3A_912 = vector.shape_cast %get3A_911 : vector<1x16xf32> to vector<16xf32>
          %mul3A_913 = arith.mulf %get3A_912, %broadcast_in_dim3A_904 : vector<16xf32>
          %swap3A_914 = arith.index_cast %add3A_908 : i32 to index
          %swap3A_915 = arith.constant 0 : index
          %swap3A_916 = tpu.vector_load %arg10[%swap3A_914, %swap3A_915] {strides = array<i32>} : memref<128x128xf32, #tpu.memory_space<vmem>>, vector<1x16xf32>,
          %swap3A_917 = vector.shape_cast %swap3A_916 : vector<1x16xf32> to vector<16xf32>
          %swap3A_918 = vector.shape_cast %mul3A_913 : vector<16xf32> to vector<1x16xf32>
          tpu.vector_store %arg10[%swap3A_914, %swap3A_915], %swap3A_918 {strides = array<i32>} : memref<128x128xf32, #tpu.memory_space<vmem>>, vector<1x16xf32>,
          %get3A_919 = arith.index_cast %add3A_908 : i32 to index
          %get3A_920 = arith.constant 16 : index
          %get3A_921 = tpu.vector_load %arg10[%get3A_919, %get3A_920] {strides = array<i32>} : memref<128x128xf32, #tpu.memory_space<vmem>>, vector<1x16xf32>,
          %get3A_922 = vector.shape_cast %get3A_921 : vector<1x16xf32> to vector<16xf32>
          %mul3A_923 = arith.mulf %get3A_922, %broadcast_in_dim3A_904 : vector<16xf32>
          %swap3A_924 = arith.index_cast %add3A_908 : i32 to index
          %swap3A_925 = arith.constant 16 : index
          %swap3A_926 = tpu.vector_load %arg10[%swap3A_924, %swap3A_925] {strides = array<i32>} : memref<128x128xf32, #tpu.memory_space<vmem>>, vector<1x16xf32>,
          %swap3A_927 = vector.shape_cast %swap3A_926 : vector<1x16xf32> to vector<16xf32>
          %swap3A_928 = vector.shape_cast %mul3A_923 : vector<16xf32> to vector<1x16xf32>
          tpu.vector_store %arg10[%swap3A_924, %swap3A_925], %swap3A_928 {strides = array<i32>} : memref<128x128xf32, #tpu.memory_space<vmem>>, vector<1x16xf32>,
          %get3A_929 = arith.index_cast %add3A_908 : i32 to index
          %get3A_930 = arith.constant 32 : index
          %get3A_931 = tpu.vector_load %arg10[%get3A_929, %get3A_930] {strides = array<i32>} : memref<128x128xf32, #tpu.memory_space<vmem>>, vector<1x16xf32>,
          %get3A_932 = vector.shape_cast %get3A_931 : vector<1x16xf32> to vector<16xf32>
          %mul3A_933 = arith.mulf %get3A_932, %broadcast_in_dim3A_904 : vector<16xf32>
          %swap3A_934 = arith.index_cast %add3A_908 : i32 to index
          %swap3A_935 = arith.constant 32 : index
          %swap3A_936 = tpu.vector_load %arg10[%swap3A_934, %swap3A_935] {strides = array<i32>} : memref<128x128xf32, #tpu.memory_space<vmem>>, vector<1x16xf32>,
          %swap3A_937 = vector.shape_cast %swap3A_936 : vector<1x16xf32> to vector<16xf32>
          %swap3A_938 = vector.shape_cast %mul3A_933 : vector<16xf32> to vector<1x16xf32>
          tpu.vector_store %arg10[%swap3A_934, %swap3A_935], %swap3A_938 {strides = array<i32>} : memref<128x128xf32, #tpu.memory_space<vmem>>, vector<1x16xf32>,
          %get3A_939 = arith.index_cast %add3A_908 : i32 to index
          %get3A_940 = arith.constant 48 : index
          %get3A_941 = tpu.vector_load %arg10[%get3A_939, %get3A_940] {strides = array<i32>} : memref<128x128xf32, #tpu.memory_space<vmem>>, vector<1x16xf32>,
          %get3A_942 = vector.shape_cast %get3A_941 : vector<1x16xf32> to vector<16xf32>
          %mul3A_943 = arith.mulf %get3A_942, %broadcast_in_dim3A_904 : vector<16xf32>
          %swap3A_944 = arith.index_cast %add3A_908 : i32 to index
          %swap3A_945 = arith.constant 48 : index
          %swap3A_946 = tpu.vector_load %arg10[%swap3A_944, %swap3A_945] {strides = array<i32>} : memref<128x128xf32, #tpu.memory_space<vmem>>, vector<1x16xf32>,
          %swap3A_947 = vector.shape_cast %swap3A_946 : vector<1x16xf32> to vector<16xf32>
          %swap3A_948 = vector.shape_cast %mul3A_943 : vector<16xf32> to vector<1x16xf32>
          tpu.vector_store %arg10[%swap3A_944, %swap3A_945], %swap3A_948 {strides = array<i32>} : memref<128x128xf32, #tpu.memory_space<vmem>>, vector<1x16xf32>,
          %get3A_949 = arith.index_cast %add3A_908 : i32 to index
          %get3A_950 = arith.constant 64 : index
          %get3A_951 = tpu.vector_load %arg10[%get3A_949, %get3A_950] {strides = array<i32>} : memref<128x128xf32, #tpu.memory_space<vmem>>, vector<1x16xf32>,
          %get3A_952 = vector.shape_cast %get3A_951 : vector<1x16xf32> to vector<16xf32>
          %mul3A_953 = arith.mulf %get3A_952, %broadcast_in_dim3A_904 : vector<16xf32>
          %swap3A_954 = arith.index_cast %add3A_908 : i32 to index
          %swap3A_955 = arith.constant 64 : index
          %swap3A_956 = tpu.vector_load %arg10[%swap3A_954, %swap3A_955] {strides = array<i32>} : memref<128x128xf32, #tpu.memory_space<vmem>>, vector<1x16xf32>,
          %swap3A_957 = vector.shape_cast %swap3A_956 : vector<1x16xf32> to vector<16xf32>
          %swap3A_958 = vector.shape_cast %mul3A_953 : vector<16xf32> to vector<1x16xf32>
          tpu.vector_store %arg10[%swap3A_954, %swap3A_955], %swap3A_958 {strides = array<i32>} : memref<128x128xf32, #tpu.memory_space<vmem>>, vector<1x16xf32>,
          %get3A_959 = arith.index_cast %add3A_908 : i32 to index
          %get3A_960 = arith.constant 80 : index
          %get3A_961 = tpu.vector_load %arg10[%get3A_959, %get3A_960] {strides = array<i32>} : memref<128x128xf32, #tpu.memory_space<vmem>>, vector<1x16xf32>,
          %get3A_962 = vector.shape_cast %get3A_961 : vector<1x16xf32> to vector<16xf32>
          %mul3A_963 = arith.mulf %get3A_962, %broadcast_in_dim3A_904 : vector<16xf32>
          %swap3A_964 = arith.index_cast %add3A_908 : i32 to index
          %swap3A_965 = arith.constant 80 : index
          %swap3A_966 = tpu.vector_load %arg10[%swap3A_964, %swap3A_965] {strides = array<i32>} : memref<128x128xf32, #tpu.memory_space<vmem>>, vector<1x16xf32>,
          %swap3A_967 = vector.shape_cast %swap3A_966 : vector<1x16xf32> to vector<16xf32>
          %swap3A_968 = vector.shape_cast %mul3A_963 : vector<16xf32> to vector<1x16xf32>
          tpu.vector_store %arg10[%swap3A_964, %swap3A_965], %swap3A_968 {strides = array<i32>} : memref<128x128xf32, #tpu.memory_space<vmem>>, vector<1x16xf32>,
          %get3A_969 = arith.index_cast %add3A_908 : i32 to index
          %get3A_970 = arith.constant 96 : index
          %get3A_971 = tpu.vector_load %arg10[%get3A_969, %get3A_970] {strides = array<i32>} : memref<128x128xf32, #tpu.memory_space<vmem>>, vector<1x16xf32>,
          %get3A_972 = vector.shape_cast %get3A_971 : vector<1x16xf32> to vector<16xf32>
          %mul3A_973 = arith.mulf %get3A_972, %broadcast_in_dim3A_904 : vector<16xf32>
          %swap3A_974 = arith.index_cast %add3A_908 : i32 to index
          %swap3A_975 = arith.constant 96 : index
          %swap3A_976 = tpu.vector_load %arg10[%swap3A_974, %swap3A_975] {strides = array<i32>} : memref<128x128xf32, #tpu.memory_space<vmem>>, vector<1x16xf32>,
          %swap3A_977 = vector.shape_cast %swap3A_976 : vector<1x16xf32> to vector<16xf32>
          %swap3A_978 = vector.shape_cast %mul3A_973 : vector<16xf32> to vector<1x16xf32>
          tpu.vector_store %arg10[%swap3A_974, %swap3A_975], %swap3A_978 {strides = array<i32>} : memref<128x128xf32, #tpu.memory_space<vmem>>, vector<1x16xf32>,
          %get3A_979 = arith.index_cast %add3A_908 : i32 to index
          %get3A_980 = arith.constant 112 : index
          %get3A_981 = tpu.vector_load %arg10[%get3A_979, %get3A_980] {strides = array<i32>} : memref<128x128xf32, #tpu.memory_space<vmem>>, vector<1x16xf32>,
          %get3A_982 = vector.shape_cast %get3A_981 : vector<1x16xf32> to vector<16xf32>
          %mul3A_983 = arith.mulf %get3A_982, %broadcast_in_dim3A_904 : vector<16xf32>
          %swap3A_984 = arith.index_cast %add3A_908 : i32 to index
          %swap3A_985 = arith.constant 112 : index
          %swap3A_986 = tpu.vector_load %arg10[%swap3A_984, %swap3A_985] {strides = array<i32>} : memref<128x128xf32, #tpu.memory_space<vmem>>, vector<1x16xf32>,
          %swap3A_987 = vector.shape_cast %swap3A_986 : vector<1x16xf32> to vector<16xf32>
          %swap3A_988 = vector.shape_cast %mul3A_983 : vector<16xf32> to vector<1x16xf32>
          tpu.vector_store %arg10[%swap3A_984, %swap3A_985], %swap3A_988 {strides = array<i32>} : memref<128x128xf32, #tpu.memory_space<vmem>>, vector<1x16xf32>,
          %slice3A_989 = vector.extract_strided_slice %get3A_121 {offsets = [10], sizes = [1], strides = [1]} : vector<16xf32> to vector<1xf32>
          %squeeze3A_990 = vector.extract %slice3A_989[0] : f32 from vector<1xf32>
          %broadcast_in_dim3A_991 = vector.broadcast %squeeze3A_990 : f32 to vector<16xf32>
          %mul3A_992 = arith.constant 16 : i32
          %mul3A_993 = arith.muli %mul3A_992, %scan3A_116 : i32
          %add3A_994 = arith.constant 10 : i32
          %add3A_995 = arith.addi %mul3A_993, %add3A_994 : i32
          %get3A_996 = arith.index_cast %add3A_995 : i32 to index
          %get3A_997 = arith.constant 0 : index
          %get3A_998 = tpu.vector_load %arg10[%get3A_996, %get3A_997] {strides = array<i32>} : memref<128x128xf32, #tpu.memory_space<vmem>>, vector<1x16xf32>,
          %get3A_999 = vector.shape_cast %get3A_998 : vector<1x16xf32> to vector<16xf32>
          %mul3A_1000 = arith.mulf %get3A_999, %broadcast_in_dim3A_991 : vector<16xf32>
          %swap3A_1001 = arith.index_cast %add3A_995 : i32 to index
          %swap3A_1002 = arith.constant 0 : index
          %swap3A_1003 = tpu.vector_load %arg10[%swap3A_1001, %swap3A_1002] {strides = array<i32>} : memref<128x128xf32, #tpu.memory_space<vmem>>, vector<1x16xf32>,
          %swap3A_1004 = vector.shape_cast %swap3A_1003 : vector<1x16xf32> to vector<16xf32>
          %swap3A_1005 = vector.shape_cast %mul3A_1000 : vector<16xf32> to vector<1x16xf32>
          tpu.vector_store %arg10[%swap3A_1001, %swap3A_1002], %swap3A_1005 {strides = array<i32>} : memref<128x128xf32, #tpu.memory_space<vmem>>, vector<1x16xf32>,
          %get3A_1006 = arith.index_cast %add3A_995 : i32 to index
          %get3A_1007 = arith.constant 16 : index
          %get3A_1008 = tpu.vector_load %arg10[%get3A_1006, %get3A_1007] {strides = array<i32>} : memref<128x128xf32, #tpu.memory_space<vmem>>, vector<1x16xf32>,
          %get3A_1009 = vector.shape_cast %get3A_1008 : vector<1x16xf32> to vector<16xf32>
          %mul3A_1010 = arith.mulf %get3A_1009, %broadcast_in_dim3A_991 : vector<16xf32>
          %swap3A_1011 = arith.index_cast %add3A_995 : i32 to index
          %swap3A_1012 = arith.constant 16 : index
          %swap3A_1013 = tpu.vector_load %arg10[%swap3A_1011, %swap3A_1012] {strides = array<i32>} : memref<128x128xf32, #tpu.memory_space<vmem>>, vector<1x16xf32>,
          %swap3A_1014 = vector.shape_cast %swap3A_1013 : vector<1x16xf32> to vector<16xf32>
          %swap3A_1015 = vector.shape_cast %mul3A_1010 : vector<16xf32> to vector<1x16xf32>
          tpu.vector_store %arg10[%swap3A_1011, %swap3A_1012], %swap3A_1015 {strides = array<i32>} : memref<128x128xf32, #tpu.memory_space<vmem>>, vector<1x16xf32>,
          %get3A_1016 = arith.index_cast %add3A_995 : i32 to index
          %get3A_1017 = arith.constant 32 : index
          %get3A_1018 = tpu.vector_load %arg10[%get3A_1016, %get3A_1017] {strides = array<i32>} : memref<128x128xf32, #tpu.memory_space<vmem>>, vector<1x16xf32>,
          %get3A_1019 = vector.shape_cast %get3A_1018 : vector<1x16xf32> to vector<16xf32>
          %mul3A_1020 = arith.mulf %get3A_1019, %broadcast_in_dim3A_991 : vector<16xf32>
          %swap3A_1021 = arith.index_cast %add3A_995 : i32 to index
          %swap3A_1022 = arith.constant 32 : index
          %swap3A_1023 = tpu.vector_load %arg10[%swap3A_1021, %swap3A_1022] {strides = array<i32>} : memref<128x128xf32, #tpu.memory_space<vmem>>, vector<1x16xf32>,
          %swap3A_1024 = vector.shape_cast %swap3A_1023 : vector<1x16xf32> to vector<16xf32>
          %swap3A_1025 = vector.shape_cast %mul3A_1020 : vector<16xf32> to vector<1x16xf32>
          tpu.vector_store %arg10[%swap3A_1021, %swap3A_1022], %swap3A_1025 {strides = array<i32>} : memref<128x128xf32, #tpu.memory_space<vmem>>, vector<1x16xf32>,
          %get3A_1026 = arith.index_cast %add3A_995 : i32 to index
          %get3A_1027 = arith.constant 48 : index
          %get3A_1028 = tpu.vector_load %arg10[%get3A_1026, %get3A_1027] {strides = array<i32>} : memref<128x128xf32, #tpu.memory_space<vmem>>, vector<1x16xf32>,
          %get3A_1029 = vector.shape_cast %get3A_1028 : vector<1x16xf32> to vector<16xf32>
          %mul3A_1030 = arith.mulf %get3A_1029, %broadcast_in_dim3A_991 : vector<16xf32>
          %swap3A_1031 = arith.index_cast %add3A_995 : i32 to index
          %swap3A_1032 = arith.constant 48 : index
          %swap3A_1033 = tpu.vector_load %arg10[%swap3A_1031, %swap3A_1032] {strides = array<i32>} : memref<128x128xf32, #tpu.memory_space<vmem>>, vector<1x16xf32>,
          %swap3A_1034 = vector.shape_cast %swap3A_1033 : vector<1x16xf32> to vector<16xf32>
          %swap3A_1035 = vector.shape_cast %mul3A_1030 : vector<16xf32> to vector<1x16xf32>
          tpu.vector_store %arg10[%swap3A_1031, %swap3A_1032], %swap3A_1035 {strides = array<i32>} : memref<128x128xf32, #tpu.memory_space<vmem>>, vector<1x16xf32>,
          %get3A_1036 = arith.index_cast %add3A_995 : i32 to index
          %get3A_1037 = arith.constant 64 : index
          %get3A_1038 = tpu.vector_load %arg10[%get3A_1036, %get3A_1037] {strides = array<i32>} : memref<128x128xf32, #tpu.memory_space<vmem>>, vector<1x16xf32>,
          %get3A_1039 = vector.shape_cast %get3A_1038 : vector<1x16xf32> to vector<16xf32>
          %mul3A_1040 = arith.mulf %get3A_1039, %broadcast_in_dim3A_991 : vector<16xf32>
          %swap3A_1041 = arith.index_cast %add3A_995 : i32 to index
          %swap3A_1042 = arith.constant 64 : index
          %swap3A_1043 = tpu.vector_load %arg10[%swap3A_1041, %swap3A_1042] {strides = array<i32>} : memref<128x128xf32, #tpu.memory_space<vmem>>, vector<1x16xf32>,
          %swap3A_1044 = vector.shape_cast %swap3A_1043 : vector<1x16xf32> to vector<16xf32>
          %swap3A_1045 = vector.shape_cast %mul3A_1040 : vector<16xf32> to vector<1x16xf32>
          tpu.vector_store %arg10[%swap3A_1041, %swap3A_1042], %swap3A_1045 {strides = array<i32>} : memref<128x128xf32, #tpu.memory_space<vmem>>, vector<1x16xf32>,
          %get3A_1046 = arith.index_cast %add3A_995 : i32 to index
          %get3A_1047 = arith.constant 80 : index
          %get3A_1048 = tpu.vector_load %arg10[%get3A_1046, %get3A_1047] {strides = array<i32>} : memref<128x128xf32, #tpu.memory_space<vmem>>, vector<1x16xf32>,
          %get3A_1049 = vector.shape_cast %get3A_1048 : vector<1x16xf32> to vector<16xf32>
          %mul3A_1050 = arith.mulf %get3A_1049, %broadcast_in_dim3A_991 : vector<16xf32>
          %swap3A_1051 = arith.index_cast %add3A_995 : i32 to index
          %swap3A_1052 = arith.constant 80 : index
          %swap3A_1053 = tpu.vector_load %arg10[%swap3A_1051, %swap3A_1052] {strides = array<i32>} : memref<128x128xf32, #tpu.memory_space<vmem>>, vector<1x16xf32>,
          %swap3A_1054 = vector.shape_cast %swap3A_1053 : vector<1x16xf32> to vector<16xf32>
          %swap3A_1055 = vector.shape_cast %mul3A_1050 : vector<16xf32> to vector<1x16xf32>
          tpu.vector_store %arg10[%swap3A_1051, %swap3A_1052], %swap3A_1055 {strides = array<i32>} : memref<128x128xf32, #tpu.memory_space<vmem>>, vector<1x16xf32>,
          %get3A_1056 = arith.index_cast %add3A_995 : i32 to index
          %get3A_1057 = arith.constant 96 : index
          %get3A_1058 = tpu.vector_load %arg10[%get3A_1056, %get3A_1057] {strides = array<i32>} : memref<128x128xf32, #tpu.memory_space<vmem>>, vector<1x16xf32>,
          %get3A_1059 = vector.shape_cast %get3A_1058 : vector<1x16xf32> to vector<16xf32>
          %mul3A_1060 = arith.mulf %get3A_1059, %broadcast_in_dim3A_991 : vector<16xf32>
          %swap3A_1061 = arith.index_cast %add3A_995 : i32 to index
          %swap3A_1062 = arith.constant 96 : index
          %swap3A_1063 = tpu.vector_load %arg10[%swap3A_1061, %swap3A_1062] {strides = array<i32>} : memref<128x128xf32, #tpu.memory_space<vmem>>, vector<1x16xf32>,
          %swap3A_1064 = vector.shape_cast %swap3A_1063 : vector<1x16xf32> to vector<16xf32>
          %swap3A_1065 = vector.shape_cast %mul3A_1060 : vector<16xf32> to vector<1x16xf32>
          tpu.vector_store %arg10[%swap3A_1061, %swap3A_1062], %swap3A_1065 {strides = array<i32>} : memref<128x128xf32, #tpu.memory_space<vmem>>, vector<1x16xf32>,
          %get3A_1066 = arith.index_cast %add3A_995 : i32 to index
          %get3A_1067 = arith.constant 112 : index
          %get3A_1068 = tpu.vector_load %arg10[%get3A_1066, %get3A_1067] {strides = array<i32>} : memref<128x128xf32, #tpu.memory_space<vmem>>, vector<1x16xf32>,
          %get3A_1069 = vector.shape_cast %get3A_1068 : vector<1x16xf32> to vector<16xf32>
          %mul3A_1070 = arith.mulf %get3A_1069, %broadcast_in_dim3A_991 : vector<16xf32>
          %swap3A_1071 = arith.index_cast %add3A_995 : i32 to index
          %swap3A_1072 = arith.constant 112 : index
          %swap3A_1073 = tpu.vector_load %arg10[%swap3A_1071, %swap3A_1072] {strides = array<i32>} : memref<128x128xf32, #tpu.memory_space<vmem>>, vector<1x16xf32>,
          %swap3A_1074 = vector.shape_cast %swap3A_1073 : vector<1x16xf32> to vector<16xf32>
          %swap3A_1075 = vector.shape_cast %mul3A_1070 : vector<16xf32> to vector<1x16xf32>
          tpu.vector_store %arg10[%swap3A_1071, %swap3A_1072], %swap3A_1075 {strides = array<i32>} : memref<128x128xf32, #tpu.memory_space<vmem>>, vector<1x16xf32>,
          %slice3A_1076 = vector.extract_strided_slice %get3A_121 {offsets = [11], sizes = [1], strides = [1]} : vector<16xf32> to vector<1xf32>
          %squeeze3A_1077 = vector.extract %slice3A_1076[0] : f32 from vector<1xf32>
          %broadcast_in_dim3A_1078 = vector.broadcast %squeeze3A_1077 : f32 to vector<16xf32>
          %mul3A_1079 = arith.constant 16 : i32
          %mul3A_1080 = arith.muli %mul3A_1079, %scan3A_116 : i32
          %add3A_1081 = arith.constant 11 : i32
          %add3A_1082 = arith.addi %mul3A_1080, %add3A_1081 : i32
          %get3A_1083 = arith.index_cast %add3A_1082 : i32 to index
          %get3A_1084 = arith.constant 0 : index
          %get3A_1085 = tpu.vector_load %arg10[%get3A_1083, %get3A_1084] {strides = array<i32>} : memref<128x128xf32, #tpu.memory_space<vmem>>, vector<1x16xf32>,
          %get3A_1086 = vector.shape_cast %get3A_1085 : vector<1x16xf32> to vector<16xf32>
          %mul3A_1087 = arith.mulf %get3A_1086, %broadcast_in_dim3A_1078 : vector<16xf32>
          %swap3A_1088 = arith.index_cast %add3A_1082 : i32 to index
          %swap3A_1089 = arith.constant 0 : index
          %swap3A_1090 = tpu.vector_load %arg10[%swap3A_1088, %swap3A_1089] {strides = array<i32>} : memref<128x128xf32, #tpu.memory_space<vmem>>, vector<1x16xf32>,
          %swap3A_1091 = vector.shape_cast %swap3A_1090 : vector<1x16xf32> to vector<16xf32>
          %swap3A_1092 = vector.shape_cast %mul3A_1087 : vector<16xf32> to vector<1x16xf32>
          tpu.vector_store %arg10[%swap3A_1088, %swap3A_1089], %swap3A_1092 {strides = array<i32>} : memref<128x128xf32, #tpu.memory_space<vmem>>, vector<1x16xf32>,
          %get3A_1093 = arith.index_cast %add3A_1082 : i32 to index
          %get3A_1094 = arith.constant 16 : index
          %get3A_1095 = tpu.vector_load %arg10[%get3A_1093, %get3A_1094] {strides = array<i32>} : memref<128x128xf32, #tpu.memory_space<vmem>>, vector<1x16xf32>,
          %get3A_1096 = vector.shape_cast %get3A_1095 : vector<1x16xf32> to vector<16xf32>
          %mul3A_1097 = arith.mulf %get3A_1096, %broadcast_in_dim3A_1078 : vector<16xf32>
          %swap3A_1098 = arith.index_cast %add3A_1082 : i32 to index
          %swap3A_1099 = arith.constant 16 : index
          %swap3A_1100 = tpu.vector_load %arg10[%swap3A_1098, %swap3A_1099] {strides = array<i32>} : memref<128x128xf32, #tpu.memory_space<vmem>>, vector<1x16xf32>,
          %swap3A_1101 = vector.shape_cast %swap3A_1100 : vector<1x16xf32> to vector<16xf32>
          %swap3A_1102 = vector.shape_cast %mul3A_1097 : vector<16xf32> to vector<1x16xf32>
          tpu.vector_store %arg10[%swap3A_1098, %swap3A_1099], %swap3A_1102 {strides = array<i32>} : memref<128x128xf32, #tpu.memory_space<vmem>>, vector<1x16xf32>,
          %get3A_1103 = arith.index_cast %add3A_1082 : i32 to index
          %get3A_1104 = arith.constant 32 : index
          %get3A_1105 = tpu.vector_load %arg10[%get3A_1103, %get3A_1104] {strides = array<i32>} : memref<128x128xf32, #tpu.memory_space<vmem>>, vector<1x16xf32>,
          %get3A_1106 = vector.shape_cast %get3A_1105 : vector<1x16xf32> to vector<16xf32>
          %mul3A_1107 = arith.mulf %get3A_1106, %broadcast_in_dim3A_1078 : vector<16xf32>
          %swap3A_1108 = arith.index_cast %add3A_1082 : i32 to index
          %swap3A_1109 = arith.constant 32 : index
          %swap3A_1110 = tpu.vector_load %arg10[%swap3A_1108, %swap3A_1109] {strides = array<i32>} : memref<128x128xf32, #tpu.memory_space<vmem>>, vector<1x16xf32>,
          %swap3A_1111 = vector.shape_cast %swap3A_1110 : vector<1x16xf32> to vector<16xf32>
          %swap3A_1112 = vector.shape_cast %mul3A_1107 : vector<16xf32> to vector<1x16xf32>
          tpu.vector_store %arg10[%swap3A_1108, %swap3A_1109], %swap3A_1112 {strides = array<i32>} : memref<128x128xf32, #tpu.memory_space<vmem>>, vector<1x16xf32>,
          %get3A_1113 = arith.index_cast %add3A_1082 : i32 to index
          %get3A_1114 = arith.constant 48 : index
          %get3A_1115 = tpu.vector_load %arg10[%get3A_1113, %get3A_1114] {strides = array<i32>} : memref<128x128xf32, #tpu.memory_space<vmem>>, vector<1x16xf32>,
          %get3A_1116 = vector.shape_cast %get3A_1115 : vector<1x16xf32> to vector<16xf32>
          %mul3A_1117 = arith.mulf %get3A_1116, %broadcast_in_dim3A_1078 : vector<16xf32>
          %swap3A_1118 = arith.index_cast %add3A_1082 : i32 to index
          %swap3A_1119 = arith.constant 48 : index
          %swap3A_1120 = tpu.vector_load %arg10[%swap3A_1118, %swap3A_1119] {strides = array<i32>} : memref<128x128xf32, #tpu.memory_space<vmem>>, vector<1x16xf32>,
          %swap3A_1121 = vector.shape_cast %swap3A_1120 : vector<1x16xf32> to vector<16xf32>
          %swap3A_1122 = vector.shape_cast %mul3A_1117 : vector<16xf32> to vector<1x16xf32>
          tpu.vector_store %arg10[%swap3A_1118, %swap3A_1119], %swap3A_1122 {strides = array<i32>} : memref<128x128xf32, #tpu.memory_space<vmem>>, vector<1x16xf32>,
          %get3A_1123 = arith.index_cast %add3A_1082 : i32 to index
          %get3A_1124 = arith.constant 64 : index
          %get3A_1125 = tpu.vector_load %arg10[%get3A_1123, %get3A_1124] {strides = array<i32>} : memref<128x128xf32, #tpu.memory_space<vmem>>, vector<1x16xf32>,
          %get3A_1126 = vector.shape_cast %get3A_1125 : vector<1x16xf32> to vector<16xf32>
          %mul3A_1127 = arith.mulf %get3A_1126, %broadcast_in_dim3A_1078 : vector<16xf32>
          %swap3A_1128 = arith.index_cast %add3A_1082 : i32 to index
          %swap3A_1129 = arith.constant 64 : index
          %swap3A_1130 = tpu.vector_load %arg10[%swap3A_1128, %swap3A_1129] {strides = array<i32>} : memref<128x128xf32, #tpu.memory_space<vmem>>, vector<1x16xf32>,
          %swap3A_1131 = vector.shape_cast %swap3A_1130 : vector<1x16xf32> to vector<16xf32>
          %swap3A_1132 = vector.shape_cast %mul3A_1127 : vector<16xf32> to vector<1x16xf32>
          tpu.vector_store %arg10[%swap3A_1128, %swap3A_1129], %swap3A_1132 {strides = array<i32>} : memref<128x128xf32, #tpu.memory_space<vmem>>, vector<1x16xf32>,
          %get3A_1133 = arith.index_cast %add3A_1082 : i32 to index
          %get3A_1134 = arith.constant 80 : index
          %get3A_1135 = tpu.vector_load %arg10[%get3A_1133, %get3A_1134] {strides = array<i32>} : memref<128x128xf32, #tpu.memory_space<vmem>>, vector<1x16xf32>,
          %get3A_1136 = vector.shape_cast %get3A_1135 : vector<1x16xf32> to vector<16xf32>
          %mul3A_1137 = arith.mulf %get3A_1136, %broadcast_in_dim3A_1078 : vector<16xf32>
          %swap3A_1138 = arith.index_cast %add3A_1082 : i32 to index
          %swap3A_1139 = arith.constant 80 : index
          %swap3A_1140 = tpu.vector_load %arg10[%swap3A_1138, %swap3A_1139] {strides = array<i32>} : memref<128x128xf32, #tpu.memory_space<vmem>>, vector<1x16xf32>,
          %swap3A_1141 = vector.shape_cast %swap3A_1140 : vector<1x16xf32> to vector<16xf32>
          %swap3A_1142 = vector.shape_cast %mul3A_1137 : vector<16xf32> to vector<1x16xf32>
          tpu.vector_store %arg10[%swap3A_1138, %swap3A_1139], %swap3A_1142 {strides = array<i32>} : memref<128x128xf32, #tpu.memory_space<vmem>>, vector<1x16xf32>,
          %get3A_1143 = arith.index_cast %add3A_1082 : i32 to index
          %get3A_1144 = arith.constant 96 : index
          %get3A_1145 = tpu.vector_load %arg10[%get3A_1143, %get3A_1144] {strides = array<i32>} : memref<128x128xf32, #tpu.memory_space<vmem>>, vector<1x16xf32>,
          %get3A_1146 = vector.shape_cast %get3A_1145 : vector<1x16xf32> to vector<16xf32>
          %mul3A_1147 = arith.mulf %get3A_1146, %broadcast_in_dim3A_1078 : vector<16xf32>
          %swap3A_1148 = arith.index_cast %add3A_1082 : i32 to index
          %swap3A_1149 = arith.constant 96 : index
          %swap3A_1150 = tpu.vector_load %arg10[%swap3A_1148, %swap3A_1149] {strides = array<i32>} : memref<128x128xf32, #tpu.memory_space<vmem>>, vector<1x16xf32>,
          %swap3A_1151 = vector.shape_cast %swap3A_1150 : vector<1x16xf32> to vector<16xf32>
          %swap3A_1152 = vector.shape_cast %mul3A_1147 : vector<16xf32> to vector<1x16xf32>
          tpu.vector_store %arg10[%swap3A_1148, %swap3A_1149], %swap3A_1152 {strides = array<i32>} : memref<128x128xf32, #tpu.memory_space<vmem>>, vector<1x16xf32>,
          %get3A_1153 = arith.index_cast %add3A_1082 : i32 to index
          %get3A_1154 = arith.constant 112 : index
          %get3A_1155 = tpu.vector_load %arg10[%get3A_1153, %get3A_1154] {strides = array<i32>} : memref<128x128xf32, #tpu.memory_space<vmem>>, vector<1x16xf32>,
          %get3A_1156 = vector.shape_cast %get3A_1155 : vector<1x16xf32> to vector<16xf32>
          %mul3A_1157 = arith.mulf %get3A_1156, %broadcast_in_dim3A_1078 : vector<16xf32>
          %swap3A_1158 = arith.index_cast %add3A_1082 : i32 to index
          %swap3A_1159 = arith.constant 112 : index
          %swap3A_1160 = tpu.vector_load %arg10[%swap3A_1158, %swap3A_1159] {strides = array<i32>} : memref<128x128xf32, #tpu.memory_space<vmem>>, vector<1x16xf32>,
          %swap3A_1161 = vector.shape_cast %swap3A_1160 : vector<1x16xf32> to vector<16xf32>
          %swap3A_1162 = vector.shape_cast %mul3A_1157 : vector<16xf32> to vector<1x16xf32>
          tpu.vector_store %arg10[%swap3A_1158, %swap3A_1159], %swap3A_1162 {strides = array<i32>} : memref<128x128xf32, #tpu.memory_space<vmem>>, vector<1x16xf32>,
          %slice3A_1163 = vector.extract_strided_slice %get3A_121 {offsets = [12], sizes = [1], strides = [1]} : vector<16xf32> to vector<1xf32>
          %squeeze3A_1164 = vector.extract %slice3A_1163[0] : f32 from vector<1xf32>
          %broadcast_in_dim3A_1165 = vector.broadcast %squeeze3A_1164 : f32 to vector<16xf32>
          %mul3A_1166 = arith.constant 16 : i32
          %mul3A_1167 = arith.muli %mul3A_1166, %scan3A_116 : i32
          %add3A_1168 = arith.constant 12 : i32
          %add3A_1169 = arith.addi %mul3A_1167, %add3A_1168 : i32
          %get3A_1170 = arith.index_cast %add3A_1169 : i32 to index
          %get3A_1171 = arith.constant 0 : index
          %get3A_1172 = tpu.vector_load %arg10[%get3A_1170, %get3A_1171] {strides = array<i32>} : memref<128x128xf32, #tpu.memory_space<vmem>>, vector<1x16xf32>,
          %get3A_1173 = vector.shape_cast %get3A_1172 : vector<1x16xf32> to vector<16xf32>
          %mul3A_1174 = arith.mulf %get3A_1173, %broadcast_in_dim3A_1165 : vector<16xf32>
          %swap3A_1175 = arith.index_cast %add3A_1169 : i32 to index
          %swap3A_1176 = arith.constant 0 : index
          %swap3A_1177 = tpu.vector_load %arg10[%swap3A_1175, %swap3A_1176] {strides = array<i32>} : memref<128x128xf32, #tpu.memory_space<vmem>>, vector<1x16xf32>,
          %swap3A_1178 = vector.shape_cast %swap3A_1177 : vector<1x16xf32> to vector<16xf32>
          %swap3A_1179 = vector.shape_cast %mul3A_1174 : vector<16xf32> to vector<1x16xf32>
          tpu.vector_store %arg10[%swap3A_1175, %swap3A_1176], %swap3A_1179 {strides = array<i32>} : memref<128x128xf32, #tpu.memory_space<vmem>>, vector<1x16xf32>,
          %get3A_1180 = arith.index_cast %add3A_1169 : i32 to index
          %get3A_1181 = arith.constant 16 : index
          %get3A_1182 = tpu.vector_load %arg10[%get3A_1180, %get3A_1181] {strides = array<i32>} : memref<128x128xf32, #tpu.memory_space<vmem>>, vector<1x16xf32>,
          %get3A_1183 = vector.shape_cast %get3A_1182 : vector<1x16xf32> to vector<16xf32>
          %mul3A_1184 = arith.mulf %get3A_1183, %broadcast_in_dim3A_1165 : vector<16xf32>
          %swap3A_1185 = arith.index_cast %add3A_1169 : i32 to index
          %swap3A_1186 = arith.constant 16 : index
          %swap3A_1187 = tpu.vector_load %arg10[%swap3A_1185, %swap3A_1186] {strides = array<i32>} : memref<128x128xf32, #tpu.memory_space<vmem>>, vector<1x16xf32>,
          %swap3A_1188 = vector.shape_cast %swap3A_1187 : vector<1x16xf32> to vector<16xf32>
          %swap3A_1189 = vector.shape_cast %mul3A_1184 : vector<16xf32> to vector<1x16xf32>
          tpu.vector_store %arg10[%swap3A_1185, %swap3A_1186], %swap3A_1189 {strides = array<i32>} : memref<128x128xf32, #tpu.memory_space<vmem>>, vector<1x16xf32>,
          %get3A_1190 = arith.index_cast %add3A_1169 : i32 to index
          %get3A_1191 = arith.constant 32 : index
          %get3A_1192 = tpu.vector_load %arg10[%get3A_1190, %get3A_1191] {strides = array<i32>} : memref<128x128xf32, #tpu.memory_space<vmem>>, vector<1x16xf32>,
          %get3A_1193 = vector.shape_cast %get3A_1192 : vector<1x16xf32> to vector<16xf32>
          %mul3A_1194 = arith.mulf %get3A_1193, %broadcast_in_dim3A_1165 : vector<16xf32>
          %swap3A_1195 = arith.index_cast %add3A_1169 : i32 to index
          %swap3A_1196 = arith.constant 32 : index
          %swap3A_1197 = tpu.vector_load %arg10[%swap3A_1195, %swap3A_1196] {strides = array<i32>} : memref<128x128xf32, #tpu.memory_space<vmem>>, vector<1x16xf32>,
          %swap3A_1198 = vector.shape_cast %swap3A_1197 : vector<1x16xf32> to vector<16xf32>
          %swap3A_1199 = vector.shape_cast %mul3A_1194 : vector<16xf32> to vector<1x16xf32>
          tpu.vector_store %arg10[%swap3A_1195, %swap3A_1196], %swap3A_1199 {strides = array<i32>} : memref<128x128xf32, #tpu.memory_space<vmem>>, vector<1x16xf32>,
          %get3A_1200 = arith.index_cast %add3A_1169 : i32 to index
          %get3A_1201 = arith.constant 48 : index
          %get3A_1202 = tpu.vector_load %arg10[%get3A_1200, %get3A_1201] {strides = array<i32>} : memref<128x128xf32, #tpu.memory_space<vmem>>, vector<1x16xf32>,
          %get3A_1203 = vector.shape_cast %get3A_1202 : vector<1x16xf32> to vector<16xf32>
          %mul3A_1204 = arith.mulf %get3A_1203, %broadcast_in_dim3A_1165 : vector<16xf32>
          %swap3A_1205 = arith.index_cast %add3A_1169 : i32 to index
          %swap3A_1206 = arith.constant 48 : index
          %swap3A_1207 = tpu.vector_load %arg10[%swap3A_1205, %swap3A_1206] {strides = array<i32>} : memref<128x128xf32, #tpu.memory_space<vmem>>, vector<1x16xf32>,
          %swap3A_1208 = vector.shape_cast %swap3A_1207 : vector<1x16xf32> to vector<16xf32>
          %swap3A_1209 = vector.shape_cast %mul3A_1204 : vector<16xf32> to vector<1x16xf32>
          tpu.vector_store %arg10[%swap3A_1205, %swap3A_1206], %swap3A_1209 {strides = array<i32>} : memref<128x128xf32, #tpu.memory_space<vmem>>, vector<1x16xf32>,
          %get3A_1210 = arith.index_cast %add3A_1169 : i32 to index
          %get3A_1211 = arith.constant 64 : index
          %get3A_1212 = tpu.vector_load %arg10[%get3A_1210, %get3A_1211] {strides = array<i32>} : memref<128x128xf32, #tpu.memory_space<vmem>>, vector<1x16xf32>,
          %get3A_1213 = vector.shape_cast %get3A_1212 : vector<1x16xf32> to vector<16xf32>
          %mul3A_1214 = arith.mulf %get3A_1213, %broadcast_in_dim3A_1165 : vector<16xf32>
          %swap3A_1215 = arith.index_cast %add3A_1169 : i32 to index
          %swap3A_1216 = arith.constant 64 : index
          %swap3A_1217 = tpu.vector_load %arg10[%swap3A_1215, %swap3A_1216] {strides = array<i32>} : memref<128x128xf32, #tpu.memory_space<vmem>>, vector<1x16xf32>,
          %swap3A_1218 = vector.shape_cast %swap3A_1217 : vector<1x16xf32> to vector<16xf32>
          %swap3A_1219 = vector.shape_cast %mul3A_1214 : vector<16xf32> to vector<1x16xf32>
          tpu.vector_store %arg10[%swap3A_1215, %swap3A_1216], %swap3A_1219 {strides = array<i32>} : memref<128x128xf32, #tpu.memory_space<vmem>>, vector<1x16xf32>,
          %get3A_1220 = arith.index_cast %add3A_1169 : i32 to index
          %get3A_1221 = arith.constant 80 : index
          %get3A_1222 = tpu.vector_load %arg10[%get3A_1220, %get3A_1221] {strides = array<i32>} : memref<128x128xf32, #tpu.memory_space<vmem>>, vector<1x16xf32>,
          %get3A_1223 = vector.shape_cast %get3A_1222 : vector<1x16xf32> to vector<16xf32>
          %mul3A_1224 = arith.mulf %get3A_1223, %broadcast_in_dim3A_1165 : vector<16xf32>
          %swap3A_1225 = arith.index_cast %add3A_1169 : i32 to index
          %swap3A_1226 = arith.constant 80 : index
          %swap3A_1227 = tpu.vector_load %arg10[%swap3A_1225, %swap3A_1226] {strides = array<i32>} : memref<128x128xf32, #tpu.memory_space<vmem>>, vector<1x16xf32>,
          %swap3A_1228 = vector.shape_cast %swap3A_1227 : vector<1x16xf32> to vector<16xf32>
          %swap3A_1229 = vector.shape_cast %mul3A_1224 : vector<16xf32> to vector<1x16xf32>
          tpu.vector_store %arg10[%swap3A_1225, %swap3A_1226], %swap3A_1229 {strides = array<i32>} : memref<128x128xf32, #tpu.memory_space<vmem>>, vector<1x16xf32>,
          %get3A_1230 = arith.index_cast %add3A_1169 : i32 to index
          %get3A_1231 = arith.constant 96 : index
          %get3A_1232 = tpu.vector_load %arg10[%get3A_1230, %get3A_1231] {strides = array<i32>} : memref<128x128xf32, #tpu.memory_space<vmem>>, vector<1x16xf32>,
          %get3A_1233 = vector.shape_cast %get3A_1232 : vector<1x16xf32> to vector<16xf32>
          %mul3A_1234 = arith.mulf %get3A_1233, %broadcast_in_dim3A_1165 : vector<16xf32>
          %swap3A_1235 = arith.index_cast %add3A_1169 : i32 to index
          %swap3A_1236 = arith.constant 96 : index
          %swap3A_1237 = tpu.vector_load %arg10[%swap3A_1235, %swap3A_1236] {strides = array<i32>} : memref<128x128xf32, #tpu.memory_space<vmem>>, vector<1x16xf32>,
          %swap3A_1238 = vector.shape_cast %swap3A_1237 : vector<1x16xf32> to vector<16xf32>
          %swap3A_1239 = vector.shape_cast %mul3A_1234 : vector<16xf32> to vector<1x16xf32>
          tpu.vector_store %arg10[%swap3A_1235, %swap3A_1236], %swap3A_1239 {strides = array<i32>} : memref<128x128xf32, #tpu.memory_space<vmem>>, vector<1x16xf32>,
          %get3A_1240 = arith.index_cast %add3A_1169 : i32 to index
          %get3A_1241 = arith.constant 112 : index
          %get3A_1242 = tpu.vector_load %arg10[%get3A_1240, %get3A_1241] {strides = array<i32>} : memref<128x128xf32, #tpu.memory_space<vmem>>, vector<1x16xf32>,
          %get3A_1243 = vector.shape_cast %get3A_1242 : vector<1x16xf32> to vector<16xf32>
          %mul3A_1244 = arith.mulf %get3A_1243, %broadcast_in_dim3A_1165 : vector<16xf32>
          %swap3A_1245 = arith.index_cast %add3A_1169 : i32 to index
          %swap3A_1246 = arith.constant 112 : index
          %swap3A_1247 = tpu.vector_load %arg10[%swap3A_1245, %swap3A_1246] {strides = array<i32>} : memref<128x128xf32, #tpu.memory_space<vmem>>, vector<1x16xf32>,
          %swap3A_1248 = vector.shape_cast %swap3A_1247 : vector<1x16xf32> to vector<16xf32>
          %swap3A_1249 = vector.shape_cast %mul3A_1244 : vector<16xf32> to vector<1x16xf32>
          tpu.vector_store %arg10[%swap3A_1245, %swap3A_1246], %swap3A_1249 {strides = array<i32>} : memref<128x128xf32, #tpu.memory_space<vmem>>, vector<1x16xf32>,
          %slice3A_1250 = vector.extract_strided_slice %get3A_121 {offsets = [13], sizes = [1], strides = [1]} : vector<16xf32> to vector<1xf32>
          %squeeze3A_1251 = vector.extract %slice3A_1250[0] : f32 from vector<1xf32>
          %broadcast_in_dim3A_1252 = vector.broadcast %squeeze3A_1251 : f32 to vector<16xf32>
          %mul3A_1253 = arith.constant 16 : i32
          %mul3A_1254 = arith.muli %mul3A_1253, %scan3A_116 : i32
          %add3A_1255 = arith.constant 13 : i32
          %add3A_1256 = arith.addi %mul3A_1254, %add3A_1255 : i32
          %get3A_1257 = arith.index_cast %add3A_1256 : i32 to index
          %get3A_1258 = arith.constant 0 : index
          %get3A_1259 = tpu.vector_load %arg10[%get3A_1257, %get3A_1258] {strides = array<i32>} : memref<128x128xf32, #tpu.memory_space<vmem>>, vector<1x16xf32>,
          %get3A_1260 = vector.shape_cast %get3A_1259 : vector<1x16xf32> to vector<16xf32>
          %mul3A_1261 = arith.mulf %get3A_1260, %broadcast_in_dim3A_1252 : vector<16xf32>
          %swap3A_1262 = arith.index_cast %add3A_1256 : i32 to index
          %swap3A_1263 = arith.constant 0 : index
          %swap3A_1264 = tpu.vector_load %arg10[%swap3A_1262, %swap3A_1263] {strides = array<i32>} : memref<128x128xf32, #tpu.memory_space<vmem>>, vector<1x16xf32>,
          %swap3A_1265 = vector.shape_cast %swap3A_1264 : vector<1x16xf32> to vector<16xf32>
          %swap3A_1266 = vector.shape_cast %mul3A_1261 : vector<16xf32> to vector<1x16xf32>
          tpu.vector_store %arg10[%swap3A_1262, %swap3A_1263], %swap3A_1266 {strides = array<i32>} : memref<128x128xf32, #tpu.memory_space<vmem>>, vector<1x16xf32>,
          %get3A_1267 = arith.index_cast %add3A_1256 : i32 to index
          %get3A_1268 = arith.constant 16 : index
          %get3A_1269 = tpu.vector_load %arg10[%get3A_1267, %get3A_1268] {strides = array<i32>} : memref<128x128xf32, #tpu.memory_space<vmem>>, vector<1x16xf32>,
          %get3A_1270 = vector.shape_cast %get3A_1269 : vector<1x16xf32> to vector<16xf32>
          %mul3A_1271 = arith.mulf %get3A_1270, %broadcast_in_dim3A_1252 : vector<16xf32>
          %swap3A_1272 = arith.index_cast %add3A_1256 : i32 to index
          %swap3A_1273 = arith.constant 16 : index
          %swap3A_1274 = tpu.vector_load %arg10[%swap3A_1272, %swap3A_1273] {strides = array<i32>} : memref<128x128xf32, #tpu.memory_space<vmem>>, vector<1x16xf32>,
          %swap3A_1275 = vector.shape_cast %swap3A_1274 : vector<1x16xf32> to vector<16xf32>
          %swap3A_1276 = vector.shape_cast %mul3A_1271 : vector<16xf32> to vector<1x16xf32>
          tpu.vector_store %arg10[%swap3A_1272, %swap3A_1273], %swap3A_1276 {strides = array<i32>} : memref<128x128xf32, #tpu.memory_space<vmem>>, vector<1x16xf32>,
          %get3A_1277 = arith.index_cast %add3A_1256 : i32 to index
          %get3A_1278 = arith.constant 32 : index
          %get3A_1279 = tpu.vector_load %arg10[%get3A_1277, %get3A_1278] {strides = array<i32>} : memref<128x128xf32, #tpu.memory_space<vmem>>, vector<1x16xf32>,
          %get3A_1280 = vector.shape_cast %get3A_1279 : vector<1x16xf32> to vector<16xf32>
          %mul3A_1281 = arith.mulf %get3A_1280, %broadcast_in_dim3A_1252 : vector<16xf32>
          %swap3A_1282 = arith.index_cast %add3A_1256 : i32 to index
          %swap3A_1283 = arith.constant 32 : index
          %swap3A_1284 = tpu.vector_load %arg10[%swap3A_1282, %swap3A_1283] {strides = array<i32>} : memref<128x128xf32, #tpu.memory_space<vmem>>, vector<1x16xf32>,
          %swap3A_1285 = vector.shape_cast %swap3A_1284 : vector<1x16xf32> to vector<16xf32>
          %swap3A_1286 = vector.shape_cast %mul3A_1281 : vector<16xf32> to vector<1x16xf32>
          tpu.vector_store %arg10[%swap3A_1282, %swap3A_1283], %swap3A_1286 {strides = array<i32>} : memref<128x128xf32, #tpu.memory_space<vmem>>, vector<1x16xf32>,
          %get3A_1287 = arith.index_cast %add3A_1256 : i32 to index
          %get3A_1288 = arith.constant 48 : index
          %get3A_1289 = tpu.vector_load %arg10[%get3A_1287, %get3A_1288] {strides = array<i32>} : memref<128x128xf32, #tpu.memory_space<vmem>>, vector<1x16xf32>,
          %get3A_1290 = vector.shape_cast %get3A_1289 : vector<1x16xf32> to vector<16xf32>
          %mul3A_1291 = arith.mulf %get3A_1290, %broadcast_in_dim3A_1252 : vector<16xf32>
          %swap3A_1292 = arith.index_cast %add3A_1256 : i32 to index
          %swap3A_1293 = arith.constant 48 : index
          %swap3A_1294 = tpu.vector_load %arg10[%swap3A_1292, %swap3A_1293] {strides = array<i32>} : memref<128x128xf32, #tpu.memory_space<vmem>>, vector<1x16xf32>,
          %swap3A_1295 = vector.shape_cast %swap3A_1294 : vector<1x16xf32> to vector<16xf32>
          %swap3A_1296 = vector.shape_cast %mul3A_1291 : vector<16xf32> to vector<1x16xf32>
          tpu.vector_store %arg10[%swap3A_1292, %swap3A_1293], %swap3A_1296 {strides = array<i32>} : memref<128x128xf32, #tpu.memory_space<vmem>>, vector<1x16xf32>,
          %get3A_1297 = arith.index_cast %add3A_1256 : i32 to index
          %get3A_1298 = arith.constant 64 : index
          %get3A_1299 = tpu.vector_load %arg10[%get3A_1297, %get3A_1298] {strides = array<i32>} : memref<128x128xf32, #tpu.memory_space<vmem>>, vector<1x16xf32>,
          %get3A_1300 = vector.shape_cast %get3A_1299 : vector<1x16xf32> to vector<16xf32>
          %mul3A_1301 = arith.mulf %get3A_1300, %broadcast_in_dim3A_1252 : vector<16xf32>
          %swap3A_1302 = arith.index_cast %add3A_1256 : i32 to index
          %swap3A_1303 = arith.constant 64 : index
          %swap3A_1304 = tpu.vector_load %arg10[%swap3A_1302, %swap3A_1303] {strides = array<i32>} : memref<128x128xf32, #tpu.memory_space<vmem>>, vector<1x16xf32>,
          %swap3A_1305 = vector.shape_cast %swap3A_1304 : vector<1x16xf32> to vector<16xf32>
          %swap3A_1306 = vector.shape_cast %mul3A_1301 : vector<16xf32> to vector<1x16xf32>
          tpu.vector_store %arg10[%swap3A_1302, %swap3A_1303], %swap3A_1306 {strides = array<i32>} : memref<128x128xf32, #tpu.memory_space<vmem>>, vector<1x16xf32>,
          %get3A_1307 = arith.index_cast %add3A_1256 : i32 to index
          %get3A_1308 = arith.constant 80 : index
          %get3A_1309 = tpu.vector_load %arg10[%get3A_1307, %get3A_1308] {strides = array<i32>} : memref<128x128xf32, #tpu.memory_space<vmem>>, vector<1x16xf32>,
          %get3A_1310 = vector.shape_cast %get3A_1309 : vector<1x16xf32> to vector<16xf32>
          %mul3A_1311 = arith.mulf %get3A_1310, %broadcast_in_dim3A_1252 : vector<16xf32>
          %swap3A_1312 = arith.index_cast %add3A_1256 : i32 to index
          %swap3A_1313 = arith.constant 80 : index
          %swap3A_1314 = tpu.vector_load %arg10[%swap3A_1312, %swap3A_1313] {strides = array<i32>} : memref<128x128xf32, #tpu.memory_space<vmem>>, vector<1x16xf32>,
          %swap3A_1315 = vector.shape_cast %swap3A_1314 : vector<1x16xf32> to vector<16xf32>
          %swap3A_1316 = vector.shape_cast %mul3A_1311 : vector<16xf32> to vector<1x16xf32>
          tpu.vector_store %arg10[%swap3A_1312, %swap3A_1313], %swap3A_1316 {strides = array<i32>} : memref<128x128xf32, #tpu.memory_space<vmem>>, vector<1x16xf32>,
          %get3A_1317 = arith.index_cast %add3A_1256 : i32 to index
          %get3A_1318 = arith.constant 96 : index
          %get3A_1319 = tpu.vector_load %arg10[%get3A_1317, %get3A_1318] {strides = array<i32>} : memref<128x128xf32, #tpu.memory_space<vmem>>, vector<1x16xf32>,
          %get3A_1320 = vector.shape_cast %get3A_1319 : vector<1x16xf32> to vector<16xf32>
          %mul3A_1321 = arith.mulf %get3A_1320, %broadcast_in_dim3A_1252 : vector<16xf32>
          %swap3A_1322 = arith.index_cast %add3A_1256 : i32 to index
          %swap3A_1323 = arith.constant 96 : index
          %swap3A_1324 = tpu.vector_load %arg10[%swap3A_1322, %swap3A_1323] {strides = array<i32>} : memref<128x128xf32, #tpu.memory_space<vmem>>, vector<1x16xf32>,
          %swap3A_1325 = vector.shape_cast %swap3A_1324 : vector<1x16xf32> to vector<16xf32>
          %swap3A_1326 = vector.shape_cast %mul3A_1321 : vector<16xf32> to vector<1x16xf32>
          tpu.vector_store %arg10[%swap3A_1322, %swap3A_1323], %swap3A_1326 {strides = array<i32>} : memref<128x128xf32, #tpu.memory_space<vmem>>, vector<1x16xf32>,
          %get3A_1327 = arith.index_cast %add3A_1256 : i32 to index
          %get3A_1328 = arith.constant 112 : index
          %get3A_1329 = tpu.vector_load %arg10[%get3A_1327, %get3A_1328] {strides = array<i32>} : memref<128x128xf32, #tpu.memory_space<vmem>>, vector<1x16xf32>,
          %get3A_1330 = vector.shape_cast %get3A_1329 : vector<1x16xf32> to vector<16xf32>
          %mul3A_1331 = arith.mulf %get3A_1330, %broadcast_in_dim3A_1252 : vector<16xf32>
          %swap3A_1332 = arith.index_cast %add3A_1256 : i32 to index
          %swap3A_1333 = arith.constant 112 : index
          %swap3A_1334 = tpu.vector_load %arg10[%swap3A_1332, %swap3A_1333] {strides = array<i32>} : memref<128x128xf32, #tpu.memory_space<vmem>>, vector<1x16xf32>,
          %swap3A_1335 = vector.shape_cast %swap3A_1334 : vector<1x16xf32> to vector<16xf32>
          %swap3A_1336 = vector.shape_cast %mul3A_1331 : vector<16xf32> to vector<1x16xf32>
          tpu.vector_store %arg10[%swap3A_1332, %swap3A_1333], %swap3A_1336 {strides = array<i32>} : memref<128x128xf32, #tpu.memory_space<vmem>>, vector<1x16xf32>,
          %slice3A_1337 = vector.extract_strided_slice %get3A_121 {offsets = [14], sizes = [1], strides = [1]} : vector<16xf32> to vector<1xf32>
          %squeeze3A_1338 = vector.extract %slice3A_1337[0] : f32 from vector<1xf32>
          %broadcast_in_dim3A_1339 = vector.broadcast %squeeze3A_1338 : f32 to vector<16xf32>
          %mul3A_1340 = arith.constant 16 : i32
          %mul3A_1341 = arith.muli %mul3A_1340, %scan3A_116 : i32
          %add3A_1342 = arith.constant 14 : i32
          %add3A_1343 = arith.addi %mul3A_1341, %add3A_1342 : i32
          %get3A_1344 = arith.index_cast %add3A_1343 : i32 to index
          %get3A_1345 = arith.constant 0 : index
          %get3A_1346 = tpu.vector_load %arg10[%get3A_1344, %get3A_1345] {strides = array<i32>} : memref<128x128xf32, #tpu.memory_space<vmem>>, vector<1x16xf32>,
          %get3A_1347 = vector.shape_cast %get3A_1346 : vector<1x16xf32> to vector<16xf32>
          %mul3A_1348 = arith.mulf %get3A_1347, %broadcast_in_dim3A_1339 : vector<16xf32>
          %swap3A_1349 = arith.index_cast %add3A_1343 : i32 to index
          %swap3A_1350 = arith.constant 0 : index
          %swap3A_1351 = tpu.vector_load %arg10[%swap3A_1349, %swap3A_1350] {strides = array<i32>} : memref<128x128xf32, #tpu.memory_space<vmem>>, vector<1x16xf32>,
          %swap3A_1352 = vector.shape_cast %swap3A_1351 : vector<1x16xf32> to vector<16xf32>
          %swap3A_1353 = vector.shape_cast %mul3A_1348 : vector<16xf32> to vector<1x16xf32>
          tpu.vector_store %arg10[%swap3A_1349, %swap3A_1350], %swap3A_1353 {strides = array<i32>} : memref<128x128xf32, #tpu.memory_space<vmem>>, vector<1x16xf32>,
          %get3A_1354 = arith.index_cast %add3A_1343 : i32 to index
          %get3A_1355 = arith.constant 16 : index
          %get3A_1356 = tpu.vector_load %arg10[%get3A_1354, %get3A_1355] {strides = array<i32>} : memref<128x128xf32, #tpu.memory_space<vmem>>, vector<1x16xf32>,
          %get3A_1357 = vector.shape_cast %get3A_1356 : vector<1x16xf32> to vector<16xf32>
          %mul3A_1358 = arith.mulf %get3A_1357, %broadcast_in_dim3A_1339 : vector<16xf32>
          %swap3A_1359 = arith.index_cast %add3A_1343 : i32 to index
          %swap3A_1360 = arith.constant 16 : index
          %swap3A_1361 = tpu.vector_load %arg10[%swap3A_1359, %swap3A_1360] {strides = array<i32>} : memref<128x128xf32, #tpu.memory_space<vmem>>, vector<1x16xf32>,
          %swap3A_1362 = vector.shape_cast %swap3A_1361 : vector<1x16xf32> to vector<16xf32>
          %swap3A_1363 = vector.shape_cast %mul3A_1358 : vector<16xf32> to vector<1x16xf32>
          tpu.vector_store %arg10[%swap3A_1359, %swap3A_1360], %swap3A_1363 {strides = array<i32>} : memref<128x128xf32, #tpu.memory_space<vmem>>, vector<1x16xf32>,
          %get3A_1364 = arith.index_cast %add3A_1343 : i32 to index
          %get3A_1365 = arith.constant 32 : index
          %get3A_1366 = tpu.vector_load %arg10[%get3A_1364, %get3A_1365] {strides = array<i32>} : memref<128x128xf32, #tpu.memory_space<vmem>>, vector<1x16xf32>,
          %get3A_1367 = vector.shape_cast %get3A_1366 : vector<1x16xf32> to vector<16xf32>
          %mul3A_1368 = arith.mulf %get3A_1367, %broadcast_in_dim3A_1339 : vector<16xf32>
          %swap3A_1369 = arith.index_cast %add3A_1343 : i32 to index
          %swap3A_1370 = arith.constant 32 : index
          %swap3A_1371 = tpu.vector_load %arg10[%swap3A_1369, %swap3A_1370] {strides = array<i32>} : memref<128x128xf32, #tpu.memory_space<vmem>>, vector<1x16xf32>,
          %swap3A_1372 = vector.shape_cast %swap3A_1371 : vector<1x16xf32> to vector<16xf32>
          %swap3A_1373 = vector.shape_cast %mul3A_1368 : vector<16xf32> to vector<1x16xf32>
          tpu.vector_store %arg10[%swap3A_1369, %swap3A_1370], %swap3A_1373 {strides = array<i32>} : memref<128x128xf32, #tpu.memory_space<vmem>>, vector<1x16xf32>,
          %get3A_1374 = arith.index_cast %add3A_1343 : i32 to index
          %get3A_1375 = arith.constant 48 : index
          %get3A_1376 = tpu.vector_load %arg10[%get3A_1374, %get3A_1375] {strides = array<i32>} : memref<128x128xf32, #tpu.memory_space<vmem>>, vector<1x16xf32>,
          %get3A_1377 = vector.shape_cast %get3A_1376 : vector<1x16xf32> to vector<16xf32>
          %mul3A_1378 = arith.mulf %get3A_1377, %broadcast_in_dim3A_1339 : vector<16xf32>
          %swap3A_1379 = arith.index_cast %add3A_1343 : i32 to index
          %swap3A_1380 = arith.constant 48 : index
          %swap3A_1381 = tpu.vector_load %arg10[%swap3A_1379, %swap3A_1380] {strides = array<i32>} : memref<128x128xf32, #tpu.memory_space<vmem>>, vector<1x16xf32>,
          %swap3A_1382 = vector.shape_cast %swap3A_1381 : vector<1x16xf32> to vector<16xf32>
          %swap3A_1383 = vector.shape_cast %mul3A_1378 : vector<16xf32> to vector<1x16xf32>
          tpu.vector_store %arg10[%swap3A_1379, %swap3A_1380], %swap3A_1383 {strides = array<i32>} : memref<128x128xf32, #tpu.memory_space<vmem>>, vector<1x16xf32>,
          %get3A_1384 = arith.index_cast %add3A_1343 : i32 to index
          %get3A_1385 = arith.constant 64 : index
          %get3A_1386 = tpu.vector_load %arg10[%get3A_1384, %get3A_1385] {strides = array<i32>} : memref<128x128xf32, #tpu.memory_space<vmem>>, vector<1x16xf32>,
          %get3A_1387 = vector.shape_cast %get3A_1386 : vector<1x16xf32> to vector<16xf32>
          %mul3A_1388 = arith.mulf %get3A_1387, %broadcast_in_dim3A_1339 : vector<16xf32>
          %swap3A_1389 = arith.index_cast %add3A_1343 : i32 to index
          %swap3A_1390 = arith.constant 64 : index
          %swap3A_1391 = tpu.vector_load %arg10[%swap3A_1389, %swap3A_1390] {strides = array<i32>} : memref<128x128xf32, #tpu.memory_space<vmem>>, vector<1x16xf32>,
          %swap3A_1392 = vector.shape_cast %swap3A_1391 : vector<1x16xf32> to vector<16xf32>
          %swap3A_1393 = vector.shape_cast %mul3A_1388 : vector<16xf32> to vector<1x16xf32>
          tpu.vector_store %arg10[%swap3A_1389, %swap3A_1390], %swap3A_1393 {strides = array<i32>} : memref<128x128xf32, #tpu.memory_space<vmem>>, vector<1x16xf32>,
          %get3A_1394 = arith.index_cast %add3A_1343 : i32 to index
          %get3A_1395 = arith.constant 80 : index
          %get3A_1396 = tpu.vector_load %arg10[%get3A_1394, %get3A_1395] {strides = array<i32>} : memref<128x128xf32, #tpu.memory_space<vmem>>, vector<1x16xf32>,
          %get3A_1397 = vector.shape_cast %get3A_1396 : vector<1x16xf32> to vector<16xf32>
          %mul3A_1398 = arith.mulf %get3A_1397, %broadcast_in_dim3A_1339 : vector<16xf32>
          %swap3A_1399 = arith.index_cast %add3A_1343 : i32 to index
          %swap3A_1400 = arith.constant 80 : index
          %swap3A_1401 = tpu.vector_load %arg10[%swap3A_1399, %swap3A_1400] {strides = array<i32>} : memref<128x128xf32, #tpu.memory_space<vmem>>, vector<1x16xf32>,
          %swap3A_1402 = vector.shape_cast %swap3A_1401 : vector<1x16xf32> to vector<16xf32>
          %swap3A_1403 = vector.shape_cast %mul3A_1398 : vector<16xf32> to vector<1x16xf32>
          tpu.vector_store %arg10[%swap3A_1399, %swap3A_1400], %swap3A_1403 {strides = array<i32>} : memref<128x128xf32, #tpu.memory_space<vmem>>, vector<1x16xf32>,
          %get3A_1404 = arith.index_cast %add3A_1343 : i32 to index
          %get3A_1405 = arith.constant 96 : index
          %get3A_1406 = tpu.vector_load %arg10[%get3A_1404, %get3A_1405] {strides = array<i32>} : memref<128x128xf32, #tpu.memory_space<vmem>>, vector<1x16xf32>,
          %get3A_1407 = vector.shape_cast %get3A_1406 : vector<1x16xf32> to vector<16xf32>
          %mul3A_1408 = arith.mulf %get3A_1407, %broadcast_in_dim3A_1339 : vector<16xf32>
          %swap3A_1409 = arith.index_cast %add3A_1343 : i32 to index
          %swap3A_1410 = arith.constant 96 : index
          %swap3A_1411 = tpu.vector_load %arg10[%swap3A_1409, %swap3A_1410] {strides = array<i32>} : memref<128x128xf32, #tpu.memory_space<vmem>>, vector<1x16xf32>,
          %swap3A_1412 = vector.shape_cast %swap3A_1411 : vector<1x16xf32> to vector<16xf32>
          %swap3A_1413 = vector.shape_cast %mul3A_1408 : vector<16xf32> to vector<1x16xf32>
          tpu.vector_store %arg10[%swap3A_1409, %swap3A_1410], %swap3A_1413 {strides = array<i32>} : memref<128x128xf32, #tpu.memory_space<vmem>>, vector<1x16xf32>,
          %get3A_1414 = arith.index_cast %add3A_1343 : i32 to index
          %get3A_1415 = arith.constant 112 : index
          %get3A_1416 = tpu.vector_load %arg10[%get3A_1414, %get3A_1415] {strides = array<i32>} : memref<128x128xf32, #tpu.memory_space<vmem>>, vector<1x16xf32>,
          %get3A_1417 = vector.shape_cast %get3A_1416 : vector<1x16xf32> to vector<16xf32>
          %mul3A_1418 = arith.mulf %get3A_1417, %broadcast_in_dim3A_1339 : vector<16xf32>
          %swap3A_1419 = arith.index_cast %add3A_1343 : i32 to index
          %swap3A_1420 = arith.constant 112 : index
          %swap3A_1421 = tpu.vector_load %arg10[%swap3A_1419, %swap3A_1420] {strides = array<i32>} : memref<128x128xf32, #tpu.memory_space<vmem>>, vector<1x16xf32>,
          %swap3A_1422 = vector.shape_cast %swap3A_1421 : vector<1x16xf32> to vector<16xf32>
          %swap3A_1423 = vector.shape_cast %mul3A_1418 : vector<16xf32> to vector<1x16xf32>
          tpu.vector_store %arg10[%swap3A_1419, %swap3A_1420], %swap3A_1423 {strides = array<i32>} : memref<128x128xf32, #tpu.memory_space<vmem>>, vector<1x16xf32>,
          %slice3A_1424 = vector.extract_strided_slice %get3A_121 {offsets = [15], sizes = [1], strides = [1]} : vector<16xf32> to vector<1xf32>
          %squeeze3A_1425 = vector.extract %slice3A_1424[0] : f32 from vector<1xf32>
          %broadcast_in_dim3A_1426 = vector.broadcast %squeeze3A_1425 : f32 to vector<16xf32>
          %mul3A_1427 = arith.constant 16 : i32
          %mul3A_1428 = arith.muli %mul3A_1427, %scan3A_116 : i32
          %add3A_1429 = arith.constant 15 : i32
          %add3A_1430 = arith.addi %mul3A_1428, %add3A_1429 : i32
          %get3A_1431 = arith.index_cast %add3A_1430 : i32 to index
          %get3A_1432 = arith.constant 0 : index
          %get3A_1433 = tpu.vector_load %arg10[%get3A_1431, %get3A_1432] {strides = array<i32>} : memref<128x128xf32, #tpu.memory_space<vmem>>, vector<1x16xf32>,
          %get3A_1434 = vector.shape_cast %get3A_1433 : vector<1x16xf32> to vector<16xf32>
          %mul3A_1435 = arith.mulf %get3A_1434, %broadcast_in_dim3A_1426 : vector<16xf32>
          %swap3A_1436 = arith.index_cast %add3A_1430 : i32 to index
          %swap3A_1437 = arith.constant 0 : index
          %swap3A_1438 = tpu.vector_load %arg10[%swap3A_1436, %swap3A_1437] {strides = array<i32>} : memref<128x128xf32, #tpu.memory_space<vmem>>, vector<1x16xf32>,
          %swap3A_1439 = vector.shape_cast %swap3A_1438 : vector<1x16xf32> to vector<16xf32>
          %swap3A_1440 = vector.shape_cast %mul3A_1435 : vector<16xf32> to vector<1x16xf32>
          tpu.vector_store %arg10[%swap3A_1436, %swap3A_1437], %swap3A_1440 {strides = array<i32>} : memref<128x128xf32, #tpu.memory_space<vmem>>, vector<1x16xf32>,
          %get3A_1441 = arith.index_cast %add3A_1430 : i32 to index
          %get3A_1442 = arith.constant 16 : index
          %get3A_1443 = tpu.vector_load %arg10[%get3A_1441, %get3A_1442] {strides = array<i32>} : memref<128x128xf32, #tpu.memory_space<vmem>>, vector<1x16xf32>,
          %get3A_1444 = vector.shape_cast %get3A_1443 : vector<1x16xf32> to vector<16xf32>
          %mul3A_1445 = arith.mulf %get3A_1444, %broadcast_in_dim3A_1426 : vector<16xf32>
          %swap3A_1446 = arith.index_cast %add3A_1430 : i32 to index
          %swap3A_1447 = arith.constant 16 : index
          %swap3A_1448 = tpu.vector_load %arg10[%swap3A_1446, %swap3A_1447] {strides = array<i32>} : memref<128x128xf32, #tpu.memory_space<vmem>>, vector<1x16xf32>,
          %swap3A_1449 = vector.shape_cast %swap3A_1448 : vector<1x16xf32> to vector<16xf32>
          %swap3A_1450 = vector.shape_cast %mul3A_1445 : vector<16xf32> to vector<1x16xf32>
          tpu.vector_store %arg10[%swap3A_1446, %swap3A_1447], %swap3A_1450 {strides = array<i32>} : memref<128x128xf32, #tpu.memory_space<vmem>>, vector<1x16xf32>,
          %get3A_1451 = arith.index_cast %add3A_1430 : i32 to index
          %get3A_1452 = arith.constant 32 : index
          %get3A_1453 = tpu.vector_load %arg10[%get3A_1451, %get3A_1452] {strides = array<i32>} : memref<128x128xf32, #tpu.memory_space<vmem>>, vector<1x16xf32>,
          %get3A_1454 = vector.shape_cast %get3A_1453 : vector<1x16xf32> to vector<16xf32>
          %mul3A_1455 = arith.mulf %get3A_1454, %broadcast_in_dim3A_1426 : vector<16xf32>
          %swap3A_1456 = arith.index_cast %add3A_1430 : i32 to index
          %swap3A_1457 = arith.constant 32 : index
          %swap3A_1458 = tpu.vector_load %arg10[%swap3A_1456, %swap3A_1457] {strides = array<i32>} : memref<128x128xf32, #tpu.memory_space<vmem>>, vector<1x16xf32>,
          %swap3A_1459 = vector.shape_cast %swap3A_1458 : vector<1x16xf32> to vector<16xf32>
          %swap3A_1460 = vector.shape_cast %mul3A_1455 : vector<16xf32> to vector<1x16xf32>
          tpu.vector_store %arg10[%swap3A_1456, %swap3A_1457], %swap3A_1460 {strides = array<i32>} : memref<128x128xf32, #tpu.memory_space<vmem>>, vector<1x16xf32>,
          %get3A_1461 = arith.index_cast %add3A_1430 : i32 to index
          %get3A_1462 = arith.constant 48 : index
          %get3A_1463 = tpu.vector_load %arg10[%get3A_1461, %get3A_1462] {strides = array<i32>} : memref<128x128xf32, #tpu.memory_space<vmem>>, vector<1x16xf32>,
          %get3A_1464 = vector.shape_cast %get3A_1463 : vector<1x16xf32> to vector<16xf32>
          %mul3A_1465 = arith.mulf %get3A_1464, %broadcast_in_dim3A_1426 : vector<16xf32>
          %swap3A_1466 = arith.index_cast %add3A_1430 : i32 to index
          %swap3A_1467 = arith.constant 48 : index
          %swap3A_1468 = tpu.vector_load %arg10[%swap3A_1466, %swap3A_1467] {strides = array<i32>} : memref<128x128xf32, #tpu.memory_space<vmem>>, vector<1x16xf32>,
          %swap3A_1469 = vector.shape_cast %swap3A_1468 : vector<1x16xf32> to vector<16xf32>
          %swap3A_1470 = vector.shape_cast %mul3A_1465 : vector<16xf32> to vector<1x16xf32>
          tpu.vector_store %arg10[%swap3A_1466, %swap3A_1467], %swap3A_1470 {strides = array<i32>} : memref<128x128xf32, #tpu.memory_space<vmem>>, vector<1x16xf32>,
          %get3A_1471 = arith.index_cast %add3A_1430 : i32 to index
          %get3A_1472 = arith.constant 64 : index
          %get3A_1473 = tpu.vector_load %arg10[%get3A_1471, %get3A_1472] {strides = array<i32>} : memref<128x128xf32, #tpu.memory_space<vmem>>, vector<1x16xf32>,
          %get3A_1474 = vector.shape_cast %get3A_1473 : vector<1x16xf32> to vector<16xf32>
          %mul3A_1475 = arith.mulf %get3A_1474, %broadcast_in_dim3A_1426 : vector<16xf32>
          %swap3A_1476 = arith.index_cast %add3A_1430 : i32 to index
          %swap3A_1477 = arith.constant 64 : index
          %swap3A_1478 = tpu.vector_load %arg10[%swap3A_1476, %swap3A_1477] {strides = array<i32>} : memref<128x128xf32, #tpu.memory_space<vmem>>, vector<1x16xf32>,
          %swap3A_1479 = vector.shape_cast %swap3A_1478 : vector<1x16xf32> to vector<16xf32>
          %swap3A_1480 = vector.shape_cast %mul3A_1475 : vector<16xf32> to vector<1x16xf32>
          tpu.vector_store %arg10[%swap3A_1476, %swap3A_1477], %swap3A_1480 {strides = array<i32>} : memref<128x128xf32, #tpu.memory_space<vmem>>, vector<1x16xf32>,
          %get3A_1481 = arith.index_cast %add3A_1430 : i32 to index
          %get3A_1482 = arith.constant 80 : index
          %get3A_1483 = tpu.vector_load %arg10[%get3A_1481, %get3A_1482] {strides = array<i32>} : memref<128x128xf32, #tpu.memory_space<vmem>>, vector<1x16xf32>,
          %get3A_1484 = vector.shape_cast %get3A_1483 : vector<1x16xf32> to vector<16xf32>
          %mul3A_1485 = arith.mulf %get3A_1484, %broadcast_in_dim3A_1426 : vector<16xf32>
          %swap3A_1486 = arith.index_cast %add3A_1430 : i32 to index
          %swap3A_1487 = arith.constant 80 : index
          %swap3A_1488 = tpu.vector_load %arg10[%swap3A_1486, %swap3A_1487] {strides = array<i32>} : memref<128x128xf32, #tpu.memory_space<vmem>>, vector<1x16xf32>,
          %swap3A_1489 = vector.shape_cast %swap3A_1488 : vector<1x16xf32> to vector<16xf32>
          %swap3A_1490 = vector.shape_cast %mul3A_1485 : vector<16xf32> to vector<1x16xf32>
          tpu.vector_store %arg10[%swap3A_1486, %swap3A_1487], %swap3A_1490 {strides = array<i32>} : memref<128x128xf32, #tpu.memory_space<vmem>>, vector<1x16xf32>,
          %get3A_1491 = arith.index_cast %add3A_1430 : i32 to index
          %get3A_1492 = arith.constant 96 : index
          %get3A_1493 = tpu.vector_load %arg10[%get3A_1491, %get3A_1492] {strides = array<i32>} : memref<128x128xf32, #tpu.memory_space<vmem>>, vector<1x16xf32>,
          %get3A_1494 = vector.shape_cast %get3A_1493 : vector<1x16xf32> to vector<16xf32>
          %mul3A_1495 = arith.mulf %get3A_1494, %broadcast_in_dim3A_1426 : vector<16xf32>
          %swap3A_1496 = arith.index_cast %add3A_1430 : i32 to index
          %swap3A_1497 = arith.constant 96 : index
          %swap3A_1498 = tpu.vector_load %arg10[%swap3A_1496, %swap3A_1497] {strides = array<i32>} : memref<128x128xf32, #tpu.memory_space<vmem>>, vector<1x16xf32>,
          %swap3A_1499 = vector.shape_cast %swap3A_1498 : vector<1x16xf32> to vector<16xf32>
          %swap3A_1500 = vector.shape_cast %mul3A_1495 : vector<16xf32> to vector<1x16xf32>
          tpu.vector_store %arg10[%swap3A_1496, %swap3A_1497], %swap3A_1500 {strides = array<i32>} : memref<128x128xf32, #tpu.memory_space<vmem>>, vector<1x16xf32>,
          %get3A_1501 = arith.index_cast %add3A_1430 : i32 to index
          %get3A_1502 = arith.constant 112 : index
          %get3A_1503 = tpu.vector_load %arg10[%get3A_1501, %get3A_1502] {strides = array<i32>} : memref<128x128xf32, #tpu.memory_space<vmem>>, vector<1x16xf32>,
          %get3A_1504 = vector.shape_cast %get3A_1503 : vector<1x16xf32> to vector<16xf32>
          %mul3A_1505 = arith.mulf %get3A_1504, %broadcast_in_dim3A_1426 : vector<16xf32>
          %swap3A_1506 = arith.index_cast %add3A_1430 : i32 to index
          %swap3A_1507 = arith.constant 112 : index
          %swap3A_1508 = tpu.vector_load %arg10[%swap3A_1506, %swap3A_1507] {strides = array<i32>} : memref<128x128xf32, #tpu.memory_space<vmem>>, vector<1x16xf32>,
          %swap3A_1509 = vector.shape_cast %swap3A_1508 : vector<1x16xf32> to vector<16xf32>
          %swap3A_1510 = vector.shape_cast %mul3A_1505 : vector<16xf32> to vector<1x16xf32>
          tpu.vector_store %arg10[%swap3A_1506, %swap3A_1507], %swap3A_1510 {strides = array<i32>} : memref<128x128xf32, #tpu.memory_space<vmem>>, vector<1x16xf32>,
          %scan3A_1511 = arith.constant 0 : i32
          scf.yield %scan3A_1511 : i32
        }
        %scan3A_115 = arith.constant 8 : i32
        "tpu.region"() ({
          %run_scoped3A_116 = tpu.sem_alloc : memref<!tpu.dma_semaphore, #tpu.memory_space<semaphore_mem>>
          %dma_start3A_117 = arith.constant 0 : i32
          %dma_start3A_118 = arith.constant 0 : i32
          %dma_start3A_119 = tpu.memref_slice %arg12[%dma_start3A_117, %dma_start3A_118] : memref<10000x128xf32, #tpu.memory_space<vmem_shared>> -> memref<10000x128xf32, #tpu.memory_space<vmem_shared>>
          tpu.enqueue_indirect_dma source(%arg10 : memref<128x128xf32, #tpu.memory_space<vmem>>) target(%dma_start3A_119 : memref<10000x128xf32, #tpu.memory_space<vmem_shared>>) offsets(%arg7 : memref<128xi32, #tpu.memory_space<vmem>>) semaphore(%run_scoped3A_116 : memref<!tpu.dma_semaphore, #tpu.memory_space<semaphore_mem>>) {add = true}
          %dma_wait3A_120 = arith.constant 0 : i32
          %dma_wait3A_121 = arith.constant 0 : i32
          %dma_wait3A_122 = tpu.memref_slice %arg12[%dma_wait3A_120, %dma_wait3A_121] : memref<10000x128xf32, #tpu.memory_space<vmem_shared>> -> memref<10000x128xf32, #tpu.memory_space<vmem_shared>>
          tpu.wait_indirect_dma semaphore(%run_scoped3A_116 : memref<!tpu.dma_semaphore, #tpu.memory_space<semaphore_mem>>) src(%arg10 : memref<128x128xf32, #tpu.memory_space<vmem>>) dst(%dma_wait3A_122 : memref<10000x128xf32, #tpu.memory_space<vmem_shared>>)
          tpu.yield
        }) : () -> ()
      } else {
      }
      %scan3A_89 = arith.constant 0 : i32
      scf.yield %scan3A_89 : i32
    }
    %scan3A_25 = arith.constant 157 : i32
    %barrier3A_26 = arith.constant 0 : index
    tpu.barrier barrier_id(%barrier3A_26)
    %add3A_27 = arith.constant 0 : i32
    %add3A_28 = arith.addi %mul3A_0, %add3A_27 : i32
    %run_scoped3A = arith.constant 0 : i32
    "tpu.region"() ({
      %run_scoped3A_80 = tpu.sem_alloc : memref<!tpu.dma_semaphore, #tpu.memory_space<semaphore_mem>>
      %dma_start3A = arith.constant 0 : i32
      %dma_start3A_81 = tpu.memref_slice %arg6[%run_scoped3A, %arg0, %add3A_28, %dma_start3A] : memref<2x2x10000x128xf32, #tpu.memory_space<hbm>> -> memref<1x1x208x128xf32, #tpu.memory_space<hbm>>
      %dma_start3A_82 = tpu.memref_squeeze %dma_start3A_81 : memref<1x1x208x128xf32, #tpu.memory_space<hbm>> -> memref<208x128xf32, #tpu.memory_space<hbm>>
      %dma_start3A_83 = arith.constant 0 : i32
      %dma_start3A_84 = tpu.memref_slice %arg12[%add3A_28, %dma_start3A_83] : memref<10000x128xf32, #tpu.memory_space<vmem_shared>> -> memref<208x128xf32, #tpu.memory_space<vmem_shared>>
      tpu.enqueue_dma source(%dma_start3A_84 : memref<208x128xf32, #tpu.memory_space<vmem_shared>>) target(%dma_start3A_82 : memref<208x128xf32, #tpu.memory_space<hbm>>) target_semaphore(%run_scoped3A_80 : memref<!tpu.dma_semaphore, #tpu.memory_space<semaphore_mem>>)
      %dma_wait3A = arith.constant 0 : i32
      %dma_wait3A_85 = tpu.memref_slice %arg6[%run_scoped3A, %arg0, %add3A_28, %dma_wait3A] : memref<2x2x10000x128xf32, #tpu.memory_space<hbm>> -> memref<1x1x208x128xf32, #tpu.memory_space<hbm>>
      %dma_wait3A_86 = tpu.memref_squeeze %dma_wait3A_85 : memref<1x1x208x128xf32, #tpu.memory_space<hbm>> -> memref<208x128xf32, #tpu.memory_space<hbm>>
      %dma_wait3A_87 = arith.constant 0 : i32
      %dma_wait3A_88 = tpu.memref_slice %arg12[%add3A_28, %dma_wait3A_87] : memref<10000x128xf32, #tpu.memory_space<vmem_shared>> -> memref<208x128xf32, #tpu.memory_space<vmem_shared>>
      tpu.wait_dma2 semaphore(%run_scoped3A_80 : memref<!tpu.dma_semaphore, #tpu.memory_space<semaphore_mem>>) src(%dma_wait3A_88 : memref<208x128xf32, #tpu.memory_space<vmem_shared>>) dst(%dma_wait3A_86 : memref<208x128xf32, #tpu.memory_space<hbm>>)
      tpu.yield
    }) : () -> ()
    %add3A_29 = arith.constant 208 : i32
    %add3A_30 = arith.addi %mul3A_0, %add3A_29 : i32
    %run_scoped3A_31 = arith.constant 0 : i32
    "tpu.region"() ({
      %run_scoped3A_80 = tpu.sem_alloc : memref<!tpu.dma_semaphore, #tpu.memory_space<semaphore_mem>>
      %dma_start3A = arith.constant 0 : i32
      %dma_start3A_81 = tpu.memref_slice %arg6[%run_scoped3A_31, %arg0, %add3A_30, %dma_start3A] : memref<2x2x10000x128xf32, #tpu.memory_space<hbm>> -> memref<1x1x208x128xf32, #tpu.memory_space<hbm>>
      %dma_start3A_82 = tpu.memref_squeeze %dma_start3A_81 : memref<1x1x208x128xf32, #tpu.memory_space<hbm>> -> memref<208x128xf32, #tpu.memory_space<hbm>>
      %dma_start3A_83 = arith.constant 0 : i32
      %dma_start3A_84 = tpu.memref_slice %arg12[%add3A_30, %dma_start3A_83] : memref<10000x128xf32, #tpu.memory_space<vmem_shared>> -> memref<208x128xf32, #tpu.memory_space<vmem_shared>>
      tpu.enqueue_dma source(%dma_start3A_84 : memref<208x128xf32, #tpu.memory_space<vmem_shared>>) target(%dma_start3A_82 : memref<208x128xf32, #tpu.memory_space<hbm>>) target_semaphore(%run_scoped3A_80 : memref<!tpu.dma_semaphore, #tpu.memory_space<semaphore_mem>>)
      %dma_wait3A = arith.constant 0 : i32
      %dma_wait3A_85 = tpu.memref_slice %arg6[%run_scoped3A_31, %arg0, %add3A_30, %dma_wait3A] : memref<2x2x10000x128xf32, #tpu.memory_space<hbm>> -> memref<1x1x208x128xf32, #tpu.memory_space<hbm>>
      %dma_wait3A_86 = tpu.memref_squeeze %dma_wait3A_85 : memref<1x1x208x128xf32, #tpu.memory_space<hbm>> -> memref<208x128xf32, #tpu.memory_space<hbm>>
      %dma_wait3A_87 = arith.constant 0 : i32
      %dma_wait3A_88 = tpu.memref_slice %arg12[%add3A_30, %dma_wait3A_87] : memref<10000x128xf32, #tpu.memory_space<vmem_shared>> -> memref<208x128xf32, #tpu.memory_space<vmem_shared>>
      tpu.wait_dma2 semaphore(%run_scoped3A_80 : memref<!tpu.dma_semaphore, #tpu.memory_space<semaphore_mem>>) src(%dma_wait3A_88 : memref<208x128xf32, #tpu.memory_space<vmem_shared>>) dst(%dma_wait3A_86 : memref<208x128xf32, #tpu.memory_space<hbm>>)
      tpu.yield
    }) : () -> ()
    %add3A_32 = arith.constant 416 : i32
    %add3A_33 = arith.addi %mul3A_0, %add3A_32 : i32
    %run_scoped3A_34 = arith.constant 0 : i32
    "tpu.region"() ({
      %run_scoped3A_80 = tpu.sem_alloc : memref<!tpu.dma_semaphore, #tpu.memory_space<semaphore_mem>>
      %dma_start3A = arith.constant 0 : i32
      %dma_start3A_81 = tpu.memref_slice %arg6[%run_scoped3A_34, %arg0, %add3A_33, %dma_start3A] : memref<2x2x10000x128xf32, #tpu.memory_space<hbm>> -> memref<1x1x208x128xf32, #tpu.memory_space<hbm>>
      %dma_start3A_82 = tpu.memref_squeeze %dma_start3A_81 : memref<1x1x208x128xf32, #tpu.memory_space<hbm>> -> memref<208x128xf32, #tpu.memory_space<hbm>>
      %dma_start3A_83 = arith.constant 0 : i32
      %dma_start3A_84 = tpu.memref_slice %arg12[%add3A_33, %dma_start3A_83] : memref<10000x128xf32, #tpu.memory_space<vmem_shared>> -> memref<208x128xf32, #tpu.memory_space<vmem_shared>>
      tpu.enqueue_dma source(%dma_start3A_84 : memref<208x128xf32, #tpu.memory_space<vmem_shared>>) target(%dma_start3A_82 : memref<208x128xf32, #tpu.memory_space<hbm>>) target_semaphore(%run_scoped3A_80 : memref<!tpu.dma_semaphore, #tpu.memory_space<semaphore_mem>>)
      %dma_wait3A = arith.constant 0 : i32
      %dma_wait3A_85 = tpu.memref_slice %arg6[%run_scoped3A_34, %arg0, %add3A_33, %dma_wait3A] : memref<2x2x10000x128xf32, #tpu.memory_space<hbm>> -> memref<1x1x208x128xf32, #tpu.memory_space<hbm>>
      %dma_wait3A_86 = tpu.memref_squeeze %dma_wait3A_85 : memref<1x1x208x128xf32, #tpu.memory_space<hbm>> -> memref<208x128xf32, #tpu.memory_space<hbm>>
      %dma_wait3A_87 = arith.constant 0 : i32
      %dma_wait3A_88 = tpu.memref_slice %arg12[%add3A_33, %dma_wait3A_87] : memref<10000x128xf32, #tpu.memory_space<vmem_shared>> -> memref<208x128xf32, #tpu.memory_space<vmem_shared>>
      tpu.wait_dma2 semaphore(%run_scoped3A_80 : memref<!tpu.dma_semaphore, #tpu.memory_space<semaphore_mem>>) src(%dma_wait3A_88 : memref<208x128xf32, #tpu.memory_space<vmem_shared>>) dst(%dma_wait3A_86 : memref<208x128xf32, #tpu.memory_space<hbm>>)
      tpu.yield
    }) : () -> ()
    %eq3A_35 = arith.constant 15 : i32
    %eq3A_36 = arith.cmpi eq, %arg1, %eq3A_35 : i32
    %convert_element_type3A_37 = arith.extui %eq3A_36 : i1 to i32
    %cond3A_38 = arith.constant 0 : i32
    %cond3A_39 = arith.cmpi ne, %convert_element_type3A_37, %cond3A_38 : i32
    scf.if %cond3A_39 {
      %run_scoped3A_80 = arith.constant 0 : i32
      "tpu.region"() ({
        %run_scoped3A_81 = tpu.sem_alloc : memref<!tpu.dma_semaphore, #tpu.memory_space<semaphore_mem>>
        %dma_start3A = arith.constant 9984 : i32
        %dma_start3A_82 = arith.constant 0 : i32
        %dma_start3A_83 = tpu.memref_slice %arg6[%run_scoped3A_80, %arg0, %dma_start3A, %dma_start3A_82] : memref<2x2x10000x128xf32, #tpu.memory_space<hbm>> -> memref<1x1x16x128xf32, #tpu.memory_space<hbm>>
        %dma_start3A_84 = tpu.memref_squeeze %dma_start3A_83 : memref<1x1x16x128xf32, #tpu.memory_space<hbm>> -> memref<16x128xf32, #tpu.memory_space<hbm>>
        %dma_start3A_85 = arith.constant 9984 : i32
        %dma_start3A_86 = arith.constant 0 : i32
        %dma_start3A_87 = tpu.memref_slice %arg12[%dma_start3A_85, %dma_start3A_86] : memref<10000x128xf32, #tpu.memory_space<vmem_shared>> -> memref<16x128xf32, #tpu.memory_space<vmem_shared>>
        tpu.enqueue_dma source(%dma_start3A_87 : memref<16x128xf32, #tpu.memory_space<vmem_shared>>) target(%dma_start3A_84 : memref<16x128xf32, #tpu.memory_space<hbm>>) target_semaphore(%run_scoped3A_81 : memref<!tpu.dma_semaphore, #tpu.memory_space<semaphore_mem>>)
        %dma_wait3A = arith.constant 9984 : i32
        %dma_wait3A_88 = arith.constant 0 : i32
        %dma_wait3A_89 = tpu.memref_slice %arg6[%run_scoped3A_80, %arg0, %dma_wait3A, %dma_wait3A_88] : memref<2x2x10000x128xf32, #tpu.memory_space<hbm>> -> memref<1x1x16x128xf32, #tpu.memory_space<hbm>>
        %dma_wait3A_90 = tpu.memref_squeeze %dma_wait3A_89 : memref<1x1x16x128xf32, #tpu.memory_space<hbm>> -> memref<16x128xf32, #tpu.memory_space<hbm>>
        %dma_wait3A_91 = arith.constant 9984 : i32
        %dma_wait3A_92 = arith.constant 0 : i32
        %dma_wait3A_93 = tpu.memref_slice %arg12[%dma_wait3A_91, %dma_wait3A_92] : memref<10000x128xf32, #tpu.memory_space<vmem_shared>> -> memref<16x128xf32, #tpu.memory_space<vmem_shared>>
        tpu.wait_dma2 semaphore(%run_scoped3A_81 : memref<!tpu.dma_semaphore, #tpu.memory_space<semaphore_mem>>) src(%dma_wait3A_93 : memref<16x128xf32, #tpu.memory_space<vmem_shared>>) dst(%dma_wait3A_90 : memref<16x128xf32, #tpu.memory_space<hbm>>)
        tpu.yield
      }) : () -> ()
    } else {
    }
    %barrier3A_40 = arith.constant 0 : index
    tpu.barrier barrier_id(%barrier3A_40)
    %add3A_41 = arith.constant 0 : i32
    %add3A_42 = arith.addi %mul3A_0, %add3A_41 : i32
    "tpu.region"() ({
      %run_scoped3A_80 = tpu.sem_alloc : memref<!tpu.dma_semaphore, #tpu.memory_space<semaphore_mem>>
      %dma_start3A = arith.constant 0 : i32
      %dma_start3A_81 = tpu.memref_slice %arg12[%add3A_42, %dma_start3A] : memref<10000x128xf32, #tpu.memory_space<vmem_shared>> -> memref<208x128xf32, #tpu.memory_space<vmem_shared>>
      %dma_start3A_82 = arith.constant 0 : i32
      %dma_start3A_83 = tpu.memref_slice %arg12[%add3A_42, %dma_start3A_82] : memref<10000x128xf32, #tpu.memory_space<vmem_shared>> -> memref<208x128xf32, #tpu.memory_space<vmem_shared>>
      tpu.enqueue_dma source(%arg11 : memref<208x128xf32, #tpu.memory_space<vmem>>) target(%dma_start3A_83 : memref<208x128xf32, #tpu.memory_space<vmem_shared>>) target_semaphore(%run_scoped3A_80 : memref<!tpu.dma_semaphore, #tpu.memory_space<semaphore_mem>>)
      %dma_wait3A = arith.constant 0 : i32
      %dma_wait3A_84 = tpu.memref_slice %arg12[%add3A_42, %dma_wait3A] : memref<10000x128xf32, #tpu.memory_space<vmem_shared>> -> memref<208x128xf32, #tpu.memory_space<vmem_shared>>
      %dma_wait3A_85 = arith.constant 0 : i32
      %dma_wait3A_86 = tpu.memref_slice %arg12[%add3A_42, %dma_wait3A_85] : memref<10000x128xf32, #tpu.memory_space<vmem_shared>> -> memref<208x128xf32, #tpu.memory_space<vmem_shared>>
      tpu.wait_dma2 semaphore(%run_scoped3A_80 : memref<!tpu.dma_semaphore, #tpu.memory_space<semaphore_mem>>) src(%arg11 : memref<208x128xf32, #tpu.memory_space<vmem>>) dst(%dma_wait3A_86 : memref<208x128xf32, #tpu.memory_space<vmem_shared>>)
      tpu.yield
    }) : () -> ()
    %add3A_43 = arith.constant 208 : i32
    %add3A_44 = arith.addi %mul3A_0, %add3A_43 : i32
    "tpu.region"() ({
      %run_scoped3A_80 = tpu.sem_alloc : memref<!tpu.dma_semaphore, #tpu.memory_space<semaphore_mem>>
      %dma_start3A = arith.constant 0 : i32
      %dma_start3A_81 = tpu.memref_slice %arg12[%add3A_44, %dma_start3A] : memref<10000x128xf32, #tpu.memory_space<vmem_shared>> -> memref<208x128xf32, #tpu.memory_space<vmem_shared>>
      %dma_start3A_82 = arith.constant 0 : i32
      %dma_start3A_83 = tpu.memref_slice %arg12[%add3A_44, %dma_start3A_82] : memref<10000x128xf32, #tpu.memory_space<vmem_shared>> -> memref<208x128xf32, #tpu.memory_space<vmem_shared>>
      tpu.enqueue_dma source(%arg11 : memref<208x128xf32, #tpu.memory_space<vmem>>) target(%dma_start3A_83 : memref<208x128xf32, #tpu.memory_space<vmem_shared>>) target_semaphore(%run_scoped3A_80 : memref<!tpu.dma_semaphore, #tpu.memory_space<semaphore_mem>>)
      %dma_wait3A = arith.constant 0 : i32
      %dma_wait3A_84 = tpu.memref_slice %arg12[%add3A_44, %dma_wait3A] : memref<10000x128xf32, #tpu.memory_space<vmem_shared>> -> memref<208x128xf32, #tpu.memory_space<vmem_shared>>
      %dma_wait3A_85 = arith.constant 0 : i32
      %dma_wait3A_86 = tpu.memref_slice %arg12[%add3A_44, %dma_wait3A_85] : memref<10000x128xf32, #tpu.memory_space<vmem_shared>> -> memref<208x128xf32, #tpu.memory_space<vmem_shared>>
      tpu.wait_dma2 semaphore(%run_scoped3A_80 : memref<!tpu.dma_semaphore, #tpu.memory_space<semaphore_mem>>) src(%arg11 : memref<208x128xf32, #tpu.memory_space<vmem>>) dst(%dma_wait3A_86 : memref<208x128xf32, #tpu.memory_space<vmem_shared>>)
      tpu.yield
    }) : () -> ()
    %add3A_45 = arith.constant 416 : i32
    %add3A_46 = arith.addi %mul3A_0, %add3A_45 : i32
    "tpu.region"() ({
      %run_scoped3A_80 = tpu.sem_alloc : memref<!tpu.dma_semaphore, #tpu.memory_space<semaphore_mem>>
      %dma_start3A = arith.constant 0 : i32
      %dma_start3A_81 = tpu.memref_slice %arg12[%add3A_46, %dma_start3A] : memref<10000x128xf32, #tpu.memory_space<vmem_shared>> -> memref<208x128xf32, #tpu.memory_space<vmem_shared>>
      %dma_start3A_82 = arith.constant 0 : i32
      %dma_start3A_83 = tpu.memref_slice %arg12[%add3A_46, %dma_start3A_82] : memref<10000x128xf32, #tpu.memory_space<vmem_shared>> -> memref<208x128xf32, #tpu.memory_space<vmem_shared>>
      tpu.enqueue_dma source(%arg11 : memref<208x128xf32, #tpu.memory_space<vmem>>) target(%dma_start3A_83 : memref<208x128xf32, #tpu.memory_space<vmem_shared>>) target_semaphore(%run_scoped3A_80 : memref<!tpu.dma_semaphore, #tpu.memory_space<semaphore_mem>>)
      %dma_wait3A = arith.constant 0 : i32
      %dma_wait3A_84 = tpu.memref_slice %arg12[%add3A_46, %dma_wait3A] : memref<10000x128xf32, #tpu.memory_space<vmem_shared>> -> memref<208x128xf32, #tpu.memory_space<vmem_shared>>
      %dma_wait3A_85 = arith.constant 0 : i32
      %dma_wait3A_86 = tpu.memref_slice %arg12[%add3A_46, %dma_wait3A_85] : memref<10000x128xf32, #tpu.memory_space<vmem_shared>> -> memref<208x128xf32, #tpu.memory_space<vmem_shared>>
      tpu.wait_dma2 semaphore(%run_scoped3A_80 : memref<!tpu.dma_semaphore, #tpu.memory_space<semaphore_mem>>) src(%arg11 : memref<208x128xf32, #tpu.memory_space<vmem>>) dst(%dma_wait3A_86 : memref<208x128xf32, #tpu.memory_space<vmem_shared>>)
      tpu.yield
    }) : () -> ()
    %eq3A_47 = arith.constant 15 : i32
    %eq3A_48 = arith.cmpi eq, %arg1, %eq3A_47 : i32
    %convert_element_type3A_49 = arith.extui %eq3A_48 : i1 to i32
    %cond3A_50 = arith.constant 0 : i32
    %cond3A_51 = arith.cmpi ne, %convert_element_type3A_49, %cond3A_50 : i32
    scf.if %cond3A_51 {
      "tpu.region"() ({
        %run_scoped3A_80 = tpu.sem_alloc : memref<!tpu.dma_semaphore, #tpu.memory_space<semaphore_mem>>
        %dma_start3A = arith.constant 0 : i32
        %dma_start3A_81 = arith.constant 0 : i32
        %dma_start3A_82 = tpu.memref_slice %arg11[%dma_start3A, %dma_start3A_81] : memref<208x128xf32, #tpu.memory_space<vmem>> -> memref<16x128xf32, #tpu.memory_space<vmem>>
        %dma_start3A_83 = arith.constant 9984 : i32
        %dma_start3A_84 = arith.constant 0 : i32
        %dma_start3A_85 = tpu.memref_slice %arg12[%dma_start3A_83, %dma_start3A_84] : memref<10000x128xf32, #tpu.memory_space<vmem_shared>> -> memref<16x128xf32, #tpu.memory_space<vmem_shared>>
        %dma_start3A_86 = arith.constant 9984 : i32
        %dma_start3A_87 = arith.constant 0 : i32
        %dma_start3A_88 = tpu.memref_slice %arg12[%dma_start3A_86, %dma_start3A_87] : memref<10000x128xf32, #tpu.memory_space<vmem_shared>> -> memref<16x128xf32, #tpu.memory_space<vmem_shared>>
        %dma_start3A_89 = arith.constant 0 : i32
        %dma_start3A_90 = arith.constant 0 : i32
        %dma_start3A_91 = tpu.memref_slice %arg11[%dma_start3A_89, %dma_start3A_90] : memref<208x128xf32, #tpu.memory_space<vmem>> -> memref<16x128xf32, #tpu.memory_space<vmem>>
        tpu.enqueue_dma source(%dma_start3A_91 : memref<16x128xf32, #tpu.memory_space<vmem>>) target(%dma_start3A_88 : memref<16x128xf32, #tpu.memory_space<vmem_shared>>) target_semaphore(%run_scoped3A_80 : memref<!tpu.dma_semaphore, #tpu.memory_space<semaphore_mem>>)
        %dma_wait3A = arith.constant 0 : i32
        %dma_wait3A_92 = arith.constant 0 : i32
        %dma_wait3A_93 = tpu.memref_slice %arg11[%dma_wait3A, %dma_wait3A_92] : memref<208x128xf32, #tpu.memory_space<vmem>> -> memref<16x128xf32, #tpu.memory_space<vmem>>
        %dma_wait3A_94 = arith.constant 9984 : i32
        %dma_wait3A_95 = arith.constant 0 : i32
        %dma_wait3A_96 = tpu.memref_slice %arg12[%dma_wait3A_94, %dma_wait3A_95] : memref<10000x128xf32, #tpu.memory_space<vmem_shared>> -> memref<16x128xf32, #tpu.memory_space<vmem_shared>>
        %dma_wait3A_97 = arith.constant 9984 : i32
        %dma_wait3A_98 = arith.constant 0 : i32
        %dma_wait3A_99 = tpu.memref_slice %arg12[%dma_wait3A_97, %dma_wait3A_98] : memref<10000x128xf32, #tpu.memory_space<vmem_shared>> -> memref<16x128xf32, #tpu.memory_space<vmem_shared>>
        %dma_wait3A_100 = arith.constant 0 : i32
        %dma_wait3A_101 = arith.constant 0 : i32
        %dma_wait3A_102 = tpu.memref_slice %arg11[%dma_wait3A_100, %dma_wait3A_101] : memref<208x128xf32, #tpu.memory_space<vmem>> -> memref<16x128xf32, #tpu.memory_space<vmem>>
        tpu.wait_dma2 semaphore(%run_scoped3A_80 : memref<!tpu.dma_semaphore, #tpu.memory_space<semaphore_mem>>) src(%dma_wait3A_102 : memref<16x128xf32, #tpu.memory_space<vmem>>) dst(%dma_wait3A_99 : memref<16x128xf32, #tpu.memory_space<vmem_shared>>)
        tpu.yield
      }) : () -> ()
    } else {
    }
    %barrier3A_52 = arith.constant 0 : index
    tpu.barrier barrier_id(%barrier3A_52)
    %add3A_53 = arith.constant 2 : i32
    %add3A_54 = arith.addi %add3A_53, %arg0 : i32
    %mul3A_55 = arith.constant 320000 : i32
    %mul3A_56 = arith.muli %add3A_54, %mul3A_55 : i32
    %scan3A_57 = arith.constant 0 : i32
    %scan3A_58 = arith.constant 0 : i32
    %scan3A_59 = arith.constant 157 : i32
    %scan3A_60 = arith.addi %scan3A_58, %scan3A_59 : i32
    %scan3A_61 = arith.constant 1 : i32
    %scan3A_62 = scf.for %scan3A_80 = %scan3A_58 to %scan3A_60 step %scan3A_61 iter_args(%scan3A_81 = %scan3A_57) -> (i32)  : i32 {
      %mul3A_82 = arith.constant 16 : i32
      %mul3A_83 = arith.muli %mul3A_82, %scan3A_80 : i32
      %add3A_84 = arith.addi %arg1, %mul3A_83 : i32
      %lt3A = arith.constant 2500 : i32
      %lt3A_85 = arith.cmpi slt, %add3A_84, %lt3A : i32
      %convert_element_type3A_86 = arith.extui %lt3A_85 : i1 to i32
      %cond3A_87 = arith.constant 0 : i32
      %cond3A_88 = arith.cmpi ne, %convert_element_type3A_86, %cond3A_87 : i32
      scf.if %cond3A_88 {
        %mul3A_90 = arith.constant 128 : i32
        %mul3A_91 = arith.muli %add3A_84, %mul3A_90 : i32
        %add3A_92 = arith.addi %mul3A_56, %mul3A_91 : i32
        %dma_start3A = tpu.memref_slice %arg3[%add3A_92] : memref<1280000xi32, #tpu.memory_space<hbm>> -> memref<128xi32, #tpu.memory_space<hbm>>
        %dma_start3A_93 = tpu.memref_slice %arg3[%add3A_92] : memref<1280000xi32, #tpu.memory_space<hbm>> -> memref<128xi32, #tpu.memory_space<hbm>>
        tpu.enqueue_dma source(%dma_start3A_93 : memref<128xi32, #tpu.memory_space<hbm>>) target(%arg7 : memref<128xi32, #tpu.memory_space<vmem>>) target_semaphore(%arg14 : memref<!tpu.dma_semaphore, #tpu.memory_space<semaphore_mem>>)
        %dma_start3A_94 = tpu.memref_slice %arg4[%add3A_92] : memref<1280000xi32, #tpu.memory_space<hbm>> -> memref<128xi32, #tpu.memory_space<hbm>>
        %dma_start3A_95 = tpu.memref_slice %arg4[%add3A_92] : memref<1280000xi32, #tpu.memory_space<hbm>> -> memref<128xi32, #tpu.memory_space<hbm>>
        tpu.enqueue_dma source(%dma_start3A_95 : memref<128xi32, #tpu.memory_space<hbm>>) target(%arg8 : memref<128xi32, #tpu.memory_space<vmem>>) target_semaphore(%arg14 : memref<!tpu.dma_semaphore, #tpu.memory_space<semaphore_mem>>)
        %dma_start3A_96 = tpu.memref_slice %arg5[%add3A_92] : memref<1280000xf32, #tpu.memory_space<hbm>> -> memref<128xf32, #tpu.memory_space<hbm>>
        %dma_start3A_97 = tpu.memref_slice %arg5[%add3A_92] : memref<1280000xf32, #tpu.memory_space<hbm>> -> memref<128xf32, #tpu.memory_space<hbm>>
        tpu.enqueue_dma source(%dma_start3A_97 : memref<128xf32, #tpu.memory_space<hbm>>) target(%arg9 : memref<128xf32, #tpu.memory_space<vmem>>) target_semaphore(%arg14 : memref<!tpu.dma_semaphore, #tpu.memory_space<semaphore_mem>>)
        %dma_wait3A = tpu.memref_slice %arg3[%add3A_92] : memref<1280000xi32, #tpu.memory_space<hbm>> -> memref<128xi32, #tpu.memory_space<hbm>>
        %dma_wait3A_98 = tpu.memref_slice %arg3[%add3A_92] : memref<1280000xi32, #tpu.memory_space<hbm>> -> memref<128xi32, #tpu.memory_space<hbm>>
        tpu.wait_dma2 semaphore(%arg14 : memref<!tpu.dma_semaphore, #tpu.memory_space<semaphore_mem>>) src(%dma_wait3A_98 : memref<128xi32, #tpu.memory_space<hbm>>) dst(%arg7 : memref<128xi32, #tpu.memory_space<vmem>>)
        %dma_wait3A_99 = tpu.memref_slice %arg4[%add3A_92] : memref<1280000xi32, #tpu.memory_space<hbm>> -> memref<128xi32, #tpu.memory_space<hbm>>
        %dma_wait3A_100 = tpu.memref_slice %arg4[%add3A_92] : memref<1280000xi32, #tpu.memory_space<hbm>> -> memref<128xi32, #tpu.memory_space<hbm>>
        tpu.wait_dma2 semaphore(%arg14 : memref<!tpu.dma_semaphore, #tpu.memory_space<semaphore_mem>>) src(%dma_wait3A_100 : memref<128xi32, #tpu.memory_space<hbm>>) dst(%arg8 : memref<128xi32, #tpu.memory_space<vmem>>)
        %dma_wait3A_101 = tpu.memref_slice %arg5[%add3A_92] : memref<1280000xf32, #tpu.memory_space<hbm>> -> memref<128xf32, #tpu.memory_space<hbm>>
        %dma_wait3A_102 = tpu.memref_slice %arg5[%add3A_92] : memref<1280000xf32, #tpu.memory_space<hbm>> -> memref<128xf32, #tpu.memory_space<hbm>>
        tpu.wait_dma2 semaphore(%arg14 : memref<!tpu.dma_semaphore, #tpu.memory_space<semaphore_mem>>) src(%dma_wait3A_102 : memref<128xf32, #tpu.memory_space<hbm>>) dst(%arg9 : memref<128xf32, #tpu.memory_space<vmem>>)
        %dma_start3A_103 = arith.constant 0 : i32
        %dma_start3A_104 = arith.constant 0 : i32
        %dma_start3A_105 = tpu.memref_slice %arg2[%dma_start3A_103, %dma_start3A_104] : memref<20000x128xf32, #tpu.memory_space<hbm>> -> memref<20000x128xf32, #tpu.memory_space<hbm>>
        tpu.enqueue_indirect_dma source(%dma_start3A_105 : memref<20000x128xf32, #tpu.memory_space<hbm>>) target(%arg10 : memref<128x128xf32, #tpu.memory_space<vmem>>) offsets(%arg8 : memref<128xi32, #tpu.memory_space<vmem>>) semaphore(%arg13 : memref<!tpu.dma_semaphore, #tpu.memory_space<semaphore_mem>>)
        %dma_wait3A_106 = arith.constant 0 : i32
        %dma_wait3A_107 = arith.constant 0 : i32
        %dma_wait3A_108 = tpu.memref_slice %arg2[%dma_wait3A_106, %dma_wait3A_107] : memref<20000x128xf32, #tpu.memory_space<hbm>> -> memref<20000x128xf32, #tpu.memory_space<hbm>>
        tpu.wait_indirect_dma semaphore(%arg13 : memref<!tpu.dma_semaphore, #tpu.memory_space<semaphore_mem>>) src(%dma_wait3A_108 : memref<20000x128xf32, #tpu.memory_space<hbm>>) dst(%arg10 : memref<128x128xf32, #tpu.memory_space<vmem>>)
        %scan3A_109 = arith.constant 0 : i32
        %scan3A_110 = arith.constant 0 : i32
        %scan3A_111 = arith.constant 8 : i32
        %scan3A_112 = arith.addi %scan3A_110, %scan3A_111 : i32
        %scan3A_113 = arith.constant 1 : i32
        %scan3A_114 = scf.for %scan3A_116 = %scan3A_110 to %scan3A_112 step %scan3A_113 iter_args(%scan3A_117 = %scan3A_109) -> (i32)  : i32 {
          %mul3A_118 = arith.constant 16 : i32
          %mul3A_119 = arith.muli %mul3A_118, %scan3A_116 : i32
          %get3A = arith.index_cast %mul3A_119 : i32 to index
          %get3A_120 = tpu.vector_load %arg9[%get3A] {strides = array<i32>} : memref<128xf32, #tpu.memory_space<vmem>>, vector<16xf32>,
          %get3A_121 = vector.shape_cast %get3A_120 : vector<16xf32> to vector<16xf32>
          %slice3A = vector.extract_strided_slice %get3A_121 {offsets = [0], sizes = [1], strides = [1]} : vector<16xf32> to vector<1xf32>
          %squeeze3A = vector.extract %slice3A[0] : f32 from vector<1xf32>
          %broadcast_in_dim3A_122 = vector.broadcast %squeeze3A : f32 to vector<16xf32>
          %mul3A_123 = arith.constant 16 : i32
          %mul3A_124 = arith.muli %mul3A_123, %scan3A_116 : i32
          %add3A_125 = arith.constant 0 : i32
          %add3A_126 = arith.addi %mul3A_124, %add3A_125 : i32
          %get3A_127 = arith.index_cast %add3A_126 : i32 to index
          %get3A_128 = arith.constant 0 : index
          %get3A_129 = tpu.vector_load %arg10[%get3A_127, %get3A_128] {strides = array<i32>} : memref<128x128xf32, #tpu.memory_space<vmem>>, vector<1x16xf32>,
          %get3A_130 = vector.shape_cast %get3A_129 : vector<1x16xf32> to vector<16xf32>
          %mul3A_131 = arith.mulf %get3A_130, %broadcast_in_dim3A_122 : vector<16xf32>
          %swap3A = arith.index_cast %add3A_126 : i32 to index
          %swap3A_132 = arith.constant 0 : index
          %swap3A_133 = tpu.vector_load %arg10[%swap3A, %swap3A_132] {strides = array<i32>} : memref<128x128xf32, #tpu.memory_space<vmem>>, vector<1x16xf32>,
          %swap3A_134 = vector.shape_cast %swap3A_133 : vector<1x16xf32> to vector<16xf32>
          %swap3A_135 = vector.shape_cast %mul3A_131 : vector<16xf32> to vector<1x16xf32>
          tpu.vector_store %arg10[%swap3A, %swap3A_132], %swap3A_135 {strides = array<i32>} : memref<128x128xf32, #tpu.memory_space<vmem>>, vector<1x16xf32>,
          %get3A_136 = arith.index_cast %add3A_126 : i32 to index
          %get3A_137 = arith.constant 16 : index
          %get3A_138 = tpu.vector_load %arg10[%get3A_136, %get3A_137] {strides = array<i32>} : memref<128x128xf32, #tpu.memory_space<vmem>>, vector<1x16xf32>,
          %get3A_139 = vector.shape_cast %get3A_138 : vector<1x16xf32> to vector<16xf32>
          %mul3A_140 = arith.mulf %get3A_139, %broadcast_in_dim3A_122 : vector<16xf32>
          %swap3A_141 = arith.index_cast %add3A_126 : i32 to index
          %swap3A_142 = arith.constant 16 : index
          %swap3A_143 = tpu.vector_load %arg10[%swap3A_141, %swap3A_142] {strides = array<i32>} : memref<128x128xf32, #tpu.memory_space<vmem>>, vector<1x16xf32>,
          %swap3A_144 = vector.shape_cast %swap3A_143 : vector<1x16xf32> to vector<16xf32>
          %swap3A_145 = vector.shape_cast %mul3A_140 : vector<16xf32> to vector<1x16xf32>
          tpu.vector_store %arg10[%swap3A_141, %swap3A_142], %swap3A_145 {strides = array<i32>} : memref<128x128xf32, #tpu.memory_space<vmem>>, vector<1x16xf32>,
          %get3A_146 = arith.index_cast %add3A_126 : i32 to index
          %get3A_147 = arith.constant 32 : index
          %get3A_148 = tpu.vector_load %arg10[%get3A_146, %get3A_147] {strides = array<i32>} : memref<128x128xf32, #tpu.memory_space<vmem>>, vector<1x16xf32>,
          %get3A_149 = vector.shape_cast %get3A_148 : vector<1x16xf32> to vector<16xf32>
          %mul3A_150 = arith.mulf %get3A_149, %broadcast_in_dim3A_122 : vector<16xf32>
          %swap3A_151 = arith.index_cast %add3A_126 : i32 to index
          %swap3A_152 = arith.constant 32 : index
          %swap3A_153 = tpu.vector_load %arg10[%swap3A_151, %swap3A_152] {strides = array<i32>} : memref<128x128xf32, #tpu.memory_space<vmem>>, vector<1x16xf32>,
          %swap3A_154 = vector.shape_cast %swap3A_153 : vector<1x16xf32> to vector<16xf32>
          %swap3A_155 = vector.shape_cast %mul3A_150 : vector<16xf32> to vector<1x16xf32>
          tpu.vector_store %arg10[%swap3A_151, %swap3A_152], %swap3A_155 {strides = array<i32>} : memref<128x128xf32, #tpu.memory_space<vmem>>, vector<1x16xf32>,
          %get3A_156 = arith.index_cast %add3A_126 : i32 to index
          %get3A_157 = arith.constant 48 : index
          %get3A_158 = tpu.vector_load %arg10[%get3A_156, %get3A_157] {strides = array<i32>} : memref<128x128xf32, #tpu.memory_space<vmem>>, vector<1x16xf32>,
          %get3A_159 = vector.shape_cast %get3A_158 : vector<1x16xf32> to vector<16xf32>
          %mul3A_160 = arith.mulf %get3A_159, %broadcast_in_dim3A_122 : vector<16xf32>
          %swap3A_161 = arith.index_cast %add3A_126 : i32 to index
          %swap3A_162 = arith.constant 48 : index
          %swap3A_163 = tpu.vector_load %arg10[%swap3A_161, %swap3A_162] {strides = array<i32>} : memref<128x128xf32, #tpu.memory_space<vmem>>, vector<1x16xf32>,
          %swap3A_164 = vector.shape_cast %swap3A_163 : vector<1x16xf32> to vector<16xf32>
          %swap3A_165 = vector.shape_cast %mul3A_160 : vector<16xf32> to vector<1x16xf32>
          tpu.vector_store %arg10[%swap3A_161, %swap3A_162], %swap3A_165 {strides = array<i32>} : memref<128x128xf32, #tpu.memory_space<vmem>>, vector<1x16xf32>,
          %get3A_166 = arith.index_cast %add3A_126 : i32 to index
          %get3A_167 = arith.constant 64 : index
          %get3A_168 = tpu.vector_load %arg10[%get3A_166, %get3A_167] {strides = array<i32>} : memref<128x128xf32, #tpu.memory_space<vmem>>, vector<1x16xf32>,
          %get3A_169 = vector.shape_cast %get3A_168 : vector<1x16xf32> to vector<16xf32>
          %mul3A_170 = arith.mulf %get3A_169, %broadcast_in_dim3A_122 : vector<16xf32>
          %swap3A_171 = arith.index_cast %add3A_126 : i32 to index
          %swap3A_172 = arith.constant 64 : index
          %swap3A_173 = tpu.vector_load %arg10[%swap3A_171, %swap3A_172] {strides = array<i32>} : memref<128x128xf32, #tpu.memory_space<vmem>>, vector<1x16xf32>,
          %swap3A_174 = vector.shape_cast %swap3A_173 : vector<1x16xf32> to vector<16xf32>
          %swap3A_175 = vector.shape_cast %mul3A_170 : vector<16xf32> to vector<1x16xf32>
          tpu.vector_store %arg10[%swap3A_171, %swap3A_172], %swap3A_175 {strides = array<i32>} : memref<128x128xf32, #tpu.memory_space<vmem>>, vector<1x16xf32>,
          %get3A_176 = arith.index_cast %add3A_126 : i32 to index
          %get3A_177 = arith.constant 80 : index
          %get3A_178 = tpu.vector_load %arg10[%get3A_176, %get3A_177] {strides = array<i32>} : memref<128x128xf32, #tpu.memory_space<vmem>>, vector<1x16xf32>,
          %get3A_179 = vector.shape_cast %get3A_178 : vector<1x16xf32> to vector<16xf32>
          %mul3A_180 = arith.mulf %get3A_179, %broadcast_in_dim3A_122 : vector<16xf32>
          %swap3A_181 = arith.index_cast %add3A_126 : i32 to index
          %swap3A_182 = arith.constant 80 : index
          %swap3A_183 = tpu.vector_load %arg10[%swap3A_181, %swap3A_182] {strides = array<i32>} : memref<128x128xf32, #tpu.memory_space<vmem>>, vector<1x16xf32>,
          %swap3A_184 = vector.shape_cast %swap3A_183 : vector<1x16xf32> to vector<16xf32>
          %swap3A_185 = vector.shape_cast %mul3A_180 : vector<16xf32> to vector<1x16xf32>
          tpu.vector_store %arg10[%swap3A_181, %swap3A_182], %swap3A_185 {strides = array<i32>} : memref<128x128xf32, #tpu.memory_space<vmem>>, vector<1x16xf32>,
          %get3A_186 = arith.index_cast %add3A_126 : i32 to index
          %get3A_187 = arith.constant 96 : index
          %get3A_188 = tpu.vector_load %arg10[%get3A_186, %get3A_187] {strides = array<i32>} : memref<128x128xf32, #tpu.memory_space<vmem>>, vector<1x16xf32>,
          %get3A_189 = vector.shape_cast %get3A_188 : vector<1x16xf32> to vector<16xf32>
          %mul3A_190 = arith.mulf %get3A_189, %broadcast_in_dim3A_122 : vector<16xf32>
          %swap3A_191 = arith.index_cast %add3A_126 : i32 to index
          %swap3A_192 = arith.constant 96 : index
          %swap3A_193 = tpu.vector_load %arg10[%swap3A_191, %swap3A_192] {strides = array<i32>} : memref<128x128xf32, #tpu.memory_space<vmem>>, vector<1x16xf32>,
          %swap3A_194 = vector.shape_cast %swap3A_193 : vector<1x16xf32> to vector<16xf32>
          %swap3A_195 = vector.shape_cast %mul3A_190 : vector<16xf32> to vector<1x16xf32>
          tpu.vector_store %arg10[%swap3A_191, %swap3A_192], %swap3A_195 {strides = array<i32>} : memref<128x128xf32, #tpu.memory_space<vmem>>, vector<1x16xf32>,
          %get3A_196 = arith.index_cast %add3A_126 : i32 to index
          %get3A_197 = arith.constant 112 : index
          %get3A_198 = tpu.vector_load %arg10[%get3A_196, %get3A_197] {strides = array<i32>} : memref<128x128xf32, #tpu.memory_space<vmem>>, vector<1x16xf32>,
          %get3A_199 = vector.shape_cast %get3A_198 : vector<1x16xf32> to vector<16xf32>
          %mul3A_200 = arith.mulf %get3A_199, %broadcast_in_dim3A_122 : vector<16xf32>
          %swap3A_201 = arith.index_cast %add3A_126 : i32 to index
          %swap3A_202 = arith.constant 112 : index
          %swap3A_203 = tpu.vector_load %arg10[%swap3A_201, %swap3A_202] {strides = array<i32>} : memref<128x128xf32, #tpu.memory_space<vmem>>, vector<1x16xf32>,
          %swap3A_204 = vector.shape_cast %swap3A_203 : vector<1x16xf32> to vector<16xf32>
          %swap3A_205 = vector.shape_cast %mul3A_200 : vector<16xf32> to vector<1x16xf32>
          tpu.vector_store %arg10[%swap3A_201, %swap3A_202], %swap3A_205 {strides = array<i32>} : memref<128x128xf32, #tpu.memory_space<vmem>>, vector<1x16xf32>,
          %slice3A_206 = vector.extract_strided_slice %get3A_121 {offsets = [1], sizes = [1], strides = [1]} : vector<16xf32> to vector<1xf32>
          %squeeze3A_207 = vector.extract %slice3A_206[0] : f32 from vector<1xf32>
          %broadcast_in_dim3A_208 = vector.broadcast %squeeze3A_207 : f32 to vector<16xf32>
          %mul3A_209 = arith.constant 16 : i32
          %mul3A_210 = arith.muli %mul3A_209, %scan3A_116 : i32
          %add3A_211 = arith.constant 1 : i32
          %add3A_212 = arith.addi %mul3A_210, %add3A_211 : i32
          %get3A_213 = arith.index_cast %add3A_212 : i32 to index
          %get3A_214 = arith.constant 0 : index
          %get3A_215 = tpu.vector_load %arg10[%get3A_213, %get3A_214] {strides = array<i32>} : memref<128x128xf32, #tpu.memory_space<vmem>>, vector<1x16xf32>,
          %get3A_216 = vector.shape_cast %get3A_215 : vector<1x16xf32> to vector<16xf32>
          %mul3A_217 = arith.mulf %get3A_216, %broadcast_in_dim3A_208 : vector<16xf32>
          %swap3A_218 = arith.index_cast %add3A_212 : i32 to index
          %swap3A_219 = arith.constant 0 : index
          %swap3A_220 = tpu.vector_load %arg10[%swap3A_218, %swap3A_219] {strides = array<i32>} : memref<128x128xf32, #tpu.memory_space<vmem>>, vector<1x16xf32>,
          %swap3A_221 = vector.shape_cast %swap3A_220 : vector<1x16xf32> to vector<16xf32>
          %swap3A_222 = vector.shape_cast %mul3A_217 : vector<16xf32> to vector<1x16xf32>
          tpu.vector_store %arg10[%swap3A_218, %swap3A_219], %swap3A_222 {strides = array<i32>} : memref<128x128xf32, #tpu.memory_space<vmem>>, vector<1x16xf32>,
          %get3A_223 = arith.index_cast %add3A_212 : i32 to index
          %get3A_224 = arith.constant 16 : index
          %get3A_225 = tpu.vector_load %arg10[%get3A_223, %get3A_224] {strides = array<i32>} : memref<128x128xf32, #tpu.memory_space<vmem>>, vector<1x16xf32>,
          %get3A_226 = vector.shape_cast %get3A_225 : vector<1x16xf32> to vector<16xf32>
          %mul3A_227 = arith.mulf %get3A_226, %broadcast_in_dim3A_208 : vector<16xf32>
          %swap3A_228 = arith.index_cast %add3A_212 : i32 to index
          %swap3A_229 = arith.constant 16 : index
          %swap3A_230 = tpu.vector_load %arg10[%swap3A_228, %swap3A_229] {strides = array<i32>} : memref<128x128xf32, #tpu.memory_space<vmem>>, vector<1x16xf32>,
          %swap3A_231 = vector.shape_cast %swap3A_230 : vector<1x16xf32> to vector<16xf32>
          %swap3A_232 = vector.shape_cast %mul3A_227 : vector<16xf32> to vector<1x16xf32>
          tpu.vector_store %arg10[%swap3A_228, %swap3A_229], %swap3A_232 {strides = array<i32>} : memref<128x128xf32, #tpu.memory_space<vmem>>, vector<1x16xf32>,
          %get3A_233 = arith.index_cast %add3A_212 : i32 to index
          %get3A_234 = arith.constant 32 : index
          %get3A_235 = tpu.vector_load %arg10[%get3A_233, %get3A_234] {strides = array<i32>} : memref<128x128xf32, #tpu.memory_space<vmem>>, vector<1x16xf32>,
          %get3A_236 = vector.shape_cast %get3A_235 : vector<1x16xf32> to vector<16xf32>
          %mul3A_237 = arith.mulf %get3A_236, %broadcast_in_dim3A_208 : vector<16xf32>
          %swap3A_238 = arith.index_cast %add3A_212 : i32 to index
          %swap3A_239 = arith.constant 32 : index
          %swap3A_240 = tpu.vector_load %arg10[%swap3A_238, %swap3A_239] {strides = array<i32>} : memref<128x128xf32, #tpu.memory_space<vmem>>, vector<1x16xf32>,
          %swap3A_241 = vector.shape_cast %swap3A_240 : vector<1x16xf32> to vector<16xf32>
          %swap3A_242 = vector.shape_cast %mul3A_237 : vector<16xf32> to vector<1x16xf32>
          tpu.vector_store %arg10[%swap3A_238, %swap3A_239], %swap3A_242 {strides = array<i32>} : memref<128x128xf32, #tpu.memory_space<vmem>>, vector<1x16xf32>,
          %get3A_243 = arith.index_cast %add3A_212 : i32 to index
          %get3A_244 = arith.constant 48 : index
          %get3A_245 = tpu.vector_load %arg10[%get3A_243, %get3A_244] {strides = array<i32>} : memref<128x128xf32, #tpu.memory_space<vmem>>, vector<1x16xf32>,
          %get3A_246 = vector.shape_cast %get3A_245 : vector<1x16xf32> to vector<16xf32>
          %mul3A_247 = arith.mulf %get3A_246, %broadcast_in_dim3A_208 : vector<16xf32>
          %swap3A_248 = arith.index_cast %add3A_212 : i32 to index
          %swap3A_249 = arith.constant 48 : index
          %swap3A_250 = tpu.vector_load %arg10[%swap3A_248, %swap3A_249] {strides = array<i32>} : memref<128x128xf32, #tpu.memory_space<vmem>>, vector<1x16xf32>,
          %swap3A_251 = vector.shape_cast %swap3A_250 : vector<1x16xf32> to vector<16xf32>
          %swap3A_252 = vector.shape_cast %mul3A_247 : vector<16xf32> to vector<1x16xf32>
          tpu.vector_store %arg10[%swap3A_248, %swap3A_249], %swap3A_252 {strides = array<i32>} : memref<128x128xf32, #tpu.memory_space<vmem>>, vector<1x16xf32>,
          %get3A_253 = arith.index_cast %add3A_212 : i32 to index
          %get3A_254 = arith.constant 64 : index
          %get3A_255 = tpu.vector_load %arg10[%get3A_253, %get3A_254] {strides = array<i32>} : memref<128x128xf32, #tpu.memory_space<vmem>>, vector<1x16xf32>,
          %get3A_256 = vector.shape_cast %get3A_255 : vector<1x16xf32> to vector<16xf32>
          %mul3A_257 = arith.mulf %get3A_256, %broadcast_in_dim3A_208 : vector<16xf32>
          %swap3A_258 = arith.index_cast %add3A_212 : i32 to index
          %swap3A_259 = arith.constant 64 : index
          %swap3A_260 = tpu.vector_load %arg10[%swap3A_258, %swap3A_259] {strides = array<i32>} : memref<128x128xf32, #tpu.memory_space<vmem>>, vector<1x16xf32>,
          %swap3A_261 = vector.shape_cast %swap3A_260 : vector<1x16xf32> to vector<16xf32>
          %swap3A_262 = vector.shape_cast %mul3A_257 : vector<16xf32> to vector<1x16xf32>
          tpu.vector_store %arg10[%swap3A_258, %swap3A_259], %swap3A_262 {strides = array<i32>} : memref<128x128xf32, #tpu.memory_space<vmem>>, vector<1x16xf32>,
          %get3A_263 = arith.index_cast %add3A_212 : i32 to index
          %get3A_264 = arith.constant 80 : index
          %get3A_265 = tpu.vector_load %arg10[%get3A_263, %get3A_264] {strides = array<i32>} : memref<128x128xf32, #tpu.memory_space<vmem>>, vector<1x16xf32>,
          %get3A_266 = vector.shape_cast %get3A_265 : vector<1x16xf32> to vector<16xf32>
          %mul3A_267 = arith.mulf %get3A_266, %broadcast_in_dim3A_208 : vector<16xf32>
          %swap3A_268 = arith.index_cast %add3A_212 : i32 to index
          %swap3A_269 = arith.constant 80 : index
          %swap3A_270 = tpu.vector_load %arg10[%swap3A_268, %swap3A_269] {strides = array<i32>} : memref<128x128xf32, #tpu.memory_space<vmem>>, vector<1x16xf32>,
          %swap3A_271 = vector.shape_cast %swap3A_270 : vector<1x16xf32> to vector<16xf32>
          %swap3A_272 = vector.shape_cast %mul3A_267 : vector<16xf32> to vector<1x16xf32>
          tpu.vector_store %arg10[%swap3A_268, %swap3A_269], %swap3A_272 {strides = array<i32>} : memref<128x128xf32, #tpu.memory_space<vmem>>, vector<1x16xf32>,
          %get3A_273 = arith.index_cast %add3A_212 : i32 to index
          %get3A_274 = arith.constant 96 : index
          %get3A_275 = tpu.vector_load %arg10[%get3A_273, %get3A_274] {strides = array<i32>} : memref<128x128xf32, #tpu.memory_space<vmem>>, vector<1x16xf32>,
          %get3A_276 = vector.shape_cast %get3A_275 : vector<1x16xf32> to vector<16xf32>
          %mul3A_277 = arith.mulf %get3A_276, %broadcast_in_dim3A_208 : vector<16xf32>
          %swap3A_278 = arith.index_cast %add3A_212 : i32 to index
          %swap3A_279 = arith.constant 96 : index
          %swap3A_280 = tpu.vector_load %arg10[%swap3A_278, %swap3A_279] {strides = array<i32>} : memref<128x128xf32, #tpu.memory_space<vmem>>, vector<1x16xf32>,
          %swap3A_281 = vector.shape_cast %swap3A_280 : vector<1x16xf32> to vector<16xf32>
          %swap3A_282 = vector.shape_cast %mul3A_277 : vector<16xf32> to vector<1x16xf32>
          tpu.vector_store %arg10[%swap3A_278, %swap3A_279], %swap3A_282 {strides = array<i32>} : memref<128x128xf32, #tpu.memory_space<vmem>>, vector<1x16xf32>,
          %get3A_283 = arith.index_cast %add3A_212 : i32 to index
          %get3A_284 = arith.constant 112 : index
          %get3A_285 = tpu.vector_load %arg10[%get3A_283, %get3A_284] {strides = array<i32>} : memref<128x128xf32, #tpu.memory_space<vmem>>, vector<1x16xf32>,
          %get3A_286 = vector.shape_cast %get3A_285 : vector<1x16xf32> to vector<16xf32>
          %mul3A_287 = arith.mulf %get3A_286, %broadcast_in_dim3A_208 : vector<16xf32>
          %swap3A_288 = arith.index_cast %add3A_212 : i32 to index
          %swap3A_289 = arith.constant 112 : index
          %swap3A_290 = tpu.vector_load %arg10[%swap3A_288, %swap3A_289] {strides = array<i32>} : memref<128x128xf32, #tpu.memory_space<vmem>>, vector<1x16xf32>,
          %swap3A_291 = vector.shape_cast %swap3A_290 : vector<1x16xf32> to vector<16xf32>
          %swap3A_292 = vector.shape_cast %mul3A_287 : vector<16xf32> to vector<1x16xf32>
          tpu.vector_store %arg10[%swap3A_288, %swap3A_289], %swap3A_292 {strides = array<i32>} : memref<128x128xf32, #tpu.memory_space<vmem>>, vector<1x16xf32>,
          %slice3A_293 = vector.extract_strided_slice %get3A_121 {offsets = [2], sizes = [1], strides = [1]} : vector<16xf32> to vector<1xf32>
          %squeeze3A_294 = vector.extract %slice3A_293[0] : f32 from vector<1xf32>
          %broadcast_in_dim3A_295 = vector.broadcast %squeeze3A_294 : f32 to vector<16xf32>
          %mul3A_296 = arith.constant 16 : i32
          %mul3A_297 = arith.muli %mul3A_296, %scan3A_116 : i32
          %add3A_298 = arith.constant 2 : i32
          %add3A_299 = arith.addi %mul3A_297, %add3A_298 : i32
          %get3A_300 = arith.index_cast %add3A_299 : i32 to index
          %get3A_301 = arith.constant 0 : index
          %get3A_302 = tpu.vector_load %arg10[%get3A_300, %get3A_301] {strides = array<i32>} : memref<128x128xf32, #tpu.memory_space<vmem>>, vector<1x16xf32>,
          %get3A_303 = vector.shape_cast %get3A_302 : vector<1x16xf32> to vector<16xf32>
          %mul3A_304 = arith.mulf %get3A_303, %broadcast_in_dim3A_295 : vector<16xf32>
          %swap3A_305 = arith.index_cast %add3A_299 : i32 to index
          %swap3A_306 = arith.constant 0 : index
          %swap3A_307 = tpu.vector_load %arg10[%swap3A_305, %swap3A_306] {strides = array<i32>} : memref<128x128xf32, #tpu.memory_space<vmem>>, vector<1x16xf32>,
          %swap3A_308 = vector.shape_cast %swap3A_307 : vector<1x16xf32> to vector<16xf32>
          %swap3A_309 = vector.shape_cast %mul3A_304 : vector<16xf32> to vector<1x16xf32>
          tpu.vector_store %arg10[%swap3A_305, %swap3A_306], %swap3A_309 {strides = array<i32>} : memref<128x128xf32, #tpu.memory_space<vmem>>, vector<1x16xf32>,
          %get3A_310 = arith.index_cast %add3A_299 : i32 to index
          %get3A_311 = arith.constant 16 : index
          %get3A_312 = tpu.vector_load %arg10[%get3A_310, %get3A_311] {strides = array<i32>} : memref<128x128xf32, #tpu.memory_space<vmem>>, vector<1x16xf32>,
          %get3A_313 = vector.shape_cast %get3A_312 : vector<1x16xf32> to vector<16xf32>
          %mul3A_314 = arith.mulf %get3A_313, %broadcast_in_dim3A_295 : vector<16xf32>
          %swap3A_315 = arith.index_cast %add3A_299 : i32 to index
          %swap3A_316 = arith.constant 16 : index
          %swap3A_317 = tpu.vector_load %arg10[%swap3A_315, %swap3A_316] {strides = array<i32>} : memref<128x128xf32, #tpu.memory_space<vmem>>, vector<1x16xf32>,
          %swap3A_318 = vector.shape_cast %swap3A_317 : vector<1x16xf32> to vector<16xf32>
          %swap3A_319 = vector.shape_cast %mul3A_314 : vector<16xf32> to vector<1x16xf32>
          tpu.vector_store %arg10[%swap3A_315, %swap3A_316], %swap3A_319 {strides = array<i32>} : memref<128x128xf32, #tpu.memory_space<vmem>>, vector<1x16xf32>,
          %get3A_320 = arith.index_cast %add3A_299 : i32 to index
          %get3A_321 = arith.constant 32 : index
          %get3A_322 = tpu.vector_load %arg10[%get3A_320, %get3A_321] {strides = array<i32>} : memref<128x128xf32, #tpu.memory_space<vmem>>, vector<1x16xf32>,
          %get3A_323 = vector.shape_cast %get3A_322 : vector<1x16xf32> to vector<16xf32>
          %mul3A_324 = arith.mulf %get3A_323, %broadcast_in_dim3A_295 : vector<16xf32>
          %swap3A_325 = arith.index_cast %add3A_299 : i32 to index
          %swap3A_326 = arith.constant 32 : index
          %swap3A_327 = tpu.vector_load %arg10[%swap3A_325, %swap3A_326] {strides = array<i32>} : memref<128x128xf32, #tpu.memory_space<vmem>>, vector<1x16xf32>,
          %swap3A_328 = vector.shape_cast %swap3A_327 : vector<1x16xf32> to vector<16xf32>
          %swap3A_329 = vector.shape_cast %mul3A_324 : vector<16xf32> to vector<1x16xf32>
          tpu.vector_store %arg10[%swap3A_325, %swap3A_326], %swap3A_329 {strides = array<i32>} : memref<128x128xf32, #tpu.memory_space<vmem>>, vector<1x16xf32>,
          %get3A_330 = arith.index_cast %add3A_299 : i32 to index
          %get3A_331 = arith.constant 48 : index
          %get3A_332 = tpu.vector_load %arg10[%get3A_330, %get3A_331] {strides = array<i32>} : memref<128x128xf32, #tpu.memory_space<vmem>>, vector<1x16xf32>,
          %get3A_333 = vector.shape_cast %get3A_332 : vector<1x16xf32> to vector<16xf32>
          %mul3A_334 = arith.mulf %get3A_333, %broadcast_in_dim3A_295 : vector<16xf32>
          %swap3A_335 = arith.index_cast %add3A_299 : i32 to index
          %swap3A_336 = arith.constant 48 : index
          %swap3A_337 = tpu.vector_load %arg10[%swap3A_335, %swap3A_336] {strides = array<i32>} : memref<128x128xf32, #tpu.memory_space<vmem>>, vector<1x16xf32>,
          %swap3A_338 = vector.shape_cast %swap3A_337 : vector<1x16xf32> to vector<16xf32>
          %swap3A_339 = vector.shape_cast %mul3A_334 : vector<16xf32> to vector<1x16xf32>
          tpu.vector_store %arg10[%swap3A_335, %swap3A_336], %swap3A_339 {strides = array<i32>} : memref<128x128xf32, #tpu.memory_space<vmem>>, vector<1x16xf32>,
          %get3A_340 = arith.index_cast %add3A_299 : i32 to index
          %get3A_341 = arith.constant 64 : index
          %get3A_342 = tpu.vector_load %arg10[%get3A_340, %get3A_341] {strides = array<i32>} : memref<128x128xf32, #tpu.memory_space<vmem>>, vector<1x16xf32>,
          %get3A_343 = vector.shape_cast %get3A_342 : vector<1x16xf32> to vector<16xf32>
          %mul3A_344 = arith.mulf %get3A_343, %broadcast_in_dim3A_295 : vector<16xf32>
          %swap3A_345 = arith.index_cast %add3A_299 : i32 to index
          %swap3A_346 = arith.constant 64 : index
          %swap3A_347 = tpu.vector_load %arg10[%swap3A_345, %swap3A_346] {strides = array<i32>} : memref<128x128xf32, #tpu.memory_space<vmem>>, vector<1x16xf32>,
          %swap3A_348 = vector.shape_cast %swap3A_347 : vector<1x16xf32> to vector<16xf32>
          %swap3A_349 = vector.shape_cast %mul3A_344 : vector<16xf32> to vector<1x16xf32>
          tpu.vector_store %arg10[%swap3A_345, %swap3A_346], %swap3A_349 {strides = array<i32>} : memref<128x128xf32, #tpu.memory_space<vmem>>, vector<1x16xf32>,
          %get3A_350 = arith.index_cast %add3A_299 : i32 to index
          %get3A_351 = arith.constant 80 : index
          %get3A_352 = tpu.vector_load %arg10[%get3A_350, %get3A_351] {strides = array<i32>} : memref<128x128xf32, #tpu.memory_space<vmem>>, vector<1x16xf32>,
          %get3A_353 = vector.shape_cast %get3A_352 : vector<1x16xf32> to vector<16xf32>
          %mul3A_354 = arith.mulf %get3A_353, %broadcast_in_dim3A_295 : vector<16xf32>
          %swap3A_355 = arith.index_cast %add3A_299 : i32 to index
          %swap3A_356 = arith.constant 80 : index
          %swap3A_357 = tpu.vector_load %arg10[%swap3A_355, %swap3A_356] {strides = array<i32>} : memref<128x128xf32, #tpu.memory_space<vmem>>, vector<1x16xf32>,
          %swap3A_358 = vector.shape_cast %swap3A_357 : vector<1x16xf32> to vector<16xf32>
          %swap3A_359 = vector.shape_cast %mul3A_354 : vector<16xf32> to vector<1x16xf32>
          tpu.vector_store %arg10[%swap3A_355, %swap3A_356], %swap3A_359 {strides = array<i32>} : memref<128x128xf32, #tpu.memory_space<vmem>>, vector<1x16xf32>,
          %get3A_360 = arith.index_cast %add3A_299 : i32 to index
          %get3A_361 = arith.constant 96 : index
          %get3A_362 = tpu.vector_load %arg10[%get3A_360, %get3A_361] {strides = array<i32>} : memref<128x128xf32, #tpu.memory_space<vmem>>, vector<1x16xf32>,
          %get3A_363 = vector.shape_cast %get3A_362 : vector<1x16xf32> to vector<16xf32>
          %mul3A_364 = arith.mulf %get3A_363, %broadcast_in_dim3A_295 : vector<16xf32>
          %swap3A_365 = arith.index_cast %add3A_299 : i32 to index
          %swap3A_366 = arith.constant 96 : index
          %swap3A_367 = tpu.vector_load %arg10[%swap3A_365, %swap3A_366] {strides = array<i32>} : memref<128x128xf32, #tpu.memory_space<vmem>>, vector<1x16xf32>,
          %swap3A_368 = vector.shape_cast %swap3A_367 : vector<1x16xf32> to vector<16xf32>
          %swap3A_369 = vector.shape_cast %mul3A_364 : vector<16xf32> to vector<1x16xf32>
          tpu.vector_store %arg10[%swap3A_365, %swap3A_366], %swap3A_369 {strides = array<i32>} : memref<128x128xf32, #tpu.memory_space<vmem>>, vector<1x16xf32>,
          %get3A_370 = arith.index_cast %add3A_299 : i32 to index
          %get3A_371 = arith.constant 112 : index
          %get3A_372 = tpu.vector_load %arg10[%get3A_370, %get3A_371] {strides = array<i32>} : memref<128x128xf32, #tpu.memory_space<vmem>>, vector<1x16xf32>,
          %get3A_373 = vector.shape_cast %get3A_372 : vector<1x16xf32> to vector<16xf32>
          %mul3A_374 = arith.mulf %get3A_373, %broadcast_in_dim3A_295 : vector<16xf32>
          %swap3A_375 = arith.index_cast %add3A_299 : i32 to index
          %swap3A_376 = arith.constant 112 : index
          %swap3A_377 = tpu.vector_load %arg10[%swap3A_375, %swap3A_376] {strides = array<i32>} : memref<128x128xf32, #tpu.memory_space<vmem>>, vector<1x16xf32>,
          %swap3A_378 = vector.shape_cast %swap3A_377 : vector<1x16xf32> to vector<16xf32>
          %swap3A_379 = vector.shape_cast %mul3A_374 : vector<16xf32> to vector<1x16xf32>
          tpu.vector_store %arg10[%swap3A_375, %swap3A_376], %swap3A_379 {strides = array<i32>} : memref<128x128xf32, #tpu.memory_space<vmem>>, vector<1x16xf32>,
          %slice3A_380 = vector.extract_strided_slice %get3A_121 {offsets = [3], sizes = [1], strides = [1]} : vector<16xf32> to vector<1xf32>
          %squeeze3A_381 = vector.extract %slice3A_380[0] : f32 from vector<1xf32>
          %broadcast_in_dim3A_382 = vector.broadcast %squeeze3A_381 : f32 to vector<16xf32>
          %mul3A_383 = arith.constant 16 : i32
          %mul3A_384 = arith.muli %mul3A_383, %scan3A_116 : i32
          %add3A_385 = arith.constant 3 : i32
          %add3A_386 = arith.addi %mul3A_384, %add3A_385 : i32
          %get3A_387 = arith.index_cast %add3A_386 : i32 to index
          %get3A_388 = arith.constant 0 : index
          %get3A_389 = tpu.vector_load %arg10[%get3A_387, %get3A_388] {strides = array<i32>} : memref<128x128xf32, #tpu.memory_space<vmem>>, vector<1x16xf32>,
          %get3A_390 = vector.shape_cast %get3A_389 : vector<1x16xf32> to vector<16xf32>
          %mul3A_391 = arith.mulf %get3A_390, %broadcast_in_dim3A_382 : vector<16xf32>
          %swap3A_392 = arith.index_cast %add3A_386 : i32 to index
          %swap3A_393 = arith.constant 0 : index
          %swap3A_394 = tpu.vector_load %arg10[%swap3A_392, %swap3A_393] {strides = array<i32>} : memref<128x128xf32, #tpu.memory_space<vmem>>, vector<1x16xf32>,
          %swap3A_395 = vector.shape_cast %swap3A_394 : vector<1x16xf32> to vector<16xf32>
          %swap3A_396 = vector.shape_cast %mul3A_391 : vector<16xf32> to vector<1x16xf32>
          tpu.vector_store %arg10[%swap3A_392, %swap3A_393], %swap3A_396 {strides = array<i32>} : memref<128x128xf32, #tpu.memory_space<vmem>>, vector<1x16xf32>,
          %get3A_397 = arith.index_cast %add3A_386 : i32 to index
          %get3A_398 = arith.constant 16 : index
          %get3A_399 = tpu.vector_load %arg10[%get3A_397, %get3A_398] {strides = array<i32>} : memref<128x128xf32, #tpu.memory_space<vmem>>, vector<1x16xf32>,
          %get3A_400 = vector.shape_cast %get3A_399 : vector<1x16xf32> to vector<16xf32>
          %mul3A_401 = arith.mulf %get3A_400, %broadcast_in_dim3A_382 : vector<16xf32>
          %swap3A_402 = arith.index_cast %add3A_386 : i32 to index
          %swap3A_403 = arith.constant 16 : index
          %swap3A_404 = tpu.vector_load %arg10[%swap3A_402, %swap3A_403] {strides = array<i32>} : memref<128x128xf32, #tpu.memory_space<vmem>>, vector<1x16xf32>,
          %swap3A_405 = vector.shape_cast %swap3A_404 : vector<1x16xf32> to vector<16xf32>
          %swap3A_406 = vector.shape_cast %mul3A_401 : vector<16xf32> to vector<1x16xf32>
          tpu.vector_store %arg10[%swap3A_402, %swap3A_403], %swap3A_406 {strides = array<i32>} : memref<128x128xf32, #tpu.memory_space<vmem>>, vector<1x16xf32>,
          %get3A_407 = arith.index_cast %add3A_386 : i32 to index
          %get3A_408 = arith.constant 32 : index
          %get3A_409 = tpu.vector_load %arg10[%get3A_407, %get3A_408] {strides = array<i32>} : memref<128x128xf32, #tpu.memory_space<vmem>>, vector<1x16xf32>,
          %get3A_410 = vector.shape_cast %get3A_409 : vector<1x16xf32> to vector<16xf32>
          %mul3A_411 = arith.mulf %get3A_410, %broadcast_in_dim3A_382 : vector<16xf32>
          %swap3A_412 = arith.index_cast %add3A_386 : i32 to index
          %swap3A_413 = arith.constant 32 : index
          %swap3A_414 = tpu.vector_load %arg10[%swap3A_412, %swap3A_413] {strides = array<i32>} : memref<128x128xf32, #tpu.memory_space<vmem>>, vector<1x16xf32>,
          %swap3A_415 = vector.shape_cast %swap3A_414 : vector<1x16xf32> to vector<16xf32>
          %swap3A_416 = vector.shape_cast %mul3A_411 : vector<16xf32> to vector<1x16xf32>
          tpu.vector_store %arg10[%swap3A_412, %swap3A_413], %swap3A_416 {strides = array<i32>} : memref<128x128xf32, #tpu.memory_space<vmem>>, vector<1x16xf32>,
          %get3A_417 = arith.index_cast %add3A_386 : i32 to index
          %get3A_418 = arith.constant 48 : index
          %get3A_419 = tpu.vector_load %arg10[%get3A_417, %get3A_418] {strides = array<i32>} : memref<128x128xf32, #tpu.memory_space<vmem>>, vector<1x16xf32>,
          %get3A_420 = vector.shape_cast %get3A_419 : vector<1x16xf32> to vector<16xf32>
          %mul3A_421 = arith.mulf %get3A_420, %broadcast_in_dim3A_382 : vector<16xf32>
          %swap3A_422 = arith.index_cast %add3A_386 : i32 to index
          %swap3A_423 = arith.constant 48 : index
          %swap3A_424 = tpu.vector_load %arg10[%swap3A_422, %swap3A_423] {strides = array<i32>} : memref<128x128xf32, #tpu.memory_space<vmem>>, vector<1x16xf32>,
          %swap3A_425 = vector.shape_cast %swap3A_424 : vector<1x16xf32> to vector<16xf32>
          %swap3A_426 = vector.shape_cast %mul3A_421 : vector<16xf32> to vector<1x16xf32>
          tpu.vector_store %arg10[%swap3A_422, %swap3A_423], %swap3A_426 {strides = array<i32>} : memref<128x128xf32, #tpu.memory_space<vmem>>, vector<1x16xf32>,
          %get3A_427 = arith.index_cast %add3A_386 : i32 to index
          %get3A_428 = arith.constant 64 : index
          %get3A_429 = tpu.vector_load %arg10[%get3A_427, %get3A_428] {strides = array<i32>} : memref<128x128xf32, #tpu.memory_space<vmem>>, vector<1x16xf32>,
          %get3A_430 = vector.shape_cast %get3A_429 : vector<1x16xf32> to vector<16xf32>
          %mul3A_431 = arith.mulf %get3A_430, %broadcast_in_dim3A_382 : vector<16xf32>
          %swap3A_432 = arith.index_cast %add3A_386 : i32 to index
          %swap3A_433 = arith.constant 64 : index
          %swap3A_434 = tpu.vector_load %arg10[%swap3A_432, %swap3A_433] {strides = array<i32>} : memref<128x128xf32, #tpu.memory_space<vmem>>, vector<1x16xf32>,
          %swap3A_435 = vector.shape_cast %swap3A_434 : vector<1x16xf32> to vector<16xf32>
          %swap3A_436 = vector.shape_cast %mul3A_431 : vector<16xf32> to vector<1x16xf32>
          tpu.vector_store %arg10[%swap3A_432, %swap3A_433], %swap3A_436 {strides = array<i32>} : memref<128x128xf32, #tpu.memory_space<vmem>>, vector<1x16xf32>,
          %get3A_437 = arith.index_cast %add3A_386 : i32 to index
          %get3A_438 = arith.constant 80 : index
          %get3A_439 = tpu.vector_load %arg10[%get3A_437, %get3A_438] {strides = array<i32>} : memref<128x128xf32, #tpu.memory_space<vmem>>, vector<1x16xf32>,
          %get3A_440 = vector.shape_cast %get3A_439 : vector<1x16xf32> to vector<16xf32>
          %mul3A_441 = arith.mulf %get3A_440, %broadcast_in_dim3A_382 : vector<16xf32>
          %swap3A_442 = arith.index_cast %add3A_386 : i32 to index
          %swap3A_443 = arith.constant 80 : index
          %swap3A_444 = tpu.vector_load %arg10[%swap3A_442, %swap3A_443] {strides = array<i32>} : memref<128x128xf32, #tpu.memory_space<vmem>>, vector<1x16xf32>,
          %swap3A_445 = vector.shape_cast %swap3A_444 : vector<1x16xf32> to vector<16xf32>
          %swap3A_446 = vector.shape_cast %mul3A_441 : vector<16xf32> to vector<1x16xf32>
          tpu.vector_store %arg10[%swap3A_442, %swap3A_443], %swap3A_446 {strides = array<i32>} : memref<128x128xf32, #tpu.memory_space<vmem>>, vector<1x16xf32>,
          %get3A_447 = arith.index_cast %add3A_386 : i32 to index
          %get3A_448 = arith.constant 96 : index
          %get3A_449 = tpu.vector_load %arg10[%get3A_447, %get3A_448] {strides = array<i32>} : memref<128x128xf32, #tpu.memory_space<vmem>>, vector<1x16xf32>,
          %get3A_450 = vector.shape_cast %get3A_449 : vector<1x16xf32> to vector<16xf32>
          %mul3A_451 = arith.mulf %get3A_450, %broadcast_in_dim3A_382 : vector<16xf32>
          %swap3A_452 = arith.index_cast %add3A_386 : i32 to index
          %swap3A_453 = arith.constant 96 : index
          %swap3A_454 = tpu.vector_load %arg10[%swap3A_452, %swap3A_453] {strides = array<i32>} : memref<128x128xf32, #tpu.memory_space<vmem>>, vector<1x16xf32>,
          %swap3A_455 = vector.shape_cast %swap3A_454 : vector<1x16xf32> to vector<16xf32>
          %swap3A_456 = vector.shape_cast %mul3A_451 : vector<16xf32> to vector<1x16xf32>
          tpu.vector_store %arg10[%swap3A_452, %swap3A_453], %swap3A_456 {strides = array<i32>} : memref<128x128xf32, #tpu.memory_space<vmem>>, vector<1x16xf32>,
          %get3A_457 = arith.index_cast %add3A_386 : i32 to index
          %get3A_458 = arith.constant 112 : index
          %get3A_459 = tpu.vector_load %arg10[%get3A_457, %get3A_458] {strides = array<i32>} : memref<128x128xf32, #tpu.memory_space<vmem>>, vector<1x16xf32>,
          %get3A_460 = vector.shape_cast %get3A_459 : vector<1x16xf32> to vector<16xf32>
          %mul3A_461 = arith.mulf %get3A_460, %broadcast_in_dim3A_382 : vector<16xf32>
          %swap3A_462 = arith.index_cast %add3A_386 : i32 to index
          %swap3A_463 = arith.constant 112 : index
          %swap3A_464 = tpu.vector_load %arg10[%swap3A_462, %swap3A_463] {strides = array<i32>} : memref<128x128xf32, #tpu.memory_space<vmem>>, vector<1x16xf32>,
          %swap3A_465 = vector.shape_cast %swap3A_464 : vector<1x16xf32> to vector<16xf32>
          %swap3A_466 = vector.shape_cast %mul3A_461 : vector<16xf32> to vector<1x16xf32>
          tpu.vector_store %arg10[%swap3A_462, %swap3A_463], %swap3A_466 {strides = array<i32>} : memref<128x128xf32, #tpu.memory_space<vmem>>, vector<1x16xf32>,
          %slice3A_467 = vector.extract_strided_slice %get3A_121 {offsets = [4], sizes = [1], strides = [1]} : vector<16xf32> to vector<1xf32>
          %squeeze3A_468 = vector.extract %slice3A_467[0] : f32 from vector<1xf32>
          %broadcast_in_dim3A_469 = vector.broadcast %squeeze3A_468 : f32 to vector<16xf32>
          %mul3A_470 = arith.constant 16 : i32
          %mul3A_471 = arith.muli %mul3A_470, %scan3A_116 : i32
          %add3A_472 = arith.constant 4 : i32
          %add3A_473 = arith.addi %mul3A_471, %add3A_472 : i32
          %get3A_474 = arith.index_cast %add3A_473 : i32 to index
          %get3A_475 = arith.constant 0 : index
          %get3A_476 = tpu.vector_load %arg10[%get3A_474, %get3A_475] {strides = array<i32>} : memref<128x128xf32, #tpu.memory_space<vmem>>, vector<1x16xf32>,
          %get3A_477 = vector.shape_cast %get3A_476 : vector<1x16xf32> to vector<16xf32>
          %mul3A_478 = arith.mulf %get3A_477, %broadcast_in_dim3A_469 : vector<16xf32>
          %swap3A_479 = arith.index_cast %add3A_473 : i32 to index
          %swap3A_480 = arith.constant 0 : index
          %swap3A_481 = tpu.vector_load %arg10[%swap3A_479, %swap3A_480] {strides = array<i32>} : memref<128x128xf32, #tpu.memory_space<vmem>>, vector<1x16xf32>,
          %swap3A_482 = vector.shape_cast %swap3A_481 : vector<1x16xf32> to vector<16xf32>
          %swap3A_483 = vector.shape_cast %mul3A_478 : vector<16xf32> to vector<1x16xf32>
          tpu.vector_store %arg10[%swap3A_479, %swap3A_480], %swap3A_483 {strides = array<i32>} : memref<128x128xf32, #tpu.memory_space<vmem>>, vector<1x16xf32>,
          %get3A_484 = arith.index_cast %add3A_473 : i32 to index
          %get3A_485 = arith.constant 16 : index
          %get3A_486 = tpu.vector_load %arg10[%get3A_484, %get3A_485] {strides = array<i32>} : memref<128x128xf32, #tpu.memory_space<vmem>>, vector<1x16xf32>,
          %get3A_487 = vector.shape_cast %get3A_486 : vector<1x16xf32> to vector<16xf32>
          %mul3A_488 = arith.mulf %get3A_487, %broadcast_in_dim3A_469 : vector<16xf32>
          %swap3A_489 = arith.index_cast %add3A_473 : i32 to index
          %swap3A_490 = arith.constant 16 : index
          %swap3A_491 = tpu.vector_load %arg10[%swap3A_489, %swap3A_490] {strides = array<i32>} : memref<128x128xf32, #tpu.memory_space<vmem>>, vector<1x16xf32>,
          %swap3A_492 = vector.shape_cast %swap3A_491 : vector<1x16xf32> to vector<16xf32>
          %swap3A_493 = vector.shape_cast %mul3A_488 : vector<16xf32> to vector<1x16xf32>
          tpu.vector_store %arg10[%swap3A_489, %swap3A_490], %swap3A_493 {strides = array<i32>} : memref<128x128xf32, #tpu.memory_space<vmem>>, vector<1x16xf32>,
          %get3A_494 = arith.index_cast %add3A_473 : i32 to index
          %get3A_495 = arith.constant 32 : index
          %get3A_496 = tpu.vector_load %arg10[%get3A_494, %get3A_495] {strides = array<i32>} : memref<128x128xf32, #tpu.memory_space<vmem>>, vector<1x16xf32>,
          %get3A_497 = vector.shape_cast %get3A_496 : vector<1x16xf32> to vector<16xf32>
          %mul3A_498 = arith.mulf %get3A_497, %broadcast_in_dim3A_469 : vector<16xf32>
          %swap3A_499 = arith.index_cast %add3A_473 : i32 to index
          %swap3A_500 = arith.constant 32 : index
          %swap3A_501 = tpu.vector_load %arg10[%swap3A_499, %swap3A_500] {strides = array<i32>} : memref<128x128xf32, #tpu.memory_space<vmem>>, vector<1x16xf32>,
          %swap3A_502 = vector.shape_cast %swap3A_501 : vector<1x16xf32> to vector<16xf32>
          %swap3A_503 = vector.shape_cast %mul3A_498 : vector<16xf32> to vector<1x16xf32>
          tpu.vector_store %arg10[%swap3A_499, %swap3A_500], %swap3A_503 {strides = array<i32>} : memref<128x128xf32, #tpu.memory_space<vmem>>, vector<1x16xf32>,
          %get3A_504 = arith.index_cast %add3A_473 : i32 to index
          %get3A_505 = arith.constant 48 : index
          %get3A_506 = tpu.vector_load %arg10[%get3A_504, %get3A_505] {strides = array<i32>} : memref<128x128xf32, #tpu.memory_space<vmem>>, vector<1x16xf32>,
          %get3A_507 = vector.shape_cast %get3A_506 : vector<1x16xf32> to vector<16xf32>
          %mul3A_508 = arith.mulf %get3A_507, %broadcast_in_dim3A_469 : vector<16xf32>
          %swap3A_509 = arith.index_cast %add3A_473 : i32 to index
          %swap3A_510 = arith.constant 48 : index
          %swap3A_511 = tpu.vector_load %arg10[%swap3A_509, %swap3A_510] {strides = array<i32>} : memref<128x128xf32, #tpu.memory_space<vmem>>, vector<1x16xf32>,
          %swap3A_512 = vector.shape_cast %swap3A_511 : vector<1x16xf32> to vector<16xf32>
          %swap3A_513 = vector.shape_cast %mul3A_508 : vector<16xf32> to vector<1x16xf32>
          tpu.vector_store %arg10[%swap3A_509, %swap3A_510], %swap3A_513 {strides = array<i32>} : memref<128x128xf32, #tpu.memory_space<vmem>>, vector<1x16xf32>,
          %get3A_514 = arith.index_cast %add3A_473 : i32 to index
          %get3A_515 = arith.constant 64 : index
          %get3A_516 = tpu.vector_load %arg10[%get3A_514, %get3A_515] {strides = array<i32>} : memref<128x128xf32, #tpu.memory_space<vmem>>, vector<1x16xf32>,
          %get3A_517 = vector.shape_cast %get3A_516 : vector<1x16xf32> to vector<16xf32>
          %mul3A_518 = arith.mulf %get3A_517, %broadcast_in_dim3A_469 : vector<16xf32>
          %swap3A_519 = arith.index_cast %add3A_473 : i32 to index
          %swap3A_520 = arith.constant 64 : index
          %swap3A_521 = tpu.vector_load %arg10[%swap3A_519, %swap3A_520] {strides = array<i32>} : memref<128x128xf32, #tpu.memory_space<vmem>>, vector<1x16xf32>,
          %swap3A_522 = vector.shape_cast %swap3A_521 : vector<1x16xf32> to vector<16xf32>
          %swap3A_523 = vector.shape_cast %mul3A_518 : vector<16xf32> to vector<1x16xf32>
          tpu.vector_store %arg10[%swap3A_519, %swap3A_520], %swap3A_523 {strides = array<i32>} : memref<128x128xf32, #tpu.memory_space<vmem>>, vector<1x16xf32>,
          %get3A_524 = arith.index_cast %add3A_473 : i32 to index
          %get3A_525 = arith.constant 80 : index
          %get3A_526 = tpu.vector_load %arg10[%get3A_524, %get3A_525] {strides = array<i32>} : memref<128x128xf32, #tpu.memory_space<vmem>>, vector<1x16xf32>,
          %get3A_527 = vector.shape_cast %get3A_526 : vector<1x16xf32> to vector<16xf32>
          %mul3A_528 = arith.mulf %get3A_527, %broadcast_in_dim3A_469 : vector<16xf32>
          %swap3A_529 = arith.index_cast %add3A_473 : i32 to index
          %swap3A_530 = arith.constant 80 : index
          %swap3A_531 = tpu.vector_load %arg10[%swap3A_529, %swap3A_530] {strides = array<i32>} : memref<128x128xf32, #tpu.memory_space<vmem>>, vector<1x16xf32>,
          %swap3A_532 = vector.shape_cast %swap3A_531 : vector<1x16xf32> to vector<16xf32>
          %swap3A_533 = vector.shape_cast %mul3A_528 : vector<16xf32> to vector<1x16xf32>
          tpu.vector_store %arg10[%swap3A_529, %swap3A_530], %swap3A_533 {strides = array<i32>} : memref<128x128xf32, #tpu.memory_space<vmem>>, vector<1x16xf32>,
          %get3A_534 = arith.index_cast %add3A_473 : i32 to index
          %get3A_535 = arith.constant 96 : index
          %get3A_536 = tpu.vector_load %arg10[%get3A_534, %get3A_535] {strides = array<i32>} : memref<128x128xf32, #tpu.memory_space<vmem>>, vector<1x16xf32>,
          %get3A_537 = vector.shape_cast %get3A_536 : vector<1x16xf32> to vector<16xf32>
          %mul3A_538 = arith.mulf %get3A_537, %broadcast_in_dim3A_469 : vector<16xf32>
          %swap3A_539 = arith.index_cast %add3A_473 : i32 to index
          %swap3A_540 = arith.constant 96 : index
          %swap3A_541 = tpu.vector_load %arg10[%swap3A_539, %swap3A_540] {strides = array<i32>} : memref<128x128xf32, #tpu.memory_space<vmem>>, vector<1x16xf32>,
          %swap3A_542 = vector.shape_cast %swap3A_541 : vector<1x16xf32> to vector<16xf32>
          %swap3A_543 = vector.shape_cast %mul3A_538 : vector<16xf32> to vector<1x16xf32>
          tpu.vector_store %arg10[%swap3A_539, %swap3A_540], %swap3A_543 {strides = array<i32>} : memref<128x128xf32, #tpu.memory_space<vmem>>, vector<1x16xf32>,
          %get3A_544 = arith.index_cast %add3A_473 : i32 to index
          %get3A_545 = arith.constant 112 : index
          %get3A_546 = tpu.vector_load %arg10[%get3A_544, %get3A_545] {strides = array<i32>} : memref<128x128xf32, #tpu.memory_space<vmem>>, vector<1x16xf32>,
          %get3A_547 = vector.shape_cast %get3A_546 : vector<1x16xf32> to vector<16xf32>
          %mul3A_548 = arith.mulf %get3A_547, %broadcast_in_dim3A_469 : vector<16xf32>
          %swap3A_549 = arith.index_cast %add3A_473 : i32 to index
          %swap3A_550 = arith.constant 112 : index
          %swap3A_551 = tpu.vector_load %arg10[%swap3A_549, %swap3A_550] {strides = array<i32>} : memref<128x128xf32, #tpu.memory_space<vmem>>, vector<1x16xf32>,
          %swap3A_552 = vector.shape_cast %swap3A_551 : vector<1x16xf32> to vector<16xf32>
          %swap3A_553 = vector.shape_cast %mul3A_548 : vector<16xf32> to vector<1x16xf32>
          tpu.vector_store %arg10[%swap3A_549, %swap3A_550], %swap3A_553 {strides = array<i32>} : memref<128x128xf32, #tpu.memory_space<vmem>>, vector<1x16xf32>,
          %slice3A_554 = vector.extract_strided_slice %get3A_121 {offsets = [5], sizes = [1], strides = [1]} : vector<16xf32> to vector<1xf32>
          %squeeze3A_555 = vector.extract %slice3A_554[0] : f32 from vector<1xf32>
          %broadcast_in_dim3A_556 = vector.broadcast %squeeze3A_555 : f32 to vector<16xf32>
          %mul3A_557 = arith.constant 16 : i32
          %mul3A_558 = arith.muli %mul3A_557, %scan3A_116 : i32
          %add3A_559 = arith.constant 5 : i32
          %add3A_560 = arith.addi %mul3A_558, %add3A_559 : i32
          %get3A_561 = arith.index_cast %add3A_560 : i32 to index
          %get3A_562 = arith.constant 0 : index
          %get3A_563 = tpu.vector_load %arg10[%get3A_561, %get3A_562] {strides = array<i32>} : memref<128x128xf32, #tpu.memory_space<vmem>>, vector<1x16xf32>,
          %get3A_564 = vector.shape_cast %get3A_563 : vector<1x16xf32> to vector<16xf32>
          %mul3A_565 = arith.mulf %get3A_564, %broadcast_in_dim3A_556 : vector<16xf32>
          %swap3A_566 = arith.index_cast %add3A_560 : i32 to index
          %swap3A_567 = arith.constant 0 : index
          %swap3A_568 = tpu.vector_load %arg10[%swap3A_566, %swap3A_567] {strides = array<i32>} : memref<128x128xf32, #tpu.memory_space<vmem>>, vector<1x16xf32>,
          %swap3A_569 = vector.shape_cast %swap3A_568 : vector<1x16xf32> to vector<16xf32>
          %swap3A_570 = vector.shape_cast %mul3A_565 : vector<16xf32> to vector<1x16xf32>
          tpu.vector_store %arg10[%swap3A_566, %swap3A_567], %swap3A_570 {strides = array<i32>} : memref<128x128xf32, #tpu.memory_space<vmem>>, vector<1x16xf32>,
          %get3A_571 = arith.index_cast %add3A_560 : i32 to index
          %get3A_572 = arith.constant 16 : index
          %get3A_573 = tpu.vector_load %arg10[%get3A_571, %get3A_572] {strides = array<i32>} : memref<128x128xf32, #tpu.memory_space<vmem>>, vector<1x16xf32>,
          %get3A_574 = vector.shape_cast %get3A_573 : vector<1x16xf32> to vector<16xf32>
          %mul3A_575 = arith.mulf %get3A_574, %broadcast_in_dim3A_556 : vector<16xf32>
          %swap3A_576 = arith.index_cast %add3A_560 : i32 to index
          %swap3A_577 = arith.constant 16 : index
          %swap3A_578 = tpu.vector_load %arg10[%swap3A_576, %swap3A_577] {strides = array<i32>} : memref<128x128xf32, #tpu.memory_space<vmem>>, vector<1x16xf32>,
          %swap3A_579 = vector.shape_cast %swap3A_578 : vector<1x16xf32> to vector<16xf32>
          %swap3A_580 = vector.shape_cast %mul3A_575 : vector<16xf32> to vector<1x16xf32>
          tpu.vector_store %arg10[%swap3A_576, %swap3A_577], %swap3A_580 {strides = array<i32>} : memref<128x128xf32, #tpu.memory_space<vmem>>, vector<1x16xf32>,
          %get3A_581 = arith.index_cast %add3A_560 : i32 to index
          %get3A_582 = arith.constant 32 : index
          %get3A_583 = tpu.vector_load %arg10[%get3A_581, %get3A_582] {strides = array<i32>} : memref<128x128xf32, #tpu.memory_space<vmem>>, vector<1x16xf32>,
          %get3A_584 = vector.shape_cast %get3A_583 : vector<1x16xf32> to vector<16xf32>
          %mul3A_585 = arith.mulf %get3A_584, %broadcast_in_dim3A_556 : vector<16xf32>
          %swap3A_586 = arith.index_cast %add3A_560 : i32 to index
          %swap3A_587 = arith.constant 32 : index
          %swap3A_588 = tpu.vector_load %arg10[%swap3A_586, %swap3A_587] {strides = array<i32>} : memref<128x128xf32, #tpu.memory_space<vmem>>, vector<1x16xf32>,
          %swap3A_589 = vector.shape_cast %swap3A_588 : vector<1x16xf32> to vector<16xf32>
          %swap3A_590 = vector.shape_cast %mul3A_585 : vector<16xf32> to vector<1x16xf32>
          tpu.vector_store %arg10[%swap3A_586, %swap3A_587], %swap3A_590 {strides = array<i32>} : memref<128x128xf32, #tpu.memory_space<vmem>>, vector<1x16xf32>,
          %get3A_591 = arith.index_cast %add3A_560 : i32 to index
          %get3A_592 = arith.constant 48 : index
          %get3A_593 = tpu.vector_load %arg10[%get3A_591, %get3A_592] {strides = array<i32>} : memref<128x128xf32, #tpu.memory_space<vmem>>, vector<1x16xf32>,
          %get3A_594 = vector.shape_cast %get3A_593 : vector<1x16xf32> to vector<16xf32>
          %mul3A_595 = arith.mulf %get3A_594, %broadcast_in_dim3A_556 : vector<16xf32>
          %swap3A_596 = arith.index_cast %add3A_560 : i32 to index
          %swap3A_597 = arith.constant 48 : index
          %swap3A_598 = tpu.vector_load %arg10[%swap3A_596, %swap3A_597] {strides = array<i32>} : memref<128x128xf32, #tpu.memory_space<vmem>>, vector<1x16xf32>,
          %swap3A_599 = vector.shape_cast %swap3A_598 : vector<1x16xf32> to vector<16xf32>
          %swap3A_600 = vector.shape_cast %mul3A_595 : vector<16xf32> to vector<1x16xf32>
          tpu.vector_store %arg10[%swap3A_596, %swap3A_597], %swap3A_600 {strides = array<i32>} : memref<128x128xf32, #tpu.memory_space<vmem>>, vector<1x16xf32>,
          %get3A_601 = arith.index_cast %add3A_560 : i32 to index
          %get3A_602 = arith.constant 64 : index
          %get3A_603 = tpu.vector_load %arg10[%get3A_601, %get3A_602] {strides = array<i32>} : memref<128x128xf32, #tpu.memory_space<vmem>>, vector<1x16xf32>,
          %get3A_604 = vector.shape_cast %get3A_603 : vector<1x16xf32> to vector<16xf32>
          %mul3A_605 = arith.mulf %get3A_604, %broadcast_in_dim3A_556 : vector<16xf32>
          %swap3A_606 = arith.index_cast %add3A_560 : i32 to index
          %swap3A_607 = arith.constant 64 : index
          %swap3A_608 = tpu.vector_load %arg10[%swap3A_606, %swap3A_607] {strides = array<i32>} : memref<128x128xf32, #tpu.memory_space<vmem>>, vector<1x16xf32>,
          %swap3A_609 = vector.shape_cast %swap3A_608 : vector<1x16xf32> to vector<16xf32>
          %swap3A_610 = vector.shape_cast %mul3A_605 : vector<16xf32> to vector<1x16xf32>
          tpu.vector_store %arg10[%swap3A_606, %swap3A_607], %swap3A_610 {strides = array<i32>} : memref<128x128xf32, #tpu.memory_space<vmem>>, vector<1x16xf32>,
          %get3A_611 = arith.index_cast %add3A_560 : i32 to index
          %get3A_612 = arith.constant 80 : index
          %get3A_613 = tpu.vector_load %arg10[%get3A_611, %get3A_612] {strides = array<i32>} : memref<128x128xf32, #tpu.memory_space<vmem>>, vector<1x16xf32>,
          %get3A_614 = vector.shape_cast %get3A_613 : vector<1x16xf32> to vector<16xf32>
          %mul3A_615 = arith.mulf %get3A_614, %broadcast_in_dim3A_556 : vector<16xf32>
          %swap3A_616 = arith.index_cast %add3A_560 : i32 to index
          %swap3A_617 = arith.constant 80 : index
          %swap3A_618 = tpu.vector_load %arg10[%swap3A_616, %swap3A_617] {strides = array<i32>} : memref<128x128xf32, #tpu.memory_space<vmem>>, vector<1x16xf32>,
          %swap3A_619 = vector.shape_cast %swap3A_618 : vector<1x16xf32> to vector<16xf32>
          %swap3A_620 = vector.shape_cast %mul3A_615 : vector<16xf32> to vector<1x16xf32>
          tpu.vector_store %arg10[%swap3A_616, %swap3A_617], %swap3A_620 {strides = array<i32>} : memref<128x128xf32, #tpu.memory_space<vmem>>, vector<1x16xf32>,
          %get3A_621 = arith.index_cast %add3A_560 : i32 to index
          %get3A_622 = arith.constant 96 : index
          %get3A_623 = tpu.vector_load %arg10[%get3A_621, %get3A_622] {strides = array<i32>} : memref<128x128xf32, #tpu.memory_space<vmem>>, vector<1x16xf32>,
          %get3A_624 = vector.shape_cast %get3A_623 : vector<1x16xf32> to vector<16xf32>
          %mul3A_625 = arith.mulf %get3A_624, %broadcast_in_dim3A_556 : vector<16xf32>
          %swap3A_626 = arith.index_cast %add3A_560 : i32 to index
          %swap3A_627 = arith.constant 96 : index
          %swap3A_628 = tpu.vector_load %arg10[%swap3A_626, %swap3A_627] {strides = array<i32>} : memref<128x128xf32, #tpu.memory_space<vmem>>, vector<1x16xf32>,
          %swap3A_629 = vector.shape_cast %swap3A_628 : vector<1x16xf32> to vector<16xf32>
          %swap3A_630 = vector.shape_cast %mul3A_625 : vector<16xf32> to vector<1x16xf32>
          tpu.vector_store %arg10[%swap3A_626, %swap3A_627], %swap3A_630 {strides = array<i32>} : memref<128x128xf32, #tpu.memory_space<vmem>>, vector<1x16xf32>,
          %get3A_631 = arith.index_cast %add3A_560 : i32 to index
          %get3A_632 = arith.constant 112 : index
          %get3A_633 = tpu.vector_load %arg10[%get3A_631, %get3A_632] {strides = array<i32>} : memref<128x128xf32, #tpu.memory_space<vmem>>, vector<1x16xf32>,
          %get3A_634 = vector.shape_cast %get3A_633 : vector<1x16xf32> to vector<16xf32>
          %mul3A_635 = arith.mulf %get3A_634, %broadcast_in_dim3A_556 : vector<16xf32>
          %swap3A_636 = arith.index_cast %add3A_560 : i32 to index
          %swap3A_637 = arith.constant 112 : index
          %swap3A_638 = tpu.vector_load %arg10[%swap3A_636, %swap3A_637] {strides = array<i32>} : memref<128x128xf32, #tpu.memory_space<vmem>>, vector<1x16xf32>,
          %swap3A_639 = vector.shape_cast %swap3A_638 : vector<1x16xf32> to vector<16xf32>
          %swap3A_640 = vector.shape_cast %mul3A_635 : vector<16xf32> to vector<1x16xf32>
          tpu.vector_store %arg10[%swap3A_636, %swap3A_637], %swap3A_640 {strides = array<i32>} : memref<128x128xf32, #tpu.memory_space<vmem>>, vector<1x16xf32>,
          %slice3A_641 = vector.extract_strided_slice %get3A_121 {offsets = [6], sizes = [1], strides = [1]} : vector<16xf32> to vector<1xf32>
          %squeeze3A_642 = vector.extract %slice3A_641[0] : f32 from vector<1xf32>
          %broadcast_in_dim3A_643 = vector.broadcast %squeeze3A_642 : f32 to vector<16xf32>
          %mul3A_644 = arith.constant 16 : i32
          %mul3A_645 = arith.muli %mul3A_644, %scan3A_116 : i32
          %add3A_646 = arith.constant 6 : i32
          %add3A_647 = arith.addi %mul3A_645, %add3A_646 : i32
          %get3A_648 = arith.index_cast %add3A_647 : i32 to index
          %get3A_649 = arith.constant 0 : index
          %get3A_650 = tpu.vector_load %arg10[%get3A_648, %get3A_649] {strides = array<i32>} : memref<128x128xf32, #tpu.memory_space<vmem>>, vector<1x16xf32>,
          %get3A_651 = vector.shape_cast %get3A_650 : vector<1x16xf32> to vector<16xf32>
          %mul3A_652 = arith.mulf %get3A_651, %broadcast_in_dim3A_643 : vector<16xf32>
          %swap3A_653 = arith.index_cast %add3A_647 : i32 to index
          %swap3A_654 = arith.constant 0 : index
          %swap3A_655 = tpu.vector_load %arg10[%swap3A_653, %swap3A_654] {strides = array<i32>} : memref<128x128xf32, #tpu.memory_space<vmem>>, vector<1x16xf32>,
          %swap3A_656 = vector.shape_cast %swap3A_655 : vector<1x16xf32> to vector<16xf32>
          %swap3A_657 = vector.shape_cast %mul3A_652 : vector<16xf32> to vector<1x16xf32>
          tpu.vector_store %arg10[%swap3A_653, %swap3A_654], %swap3A_657 {strides = array<i32>} : memref<128x128xf32, #tpu.memory_space<vmem>>, vector<1x16xf32>,
          %get3A_658 = arith.index_cast %add3A_647 : i32 to index
          %get3A_659 = arith.constant 16 : index
          %get3A_660 = tpu.vector_load %arg10[%get3A_658, %get3A_659] {strides = array<i32>} : memref<128x128xf32, #tpu.memory_space<vmem>>, vector<1x16xf32>,
          %get3A_661 = vector.shape_cast %get3A_660 : vector<1x16xf32> to vector<16xf32>
          %mul3A_662 = arith.mulf %get3A_661, %broadcast_in_dim3A_643 : vector<16xf32>
          %swap3A_663 = arith.index_cast %add3A_647 : i32 to index
          %swap3A_664 = arith.constant 16 : index
          %swap3A_665 = tpu.vector_load %arg10[%swap3A_663, %swap3A_664] {strides = array<i32>} : memref<128x128xf32, #tpu.memory_space<vmem>>, vector<1x16xf32>,
          %swap3A_666 = vector.shape_cast %swap3A_665 : vector<1x16xf32> to vector<16xf32>
          %swap3A_667 = vector.shape_cast %mul3A_662 : vector<16xf32> to vector<1x16xf32>
          tpu.vector_store %arg10[%swap3A_663, %swap3A_664], %swap3A_667 {strides = array<i32>} : memref<128x128xf32, #tpu.memory_space<vmem>>, vector<1x16xf32>,
          %get3A_668 = arith.index_cast %add3A_647 : i32 to index
          %get3A_669 = arith.constant 32 : index
          %get3A_670 = tpu.vector_load %arg10[%get3A_668, %get3A_669] {strides = array<i32>} : memref<128x128xf32, #tpu.memory_space<vmem>>, vector<1x16xf32>,
          %get3A_671 = vector.shape_cast %get3A_670 : vector<1x16xf32> to vector<16xf32>
          %mul3A_672 = arith.mulf %get3A_671, %broadcast_in_dim3A_643 : vector<16xf32>
          %swap3A_673 = arith.index_cast %add3A_647 : i32 to index
          %swap3A_674 = arith.constant 32 : index
          %swap3A_675 = tpu.vector_load %arg10[%swap3A_673, %swap3A_674] {strides = array<i32>} : memref<128x128xf32, #tpu.memory_space<vmem>>, vector<1x16xf32>,
          %swap3A_676 = vector.shape_cast %swap3A_675 : vector<1x16xf32> to vector<16xf32>
          %swap3A_677 = vector.shape_cast %mul3A_672 : vector<16xf32> to vector<1x16xf32>
          tpu.vector_store %arg10[%swap3A_673, %swap3A_674], %swap3A_677 {strides = array<i32>} : memref<128x128xf32, #tpu.memory_space<vmem>>, vector<1x16xf32>,
          %get3A_678 = arith.index_cast %add3A_647 : i32 to index
          %get3A_679 = arith.constant 48 : index
          %get3A_680 = tpu.vector_load %arg10[%get3A_678, %get3A_679] {strides = array<i32>} : memref<128x128xf32, #tpu.memory_space<vmem>>, vector<1x16xf32>,
          %get3A_681 = vector.shape_cast %get3A_680 : vector<1x16xf32> to vector<16xf32>
          %mul3A_682 = arith.mulf %get3A_681, %broadcast_in_dim3A_643 : vector<16xf32>
          %swap3A_683 = arith.index_cast %add3A_647 : i32 to index
          %swap3A_684 = arith.constant 48 : index
          %swap3A_685 = tpu.vector_load %arg10[%swap3A_683, %swap3A_684] {strides = array<i32>} : memref<128x128xf32, #tpu.memory_space<vmem>>, vector<1x16xf32>,
          %swap3A_686 = vector.shape_cast %swap3A_685 : vector<1x16xf32> to vector<16xf32>
          %swap3A_687 = vector.shape_cast %mul3A_682 : vector<16xf32> to vector<1x16xf32>
          tpu.vector_store %arg10[%swap3A_683, %swap3A_684], %swap3A_687 {strides = array<i32>} : memref<128x128xf32, #tpu.memory_space<vmem>>, vector<1x16xf32>,
          %get3A_688 = arith.index_cast %add3A_647 : i32 to index
          %get3A_689 = arith.constant 64 : index
          %get3A_690 = tpu.vector_load %arg10[%get3A_688, %get3A_689] {strides = array<i32>} : memref<128x128xf32, #tpu.memory_space<vmem>>, vector<1x16xf32>,
          %get3A_691 = vector.shape_cast %get3A_690 : vector<1x16xf32> to vector<16xf32>
          %mul3A_692 = arith.mulf %get3A_691, %broadcast_in_dim3A_643 : vector<16xf32>
          %swap3A_693 = arith.index_cast %add3A_647 : i32 to index
          %swap3A_694 = arith.constant 64 : index
          %swap3A_695 = tpu.vector_load %arg10[%swap3A_693, %swap3A_694] {strides = array<i32>} : memref<128x128xf32, #tpu.memory_space<vmem>>, vector<1x16xf32>,
          %swap3A_696 = vector.shape_cast %swap3A_695 : vector<1x16xf32> to vector<16xf32>
          %swap3A_697 = vector.shape_cast %mul3A_692 : vector<16xf32> to vector<1x16xf32>
          tpu.vector_store %arg10[%swap3A_693, %swap3A_694], %swap3A_697 {strides = array<i32>} : memref<128x128xf32, #tpu.memory_space<vmem>>, vector<1x16xf32>,
          %get3A_698 = arith.index_cast %add3A_647 : i32 to index
          %get3A_699 = arith.constant 80 : index
          %get3A_700 = tpu.vector_load %arg10[%get3A_698, %get3A_699] {strides = array<i32>} : memref<128x128xf32, #tpu.memory_space<vmem>>, vector<1x16xf32>,
          %get3A_701 = vector.shape_cast %get3A_700 : vector<1x16xf32> to vector<16xf32>
          %mul3A_702 = arith.mulf %get3A_701, %broadcast_in_dim3A_643 : vector<16xf32>
          %swap3A_703 = arith.index_cast %add3A_647 : i32 to index
          %swap3A_704 = arith.constant 80 : index
          %swap3A_705 = tpu.vector_load %arg10[%swap3A_703, %swap3A_704] {strides = array<i32>} : memref<128x128xf32, #tpu.memory_space<vmem>>, vector<1x16xf32>,
          %swap3A_706 = vector.shape_cast %swap3A_705 : vector<1x16xf32> to vector<16xf32>
          %swap3A_707 = vector.shape_cast %mul3A_702 : vector<16xf32> to vector<1x16xf32>
          tpu.vector_store %arg10[%swap3A_703, %swap3A_704], %swap3A_707 {strides = array<i32>} : memref<128x128xf32, #tpu.memory_space<vmem>>, vector<1x16xf32>,
          %get3A_708 = arith.index_cast %add3A_647 : i32 to index
          %get3A_709 = arith.constant 96 : index
          %get3A_710 = tpu.vector_load %arg10[%get3A_708, %get3A_709] {strides = array<i32>} : memref<128x128xf32, #tpu.memory_space<vmem>>, vector<1x16xf32>,
          %get3A_711 = vector.shape_cast %get3A_710 : vector<1x16xf32> to vector<16xf32>
          %mul3A_712 = arith.mulf %get3A_711, %broadcast_in_dim3A_643 : vector<16xf32>
          %swap3A_713 = arith.index_cast %add3A_647 : i32 to index
          %swap3A_714 = arith.constant 96 : index
          %swap3A_715 = tpu.vector_load %arg10[%swap3A_713, %swap3A_714] {strides = array<i32>} : memref<128x128xf32, #tpu.memory_space<vmem>>, vector<1x16xf32>,
          %swap3A_716 = vector.shape_cast %swap3A_715 : vector<1x16xf32> to vector<16xf32>
          %swap3A_717 = vector.shape_cast %mul3A_712 : vector<16xf32> to vector<1x16xf32>
          tpu.vector_store %arg10[%swap3A_713, %swap3A_714], %swap3A_717 {strides = array<i32>} : memref<128x128xf32, #tpu.memory_space<vmem>>, vector<1x16xf32>,
          %get3A_718 = arith.index_cast %add3A_647 : i32 to index
          %get3A_719 = arith.constant 112 : index
          %get3A_720 = tpu.vector_load %arg10[%get3A_718, %get3A_719] {strides = array<i32>} : memref<128x128xf32, #tpu.memory_space<vmem>>, vector<1x16xf32>,
          %get3A_721 = vector.shape_cast %get3A_720 : vector<1x16xf32> to vector<16xf32>
          %mul3A_722 = arith.mulf %get3A_721, %broadcast_in_dim3A_643 : vector<16xf32>
          %swap3A_723 = arith.index_cast %add3A_647 : i32 to index
          %swap3A_724 = arith.constant 112 : index
          %swap3A_725 = tpu.vector_load %arg10[%swap3A_723, %swap3A_724] {strides = array<i32>} : memref<128x128xf32, #tpu.memory_space<vmem>>, vector<1x16xf32>,
          %swap3A_726 = vector.shape_cast %swap3A_725 : vector<1x16xf32> to vector<16xf32>
          %swap3A_727 = vector.shape_cast %mul3A_722 : vector<16xf32> to vector<1x16xf32>
          tpu.vector_store %arg10[%swap3A_723, %swap3A_724], %swap3A_727 {strides = array<i32>} : memref<128x128xf32, #tpu.memory_space<vmem>>, vector<1x16xf32>,
          %slice3A_728 = vector.extract_strided_slice %get3A_121 {offsets = [7], sizes = [1], strides = [1]} : vector<16xf32> to vector<1xf32>
          %squeeze3A_729 = vector.extract %slice3A_728[0] : f32 from vector<1xf32>
          %broadcast_in_dim3A_730 = vector.broadcast %squeeze3A_729 : f32 to vector<16xf32>
          %mul3A_731 = arith.constant 16 : i32
          %mul3A_732 = arith.muli %mul3A_731, %scan3A_116 : i32
          %add3A_733 = arith.constant 7 : i32
          %add3A_734 = arith.addi %mul3A_732, %add3A_733 : i32
          %get3A_735 = arith.index_cast %add3A_734 : i32 to index
          %get3A_736 = arith.constant 0 : index
          %get3A_737 = tpu.vector_load %arg10[%get3A_735, %get3A_736] {strides = array<i32>} : memref<128x128xf32, #tpu.memory_space<vmem>>, vector<1x16xf32>,
          %get3A_738 = vector.shape_cast %get3A_737 : vector<1x16xf32> to vector<16xf32>
          %mul3A_739 = arith.mulf %get3A_738, %broadcast_in_dim3A_730 : vector<16xf32>
          %swap3A_740 = arith.index_cast %add3A_734 : i32 to index
          %swap3A_741 = arith.constant 0 : index
          %swap3A_742 = tpu.vector_load %arg10[%swap3A_740, %swap3A_741] {strides = array<i32>} : memref<128x128xf32, #tpu.memory_space<vmem>>, vector<1x16xf32>,
          %swap3A_743 = vector.shape_cast %swap3A_742 : vector<1x16xf32> to vector<16xf32>
          %swap3A_744 = vector.shape_cast %mul3A_739 : vector<16xf32> to vector<1x16xf32>
          tpu.vector_store %arg10[%swap3A_740, %swap3A_741], %swap3A_744 {strides = array<i32>} : memref<128x128xf32, #tpu.memory_space<vmem>>, vector<1x16xf32>,
          %get3A_745 = arith.index_cast %add3A_734 : i32 to index
          %get3A_746 = arith.constant 16 : index
          %get3A_747 = tpu.vector_load %arg10[%get3A_745, %get3A_746] {strides = array<i32>} : memref<128x128xf32, #tpu.memory_space<vmem>>, vector<1x16xf32>,
          %get3A_748 = vector.shape_cast %get3A_747 : vector<1x16xf32> to vector<16xf32>
          %mul3A_749 = arith.mulf %get3A_748, %broadcast_in_dim3A_730 : vector<16xf32>
          %swap3A_750 = arith.index_cast %add3A_734 : i32 to index
          %swap3A_751 = arith.constant 16 : index
          %swap3A_752 = tpu.vector_load %arg10[%swap3A_750, %swap3A_751] {strides = array<i32>} : memref<128x128xf32, #tpu.memory_space<vmem>>, vector<1x16xf32>,
          %swap3A_753 = vector.shape_cast %swap3A_752 : vector<1x16xf32> to vector<16xf32>
          %swap3A_754 = vector.shape_cast %mul3A_749 : vector<16xf32> to vector<1x16xf32>
          tpu.vector_store %arg10[%swap3A_750, %swap3A_751], %swap3A_754 {strides = array<i32>} : memref<128x128xf32, #tpu.memory_space<vmem>>, vector<1x16xf32>,
          %get3A_755 = arith.index_cast %add3A_734 : i32 to index
          %get3A_756 = arith.constant 32 : index
          %get3A_757 = tpu.vector_load %arg10[%get3A_755, %get3A_756] {strides = array<i32>} : memref<128x128xf32, #tpu.memory_space<vmem>>, vector<1x16xf32>,
          %get3A_758 = vector.shape_cast %get3A_757 : vector<1x16xf32> to vector<16xf32>
          %mul3A_759 = arith.mulf %get3A_758, %broadcast_in_dim3A_730 : vector<16xf32>
          %swap3A_760 = arith.index_cast %add3A_734 : i32 to index
          %swap3A_761 = arith.constant 32 : index
          %swap3A_762 = tpu.vector_load %arg10[%swap3A_760, %swap3A_761] {strides = array<i32>} : memref<128x128xf32, #tpu.memory_space<vmem>>, vector<1x16xf32>,
          %swap3A_763 = vector.shape_cast %swap3A_762 : vector<1x16xf32> to vector<16xf32>
          %swap3A_764 = vector.shape_cast %mul3A_759 : vector<16xf32> to vector<1x16xf32>
          tpu.vector_store %arg10[%swap3A_760, %swap3A_761], %swap3A_764 {strides = array<i32>} : memref<128x128xf32, #tpu.memory_space<vmem>>, vector<1x16xf32>,
          %get3A_765 = arith.index_cast %add3A_734 : i32 to index
          %get3A_766 = arith.constant 48 : index
          %get3A_767 = tpu.vector_load %arg10[%get3A_765, %get3A_766] {strides = array<i32>} : memref<128x128xf32, #tpu.memory_space<vmem>>, vector<1x16xf32>,
          %get3A_768 = vector.shape_cast %get3A_767 : vector<1x16xf32> to vector<16xf32>
          %mul3A_769 = arith.mulf %get3A_768, %broadcast_in_dim3A_730 : vector<16xf32>
          %swap3A_770 = arith.index_cast %add3A_734 : i32 to index
          %swap3A_771 = arith.constant 48 : index
          %swap3A_772 = tpu.vector_load %arg10[%swap3A_770, %swap3A_771] {strides = array<i32>} : memref<128x128xf32, #tpu.memory_space<vmem>>, vector<1x16xf32>,
          %swap3A_773 = vector.shape_cast %swap3A_772 : vector<1x16xf32> to vector<16xf32>
          %swap3A_774 = vector.shape_cast %mul3A_769 : vector<16xf32> to vector<1x16xf32>
          tpu.vector_store %arg10[%swap3A_770, %swap3A_771], %swap3A_774 {strides = array<i32>} : memref<128x128xf32, #tpu.memory_space<vmem>>, vector<1x16xf32>,
          %get3A_775 = arith.index_cast %add3A_734 : i32 to index
          %get3A_776 = arith.constant 64 : index
          %get3A_777 = tpu.vector_load %arg10[%get3A_775, %get3A_776] {strides = array<i32>} : memref<128x128xf32, #tpu.memory_space<vmem>>, vector<1x16xf32>,
          %get3A_778 = vector.shape_cast %get3A_777 : vector<1x16xf32> to vector<16xf32>
          %mul3A_779 = arith.mulf %get3A_778, %broadcast_in_dim3A_730 : vector<16xf32>
          %swap3A_780 = arith.index_cast %add3A_734 : i32 to index
          %swap3A_781 = arith.constant 64 : index
          %swap3A_782 = tpu.vector_load %arg10[%swap3A_780, %swap3A_781] {strides = array<i32>} : memref<128x128xf32, #tpu.memory_space<vmem>>, vector<1x16xf32>,
          %swap3A_783 = vector.shape_cast %swap3A_782 : vector<1x16xf32> to vector<16xf32>
          %swap3A_784 = vector.shape_cast %mul3A_779 : vector<16xf32> to vector<1x16xf32>
          tpu.vector_store %arg10[%swap3A_780, %swap3A_781], %swap3A_784 {strides = array<i32>} : memref<128x128xf32, #tpu.memory_space<vmem>>, vector<1x16xf32>,
          %get3A_785 = arith.index_cast %add3A_734 : i32 to index
          %get3A_786 = arith.constant 80 : index
          %get3A_787 = tpu.vector_load %arg10[%get3A_785, %get3A_786] {strides = array<i32>} : memref<128x128xf32, #tpu.memory_space<vmem>>, vector<1x16xf32>,
          %get3A_788 = vector.shape_cast %get3A_787 : vector<1x16xf32> to vector<16xf32>
          %mul3A_789 = arith.mulf %get3A_788, %broadcast_in_dim3A_730 : vector<16xf32>
          %swap3A_790 = arith.index_cast %add3A_734 : i32 to index
          %swap3A_791 = arith.constant 80 : index
          %swap3A_792 = tpu.vector_load %arg10[%swap3A_790, %swap3A_791] {strides = array<i32>} : memref<128x128xf32, #tpu.memory_space<vmem>>, vector<1x16xf32>,
          %swap3A_793 = vector.shape_cast %swap3A_792 : vector<1x16xf32> to vector<16xf32>
          %swap3A_794 = vector.shape_cast %mul3A_789 : vector<16xf32> to vector<1x16xf32>
          tpu.vector_store %arg10[%swap3A_790, %swap3A_791], %swap3A_794 {strides = array<i32>} : memref<128x128xf32, #tpu.memory_space<vmem>>, vector<1x16xf32>,
          %get3A_795 = arith.index_cast %add3A_734 : i32 to index
          %get3A_796 = arith.constant 96 : index
          %get3A_797 = tpu.vector_load %arg10[%get3A_795, %get3A_796] {strides = array<i32>} : memref<128x128xf32, #tpu.memory_space<vmem>>, vector<1x16xf32>,
          %get3A_798 = vector.shape_cast %get3A_797 : vector<1x16xf32> to vector<16xf32>
          %mul3A_799 = arith.mulf %get3A_798, %broadcast_in_dim3A_730 : vector<16xf32>
          %swap3A_800 = arith.index_cast %add3A_734 : i32 to index
          %swap3A_801 = arith.constant 96 : index
          %swap3A_802 = tpu.vector_load %arg10[%swap3A_800, %swap3A_801] {strides = array<i32>} : memref<128x128xf32, #tpu.memory_space<vmem>>, vector<1x16xf32>,
          %swap3A_803 = vector.shape_cast %swap3A_802 : vector<1x16xf32> to vector<16xf32>
          %swap3A_804 = vector.shape_cast %mul3A_799 : vector<16xf32> to vector<1x16xf32>
          tpu.vector_store %arg10[%swap3A_800, %swap3A_801], %swap3A_804 {strides = array<i32>} : memref<128x128xf32, #tpu.memory_space<vmem>>, vector<1x16xf32>,
          %get3A_805 = arith.index_cast %add3A_734 : i32 to index
          %get3A_806 = arith.constant 112 : index
          %get3A_807 = tpu.vector_load %arg10[%get3A_805, %get3A_806] {strides = array<i32>} : memref<128x128xf32, #tpu.memory_space<vmem>>, vector<1x16xf32>,
          %get3A_808 = vector.shape_cast %get3A_807 : vector<1x16xf32> to vector<16xf32>
          %mul3A_809 = arith.mulf %get3A_808, %broadcast_in_dim3A_730 : vector<16xf32>
          %swap3A_810 = arith.index_cast %add3A_734 : i32 to index
          %swap3A_811 = arith.constant 112 : index
          %swap3A_812 = tpu.vector_load %arg10[%swap3A_810, %swap3A_811] {strides = array<i32>} : memref<128x128xf32, #tpu.memory_space<vmem>>, vector<1x16xf32>,
          %swap3A_813 = vector.shape_cast %swap3A_812 : vector<1x16xf32> to vector<16xf32>
          %swap3A_814 = vector.shape_cast %mul3A_809 : vector<16xf32> to vector<1x16xf32>
          tpu.vector_store %arg10[%swap3A_810, %swap3A_811], %swap3A_814 {strides = array<i32>} : memref<128x128xf32, #tpu.memory_space<vmem>>, vector<1x16xf32>,
          %slice3A_815 = vector.extract_strided_slice %get3A_121 {offsets = [8], sizes = [1], strides = [1]} : vector<16xf32> to vector<1xf32>
          %squeeze3A_816 = vector.extract %slice3A_815[0] : f32 from vector<1xf32>
          %broadcast_in_dim3A_817 = vector.broadcast %squeeze3A_816 : f32 to vector<16xf32>
          %mul3A_818 = arith.constant 16 : i32
          %mul3A_819 = arith.muli %mul3A_818, %scan3A_116 : i32
          %add3A_820 = arith.constant 8 : i32
          %add3A_821 = arith.addi %mul3A_819, %add3A_820 : i32
          %get3A_822 = arith.index_cast %add3A_821 : i32 to index
          %get3A_823 = arith.constant 0 : index
          %get3A_824 = tpu.vector_load %arg10[%get3A_822, %get3A_823] {strides = array<i32>} : memref<128x128xf32, #tpu.memory_space<vmem>>, vector<1x16xf32>,
          %get3A_825 = vector.shape_cast %get3A_824 : vector<1x16xf32> to vector<16xf32>
          %mul3A_826 = arith.mulf %get3A_825, %broadcast_in_dim3A_817 : vector<16xf32>
          %swap3A_827 = arith.index_cast %add3A_821 : i32 to index
          %swap3A_828 = arith.constant 0 : index
          %swap3A_829 = tpu.vector_load %arg10[%swap3A_827, %swap3A_828] {strides = array<i32>} : memref<128x128xf32, #tpu.memory_space<vmem>>, vector<1x16xf32>,
          %swap3A_830 = vector.shape_cast %swap3A_829 : vector<1x16xf32> to vector<16xf32>
          %swap3A_831 = vector.shape_cast %mul3A_826 : vector<16xf32> to vector<1x16xf32>
          tpu.vector_store %arg10[%swap3A_827, %swap3A_828], %swap3A_831 {strides = array<i32>} : memref<128x128xf32, #tpu.memory_space<vmem>>, vector<1x16xf32>,
          %get3A_832 = arith.index_cast %add3A_821 : i32 to index
          %get3A_833 = arith.constant 16 : index
          %get3A_834 = tpu.vector_load %arg10[%get3A_832, %get3A_833] {strides = array<i32>} : memref<128x128xf32, #tpu.memory_space<vmem>>, vector<1x16xf32>,
          %get3A_835 = vector.shape_cast %get3A_834 : vector<1x16xf32> to vector<16xf32>
          %mul3A_836 = arith.mulf %get3A_835, %broadcast_in_dim3A_817 : vector<16xf32>
          %swap3A_837 = arith.index_cast %add3A_821 : i32 to index
          %swap3A_838 = arith.constant 16 : index
          %swap3A_839 = tpu.vector_load %arg10[%swap3A_837, %swap3A_838] {strides = array<i32>} : memref<128x128xf32, #tpu.memory_space<vmem>>, vector<1x16xf32>,
          %swap3A_840 = vector.shape_cast %swap3A_839 : vector<1x16xf32> to vector<16xf32>
          %swap3A_841 = vector.shape_cast %mul3A_836 : vector<16xf32> to vector<1x16xf32>
          tpu.vector_store %arg10[%swap3A_837, %swap3A_838], %swap3A_841 {strides = array<i32>} : memref<128x128xf32, #tpu.memory_space<vmem>>, vector<1x16xf32>,
          %get3A_842 = arith.index_cast %add3A_821 : i32 to index
          %get3A_843 = arith.constant 32 : index
          %get3A_844 = tpu.vector_load %arg10[%get3A_842, %get3A_843] {strides = array<i32>} : memref<128x128xf32, #tpu.memory_space<vmem>>, vector<1x16xf32>,
          %get3A_845 = vector.shape_cast %get3A_844 : vector<1x16xf32> to vector<16xf32>
          %mul3A_846 = arith.mulf %get3A_845, %broadcast_in_dim3A_817 : vector<16xf32>
          %swap3A_847 = arith.index_cast %add3A_821 : i32 to index
          %swap3A_848 = arith.constant 32 : index
          %swap3A_849 = tpu.vector_load %arg10[%swap3A_847, %swap3A_848] {strides = array<i32>} : memref<128x128xf32, #tpu.memory_space<vmem>>, vector<1x16xf32>,
          %swap3A_850 = vector.shape_cast %swap3A_849 : vector<1x16xf32> to vector<16xf32>
          %swap3A_851 = vector.shape_cast %mul3A_846 : vector<16xf32> to vector<1x16xf32>
          tpu.vector_store %arg10[%swap3A_847, %swap3A_848], %swap3A_851 {strides = array<i32>} : memref<128x128xf32, #tpu.memory_space<vmem>>, vector<1x16xf32>,
          %get3A_852 = arith.index_cast %add3A_821 : i32 to index
          %get3A_853 = arith.constant 48 : index
          %get3A_854 = tpu.vector_load %arg10[%get3A_852, %get3A_853] {strides = array<i32>} : memref<128x128xf32, #tpu.memory_space<vmem>>, vector<1x16xf32>,
          %get3A_855 = vector.shape_cast %get3A_854 : vector<1x16xf32> to vector<16xf32>
          %mul3A_856 = arith.mulf %get3A_855, %broadcast_in_dim3A_817 : vector<16xf32>
          %swap3A_857 = arith.index_cast %add3A_821 : i32 to index
          %swap3A_858 = arith.constant 48 : index
          %swap3A_859 = tpu.vector_load %arg10[%swap3A_857, %swap3A_858] {strides = array<i32>} : memref<128x128xf32, #tpu.memory_space<vmem>>, vector<1x16xf32>,
          %swap3A_860 = vector.shape_cast %swap3A_859 : vector<1x16xf32> to vector<16xf32>
          %swap3A_861 = vector.shape_cast %mul3A_856 : vector<16xf32> to vector<1x16xf32>
          tpu.vector_store %arg10[%swap3A_857, %swap3A_858], %swap3A_861 {strides = array<i32>} : memref<128x128xf32, #tpu.memory_space<vmem>>, vector<1x16xf32>,
          %get3A_862 = arith.index_cast %add3A_821 : i32 to index
          %get3A_863 = arith.constant 64 : index
          %get3A_864 = tpu.vector_load %arg10[%get3A_862, %get3A_863] {strides = array<i32>} : memref<128x128xf32, #tpu.memory_space<vmem>>, vector<1x16xf32>,
          %get3A_865 = vector.shape_cast %get3A_864 : vector<1x16xf32> to vector<16xf32>
          %mul3A_866 = arith.mulf %get3A_865, %broadcast_in_dim3A_817 : vector<16xf32>
          %swap3A_867 = arith.index_cast %add3A_821 : i32 to index
          %swap3A_868 = arith.constant 64 : index
          %swap3A_869 = tpu.vector_load %arg10[%swap3A_867, %swap3A_868] {strides = array<i32>} : memref<128x128xf32, #tpu.memory_space<vmem>>, vector<1x16xf32>,
          %swap3A_870 = vector.shape_cast %swap3A_869 : vector<1x16xf32> to vector<16xf32>
          %swap3A_871 = vector.shape_cast %mul3A_866 : vector<16xf32> to vector<1x16xf32>
          tpu.vector_store %arg10[%swap3A_867, %swap3A_868], %swap3A_871 {strides = array<i32>} : memref<128x128xf32, #tpu.memory_space<vmem>>, vector<1x16xf32>,
          %get3A_872 = arith.index_cast %add3A_821 : i32 to index
          %get3A_873 = arith.constant 80 : index
          %get3A_874 = tpu.vector_load %arg10[%get3A_872, %get3A_873] {strides = array<i32>} : memref<128x128xf32, #tpu.memory_space<vmem>>, vector<1x16xf32>,
          %get3A_875 = vector.shape_cast %get3A_874 : vector<1x16xf32> to vector<16xf32>
          %mul3A_876 = arith.mulf %get3A_875, %broadcast_in_dim3A_817 : vector<16xf32>
          %swap3A_877 = arith.index_cast %add3A_821 : i32 to index
          %swap3A_878 = arith.constant 80 : index
          %swap3A_879 = tpu.vector_load %arg10[%swap3A_877, %swap3A_878] {strides = array<i32>} : memref<128x128xf32, #tpu.memory_space<vmem>>, vector<1x16xf32>,
          %swap3A_880 = vector.shape_cast %swap3A_879 : vector<1x16xf32> to vector<16xf32>
          %swap3A_881 = vector.shape_cast %mul3A_876 : vector<16xf32> to vector<1x16xf32>
          tpu.vector_store %arg10[%swap3A_877, %swap3A_878], %swap3A_881 {strides = array<i32>} : memref<128x128xf32, #tpu.memory_space<vmem>>, vector<1x16xf32>,
          %get3A_882 = arith.index_cast %add3A_821 : i32 to index
          %get3A_883 = arith.constant 96 : index
          %get3A_884 = tpu.vector_load %arg10[%get3A_882, %get3A_883] {strides = array<i32>} : memref<128x128xf32, #tpu.memory_space<vmem>>, vector<1x16xf32>,
          %get3A_885 = vector.shape_cast %get3A_884 : vector<1x16xf32> to vector<16xf32>
          %mul3A_886 = arith.mulf %get3A_885, %broadcast_in_dim3A_817 : vector<16xf32>
          %swap3A_887 = arith.index_cast %add3A_821 : i32 to index
          %swap3A_888 = arith.constant 96 : index
          %swap3A_889 = tpu.vector_load %arg10[%swap3A_887, %swap3A_888] {strides = array<i32>} : memref<128x128xf32, #tpu.memory_space<vmem>>, vector<1x16xf32>,
          %swap3A_890 = vector.shape_cast %swap3A_889 : vector<1x16xf32> to vector<16xf32>
          %swap3A_891 = vector.shape_cast %mul3A_886 : vector<16xf32> to vector<1x16xf32>
          tpu.vector_store %arg10[%swap3A_887, %swap3A_888], %swap3A_891 {strides = array<i32>} : memref<128x128xf32, #tpu.memory_space<vmem>>, vector<1x16xf32>,
          %get3A_892 = arith.index_cast %add3A_821 : i32 to index
          %get3A_893 = arith.constant 112 : index
          %get3A_894 = tpu.vector_load %arg10[%get3A_892, %get3A_893] {strides = array<i32>} : memref<128x128xf32, #tpu.memory_space<vmem>>, vector<1x16xf32>,
          %get3A_895 = vector.shape_cast %get3A_894 : vector<1x16xf32> to vector<16xf32>
          %mul3A_896 = arith.mulf %get3A_895, %broadcast_in_dim3A_817 : vector<16xf32>
          %swap3A_897 = arith.index_cast %add3A_821 : i32 to index
          %swap3A_898 = arith.constant 112 : index
          %swap3A_899 = tpu.vector_load %arg10[%swap3A_897, %swap3A_898] {strides = array<i32>} : memref<128x128xf32, #tpu.memory_space<vmem>>, vector<1x16xf32>,
          %swap3A_900 = vector.shape_cast %swap3A_899 : vector<1x16xf32> to vector<16xf32>
          %swap3A_901 = vector.shape_cast %mul3A_896 : vector<16xf32> to vector<1x16xf32>
          tpu.vector_store %arg10[%swap3A_897, %swap3A_898], %swap3A_901 {strides = array<i32>} : memref<128x128xf32, #tpu.memory_space<vmem>>, vector<1x16xf32>,
          %slice3A_902 = vector.extract_strided_slice %get3A_121 {offsets = [9], sizes = [1], strides = [1]} : vector<16xf32> to vector<1xf32>
          %squeeze3A_903 = vector.extract %slice3A_902[0] : f32 from vector<1xf32>
          %broadcast_in_dim3A_904 = vector.broadcast %squeeze3A_903 : f32 to vector<16xf32>
          %mul3A_905 = arith.constant 16 : i32
          %mul3A_906 = arith.muli %mul3A_905, %scan3A_116 : i32
          %add3A_907 = arith.constant 9 : i32
          %add3A_908 = arith.addi %mul3A_906, %add3A_907 : i32
          %get3A_909 = arith.index_cast %add3A_908 : i32 to index
          %get3A_910 = arith.constant 0 : index
          %get3A_911 = tpu.vector_load %arg10[%get3A_909, %get3A_910] {strides = array<i32>} : memref<128x128xf32, #tpu.memory_space<vmem>>, vector<1x16xf32>,
          %get3A_912 = vector.shape_cast %get3A_911 : vector<1x16xf32> to vector<16xf32>
          %mul3A_913 = arith.mulf %get3A_912, %broadcast_in_dim3A_904 : vector<16xf32>
          %swap3A_914 = arith.index_cast %add3A_908 : i32 to index
          %swap3A_915 = arith.constant 0 : index
          %swap3A_916 = tpu.vector_load %arg10[%swap3A_914, %swap3A_915] {strides = array<i32>} : memref<128x128xf32, #tpu.memory_space<vmem>>, vector<1x16xf32>,
          %swap3A_917 = vector.shape_cast %swap3A_916 : vector<1x16xf32> to vector<16xf32>
          %swap3A_918 = vector.shape_cast %mul3A_913 : vector<16xf32> to vector<1x16xf32>
          tpu.vector_store %arg10[%swap3A_914, %swap3A_915], %swap3A_918 {strides = array<i32>} : memref<128x128xf32, #tpu.memory_space<vmem>>, vector<1x16xf32>,
          %get3A_919 = arith.index_cast %add3A_908 : i32 to index
          %get3A_920 = arith.constant 16 : index
          %get3A_921 = tpu.vector_load %arg10[%get3A_919, %get3A_920] {strides = array<i32>} : memref<128x128xf32, #tpu.memory_space<vmem>>, vector<1x16xf32>,
          %get3A_922 = vector.shape_cast %get3A_921 : vector<1x16xf32> to vector<16xf32>
          %mul3A_923 = arith.mulf %get3A_922, %broadcast_in_dim3A_904 : vector<16xf32>
          %swap3A_924 = arith.index_cast %add3A_908 : i32 to index
          %swap3A_925 = arith.constant 16 : index
          %swap3A_926 = tpu.vector_load %arg10[%swap3A_924, %swap3A_925] {strides = array<i32>} : memref<128x128xf32, #tpu.memory_space<vmem>>, vector<1x16xf32>,
          %swap3A_927 = vector.shape_cast %swap3A_926 : vector<1x16xf32> to vector<16xf32>
          %swap3A_928 = vector.shape_cast %mul3A_923 : vector<16xf32> to vector<1x16xf32>
          tpu.vector_store %arg10[%swap3A_924, %swap3A_925], %swap3A_928 {strides = array<i32>} : memref<128x128xf32, #tpu.memory_space<vmem>>, vector<1x16xf32>,
          %get3A_929 = arith.index_cast %add3A_908 : i32 to index
          %get3A_930 = arith.constant 32 : index
          %get3A_931 = tpu.vector_load %arg10[%get3A_929, %get3A_930] {strides = array<i32>} : memref<128x128xf32, #tpu.memory_space<vmem>>, vector<1x16xf32>,
          %get3A_932 = vector.shape_cast %get3A_931 : vector<1x16xf32> to vector<16xf32>
          %mul3A_933 = arith.mulf %get3A_932, %broadcast_in_dim3A_904 : vector<16xf32>
          %swap3A_934 = arith.index_cast %add3A_908 : i32 to index
          %swap3A_935 = arith.constant 32 : index
          %swap3A_936 = tpu.vector_load %arg10[%swap3A_934, %swap3A_935] {strides = array<i32>} : memref<128x128xf32, #tpu.memory_space<vmem>>, vector<1x16xf32>,
          %swap3A_937 = vector.shape_cast %swap3A_936 : vector<1x16xf32> to vector<16xf32>
          %swap3A_938 = vector.shape_cast %mul3A_933 : vector<16xf32> to vector<1x16xf32>
          tpu.vector_store %arg10[%swap3A_934, %swap3A_935], %swap3A_938 {strides = array<i32>} : memref<128x128xf32, #tpu.memory_space<vmem>>, vector<1x16xf32>,
          %get3A_939 = arith.index_cast %add3A_908 : i32 to index
          %get3A_940 = arith.constant 48 : index
          %get3A_941 = tpu.vector_load %arg10[%get3A_939, %get3A_940] {strides = array<i32>} : memref<128x128xf32, #tpu.memory_space<vmem>>, vector<1x16xf32>,
          %get3A_942 = vector.shape_cast %get3A_941 : vector<1x16xf32> to vector<16xf32>
          %mul3A_943 = arith.mulf %get3A_942, %broadcast_in_dim3A_904 : vector<16xf32>
          %swap3A_944 = arith.index_cast %add3A_908 : i32 to index
          %swap3A_945 = arith.constant 48 : index
          %swap3A_946 = tpu.vector_load %arg10[%swap3A_944, %swap3A_945] {strides = array<i32>} : memref<128x128xf32, #tpu.memory_space<vmem>>, vector<1x16xf32>,
          %swap3A_947 = vector.shape_cast %swap3A_946 : vector<1x16xf32> to vector<16xf32>
          %swap3A_948 = vector.shape_cast %mul3A_943 : vector<16xf32> to vector<1x16xf32>
          tpu.vector_store %arg10[%swap3A_944, %swap3A_945], %swap3A_948 {strides = array<i32>} : memref<128x128xf32, #tpu.memory_space<vmem>>, vector<1x16xf32>,
          %get3A_949 = arith.index_cast %add3A_908 : i32 to index
          %get3A_950 = arith.constant 64 : index
          %get3A_951 = tpu.vector_load %arg10[%get3A_949, %get3A_950] {strides = array<i32>} : memref<128x128xf32, #tpu.memory_space<vmem>>, vector<1x16xf32>,
          %get3A_952 = vector.shape_cast %get3A_951 : vector<1x16xf32> to vector<16xf32>
          %mul3A_953 = arith.mulf %get3A_952, %broadcast_in_dim3A_904 : vector<16xf32>
          %swap3A_954 = arith.index_cast %add3A_908 : i32 to index
          %swap3A_955 = arith.constant 64 : index
          %swap3A_956 = tpu.vector_load %arg10[%swap3A_954, %swap3A_955] {strides = array<i32>} : memref<128x128xf32, #tpu.memory_space<vmem>>, vector<1x16xf32>,
          %swap3A_957 = vector.shape_cast %swap3A_956 : vector<1x16xf32> to vector<16xf32>
          %swap3A_958 = vector.shape_cast %mul3A_953 : vector<16xf32> to vector<1x16xf32>
          tpu.vector_store %arg10[%swap3A_954, %swap3A_955], %swap3A_958 {strides = array<i32>} : memref<128x128xf32, #tpu.memory_space<vmem>>, vector<1x16xf32>,
          %get3A_959 = arith.index_cast %add3A_908 : i32 to index
          %get3A_960 = arith.constant 80 : index
          %get3A_961 = tpu.vector_load %arg10[%get3A_959, %get3A_960] {strides = array<i32>} : memref<128x128xf32, #tpu.memory_space<vmem>>, vector<1x16xf32>,
          %get3A_962 = vector.shape_cast %get3A_961 : vector<1x16xf32> to vector<16xf32>
          %mul3A_963 = arith.mulf %get3A_962, %broadcast_in_dim3A_904 : vector<16xf32>
          %swap3A_964 = arith.index_cast %add3A_908 : i32 to index
          %swap3A_965 = arith.constant 80 : index
          %swap3A_966 = tpu.vector_load %arg10[%swap3A_964, %swap3A_965] {strides = array<i32>} : memref<128x128xf32, #tpu.memory_space<vmem>>, vector<1x16xf32>,
          %swap3A_967 = vector.shape_cast %swap3A_966 : vector<1x16xf32> to vector<16xf32>
          %swap3A_968 = vector.shape_cast %mul3A_963 : vector<16xf32> to vector<1x16xf32>
          tpu.vector_store %arg10[%swap3A_964, %swap3A_965], %swap3A_968 {strides = array<i32>} : memref<128x128xf32, #tpu.memory_space<vmem>>, vector<1x16xf32>,
          %get3A_969 = arith.index_cast %add3A_908 : i32 to index
          %get3A_970 = arith.constant 96 : index
          %get3A_971 = tpu.vector_load %arg10[%get3A_969, %get3A_970] {strides = array<i32>} : memref<128x128xf32, #tpu.memory_space<vmem>>, vector<1x16xf32>,
          %get3A_972 = vector.shape_cast %get3A_971 : vector<1x16xf32> to vector<16xf32>
          %mul3A_973 = arith.mulf %get3A_972, %broadcast_in_dim3A_904 : vector<16xf32>
          %swap3A_974 = arith.index_cast %add3A_908 : i32 to index
          %swap3A_975 = arith.constant 96 : index
          %swap3A_976 = tpu.vector_load %arg10[%swap3A_974, %swap3A_975] {strides = array<i32>} : memref<128x128xf32, #tpu.memory_space<vmem>>, vector<1x16xf32>,
          %swap3A_977 = vector.shape_cast %swap3A_976 : vector<1x16xf32> to vector<16xf32>
          %swap3A_978 = vector.shape_cast %mul3A_973 : vector<16xf32> to vector<1x16xf32>
          tpu.vector_store %arg10[%swap3A_974, %swap3A_975], %swap3A_978 {strides = array<i32>} : memref<128x128xf32, #tpu.memory_space<vmem>>, vector<1x16xf32>,
          %get3A_979 = arith.index_cast %add3A_908 : i32 to index
          %get3A_980 = arith.constant 112 : index
          %get3A_981 = tpu.vector_load %arg10[%get3A_979, %get3A_980] {strides = array<i32>} : memref<128x128xf32, #tpu.memory_space<vmem>>, vector<1x16xf32>,
          %get3A_982 = vector.shape_cast %get3A_981 : vector<1x16xf32> to vector<16xf32>
          %mul3A_983 = arith.mulf %get3A_982, %broadcast_in_dim3A_904 : vector<16xf32>
          %swap3A_984 = arith.index_cast %add3A_908 : i32 to index
          %swap3A_985 = arith.constant 112 : index
          %swap3A_986 = tpu.vector_load %arg10[%swap3A_984, %swap3A_985] {strides = array<i32>} : memref<128x128xf32, #tpu.memory_space<vmem>>, vector<1x16xf32>,
          %swap3A_987 = vector.shape_cast %swap3A_986 : vector<1x16xf32> to vector<16xf32>
          %swap3A_988 = vector.shape_cast %mul3A_983 : vector<16xf32> to vector<1x16xf32>
          tpu.vector_store %arg10[%swap3A_984, %swap3A_985], %swap3A_988 {strides = array<i32>} : memref<128x128xf32, #tpu.memory_space<vmem>>, vector<1x16xf32>,
          %slice3A_989 = vector.extract_strided_slice %get3A_121 {offsets = [10], sizes = [1], strides = [1]} : vector<16xf32> to vector<1xf32>
          %squeeze3A_990 = vector.extract %slice3A_989[0] : f32 from vector<1xf32>
          %broadcast_in_dim3A_991 = vector.broadcast %squeeze3A_990 : f32 to vector<16xf32>
          %mul3A_992 = arith.constant 16 : i32
          %mul3A_993 = arith.muli %mul3A_992, %scan3A_116 : i32
          %add3A_994 = arith.constant 10 : i32
          %add3A_995 = arith.addi %mul3A_993, %add3A_994 : i32
          %get3A_996 = arith.index_cast %add3A_995 : i32 to index
          %get3A_997 = arith.constant 0 : index
          %get3A_998 = tpu.vector_load %arg10[%get3A_996, %get3A_997] {strides = array<i32>} : memref<128x128xf32, #tpu.memory_space<vmem>>, vector<1x16xf32>,
          %get3A_999 = vector.shape_cast %get3A_998 : vector<1x16xf32> to vector<16xf32>
          %mul3A_1000 = arith.mulf %get3A_999, %broadcast_in_dim3A_991 : vector<16xf32>
          %swap3A_1001 = arith.index_cast %add3A_995 : i32 to index
          %swap3A_1002 = arith.constant 0 : index
          %swap3A_1003 = tpu.vector_load %arg10[%swap3A_1001, %swap3A_1002] {strides = array<i32>} : memref<128x128xf32, #tpu.memory_space<vmem>>, vector<1x16xf32>,
          %swap3A_1004 = vector.shape_cast %swap3A_1003 : vector<1x16xf32> to vector<16xf32>
          %swap3A_1005 = vector.shape_cast %mul3A_1000 : vector<16xf32> to vector<1x16xf32>
          tpu.vector_store %arg10[%swap3A_1001, %swap3A_1002], %swap3A_1005 {strides = array<i32>} : memref<128x128xf32, #tpu.memory_space<vmem>>, vector<1x16xf32>,
          %get3A_1006 = arith.index_cast %add3A_995 : i32 to index
          %get3A_1007 = arith.constant 16 : index
          %get3A_1008 = tpu.vector_load %arg10[%get3A_1006, %get3A_1007] {strides = array<i32>} : memref<128x128xf32, #tpu.memory_space<vmem>>, vector<1x16xf32>,
          %get3A_1009 = vector.shape_cast %get3A_1008 : vector<1x16xf32> to vector<16xf32>
          %mul3A_1010 = arith.mulf %get3A_1009, %broadcast_in_dim3A_991 : vector<16xf32>
          %swap3A_1011 = arith.index_cast %add3A_995 : i32 to index
          %swap3A_1012 = arith.constant 16 : index
          %swap3A_1013 = tpu.vector_load %arg10[%swap3A_1011, %swap3A_1012] {strides = array<i32>} : memref<128x128xf32, #tpu.memory_space<vmem>>, vector<1x16xf32>,
          %swap3A_1014 = vector.shape_cast %swap3A_1013 : vector<1x16xf32> to vector<16xf32>
          %swap3A_1015 = vector.shape_cast %mul3A_1010 : vector<16xf32> to vector<1x16xf32>
          tpu.vector_store %arg10[%swap3A_1011, %swap3A_1012], %swap3A_1015 {strides = array<i32>} : memref<128x128xf32, #tpu.memory_space<vmem>>, vector<1x16xf32>,
          %get3A_1016 = arith.index_cast %add3A_995 : i32 to index
          %get3A_1017 = arith.constant 32 : index
          %get3A_1018 = tpu.vector_load %arg10[%get3A_1016, %get3A_1017] {strides = array<i32>} : memref<128x128xf32, #tpu.memory_space<vmem>>, vector<1x16xf32>,
          %get3A_1019 = vector.shape_cast %get3A_1018 : vector<1x16xf32> to vector<16xf32>
          %mul3A_1020 = arith.mulf %get3A_1019, %broadcast_in_dim3A_991 : vector<16xf32>
          %swap3A_1021 = arith.index_cast %add3A_995 : i32 to index
          %swap3A_1022 = arith.constant 32 : index
          %swap3A_1023 = tpu.vector_load %arg10[%swap3A_1021, %swap3A_1022] {strides = array<i32>} : memref<128x128xf32, #tpu.memory_space<vmem>>, vector<1x16xf32>,
          %swap3A_1024 = vector.shape_cast %swap3A_1023 : vector<1x16xf32> to vector<16xf32>
          %swap3A_1025 = vector.shape_cast %mul3A_1020 : vector<16xf32> to vector<1x16xf32>
          tpu.vector_store %arg10[%swap3A_1021, %swap3A_1022], %swap3A_1025 {strides = array<i32>} : memref<128x128xf32, #tpu.memory_space<vmem>>, vector<1x16xf32>,
          %get3A_1026 = arith.index_cast %add3A_995 : i32 to index
          %get3A_1027 = arith.constant 48 : index
          %get3A_1028 = tpu.vector_load %arg10[%get3A_1026, %get3A_1027] {strides = array<i32>} : memref<128x128xf32, #tpu.memory_space<vmem>>, vector<1x16xf32>,
          %get3A_1029 = vector.shape_cast %get3A_1028 : vector<1x16xf32> to vector<16xf32>
          %mul3A_1030 = arith.mulf %get3A_1029, %broadcast_in_dim3A_991 : vector<16xf32>
          %swap3A_1031 = arith.index_cast %add3A_995 : i32 to index
          %swap3A_1032 = arith.constant 48 : index
          %swap3A_1033 = tpu.vector_load %arg10[%swap3A_1031, %swap3A_1032] {strides = array<i32>} : memref<128x128xf32, #tpu.memory_space<vmem>>, vector<1x16xf32>,
          %swap3A_1034 = vector.shape_cast %swap3A_1033 : vector<1x16xf32> to vector<16xf32>
          %swap3A_1035 = vector.shape_cast %mul3A_1030 : vector<16xf32> to vector<1x16xf32>
          tpu.vector_store %arg10[%swap3A_1031, %swap3A_1032], %swap3A_1035 {strides = array<i32>} : memref<128x128xf32, #tpu.memory_space<vmem>>, vector<1x16xf32>,
          %get3A_1036 = arith.index_cast %add3A_995 : i32 to index
          %get3A_1037 = arith.constant 64 : index
          %get3A_1038 = tpu.vector_load %arg10[%get3A_1036, %get3A_1037] {strides = array<i32>} : memref<128x128xf32, #tpu.memory_space<vmem>>, vector<1x16xf32>,
          %get3A_1039 = vector.shape_cast %get3A_1038 : vector<1x16xf32> to vector<16xf32>
          %mul3A_1040 = arith.mulf %get3A_1039, %broadcast_in_dim3A_991 : vector<16xf32>
          %swap3A_1041 = arith.index_cast %add3A_995 : i32 to index
          %swap3A_1042 = arith.constant 64 : index
          %swap3A_1043 = tpu.vector_load %arg10[%swap3A_1041, %swap3A_1042] {strides = array<i32>} : memref<128x128xf32, #tpu.memory_space<vmem>>, vector<1x16xf32>,
          %swap3A_1044 = vector.shape_cast %swap3A_1043 : vector<1x16xf32> to vector<16xf32>
          %swap3A_1045 = vector.shape_cast %mul3A_1040 : vector<16xf32> to vector<1x16xf32>
          tpu.vector_store %arg10[%swap3A_1041, %swap3A_1042], %swap3A_1045 {strides = array<i32>} : memref<128x128xf32, #tpu.memory_space<vmem>>, vector<1x16xf32>,
          %get3A_1046 = arith.index_cast %add3A_995 : i32 to index
          %get3A_1047 = arith.constant 80 : index
          %get3A_1048 = tpu.vector_load %arg10[%get3A_1046, %get3A_1047] {strides = array<i32>} : memref<128x128xf32, #tpu.memory_space<vmem>>, vector<1x16xf32>,
          %get3A_1049 = vector.shape_cast %get3A_1048 : vector<1x16xf32> to vector<16xf32>
          %mul3A_1050 = arith.mulf %get3A_1049, %broadcast_in_dim3A_991 : vector<16xf32>
          %swap3A_1051 = arith.index_cast %add3A_995 : i32 to index
          %swap3A_1052 = arith.constant 80 : index
          %swap3A_1053 = tpu.vector_load %arg10[%swap3A_1051, %swap3A_1052] {strides = array<i32>} : memref<128x128xf32, #tpu.memory_space<vmem>>, vector<1x16xf32>,
          %swap3A_1054 = vector.shape_cast %swap3A_1053 : vector<1x16xf32> to vector<16xf32>
          %swap3A_1055 = vector.shape_cast %mul3A_1050 : vector<16xf32> to vector<1x16xf32>
          tpu.vector_store %arg10[%swap3A_1051, %swap3A_1052], %swap3A_1055 {strides = array<i32>} : memref<128x128xf32, #tpu.memory_space<vmem>>, vector<1x16xf32>,
          %get3A_1056 = arith.index_cast %add3A_995 : i32 to index
          %get3A_1057 = arith.constant 96 : index
          %get3A_1058 = tpu.vector_load %arg10[%get3A_1056, %get3A_1057] {strides = array<i32>} : memref<128x128xf32, #tpu.memory_space<vmem>>, vector<1x16xf32>,
          %get3A_1059 = vector.shape_cast %get3A_1058 : vector<1x16xf32> to vector<16xf32>
          %mul3A_1060 = arith.mulf %get3A_1059, %broadcast_in_dim3A_991 : vector<16xf32>
          %swap3A_1061 = arith.index_cast %add3A_995 : i32 to index
          %swap3A_1062 = arith.constant 96 : index
          %swap3A_1063 = tpu.vector_load %arg10[%swap3A_1061, %swap3A_1062] {strides = array<i32>} : memref<128x128xf32, #tpu.memory_space<vmem>>, vector<1x16xf32>,
          %swap3A_1064 = vector.shape_cast %swap3A_1063 : vector<1x16xf32> to vector<16xf32>
          %swap3A_1065 = vector.shape_cast %mul3A_1060 : vector<16xf32> to vector<1x16xf32>
          tpu.vector_store %arg10[%swap3A_1061, %swap3A_1062], %swap3A_1065 {strides = array<i32>} : memref<128x128xf32, #tpu.memory_space<vmem>>, vector<1x16xf32>,
          %get3A_1066 = arith.index_cast %add3A_995 : i32 to index
          %get3A_1067 = arith.constant 112 : index
          %get3A_1068 = tpu.vector_load %arg10[%get3A_1066, %get3A_1067] {strides = array<i32>} : memref<128x128xf32, #tpu.memory_space<vmem>>, vector<1x16xf32>,
          %get3A_1069 = vector.shape_cast %get3A_1068 : vector<1x16xf32> to vector<16xf32>
          %mul3A_1070 = arith.mulf %get3A_1069, %broadcast_in_dim3A_991 : vector<16xf32>
          %swap3A_1071 = arith.index_cast %add3A_995 : i32 to index
          %swap3A_1072 = arith.constant 112 : index
          %swap3A_1073 = tpu.vector_load %arg10[%swap3A_1071, %swap3A_1072] {strides = array<i32>} : memref<128x128xf32, #tpu.memory_space<vmem>>, vector<1x16xf32>,
          %swap3A_1074 = vector.shape_cast %swap3A_1073 : vector<1x16xf32> to vector<16xf32>
          %swap3A_1075 = vector.shape_cast %mul3A_1070 : vector<16xf32> to vector<1x16xf32>
          tpu.vector_store %arg10[%swap3A_1071, %swap3A_1072], %swap3A_1075 {strides = array<i32>} : memref<128x128xf32, #tpu.memory_space<vmem>>, vector<1x16xf32>,
          %slice3A_1076 = vector.extract_strided_slice %get3A_121 {offsets = [11], sizes = [1], strides = [1]} : vector<16xf32> to vector<1xf32>
          %squeeze3A_1077 = vector.extract %slice3A_1076[0] : f32 from vector<1xf32>
          %broadcast_in_dim3A_1078 = vector.broadcast %squeeze3A_1077 : f32 to vector<16xf32>
          %mul3A_1079 = arith.constant 16 : i32
          %mul3A_1080 = arith.muli %mul3A_1079, %scan3A_116 : i32
          %add3A_1081 = arith.constant 11 : i32
          %add3A_1082 = arith.addi %mul3A_1080, %add3A_1081 : i32
          %get3A_1083 = arith.index_cast %add3A_1082 : i32 to index
          %get3A_1084 = arith.constant 0 : index
          %get3A_1085 = tpu.vector_load %arg10[%get3A_1083, %get3A_1084] {strides = array<i32>} : memref<128x128xf32, #tpu.memory_space<vmem>>, vector<1x16xf32>,
          %get3A_1086 = vector.shape_cast %get3A_1085 : vector<1x16xf32> to vector<16xf32>
          %mul3A_1087 = arith.mulf %get3A_1086, %broadcast_in_dim3A_1078 : vector<16xf32>
          %swap3A_1088 = arith.index_cast %add3A_1082 : i32 to index
          %swap3A_1089 = arith.constant 0 : index
          %swap3A_1090 = tpu.vector_load %arg10[%swap3A_1088, %swap3A_1089] {strides = array<i32>} : memref<128x128xf32, #tpu.memory_space<vmem>>, vector<1x16xf32>,
          %swap3A_1091 = vector.shape_cast %swap3A_1090 : vector<1x16xf32> to vector<16xf32>
          %swap3A_1092 = vector.shape_cast %mul3A_1087 : vector<16xf32> to vector<1x16xf32>
          tpu.vector_store %arg10[%swap3A_1088, %swap3A_1089], %swap3A_1092 {strides = array<i32>} : memref<128x128xf32, #tpu.memory_space<vmem>>, vector<1x16xf32>,
          %get3A_1093 = arith.index_cast %add3A_1082 : i32 to index
          %get3A_1094 = arith.constant 16 : index
          %get3A_1095 = tpu.vector_load %arg10[%get3A_1093, %get3A_1094] {strides = array<i32>} : memref<128x128xf32, #tpu.memory_space<vmem>>, vector<1x16xf32>,
          %get3A_1096 = vector.shape_cast %get3A_1095 : vector<1x16xf32> to vector<16xf32>
          %mul3A_1097 = arith.mulf %get3A_1096, %broadcast_in_dim3A_1078 : vector<16xf32>
          %swap3A_1098 = arith.index_cast %add3A_1082 : i32 to index
          %swap3A_1099 = arith.constant 16 : index
          %swap3A_1100 = tpu.vector_load %arg10[%swap3A_1098, %swap3A_1099] {strides = array<i32>} : memref<128x128xf32, #tpu.memory_space<vmem>>, vector<1x16xf32>,
          %swap3A_1101 = vector.shape_cast %swap3A_1100 : vector<1x16xf32> to vector<16xf32>
          %swap3A_1102 = vector.shape_cast %mul3A_1097 : vector<16xf32> to vector<1x16xf32>
          tpu.vector_store %arg10[%swap3A_1098, %swap3A_1099], %swap3A_1102 {strides = array<i32>} : memref<128x128xf32, #tpu.memory_space<vmem>>, vector<1x16xf32>,
          %get3A_1103 = arith.index_cast %add3A_1082 : i32 to index
          %get3A_1104 = arith.constant 32 : index
          %get3A_1105 = tpu.vector_load %arg10[%get3A_1103, %get3A_1104] {strides = array<i32>} : memref<128x128xf32, #tpu.memory_space<vmem>>, vector<1x16xf32>,
          %get3A_1106 = vector.shape_cast %get3A_1105 : vector<1x16xf32> to vector<16xf32>
          %mul3A_1107 = arith.mulf %get3A_1106, %broadcast_in_dim3A_1078 : vector<16xf32>
          %swap3A_1108 = arith.index_cast %add3A_1082 : i32 to index
          %swap3A_1109 = arith.constant 32 : index
          %swap3A_1110 = tpu.vector_load %arg10[%swap3A_1108, %swap3A_1109] {strides = array<i32>} : memref<128x128xf32, #tpu.memory_space<vmem>>, vector<1x16xf32>,
          %swap3A_1111 = vector.shape_cast %swap3A_1110 : vector<1x16xf32> to vector<16xf32>
          %swap3A_1112 = vector.shape_cast %mul3A_1107 : vector<16xf32> to vector<1x16xf32>
          tpu.vector_store %arg10[%swap3A_1108, %swap3A_1109], %swap3A_1112 {strides = array<i32>} : memref<128x128xf32, #tpu.memory_space<vmem>>, vector<1x16xf32>,
          %get3A_1113 = arith.index_cast %add3A_1082 : i32 to index
          %get3A_1114 = arith.constant 48 : index
          %get3A_1115 = tpu.vector_load %arg10[%get3A_1113, %get3A_1114] {strides = array<i32>} : memref<128x128xf32, #tpu.memory_space<vmem>>, vector<1x16xf32>,
          %get3A_1116 = vector.shape_cast %get3A_1115 : vector<1x16xf32> to vector<16xf32>
          %mul3A_1117 = arith.mulf %get3A_1116, %broadcast_in_dim3A_1078 : vector<16xf32>
          %swap3A_1118 = arith.index_cast %add3A_1082 : i32 to index
          %swap3A_1119 = arith.constant 48 : index
          %swap3A_1120 = tpu.vector_load %arg10[%swap3A_1118, %swap3A_1119] {strides = array<i32>} : memref<128x128xf32, #tpu.memory_space<vmem>>, vector<1x16xf32>,
          %swap3A_1121 = vector.shape_cast %swap3A_1120 : vector<1x16xf32> to vector<16xf32>
          %swap3A_1122 = vector.shape_cast %mul3A_1117 : vector<16xf32> to vector<1x16xf32>
          tpu.vector_store %arg10[%swap3A_1118, %swap3A_1119], %swap3A_1122 {strides = array<i32>} : memref<128x128xf32, #tpu.memory_space<vmem>>, vector<1x16xf32>,
          %get3A_1123 = arith.index_cast %add3A_1082 : i32 to index
          %get3A_1124 = arith.constant 64 : index
          %get3A_1125 = tpu.vector_load %arg10[%get3A_1123, %get3A_1124] {strides = array<i32>} : memref<128x128xf32, #tpu.memory_space<vmem>>, vector<1x16xf32>,
          %get3A_1126 = vector.shape_cast %get3A_1125 : vector<1x16xf32> to vector<16xf32>
          %mul3A_1127 = arith.mulf %get3A_1126, %broadcast_in_dim3A_1078 : vector<16xf32>
          %swap3A_1128 = arith.index_cast %add3A_1082 : i32 to index
          %swap3A_1129 = arith.constant 64 : index
          %swap3A_1130 = tpu.vector_load %arg10[%swap3A_1128, %swap3A_1129] {strides = array<i32>} : memref<128x128xf32, #tpu.memory_space<vmem>>, vector<1x16xf32>,
          %swap3A_1131 = vector.shape_cast %swap3A_1130 : vector<1x16xf32> to vector<16xf32>
          %swap3A_1132 = vector.shape_cast %mul3A_1127 : vector<16xf32> to vector<1x16xf32>
          tpu.vector_store %arg10[%swap3A_1128, %swap3A_1129], %swap3A_1132 {strides = array<i32>} : memref<128x128xf32, #tpu.memory_space<vmem>>, vector<1x16xf32>,
          %get3A_1133 = arith.index_cast %add3A_1082 : i32 to index
          %get3A_1134 = arith.constant 80 : index
          %get3A_1135 = tpu.vector_load %arg10[%get3A_1133, %get3A_1134] {strides = array<i32>} : memref<128x128xf32, #tpu.memory_space<vmem>>, vector<1x16xf32>,
          %get3A_1136 = vector.shape_cast %get3A_1135 : vector<1x16xf32> to vector<16xf32>
          %mul3A_1137 = arith.mulf %get3A_1136, %broadcast_in_dim3A_1078 : vector<16xf32>
          %swap3A_1138 = arith.index_cast %add3A_1082 : i32 to index
          %swap3A_1139 = arith.constant 80 : index
          %swap3A_1140 = tpu.vector_load %arg10[%swap3A_1138, %swap3A_1139] {strides = array<i32>} : memref<128x128xf32, #tpu.memory_space<vmem>>, vector<1x16xf32>,
          %swap3A_1141 = vector.shape_cast %swap3A_1140 : vector<1x16xf32> to vector<16xf32>
          %swap3A_1142 = vector.shape_cast %mul3A_1137 : vector<16xf32> to vector<1x16xf32>
          tpu.vector_store %arg10[%swap3A_1138, %swap3A_1139], %swap3A_1142 {strides = array<i32>} : memref<128x128xf32, #tpu.memory_space<vmem>>, vector<1x16xf32>,
          %get3A_1143 = arith.index_cast %add3A_1082 : i32 to index
          %get3A_1144 = arith.constant 96 : index
          %get3A_1145 = tpu.vector_load %arg10[%get3A_1143, %get3A_1144] {strides = array<i32>} : memref<128x128xf32, #tpu.memory_space<vmem>>, vector<1x16xf32>,
          %get3A_1146 = vector.shape_cast %get3A_1145 : vector<1x16xf32> to vector<16xf32>
          %mul3A_1147 = arith.mulf %get3A_1146, %broadcast_in_dim3A_1078 : vector<16xf32>
          %swap3A_1148 = arith.index_cast %add3A_1082 : i32 to index
          %swap3A_1149 = arith.constant 96 : index
          %swap3A_1150 = tpu.vector_load %arg10[%swap3A_1148, %swap3A_1149] {strides = array<i32>} : memref<128x128xf32, #tpu.memory_space<vmem>>, vector<1x16xf32>,
          %swap3A_1151 = vector.shape_cast %swap3A_1150 : vector<1x16xf32> to vector<16xf32>
          %swap3A_1152 = vector.shape_cast %mul3A_1147 : vector<16xf32> to vector<1x16xf32>
          tpu.vector_store %arg10[%swap3A_1148, %swap3A_1149], %swap3A_1152 {strides = array<i32>} : memref<128x128xf32, #tpu.memory_space<vmem>>, vector<1x16xf32>,
          %get3A_1153 = arith.index_cast %add3A_1082 : i32 to index
          %get3A_1154 = arith.constant 112 : index
          %get3A_1155 = tpu.vector_load %arg10[%get3A_1153, %get3A_1154] {strides = array<i32>} : memref<128x128xf32, #tpu.memory_space<vmem>>, vector<1x16xf32>,
          %get3A_1156 = vector.shape_cast %get3A_1155 : vector<1x16xf32> to vector<16xf32>
          %mul3A_1157 = arith.mulf %get3A_1156, %broadcast_in_dim3A_1078 : vector<16xf32>
          %swap3A_1158 = arith.index_cast %add3A_1082 : i32 to index
          %swap3A_1159 = arith.constant 112 : index
          %swap3A_1160 = tpu.vector_load %arg10[%swap3A_1158, %swap3A_1159] {strides = array<i32>} : memref<128x128xf32, #tpu.memory_space<vmem>>, vector<1x16xf32>,
          %swap3A_1161 = vector.shape_cast %swap3A_1160 : vector<1x16xf32> to vector<16xf32>
          %swap3A_1162 = vector.shape_cast %mul3A_1157 : vector<16xf32> to vector<1x16xf32>
          tpu.vector_store %arg10[%swap3A_1158, %swap3A_1159], %swap3A_1162 {strides = array<i32>} : memref<128x128xf32, #tpu.memory_space<vmem>>, vector<1x16xf32>,
          %slice3A_1163 = vector.extract_strided_slice %get3A_121 {offsets = [12], sizes = [1], strides = [1]} : vector<16xf32> to vector<1xf32>
          %squeeze3A_1164 = vector.extract %slice3A_1163[0] : f32 from vector<1xf32>
          %broadcast_in_dim3A_1165 = vector.broadcast %squeeze3A_1164 : f32 to vector<16xf32>
          %mul3A_1166 = arith.constant 16 : i32
          %mul3A_1167 = arith.muli %mul3A_1166, %scan3A_116 : i32
          %add3A_1168 = arith.constant 12 : i32
          %add3A_1169 = arith.addi %mul3A_1167, %add3A_1168 : i32
          %get3A_1170 = arith.index_cast %add3A_1169 : i32 to index
          %get3A_1171 = arith.constant 0 : index
          %get3A_1172 = tpu.vector_load %arg10[%get3A_1170, %get3A_1171] {strides = array<i32>} : memref<128x128xf32, #tpu.memory_space<vmem>>, vector<1x16xf32>,
          %get3A_1173 = vector.shape_cast %get3A_1172 : vector<1x16xf32> to vector<16xf32>
          %mul3A_1174 = arith.mulf %get3A_1173, %broadcast_in_dim3A_1165 : vector<16xf32>
          %swap3A_1175 = arith.index_cast %add3A_1169 : i32 to index
          %swap3A_1176 = arith.constant 0 : index
          %swap3A_1177 = tpu.vector_load %arg10[%swap3A_1175, %swap3A_1176] {strides = array<i32>} : memref<128x128xf32, #tpu.memory_space<vmem>>, vector<1x16xf32>,
          %swap3A_1178 = vector.shape_cast %swap3A_1177 : vector<1x16xf32> to vector<16xf32>
          %swap3A_1179 = vector.shape_cast %mul3A_1174 : vector<16xf32> to vector<1x16xf32>
          tpu.vector_store %arg10[%swap3A_1175, %swap3A_1176], %swap3A_1179 {strides = array<i32>} : memref<128x128xf32, #tpu.memory_space<vmem>>, vector<1x16xf32>,
          %get3A_1180 = arith.index_cast %add3A_1169 : i32 to index
          %get3A_1181 = arith.constant 16 : index
          %get3A_1182 = tpu.vector_load %arg10[%get3A_1180, %get3A_1181] {strides = array<i32>} : memref<128x128xf32, #tpu.memory_space<vmem>>, vector<1x16xf32>,
          %get3A_1183 = vector.shape_cast %get3A_1182 : vector<1x16xf32> to vector<16xf32>
          %mul3A_1184 = arith.mulf %get3A_1183, %broadcast_in_dim3A_1165 : vector<16xf32>
          %swap3A_1185 = arith.index_cast %add3A_1169 : i32 to index
          %swap3A_1186 = arith.constant 16 : index
          %swap3A_1187 = tpu.vector_load %arg10[%swap3A_1185, %swap3A_1186] {strides = array<i32>} : memref<128x128xf32, #tpu.memory_space<vmem>>, vector<1x16xf32>,
          %swap3A_1188 = vector.shape_cast %swap3A_1187 : vector<1x16xf32> to vector<16xf32>
          %swap3A_1189 = vector.shape_cast %mul3A_1184 : vector<16xf32> to vector<1x16xf32>
          tpu.vector_store %arg10[%swap3A_1185, %swap3A_1186], %swap3A_1189 {strides = array<i32>} : memref<128x128xf32, #tpu.memory_space<vmem>>, vector<1x16xf32>,
          %get3A_1190 = arith.index_cast %add3A_1169 : i32 to index
          %get3A_1191 = arith.constant 32 : index
          %get3A_1192 = tpu.vector_load %arg10[%get3A_1190, %get3A_1191] {strides = array<i32>} : memref<128x128xf32, #tpu.memory_space<vmem>>, vector<1x16xf32>,
          %get3A_1193 = vector.shape_cast %get3A_1192 : vector<1x16xf32> to vector<16xf32>
          %mul3A_1194 = arith.mulf %get3A_1193, %broadcast_in_dim3A_1165 : vector<16xf32>
          %swap3A_1195 = arith.index_cast %add3A_1169 : i32 to index
          %swap3A_1196 = arith.constant 32 : index
          %swap3A_1197 = tpu.vector_load %arg10[%swap3A_1195, %swap3A_1196] {strides = array<i32>} : memref<128x128xf32, #tpu.memory_space<vmem>>, vector<1x16xf32>,
          %swap3A_1198 = vector.shape_cast %swap3A_1197 : vector<1x16xf32> to vector<16xf32>
          %swap3A_1199 = vector.shape_cast %mul3A_1194 : vector<16xf32> to vector<1x16xf32>
          tpu.vector_store %arg10[%swap3A_1195, %swap3A_1196], %swap3A_1199 {strides = array<i32>} : memref<128x128xf32, #tpu.memory_space<vmem>>, vector<1x16xf32>,
          %get3A_1200 = arith.index_cast %add3A_1169 : i32 to index
          %get3A_1201 = arith.constant 48 : index
          %get3A_1202 = tpu.vector_load %arg10[%get3A_1200, %get3A_1201] {strides = array<i32>} : memref<128x128xf32, #tpu.memory_space<vmem>>, vector<1x16xf32>,
          %get3A_1203 = vector.shape_cast %get3A_1202 : vector<1x16xf32> to vector<16xf32>
          %mul3A_1204 = arith.mulf %get3A_1203, %broadcast_in_dim3A_1165 : vector<16xf32>
          %swap3A_1205 = arith.index_cast %add3A_1169 : i32 to index
          %swap3A_1206 = arith.constant 48 : index
          %swap3A_1207 = tpu.vector_load %arg10[%swap3A_1205, %swap3A_1206] {strides = array<i32>} : memref<128x128xf32, #tpu.memory_space<vmem>>, vector<1x16xf32>,
          %swap3A_1208 = vector.shape_cast %swap3A_1207 : vector<1x16xf32> to vector<16xf32>
          %swap3A_1209 = vector.shape_cast %mul3A_1204 : vector<16xf32> to vector<1x16xf32>
          tpu.vector_store %arg10[%swap3A_1205, %swap3A_1206], %swap3A_1209 {strides = array<i32>} : memref<128x128xf32, #tpu.memory_space<vmem>>, vector<1x16xf32>,
          %get3A_1210 = arith.index_cast %add3A_1169 : i32 to index
          %get3A_1211 = arith.constant 64 : index
          %get3A_1212 = tpu.vector_load %arg10[%get3A_1210, %get3A_1211] {strides = array<i32>} : memref<128x128xf32, #tpu.memory_space<vmem>>, vector<1x16xf32>,
          %get3A_1213 = vector.shape_cast %get3A_1212 : vector<1x16xf32> to vector<16xf32>
          %mul3A_1214 = arith.mulf %get3A_1213, %broadcast_in_dim3A_1165 : vector<16xf32>
          %swap3A_1215 = arith.index_cast %add3A_1169 : i32 to index
          %swap3A_1216 = arith.constant 64 : index
          %swap3A_1217 = tpu.vector_load %arg10[%swap3A_1215, %swap3A_1216] {strides = array<i32>} : memref<128x128xf32, #tpu.memory_space<vmem>>, vector<1x16xf32>,
          %swap3A_1218 = vector.shape_cast %swap3A_1217 : vector<1x16xf32> to vector<16xf32>
          %swap3A_1219 = vector.shape_cast %mul3A_1214 : vector<16xf32> to vector<1x16xf32>
          tpu.vector_store %arg10[%swap3A_1215, %swap3A_1216], %swap3A_1219 {strides = array<i32>} : memref<128x128xf32, #tpu.memory_space<vmem>>, vector<1x16xf32>,
          %get3A_1220 = arith.index_cast %add3A_1169 : i32 to index
          %get3A_1221 = arith.constant 80 : index
          %get3A_1222 = tpu.vector_load %arg10[%get3A_1220, %get3A_1221] {strides = array<i32>} : memref<128x128xf32, #tpu.memory_space<vmem>>, vector<1x16xf32>,
          %get3A_1223 = vector.shape_cast %get3A_1222 : vector<1x16xf32> to vector<16xf32>
          %mul3A_1224 = arith.mulf %get3A_1223, %broadcast_in_dim3A_1165 : vector<16xf32>
          %swap3A_1225 = arith.index_cast %add3A_1169 : i32 to index
          %swap3A_1226 = arith.constant 80 : index
          %swap3A_1227 = tpu.vector_load %arg10[%swap3A_1225, %swap3A_1226] {strides = array<i32>} : memref<128x128xf32, #tpu.memory_space<vmem>>, vector<1x16xf32>,
          %swap3A_1228 = vector.shape_cast %swap3A_1227 : vector<1x16xf32> to vector<16xf32>
          %swap3A_1229 = vector.shape_cast %mul3A_1224 : vector<16xf32> to vector<1x16xf32>
          tpu.vector_store %arg10[%swap3A_1225, %swap3A_1226], %swap3A_1229 {strides = array<i32>} : memref<128x128xf32, #tpu.memory_space<vmem>>, vector<1x16xf32>,
          %get3A_1230 = arith.index_cast %add3A_1169 : i32 to index
          %get3A_1231 = arith.constant 96 : index
          %get3A_1232 = tpu.vector_load %arg10[%get3A_1230, %get3A_1231] {strides = array<i32>} : memref<128x128xf32, #tpu.memory_space<vmem>>, vector<1x16xf32>,
          %get3A_1233 = vector.shape_cast %get3A_1232 : vector<1x16xf32> to vector<16xf32>
          %mul3A_1234 = arith.mulf %get3A_1233, %broadcast_in_dim3A_1165 : vector<16xf32>
          %swap3A_1235 = arith.index_cast %add3A_1169 : i32 to index
          %swap3A_1236 = arith.constant 96 : index
          %swap3A_1237 = tpu.vector_load %arg10[%swap3A_1235, %swap3A_1236] {strides = array<i32>} : memref<128x128xf32, #tpu.memory_space<vmem>>, vector<1x16xf32>,
          %swap3A_1238 = vector.shape_cast %swap3A_1237 : vector<1x16xf32> to vector<16xf32>
          %swap3A_1239 = vector.shape_cast %mul3A_1234 : vector<16xf32> to vector<1x16xf32>
          tpu.vector_store %arg10[%swap3A_1235, %swap3A_1236], %swap3A_1239 {strides = array<i32>} : memref<128x128xf32, #tpu.memory_space<vmem>>, vector<1x16xf32>,
          %get3A_1240 = arith.index_cast %add3A_1169 : i32 to index
          %get3A_1241 = arith.constant 112 : index
          %get3A_1242 = tpu.vector_load %arg10[%get3A_1240, %get3A_1241] {strides = array<i32>} : memref<128x128xf32, #tpu.memory_space<vmem>>, vector<1x16xf32>,
          %get3A_1243 = vector.shape_cast %get3A_1242 : vector<1x16xf32> to vector<16xf32>
          %mul3A_1244 = arith.mulf %get3A_1243, %broadcast_in_dim3A_1165 : vector<16xf32>
          %swap3A_1245 = arith.index_cast %add3A_1169 : i32 to index
          %swap3A_1246 = arith.constant 112 : index
          %swap3A_1247 = tpu.vector_load %arg10[%swap3A_1245, %swap3A_1246] {strides = array<i32>} : memref<128x128xf32, #tpu.memory_space<vmem>>, vector<1x16xf32>,
          %swap3A_1248 = vector.shape_cast %swap3A_1247 : vector<1x16xf32> to vector<16xf32>
          %swap3A_1249 = vector.shape_cast %mul3A_1244 : vector<16xf32> to vector<1x16xf32>
          tpu.vector_store %arg10[%swap3A_1245, %swap3A_1246], %swap3A_1249 {strides = array<i32>} : memref<128x128xf32, #tpu.memory_space<vmem>>, vector<1x16xf32>,
          %slice3A_1250 = vector.extract_strided_slice %get3A_121 {offsets = [13], sizes = [1], strides = [1]} : vector<16xf32> to vector<1xf32>
          %squeeze3A_1251 = vector.extract %slice3A_1250[0] : f32 from vector<1xf32>
          %broadcast_in_dim3A_1252 = vector.broadcast %squeeze3A_1251 : f32 to vector<16xf32>
          %mul3A_1253 = arith.constant 16 : i32
          %mul3A_1254 = arith.muli %mul3A_1253, %scan3A_116 : i32
          %add3A_1255 = arith.constant 13 : i32
          %add3A_1256 = arith.addi %mul3A_1254, %add3A_1255 : i32
          %get3A_1257 = arith.index_cast %add3A_1256 : i32 to index
          %get3A_1258 = arith.constant 0 : index
          %get3A_1259 = tpu.vector_load %arg10[%get3A_1257, %get3A_1258] {strides = array<i32>} : memref<128x128xf32, #tpu.memory_space<vmem>>, vector<1x16xf32>,
          %get3A_1260 = vector.shape_cast %get3A_1259 : vector<1x16xf32> to vector<16xf32>
          %mul3A_1261 = arith.mulf %get3A_1260, %broadcast_in_dim3A_1252 : vector<16xf32>
          %swap3A_1262 = arith.index_cast %add3A_1256 : i32 to index
          %swap3A_1263 = arith.constant 0 : index
          %swap3A_1264 = tpu.vector_load %arg10[%swap3A_1262, %swap3A_1263] {strides = array<i32>} : memref<128x128xf32, #tpu.memory_space<vmem>>, vector<1x16xf32>,
          %swap3A_1265 = vector.shape_cast %swap3A_1264 : vector<1x16xf32> to vector<16xf32>
          %swap3A_1266 = vector.shape_cast %mul3A_1261 : vector<16xf32> to vector<1x16xf32>
          tpu.vector_store %arg10[%swap3A_1262, %swap3A_1263], %swap3A_1266 {strides = array<i32>} : memref<128x128xf32, #tpu.memory_space<vmem>>, vector<1x16xf32>,
          %get3A_1267 = arith.index_cast %add3A_1256 : i32 to index
          %get3A_1268 = arith.constant 16 : index
          %get3A_1269 = tpu.vector_load %arg10[%get3A_1267, %get3A_1268] {strides = array<i32>} : memref<128x128xf32, #tpu.memory_space<vmem>>, vector<1x16xf32>,
          %get3A_1270 = vector.shape_cast %get3A_1269 : vector<1x16xf32> to vector<16xf32>
          %mul3A_1271 = arith.mulf %get3A_1270, %broadcast_in_dim3A_1252 : vector<16xf32>
          %swap3A_1272 = arith.index_cast %add3A_1256 : i32 to index
          %swap3A_1273 = arith.constant 16 : index
          %swap3A_1274 = tpu.vector_load %arg10[%swap3A_1272, %swap3A_1273] {strides = array<i32>} : memref<128x128xf32, #tpu.memory_space<vmem>>, vector<1x16xf32>,
          %swap3A_1275 = vector.shape_cast %swap3A_1274 : vector<1x16xf32> to vector<16xf32>
          %swap3A_1276 = vector.shape_cast %mul3A_1271 : vector<16xf32> to vector<1x16xf32>
          tpu.vector_store %arg10[%swap3A_1272, %swap3A_1273], %swap3A_1276 {strides = array<i32>} : memref<128x128xf32, #tpu.memory_space<vmem>>, vector<1x16xf32>,
          %get3A_1277 = arith.index_cast %add3A_1256 : i32 to index
          %get3A_1278 = arith.constant 32 : index
          %get3A_1279 = tpu.vector_load %arg10[%get3A_1277, %get3A_1278] {strides = array<i32>} : memref<128x128xf32, #tpu.memory_space<vmem>>, vector<1x16xf32>,
          %get3A_1280 = vector.shape_cast %get3A_1279 : vector<1x16xf32> to vector<16xf32>
          %mul3A_1281 = arith.mulf %get3A_1280, %broadcast_in_dim3A_1252 : vector<16xf32>
          %swap3A_1282 = arith.index_cast %add3A_1256 : i32 to index
          %swap3A_1283 = arith.constant 32 : index
          %swap3A_1284 = tpu.vector_load %arg10[%swap3A_1282, %swap3A_1283] {strides = array<i32>} : memref<128x128xf32, #tpu.memory_space<vmem>>, vector<1x16xf32>,
          %swap3A_1285 = vector.shape_cast %swap3A_1284 : vector<1x16xf32> to vector<16xf32>
          %swap3A_1286 = vector.shape_cast %mul3A_1281 : vector<16xf32> to vector<1x16xf32>
          tpu.vector_store %arg10[%swap3A_1282, %swap3A_1283], %swap3A_1286 {strides = array<i32>} : memref<128x128xf32, #tpu.memory_space<vmem>>, vector<1x16xf32>,
          %get3A_1287 = arith.index_cast %add3A_1256 : i32 to index
          %get3A_1288 = arith.constant 48 : index
          %get3A_1289 = tpu.vector_load %arg10[%get3A_1287, %get3A_1288] {strides = array<i32>} : memref<128x128xf32, #tpu.memory_space<vmem>>, vector<1x16xf32>,
          %get3A_1290 = vector.shape_cast %get3A_1289 : vector<1x16xf32> to vector<16xf32>
          %mul3A_1291 = arith.mulf %get3A_1290, %broadcast_in_dim3A_1252 : vector<16xf32>
          %swap3A_1292 = arith.index_cast %add3A_1256 : i32 to index
          %swap3A_1293 = arith.constant 48 : index
          %swap3A_1294 = tpu.vector_load %arg10[%swap3A_1292, %swap3A_1293] {strides = array<i32>} : memref<128x128xf32, #tpu.memory_space<vmem>>, vector<1x16xf32>,
          %swap3A_1295 = vector.shape_cast %swap3A_1294 : vector<1x16xf32> to vector<16xf32>
          %swap3A_1296 = vector.shape_cast %mul3A_1291 : vector<16xf32> to vector<1x16xf32>
          tpu.vector_store %arg10[%swap3A_1292, %swap3A_1293], %swap3A_1296 {strides = array<i32>} : memref<128x128xf32, #tpu.memory_space<vmem>>, vector<1x16xf32>,
          %get3A_1297 = arith.index_cast %add3A_1256 : i32 to index
          %get3A_1298 = arith.constant 64 : index
          %get3A_1299 = tpu.vector_load %arg10[%get3A_1297, %get3A_1298] {strides = array<i32>} : memref<128x128xf32, #tpu.memory_space<vmem>>, vector<1x16xf32>,
          %get3A_1300 = vector.shape_cast %get3A_1299 : vector<1x16xf32> to vector<16xf32>
          %mul3A_1301 = arith.mulf %get3A_1300, %broadcast_in_dim3A_1252 : vector<16xf32>
          %swap3A_1302 = arith.index_cast %add3A_1256 : i32 to index
          %swap3A_1303 = arith.constant 64 : index
          %swap3A_1304 = tpu.vector_load %arg10[%swap3A_1302, %swap3A_1303] {strides = array<i32>} : memref<128x128xf32, #tpu.memory_space<vmem>>, vector<1x16xf32>,
          %swap3A_1305 = vector.shape_cast %swap3A_1304 : vector<1x16xf32> to vector<16xf32>
          %swap3A_1306 = vector.shape_cast %mul3A_1301 : vector<16xf32> to vector<1x16xf32>
          tpu.vector_store %arg10[%swap3A_1302, %swap3A_1303], %swap3A_1306 {strides = array<i32>} : memref<128x128xf32, #tpu.memory_space<vmem>>, vector<1x16xf32>,
          %get3A_1307 = arith.index_cast %add3A_1256 : i32 to index
          %get3A_1308 = arith.constant 80 : index
          %get3A_1309 = tpu.vector_load %arg10[%get3A_1307, %get3A_1308] {strides = array<i32>} : memref<128x128xf32, #tpu.memory_space<vmem>>, vector<1x16xf32>,
          %get3A_1310 = vector.shape_cast %get3A_1309 : vector<1x16xf32> to vector<16xf32>
          %mul3A_1311 = arith.mulf %get3A_1310, %broadcast_in_dim3A_1252 : vector<16xf32>
          %swap3A_1312 = arith.index_cast %add3A_1256 : i32 to index
          %swap3A_1313 = arith.constant 80 : index
          %swap3A_1314 = tpu.vector_load %arg10[%swap3A_1312, %swap3A_1313] {strides = array<i32>} : memref<128x128xf32, #tpu.memory_space<vmem>>, vector<1x16xf32>,
          %swap3A_1315 = vector.shape_cast %swap3A_1314 : vector<1x16xf32> to vector<16xf32>
          %swap3A_1316 = vector.shape_cast %mul3A_1311 : vector<16xf32> to vector<1x16xf32>
          tpu.vector_store %arg10[%swap3A_1312, %swap3A_1313], %swap3A_1316 {strides = array<i32>} : memref<128x128xf32, #tpu.memory_space<vmem>>, vector<1x16xf32>,
          %get3A_1317 = arith.index_cast %add3A_1256 : i32 to index
          %get3A_1318 = arith.constant 96 : index
          %get3A_1319 = tpu.vector_load %arg10[%get3A_1317, %get3A_1318] {strides = array<i32>} : memref<128x128xf32, #tpu.memory_space<vmem>>, vector<1x16xf32>,
          %get3A_1320 = vector.shape_cast %get3A_1319 : vector<1x16xf32> to vector<16xf32>
          %mul3A_1321 = arith.mulf %get3A_1320, %broadcast_in_dim3A_1252 : vector<16xf32>
          %swap3A_1322 = arith.index_cast %add3A_1256 : i32 to index
          %swap3A_1323 = arith.constant 96 : index
          %swap3A_1324 = tpu.vector_load %arg10[%swap3A_1322, %swap3A_1323] {strides = array<i32>} : memref<128x128xf32, #tpu.memory_space<vmem>>, vector<1x16xf32>,
          %swap3A_1325 = vector.shape_cast %swap3A_1324 : vector<1x16xf32> to vector<16xf32>
          %swap3A_1326 = vector.shape_cast %mul3A_1321 : vector<16xf32> to vector<1x16xf32>
          tpu.vector_store %arg10[%swap3A_1322, %swap3A_1323], %swap3A_1326 {strides = array<i32>} : memref<128x128xf32, #tpu.memory_space<vmem>>, vector<1x16xf32>,
          %get3A_1327 = arith.index_cast %add3A_1256 : i32 to index
          %get3A_1328 = arith.constant 112 : index
          %get3A_1329 = tpu.vector_load %arg10[%get3A_1327, %get3A_1328] {strides = array<i32>} : memref<128x128xf32, #tpu.memory_space<vmem>>, vector<1x16xf32>,
          %get3A_1330 = vector.shape_cast %get3A_1329 : vector<1x16xf32> to vector<16xf32>
          %mul3A_1331 = arith.mulf %get3A_1330, %broadcast_in_dim3A_1252 : vector<16xf32>
          %swap3A_1332 = arith.index_cast %add3A_1256 : i32 to index
          %swap3A_1333 = arith.constant 112 : index
          %swap3A_1334 = tpu.vector_load %arg10[%swap3A_1332, %swap3A_1333] {strides = array<i32>} : memref<128x128xf32, #tpu.memory_space<vmem>>, vector<1x16xf32>,
          %swap3A_1335 = vector.shape_cast %swap3A_1334 : vector<1x16xf32> to vector<16xf32>
          %swap3A_1336 = vector.shape_cast %mul3A_1331 : vector<16xf32> to vector<1x16xf32>
          tpu.vector_store %arg10[%swap3A_1332, %swap3A_1333], %swap3A_1336 {strides = array<i32>} : memref<128x128xf32, #tpu.memory_space<vmem>>, vector<1x16xf32>,
          %slice3A_1337 = vector.extract_strided_slice %get3A_121 {offsets = [14], sizes = [1], strides = [1]} : vector<16xf32> to vector<1xf32>
          %squeeze3A_1338 = vector.extract %slice3A_1337[0] : f32 from vector<1xf32>
          %broadcast_in_dim3A_1339 = vector.broadcast %squeeze3A_1338 : f32 to vector<16xf32>
          %mul3A_1340 = arith.constant 16 : i32
          %mul3A_1341 = arith.muli %mul3A_1340, %scan3A_116 : i32
          %add3A_1342 = arith.constant 14 : i32
          %add3A_1343 = arith.addi %mul3A_1341, %add3A_1342 : i32
          %get3A_1344 = arith.index_cast %add3A_1343 : i32 to index
          %get3A_1345 = arith.constant 0 : index
          %get3A_1346 = tpu.vector_load %arg10[%get3A_1344, %get3A_1345] {strides = array<i32>} : memref<128x128xf32, #tpu.memory_space<vmem>>, vector<1x16xf32>,
          %get3A_1347 = vector.shape_cast %get3A_1346 : vector<1x16xf32> to vector<16xf32>
          %mul3A_1348 = arith.mulf %get3A_1347, %broadcast_in_dim3A_1339 : vector<16xf32>
          %swap3A_1349 = arith.index_cast %add3A_1343 : i32 to index
          %swap3A_1350 = arith.constant 0 : index
          %swap3A_1351 = tpu.vector_load %arg10[%swap3A_1349, %swap3A_1350] {strides = array<i32>} : memref<128x128xf32, #tpu.memory_space<vmem>>, vector<1x16xf32>,
          %swap3A_1352 = vector.shape_cast %swap3A_1351 : vector<1x16xf32> to vector<16xf32>
          %swap3A_1353 = vector.shape_cast %mul3A_1348 : vector<16xf32> to vector<1x16xf32>
          tpu.vector_store %arg10[%swap3A_1349, %swap3A_1350], %swap3A_1353 {strides = array<i32>} : memref<128x128xf32, #tpu.memory_space<vmem>>, vector<1x16xf32>,
          %get3A_1354 = arith.index_cast %add3A_1343 : i32 to index
          %get3A_1355 = arith.constant 16 : index
          %get3A_1356 = tpu.vector_load %arg10[%get3A_1354, %get3A_1355] {strides = array<i32>} : memref<128x128xf32, #tpu.memory_space<vmem>>, vector<1x16xf32>,
          %get3A_1357 = vector.shape_cast %get3A_1356 : vector<1x16xf32> to vector<16xf32>
          %mul3A_1358 = arith.mulf %get3A_1357, %broadcast_in_dim3A_1339 : vector<16xf32>
          %swap3A_1359 = arith.index_cast %add3A_1343 : i32 to index
          %swap3A_1360 = arith.constant 16 : index
          %swap3A_1361 = tpu.vector_load %arg10[%swap3A_1359, %swap3A_1360] {strides = array<i32>} : memref<128x128xf32, #tpu.memory_space<vmem>>, vector<1x16xf32>,
          %swap3A_1362 = vector.shape_cast %swap3A_1361 : vector<1x16xf32> to vector<16xf32>
          %swap3A_1363 = vector.shape_cast %mul3A_1358 : vector<16xf32> to vector<1x16xf32>
          tpu.vector_store %arg10[%swap3A_1359, %swap3A_1360], %swap3A_1363 {strides = array<i32>} : memref<128x128xf32, #tpu.memory_space<vmem>>, vector<1x16xf32>,
          %get3A_1364 = arith.index_cast %add3A_1343 : i32 to index
          %get3A_1365 = arith.constant 32 : index
          %get3A_1366 = tpu.vector_load %arg10[%get3A_1364, %get3A_1365] {strides = array<i32>} : memref<128x128xf32, #tpu.memory_space<vmem>>, vector<1x16xf32>,
          %get3A_1367 = vector.shape_cast %get3A_1366 : vector<1x16xf32> to vector<16xf32>
          %mul3A_1368 = arith.mulf %get3A_1367, %broadcast_in_dim3A_1339 : vector<16xf32>
          %swap3A_1369 = arith.index_cast %add3A_1343 : i32 to index
          %swap3A_1370 = arith.constant 32 : index
          %swap3A_1371 = tpu.vector_load %arg10[%swap3A_1369, %swap3A_1370] {strides = array<i32>} : memref<128x128xf32, #tpu.memory_space<vmem>>, vector<1x16xf32>,
          %swap3A_1372 = vector.shape_cast %swap3A_1371 : vector<1x16xf32> to vector<16xf32>
          %swap3A_1373 = vector.shape_cast %mul3A_1368 : vector<16xf32> to vector<1x16xf32>
          tpu.vector_store %arg10[%swap3A_1369, %swap3A_1370], %swap3A_1373 {strides = array<i32>} : memref<128x128xf32, #tpu.memory_space<vmem>>, vector<1x16xf32>,
          %get3A_1374 = arith.index_cast %add3A_1343 : i32 to index
          %get3A_1375 = arith.constant 48 : index
          %get3A_1376 = tpu.vector_load %arg10[%get3A_1374, %get3A_1375] {strides = array<i32>} : memref<128x128xf32, #tpu.memory_space<vmem>>, vector<1x16xf32>,
          %get3A_1377 = vector.shape_cast %get3A_1376 : vector<1x16xf32> to vector<16xf32>
          %mul3A_1378 = arith.mulf %get3A_1377, %broadcast_in_dim3A_1339 : vector<16xf32>
          %swap3A_1379 = arith.index_cast %add3A_1343 : i32 to index
          %swap3A_1380 = arith.constant 48 : index
          %swap3A_1381 = tpu.vector_load %arg10[%swap3A_1379, %swap3A_1380] {strides = array<i32>} : memref<128x128xf32, #tpu.memory_space<vmem>>, vector<1x16xf32>,
          %swap3A_1382 = vector.shape_cast %swap3A_1381 : vector<1x16xf32> to vector<16xf32>
          %swap3A_1383 = vector.shape_cast %mul3A_1378 : vector<16xf32> to vector<1x16xf32>
          tpu.vector_store %arg10[%swap3A_1379, %swap3A_1380], %swap3A_1383 {strides = array<i32>} : memref<128x128xf32, #tpu.memory_space<vmem>>, vector<1x16xf32>,
          %get3A_1384 = arith.index_cast %add3A_1343 : i32 to index
          %get3A_1385 = arith.constant 64 : index
          %get3A_1386 = tpu.vector_load %arg10[%get3A_1384, %get3A_1385] {strides = array<i32>} : memref<128x128xf32, #tpu.memory_space<vmem>>, vector<1x16xf32>,
          %get3A_1387 = vector.shape_cast %get3A_1386 : vector<1x16xf32> to vector<16xf32>
          %mul3A_1388 = arith.mulf %get3A_1387, %broadcast_in_dim3A_1339 : vector<16xf32>
          %swap3A_1389 = arith.index_cast %add3A_1343 : i32 to index
          %swap3A_1390 = arith.constant 64 : index
          %swap3A_1391 = tpu.vector_load %arg10[%swap3A_1389, %swap3A_1390] {strides = array<i32>} : memref<128x128xf32, #tpu.memory_space<vmem>>, vector<1x16xf32>,
          %swap3A_1392 = vector.shape_cast %swap3A_1391 : vector<1x16xf32> to vector<16xf32>
          %swap3A_1393 = vector.shape_cast %mul3A_1388 : vector<16xf32> to vector<1x16xf32>
          tpu.vector_store %arg10[%swap3A_1389, %swap3A_1390], %swap3A_1393 {strides = array<i32>} : memref<128x128xf32, #tpu.memory_space<vmem>>, vector<1x16xf32>,
          %get3A_1394 = arith.index_cast %add3A_1343 : i32 to index
          %get3A_1395 = arith.constant 80 : index
          %get3A_1396 = tpu.vector_load %arg10[%get3A_1394, %get3A_1395] {strides = array<i32>} : memref<128x128xf32, #tpu.memory_space<vmem>>, vector<1x16xf32>,
          %get3A_1397 = vector.shape_cast %get3A_1396 : vector<1x16xf32> to vector<16xf32>
          %mul3A_1398 = arith.mulf %get3A_1397, %broadcast_in_dim3A_1339 : vector<16xf32>
          %swap3A_1399 = arith.index_cast %add3A_1343 : i32 to index
          %swap3A_1400 = arith.constant 80 : index
          %swap3A_1401 = tpu.vector_load %arg10[%swap3A_1399, %swap3A_1400] {strides = array<i32>} : memref<128x128xf32, #tpu.memory_space<vmem>>, vector<1x16xf32>,
          %swap3A_1402 = vector.shape_cast %swap3A_1401 : vector<1x16xf32> to vector<16xf32>
          %swap3A_1403 = vector.shape_cast %mul3A_1398 : vector<16xf32> to vector<1x16xf32>
          tpu.vector_store %arg10[%swap3A_1399, %swap3A_1400], %swap3A_1403 {strides = array<i32>} : memref<128x128xf32, #tpu.memory_space<vmem>>, vector<1x16xf32>,
          %get3A_1404 = arith.index_cast %add3A_1343 : i32 to index
          %get3A_1405 = arith.constant 96 : index
          %get3A_1406 = tpu.vector_load %arg10[%get3A_1404, %get3A_1405] {strides = array<i32>} : memref<128x128xf32, #tpu.memory_space<vmem>>, vector<1x16xf32>,
          %get3A_1407 = vector.shape_cast %get3A_1406 : vector<1x16xf32> to vector<16xf32>
          %mul3A_1408 = arith.mulf %get3A_1407, %broadcast_in_dim3A_1339 : vector<16xf32>
          %swap3A_1409 = arith.index_cast %add3A_1343 : i32 to index
          %swap3A_1410 = arith.constant 96 : index
          %swap3A_1411 = tpu.vector_load %arg10[%swap3A_1409, %swap3A_1410] {strides = array<i32>} : memref<128x128xf32, #tpu.memory_space<vmem>>, vector<1x16xf32>,
          %swap3A_1412 = vector.shape_cast %swap3A_1411 : vector<1x16xf32> to vector<16xf32>
          %swap3A_1413 = vector.shape_cast %mul3A_1408 : vector<16xf32> to vector<1x16xf32>
          tpu.vector_store %arg10[%swap3A_1409, %swap3A_1410], %swap3A_1413 {strides = array<i32>} : memref<128x128xf32, #tpu.memory_space<vmem>>, vector<1x16xf32>,
          %get3A_1414 = arith.index_cast %add3A_1343 : i32 to index
          %get3A_1415 = arith.constant 112 : index
          %get3A_1416 = tpu.vector_load %arg10[%get3A_1414, %get3A_1415] {strides = array<i32>} : memref<128x128xf32, #tpu.memory_space<vmem>>, vector<1x16xf32>,
          %get3A_1417 = vector.shape_cast %get3A_1416 : vector<1x16xf32> to vector<16xf32>
          %mul3A_1418 = arith.mulf %get3A_1417, %broadcast_in_dim3A_1339 : vector<16xf32>
          %swap3A_1419 = arith.index_cast %add3A_1343 : i32 to index
          %swap3A_1420 = arith.constant 112 : index
          %swap3A_1421 = tpu.vector_load %arg10[%swap3A_1419, %swap3A_1420] {strides = array<i32>} : memref<128x128xf32, #tpu.memory_space<vmem>>, vector<1x16xf32>,
          %swap3A_1422 = vector.shape_cast %swap3A_1421 : vector<1x16xf32> to vector<16xf32>
          %swap3A_1423 = vector.shape_cast %mul3A_1418 : vector<16xf32> to vector<1x16xf32>
          tpu.vector_store %arg10[%swap3A_1419, %swap3A_1420], %swap3A_1423 {strides = array<i32>} : memref<128x128xf32, #tpu.memory_space<vmem>>, vector<1x16xf32>,
          %slice3A_1424 = vector.extract_strided_slice %get3A_121 {offsets = [15], sizes = [1], strides = [1]} : vector<16xf32> to vector<1xf32>
          %squeeze3A_1425 = vector.extract %slice3A_1424[0] : f32 from vector<1xf32>
          %broadcast_in_dim3A_1426 = vector.broadcast %squeeze3A_1425 : f32 to vector<16xf32>
          %mul3A_1427 = arith.constant 16 : i32
          %mul3A_1428 = arith.muli %mul3A_1427, %scan3A_116 : i32
          %add3A_1429 = arith.constant 15 : i32
          %add3A_1430 = arith.addi %mul3A_1428, %add3A_1429 : i32
          %get3A_1431 = arith.index_cast %add3A_1430 : i32 to index
          %get3A_1432 = arith.constant 0 : index
          %get3A_1433 = tpu.vector_load %arg10[%get3A_1431, %get3A_1432] {strides = array<i32>} : memref<128x128xf32, #tpu.memory_space<vmem>>, vector<1x16xf32>,
          %get3A_1434 = vector.shape_cast %get3A_1433 : vector<1x16xf32> to vector<16xf32>
          %mul3A_1435 = arith.mulf %get3A_1434, %broadcast_in_dim3A_1426 : vector<16xf32>
          %swap3A_1436 = arith.index_cast %add3A_1430 : i32 to index
          %swap3A_1437 = arith.constant 0 : index
          %swap3A_1438 = tpu.vector_load %arg10[%swap3A_1436, %swap3A_1437] {strides = array<i32>} : memref<128x128xf32, #tpu.memory_space<vmem>>, vector<1x16xf32>,
          %swap3A_1439 = vector.shape_cast %swap3A_1438 : vector<1x16xf32> to vector<16xf32>
          %swap3A_1440 = vector.shape_cast %mul3A_1435 : vector<16xf32> to vector<1x16xf32>
          tpu.vector_store %arg10[%swap3A_1436, %swap3A_1437], %swap3A_1440 {strides = array<i32>} : memref<128x128xf32, #tpu.memory_space<vmem>>, vector<1x16xf32>,
          %get3A_1441 = arith.index_cast %add3A_1430 : i32 to index
          %get3A_1442 = arith.constant 16 : index
          %get3A_1443 = tpu.vector_load %arg10[%get3A_1441, %get3A_1442] {strides = array<i32>} : memref<128x128xf32, #tpu.memory_space<vmem>>, vector<1x16xf32>,
          %get3A_1444 = vector.shape_cast %get3A_1443 : vector<1x16xf32> to vector<16xf32>
          %mul3A_1445 = arith.mulf %get3A_1444, %broadcast_in_dim3A_1426 : vector<16xf32>
          %swap3A_1446 = arith.index_cast %add3A_1430 : i32 to index
          %swap3A_1447 = arith.constant 16 : index
          %swap3A_1448 = tpu.vector_load %arg10[%swap3A_1446, %swap3A_1447] {strides = array<i32>} : memref<128x128xf32, #tpu.memory_space<vmem>>, vector<1x16xf32>,
          %swap3A_1449 = vector.shape_cast %swap3A_1448 : vector<1x16xf32> to vector<16xf32>
          %swap3A_1450 = vector.shape_cast %mul3A_1445 : vector<16xf32> to vector<1x16xf32>
          tpu.vector_store %arg10[%swap3A_1446, %swap3A_1447], %swap3A_1450 {strides = array<i32>} : memref<128x128xf32, #tpu.memory_space<vmem>>, vector<1x16xf32>,
          %get3A_1451 = arith.index_cast %add3A_1430 : i32 to index
          %get3A_1452 = arith.constant 32 : index
          %get3A_1453 = tpu.vector_load %arg10[%get3A_1451, %get3A_1452] {strides = array<i32>} : memref<128x128xf32, #tpu.memory_space<vmem>>, vector<1x16xf32>,
          %get3A_1454 = vector.shape_cast %get3A_1453 : vector<1x16xf32> to vector<16xf32>
          %mul3A_1455 = arith.mulf %get3A_1454, %broadcast_in_dim3A_1426 : vector<16xf32>
          %swap3A_1456 = arith.index_cast %add3A_1430 : i32 to index
          %swap3A_1457 = arith.constant 32 : index
          %swap3A_1458 = tpu.vector_load %arg10[%swap3A_1456, %swap3A_1457] {strides = array<i32>} : memref<128x128xf32, #tpu.memory_space<vmem>>, vector<1x16xf32>,
          %swap3A_1459 = vector.shape_cast %swap3A_1458 : vector<1x16xf32> to vector<16xf32>
          %swap3A_1460 = vector.shape_cast %mul3A_1455 : vector<16xf32> to vector<1x16xf32>
          tpu.vector_store %arg10[%swap3A_1456, %swap3A_1457], %swap3A_1460 {strides = array<i32>} : memref<128x128xf32, #tpu.memory_space<vmem>>, vector<1x16xf32>,
          %get3A_1461 = arith.index_cast %add3A_1430 : i32 to index
          %get3A_1462 = arith.constant 48 : index
          %get3A_1463 = tpu.vector_load %arg10[%get3A_1461, %get3A_1462] {strides = array<i32>} : memref<128x128xf32, #tpu.memory_space<vmem>>, vector<1x16xf32>,
          %get3A_1464 = vector.shape_cast %get3A_1463 : vector<1x16xf32> to vector<16xf32>
          %mul3A_1465 = arith.mulf %get3A_1464, %broadcast_in_dim3A_1426 : vector<16xf32>
          %swap3A_1466 = arith.index_cast %add3A_1430 : i32 to index
          %swap3A_1467 = arith.constant 48 : index
          %swap3A_1468 = tpu.vector_load %arg10[%swap3A_1466, %swap3A_1467] {strides = array<i32>} : memref<128x128xf32, #tpu.memory_space<vmem>>, vector<1x16xf32>,
          %swap3A_1469 = vector.shape_cast %swap3A_1468 : vector<1x16xf32> to vector<16xf32>
          %swap3A_1470 = vector.shape_cast %mul3A_1465 : vector<16xf32> to vector<1x16xf32>
          tpu.vector_store %arg10[%swap3A_1466, %swap3A_1467], %swap3A_1470 {strides = array<i32>} : memref<128x128xf32, #tpu.memory_space<vmem>>, vector<1x16xf32>,
          %get3A_1471 = arith.index_cast %add3A_1430 : i32 to index
          %get3A_1472 = arith.constant 64 : index
          %get3A_1473 = tpu.vector_load %arg10[%get3A_1471, %get3A_1472] {strides = array<i32>} : memref<128x128xf32, #tpu.memory_space<vmem>>, vector<1x16xf32>,
          %get3A_1474 = vector.shape_cast %get3A_1473 : vector<1x16xf32> to vector<16xf32>
          %mul3A_1475 = arith.mulf %get3A_1474, %broadcast_in_dim3A_1426 : vector<16xf32>
          %swap3A_1476 = arith.index_cast %add3A_1430 : i32 to index
          %swap3A_1477 = arith.constant 64 : index
          %swap3A_1478 = tpu.vector_load %arg10[%swap3A_1476, %swap3A_1477] {strides = array<i32>} : memref<128x128xf32, #tpu.memory_space<vmem>>, vector<1x16xf32>,
          %swap3A_1479 = vector.shape_cast %swap3A_1478 : vector<1x16xf32> to vector<16xf32>
          %swap3A_1480 = vector.shape_cast %mul3A_1475 : vector<16xf32> to vector<1x16xf32>
          tpu.vector_store %arg10[%swap3A_1476, %swap3A_1477], %swap3A_1480 {strides = array<i32>} : memref<128x128xf32, #tpu.memory_space<vmem>>, vector<1x16xf32>,
          %get3A_1481 = arith.index_cast %add3A_1430 : i32 to index
          %get3A_1482 = arith.constant 80 : index
          %get3A_1483 = tpu.vector_load %arg10[%get3A_1481, %get3A_1482] {strides = array<i32>} : memref<128x128xf32, #tpu.memory_space<vmem>>, vector<1x16xf32>,
          %get3A_1484 = vector.shape_cast %get3A_1483 : vector<1x16xf32> to vector<16xf32>
          %mul3A_1485 = arith.mulf %get3A_1484, %broadcast_in_dim3A_1426 : vector<16xf32>
          %swap3A_1486 = arith.index_cast %add3A_1430 : i32 to index
          %swap3A_1487 = arith.constant 80 : index
          %swap3A_1488 = tpu.vector_load %arg10[%swap3A_1486, %swap3A_1487] {strides = array<i32>} : memref<128x128xf32, #tpu.memory_space<vmem>>, vector<1x16xf32>,
          %swap3A_1489 = vector.shape_cast %swap3A_1488 : vector<1x16xf32> to vector<16xf32>
          %swap3A_1490 = vector.shape_cast %mul3A_1485 : vector<16xf32> to vector<1x16xf32>
          tpu.vector_store %arg10[%swap3A_1486, %swap3A_1487], %swap3A_1490 {strides = array<i32>} : memref<128x128xf32, #tpu.memory_space<vmem>>, vector<1x16xf32>,
          %get3A_1491 = arith.index_cast %add3A_1430 : i32 to index
          %get3A_1492 = arith.constant 96 : index
          %get3A_1493 = tpu.vector_load %arg10[%get3A_1491, %get3A_1492] {strides = array<i32>} : memref<128x128xf32, #tpu.memory_space<vmem>>, vector<1x16xf32>,
          %get3A_1494 = vector.shape_cast %get3A_1493 : vector<1x16xf32> to vector<16xf32>
          %mul3A_1495 = arith.mulf %get3A_1494, %broadcast_in_dim3A_1426 : vector<16xf32>
          %swap3A_1496 = arith.index_cast %add3A_1430 : i32 to index
          %swap3A_1497 = arith.constant 96 : index
          %swap3A_1498 = tpu.vector_load %arg10[%swap3A_1496, %swap3A_1497] {strides = array<i32>} : memref<128x128xf32, #tpu.memory_space<vmem>>, vector<1x16xf32>,
          %swap3A_1499 = vector.shape_cast %swap3A_1498 : vector<1x16xf32> to vector<16xf32>
          %swap3A_1500 = vector.shape_cast %mul3A_1495 : vector<16xf32> to vector<1x16xf32>
          tpu.vector_store %arg10[%swap3A_1496, %swap3A_1497], %swap3A_1500 {strides = array<i32>} : memref<128x128xf32, #tpu.memory_space<vmem>>, vector<1x16xf32>,
          %get3A_1501 = arith.index_cast %add3A_1430 : i32 to index
          %get3A_1502 = arith.constant 112 : index
          %get3A_1503 = tpu.vector_load %arg10[%get3A_1501, %get3A_1502] {strides = array<i32>} : memref<128x128xf32, #tpu.memory_space<vmem>>, vector<1x16xf32>,
          %get3A_1504 = vector.shape_cast %get3A_1503 : vector<1x16xf32> to vector<16xf32>
          %mul3A_1505 = arith.mulf %get3A_1504, %broadcast_in_dim3A_1426 : vector<16xf32>
          %swap3A_1506 = arith.index_cast %add3A_1430 : i32 to index
          %swap3A_1507 = arith.constant 112 : index
          %swap3A_1508 = tpu.vector_load %arg10[%swap3A_1506, %swap3A_1507] {strides = array<i32>} : memref<128x128xf32, #tpu.memory_space<vmem>>, vector<1x16xf32>,
          %swap3A_1509 = vector.shape_cast %swap3A_1508 : vector<1x16xf32> to vector<16xf32>
          %swap3A_1510 = vector.shape_cast %mul3A_1505 : vector<16xf32> to vector<1x16xf32>
          tpu.vector_store %arg10[%swap3A_1506, %swap3A_1507], %swap3A_1510 {strides = array<i32>} : memref<128x128xf32, #tpu.memory_space<vmem>>, vector<1x16xf32>,
          %scan3A_1511 = arith.constant 0 : i32
          scf.yield %scan3A_1511 : i32
        }
        %scan3A_115 = arith.constant 8 : i32
        "tpu.region"() ({
          %run_scoped3A_116 = tpu.sem_alloc : memref<!tpu.dma_semaphore, #tpu.memory_space<semaphore_mem>>
          %dma_start3A_117 = arith.constant 0 : i32
          %dma_start3A_118 = arith.constant 0 : i32
          %dma_start3A_119 = tpu.memref_slice %arg12[%dma_start3A_117, %dma_start3A_118] : memref<10000x128xf32, #tpu.memory_space<vmem_shared>> -> memref<10000x128xf32, #tpu.memory_space<vmem_shared>>
          tpu.enqueue_indirect_dma source(%arg10 : memref<128x128xf32, #tpu.memory_space<vmem>>) target(%dma_start3A_119 : memref<10000x128xf32, #tpu.memory_space<vmem_shared>>) offsets(%arg7 : memref<128xi32, #tpu.memory_space<vmem>>) semaphore(%run_scoped3A_116 : memref<!tpu.dma_semaphore, #tpu.memory_space<semaphore_mem>>) {add = true}
          %dma_wait3A_120 = arith.constant 0 : i32
          %dma_wait3A_121 = arith.constant 0 : i32
          %dma_wait3A_122 = tpu.memref_slice %arg12[%dma_wait3A_120, %dma_wait3A_121] : memref<10000x128xf32, #tpu.memory_space<vmem_shared>> -> memref<10000x128xf32, #tpu.memory_space<vmem_shared>>
          tpu.wait_indirect_dma semaphore(%run_scoped3A_116 : memref<!tpu.dma_semaphore, #tpu.memory_space<semaphore_mem>>) src(%arg10 : memref<128x128xf32, #tpu.memory_space<vmem>>) dst(%dma_wait3A_122 : memref<10000x128xf32, #tpu.memory_space<vmem_shared>>)
          tpu.yield
        }) : () -> ()
      } else {
      }
      %scan3A_89 = arith.constant 0 : i32
      scf.yield %scan3A_89 : i32
    }
    %scan3A_63 = arith.constant 157 : i32
    %barrier3A_64 = arith.constant 0 : index
    tpu.barrier barrier_id(%barrier3A_64)
    %add3A_65 = arith.constant 0 : i32
    %add3A_66 = arith.addi %mul3A_0, %add3A_65 : i32
    %run_scoped3A_67 = arith.constant 1 : i32
    "tpu.region"() ({
      %run_scoped3A_80 = tpu.sem_alloc : memref<!tpu.dma_semaphore, #tpu.memory_space<semaphore_mem>>
      %dma_start3A = arith.constant 0 : i32
      %dma_start3A_81 = tpu.memref_slice %arg6[%run_scoped3A_67, %arg0, %add3A_66, %dma_start3A] : memref<2x2x10000x128xf32, #tpu.memory_space<hbm>> -> memref<1x1x208x128xf32, #tpu.memory_space<hbm>>
      %dma_start3A_82 = tpu.memref_squeeze %dma_start3A_81 : memref<1x1x208x128xf32, #tpu.memory_space<hbm>> -> memref<208x128xf32, #tpu.memory_space<hbm>>
      %dma_start3A_83 = arith.constant 0 : i32
      %dma_start3A_84 = tpu.memref_slice %arg12[%add3A_66, %dma_start3A_83] : memref<10000x128xf32, #tpu.memory_space<vmem_shared>> -> memref<208x128xf32, #tpu.memory_space<vmem_shared>>
      tpu.enqueue_dma source(%dma_start3A_84 : memref<208x128xf32, #tpu.memory_space<vmem_shared>>) target(%dma_start3A_82 : memref<208x128xf32, #tpu.memory_space<hbm>>) target_semaphore(%run_scoped3A_80 : memref<!tpu.dma_semaphore, #tpu.memory_space<semaphore_mem>>)
      %dma_wait3A = arith.constant 0 : i32
      %dma_wait3A_85 = tpu.memref_slice %arg6[%run_scoped3A_67, %arg0, %add3A_66, %dma_wait3A] : memref<2x2x10000x128xf32, #tpu.memory_space<hbm>> -> memref<1x1x208x128xf32, #tpu.memory_space<hbm>>
      %dma_wait3A_86 = tpu.memref_squeeze %dma_wait3A_85 : memref<1x1x208x128xf32, #tpu.memory_space<hbm>> -> memref<208x128xf32, #tpu.memory_space<hbm>>
      %dma_wait3A_87 = arith.constant 0 : i32
      %dma_wait3A_88 = tpu.memref_slice %arg12[%add3A_66, %dma_wait3A_87] : memref<10000x128xf32, #tpu.memory_space<vmem_shared>> -> memref<208x128xf32, #tpu.memory_space<vmem_shared>>
      tpu.wait_dma2 semaphore(%run_scoped3A_80 : memref<!tpu.dma_semaphore, #tpu.memory_space<semaphore_mem>>) src(%dma_wait3A_88 : memref<208x128xf32, #tpu.memory_space<vmem_shared>>) dst(%dma_wait3A_86 : memref<208x128xf32, #tpu.memory_space<hbm>>)
      tpu.yield
    }) : () -> ()
    %add3A_68 = arith.constant 208 : i32
    %add3A_69 = arith.addi %mul3A_0, %add3A_68 : i32
    %run_scoped3A_70 = arith.constant 1 : i32
    "tpu.region"() ({
      %run_scoped3A_80 = tpu.sem_alloc : memref<!tpu.dma_semaphore, #tpu.memory_space<semaphore_mem>>
      %dma_start3A = arith.constant 0 : i32
      %dma_start3A_81 = tpu.memref_slice %arg6[%run_scoped3A_70, %arg0, %add3A_69, %dma_start3A] : memref<2x2x10000x128xf32, #tpu.memory_space<hbm>> -> memref<1x1x208x128xf32, #tpu.memory_space<hbm>>
      %dma_start3A_82 = tpu.memref_squeeze %dma_start3A_81 : memref<1x1x208x128xf32, #tpu.memory_space<hbm>> -> memref<208x128xf32, #tpu.memory_space<hbm>>
      %dma_start3A_83 = arith.constant 0 : i32
      %dma_start3A_84 = tpu.memref_slice %arg12[%add3A_69, %dma_start3A_83] : memref<10000x128xf32, #tpu.memory_space<vmem_shared>> -> memref<208x128xf32, #tpu.memory_space<vmem_shared>>
      tpu.enqueue_dma source(%dma_start3A_84 : memref<208x128xf32, #tpu.memory_space<vmem_shared>>) target(%dma_start3A_82 : memref<208x128xf32, #tpu.memory_space<hbm>>) target_semaphore(%run_scoped3A_80 : memref<!tpu.dma_semaphore, #tpu.memory_space<semaphore_mem>>)
      %dma_wait3A = arith.constant 0 : i32
      %dma_wait3A_85 = tpu.memref_slice %arg6[%run_scoped3A_70, %arg0, %add3A_69, %dma_wait3A] : memref<2x2x10000x128xf32, #tpu.memory_space<hbm>> -> memref<1x1x208x128xf32, #tpu.memory_space<hbm>>
      %dma_wait3A_86 = tpu.memref_squeeze %dma_wait3A_85 : memref<1x1x208x128xf32, #tpu.memory_space<hbm>> -> memref<208x128xf32, #tpu.memory_space<hbm>>
      %dma_wait3A_87 = arith.constant 0 : i32
      %dma_wait3A_88 = tpu.memref_slice %arg12[%add3A_69, %dma_wait3A_87] : memref<10000x128xf32, #tpu.memory_space<vmem_shared>> -> memref<208x128xf32, #tpu.memory_space<vmem_shared>>
      tpu.wait_dma2 semaphore(%run_scoped3A_80 : memref<!tpu.dma_semaphore, #tpu.memory_space<semaphore_mem>>) src(%dma_wait3A_88 : memref<208x128xf32, #tpu.memory_space<vmem_shared>>) dst(%dma_wait3A_86 : memref<208x128xf32, #tpu.memory_space<hbm>>)
      tpu.yield
    }) : () -> ()
    %add3A_71 = arith.constant 416 : i32
    %add3A_72 = arith.addi %mul3A_0, %add3A_71 : i32
    %run_scoped3A_73 = arith.constant 1 : i32
    "tpu.region"() ({
      %run_scoped3A_80 = tpu.sem_alloc : memref<!tpu.dma_semaphore, #tpu.memory_space<semaphore_mem>>
      %dma_start3A = arith.constant 0 : i32
      %dma_start3A_81 = tpu.memref_slice %arg6[%run_scoped3A_73, %arg0, %add3A_72, %dma_start3A] : memref<2x2x10000x128xf32, #tpu.memory_space<hbm>> -> memref<1x1x208x128xf32, #tpu.memory_space<hbm>>
      %dma_start3A_82 = tpu.memref_squeeze %dma_start3A_81 : memref<1x1x208x128xf32, #tpu.memory_space<hbm>> -> memref<208x128xf32, #tpu.memory_space<hbm>>
      %dma_start3A_83 = arith.constant 0 : i32
      %dma_start3A_84 = tpu.memref_slice %arg12[%add3A_72, %dma_start3A_83] : memref<10000x128xf32, #tpu.memory_space<vmem_shared>> -> memref<208x128xf32, #tpu.memory_space<vmem_shared>>
      tpu.enqueue_dma source(%dma_start3A_84 : memref<208x128xf32, #tpu.memory_space<vmem_shared>>) target(%dma_start3A_82 : memref<208x128xf32, #tpu.memory_space<hbm>>) target_semaphore(%run_scoped3A_80 : memref<!tpu.dma_semaphore, #tpu.memory_space<semaphore_mem>>)
      %dma_wait3A = arith.constant 0 : i32
      %dma_wait3A_85 = tpu.memref_slice %arg6[%run_scoped3A_73, %arg0, %add3A_72, %dma_wait3A] : memref<2x2x10000x128xf32, #tpu.memory_space<hbm>> -> memref<1x1x208x128xf32, #tpu.memory_space<hbm>>
      %dma_wait3A_86 = tpu.memref_squeeze %dma_wait3A_85 : memref<1x1x208x128xf32, #tpu.memory_space<hbm>> -> memref<208x128xf32, #tpu.memory_space<hbm>>
      %dma_wait3A_87 = arith.constant 0 : i32
      %dma_wait3A_88 = tpu.memref_slice %arg12[%add3A_72, %dma_wait3A_87] : memref<10000x128xf32, #tpu.memory_space<vmem_shared>> -> memref<208x128xf32, #tpu.memory_space<vmem_shared>>
      tpu.wait_dma2 semaphore(%run_scoped3A_80 : memref<!tpu.dma_semaphore, #tpu.memory_space<semaphore_mem>>) src(%dma_wait3A_88 : memref<208x128xf32, #tpu.memory_space<vmem_shared>>) dst(%dma_wait3A_86 : memref<208x128xf32, #tpu.memory_space<hbm>>)
      tpu.yield
    }) : () -> ()
    %eq3A_74 = arith.constant 15 : i32
    %eq3A_75 = arith.cmpi eq, %arg1, %eq3A_74 : i32
    %convert_element_type3A_76 = arith.extui %eq3A_75 : i1 to i32
    %cond3A_77 = arith.constant 0 : i32
    %cond3A_78 = arith.cmpi ne, %convert_element_type3A_76, %cond3A_77 : i32
    scf.if %cond3A_78 {
      %run_scoped3A_80 = arith.constant 1 : i32
      "tpu.region"() ({
        %run_scoped3A_81 = tpu.sem_alloc : memref<!tpu.dma_semaphore, #tpu.memory_space<semaphore_mem>>
        %dma_start3A = arith.constant 9984 : i32
        %dma_start3A_82 = arith.constant 0 : i32
        %dma_start3A_83 = tpu.memref_slice %arg6[%run_scoped3A_80, %arg0, %dma_start3A, %dma_start3A_82] : memref<2x2x10000x128xf32, #tpu.memory_space<hbm>> -> memref<1x1x16x128xf32, #tpu.memory_space<hbm>>
        %dma_start3A_84 = tpu.memref_squeeze %dma_start3A_83 : memref<1x1x16x128xf32, #tpu.memory_space<hbm>> -> memref<16x128xf32, #tpu.memory_space<hbm>>
        %dma_start3A_85 = arith.constant 9984 : i32
        %dma_start3A_86 = arith.constant 0 : i32
        %dma_start3A_87 = tpu.memref_slice %arg12[%dma_start3A_85, %dma_start3A_86] : memref<10000x128xf32, #tpu.memory_space<vmem_shared>> -> memref<16x128xf32, #tpu.memory_space<vmem_shared>>
        tpu.enqueue_dma source(%dma_start3A_87 : memref<16x128xf32, #tpu.memory_space<vmem_shared>>) target(%dma_start3A_84 : memref<16x128xf32, #tpu.memory_space<hbm>>) target_semaphore(%run_scoped3A_81 : memref<!tpu.dma_semaphore, #tpu.memory_space<semaphore_mem>>)
        %dma_wait3A = arith.constant 9984 : i32
        %dma_wait3A_88 = arith.constant 0 : i32
        %dma_wait3A_89 = tpu.memref_slice %arg6[%run_scoped3A_80, %arg0, %dma_wait3A, %dma_wait3A_88] : memref<2x2x10000x128xf32, #tpu.memory_space<hbm>> -> memref<1x1x16x128xf32, #tpu.memory_space<hbm>>
        %dma_wait3A_90 = tpu.memref_squeeze %dma_wait3A_89 : memref<1x1x16x128xf32, #tpu.memory_space<hbm>> -> memref<16x128xf32, #tpu.memory_space<hbm>>
        %dma_wait3A_91 = arith.constant 9984 : i32
        %dma_wait3A_92 = arith.constant 0 : i32
        %dma_wait3A_93 = tpu.memref_slice %arg12[%dma_wait3A_91, %dma_wait3A_92] : memref<10000x128xf32, #tpu.memory_space<vmem_shared>> -> memref<16x128xf32, #tpu.memory_space<vmem_shared>>
        tpu.wait_dma2 semaphore(%run_scoped3A_81 : memref<!tpu.dma_semaphore, #tpu.memory_space<semaphore_mem>>) src(%dma_wait3A_93 : memref<16x128xf32, #tpu.memory_space<vmem_shared>>) dst(%dma_wait3A_90 : memref<16x128xf32, #tpu.memory_space<hbm>>)
        tpu.yield
      }) : () -> ()
    } else {
    }
    %barrier3A_79 = arith.constant 0 : index
    tpu.barrier barrier_id(%barrier3A_79)
    return
  }
}

</mosaic_0001>

<sc_bundles>
// kernel: _sc_spmm.3.cloned.1.call-start
scs
__scs_entry_jumppad:
0x0: {  	(pc) =	sbr.rel $0x88, $3  }
0x1: {  	(tag) =	ssettag $0x0;
	lr =	simm.s32 $0x1  }
0x2: {  	[smem:$0x3F9D] =	sst lr;
	_ =	strace $0xD0000000  }
0x3: {  	_ = 	snop  }
0x4: {  	_ = 	snop  }
0x5: {  	_ = 	snop  }
0x6: {  	_ = 	snop  }
0x7: {  	_ = 	snop  }
__scs_overlays_trampoline_lowered:
0x8: {  	[smem:$0x3FAC] =	sst s0  }
0x9: {  	[smem:$0x3FAD] =	sst s1  }
0xa: {  	[smem:$0x3FAE] =	sst s2  }
0xb: {  	[smem:$0x3FAF] =	sst s3  }
0xc: {  	[smem:$0x3FB0] =	sst s4  }
0xd: {  	[smem:$0x3FB1] =	sst s5  }
0xe: {  	[smem:$0x3FB2] =	sst s6  }
0xf: {  	[smem:$0x3FB3] =	sst s7  }
0x10: {  	[smem:$0x3FB4] =	sst s8  }
0x11: {  	[smem:$0x3FB5] =	sst s9;
	s0 =	simm.s32 @!p0 $0x0  }
0x12: {  	s1 =	sld [smem:$0x3F9B];
	s0 =	simm.s32 @p0 $0x1  }
0x13: {  	[smem:$0x3FB6] =	sst s0;
	s0 =	simm.s32 @!p1 $0x0  }
0x14: {  	s2 =	sld [smem:$0x3F9A];
	s0 =	simm.s32 @p1 $0x1  }
0x15: {  	[smem:$0x3FB7] =	sst s0;
	s0 =	simm.s32 @!p2 $0x0  }
0x16: {  	s3 =	sld [smem:$0x3FDB];
	s0 =	simm.s32 @p2 $0x1  }
0x17: {  	s4 =	simm.s32 $0x1BF5;
	[smem:$0x3FB9] =	sst s0  }
0x18: {  	s0 =	sld [smem:$0x3F9C];
	_ =	swait.ge [sflag:s4], $0x0  }
0x19: {  	s7 =	sld [smem:$0x3F9D]  }
0x1a: {  	s8 =	sadd.s32 $0xFFFFE003, lr  }
0x1b: {  	s9 =	sadd.s32 $0xFFFFFEF7, lr;
	s5 =	simm.s32 $0xFFFFFFFF;
	p2 =	slt.u32 s8, $0xFFFFF086  }
0x1c: {  	p1 =	slt.u32 s9, $0xF7A;
	s5 =	simm.s32 @!p2 $0x0  }
0x1d: {  	s5 =	simm.s32 @p1 $0x1;
	p0 =	seq.s32 s7, s2  }
0x1e: {  	s7 =	smul.u32 @!p0 $0xF7A, s2;
	p2 =	seq.s32 @!p0 s5, $0x0  }
0x1f: {  	s9 =	smul.u32 $0xF7A, s1;
	s8 =	simm.s32 @!p0 $0x1BF5;
	p2 =	por !p2, p0  }
0x20: {  	[sflag:s8] =	ssyncset.s32 @!p0 $0xFFFFF086;
	s6 =	sadd.s32 @!p0 s3, s7;
	s7 =	simm.s32 @!p0 $0x108  }
0x21: {  	s3 =	sadd.s32 s3, s9;
	s6 =	sadd.s32 @!p0 $0x88, s6;
	s7 =	simm.s32 @p2 $0x1082  }
0x22: {  	[simem:s7], [sflag:s8] =	dma.local @!p0 [hbm:s6], $0xF7A  }
0x23: {  	s9 =	sor.u32 $0xD0000000, s2;
	s6 =	simm.s32 $0x108;
	_ =	swait.ge @!p0 [sflag:s8], $0x0  }
0x24: {  	s3 =	sadd.s32 $0x88, s3;
	s6 =	simm.s32 @!p1 $0x1082;
	[sflag:s4] =	ssyncset.s32 $0xFFFFF086  }
0x25: {  	[simem:s6], [sflag:s4] =	dma.local [hbm:s3], $0xF7A  }
0x26: {  	[smem:$0x3F9D] =	sst s1;
	(tag) =	ssettag s2;
	_ =	strace s9  }
0x27: {  	s1 =	sld [smem:$0x3FAD]  }
0x28: {  	s2 =	sld [smem:$0x3FAE]  }
0x29: {  	s4 =	sld [smem:$0x3FB0]  }
0x2a: {  	p0 =	seq.s32 s5, $0x0;
	s5 =	sld [smem:$0x3FB1]  }
0x2b: {  	s6 =	sld [smem:$0x3FB2]  }
0x2c: {  	s7 =	sld [smem:$0x3FB3]  }
0x2d: {  	s3 =	simm.s32 $0x108;
	s8 =	sld [smem:$0x3FB4]  }
0x2e: {  	s3 =	simm.s32 @!p0 $0x1082;
	s9 =	sld [smem:$0x3FB5]  }
0x2f: {  	lr =	sadd.s32 s0, s3;
	s0 =	sld [smem:$0x3FAC]  }
0x30: {  	s3 =	sld [smem:$0x3FAF]  }
0x31: {  	[smem:$0x3FB8] =	sst s10  }
0x32: {  	s10 =	sld [smem:$0x3FB6];
	_ =	sdelay $0x3  }
0x33: {  	p0 =	seq.s32 s10, $0x1;
	s10 =	sld [smem:$0x3FB8];
	_ =	sdelay $0x3  }
0x34: {  	[smem:$0x3FB8] =	sst s10  }
0x35: {  	s10 =	sld [smem:$0x3FB7];
	_ =	sdelay $0x3  }
0x36: {  	p1 =	seq.s32 s10, $0x1;
	s10 =	sld [smem:$0x3FB8];
	_ =	sdelay $0x3  }
0x37: {  	[smem:$0x3FB8] =	sst s10  }
0x38: {  	s10 =	sld [smem:$0x3FB9]  }
0x39: {  	_ = 	snop;
	(pc) =	sbr.ind lr, $3  }
0x3a: {  	_ = 	snop  }
0x3b: {  	_ = 	snop  }
0x3c: {  	p2 =	seq.s32 s10, $0x1;
	s10 =	sld [smem:$0x3FB8]  }
0x3d: {  	_ =	shalt  }
0x3e: {  	_ =	shalt  }
0x3f: {  	_ =	shalt  }
0x40: {  	_ =	shalt  }
0x41: {  	_ =	shalt  }
0x42: {  	_ =	shalt  }
0x43: {  	_ =	shalt  }
0x44: {  	_ =	shalt  }
0x45: {  	_ =	shalt  }
0x46: {  	_ =	shalt  }
0x47: {  	_ =	shalt  }
0x48: {  	_ =	shalt  }
0x49: {  	_ =	shalt  }
0x4a: {  	_ =	shalt  }
0x4b: {  	_ =	shalt  }
0x4c: {  	_ =	shalt  }
0x4d: {  	_ =	shalt  }
0x4e: {  	_ =	shalt  }
0x4f: {  	_ =	shalt  }
0x50: {  	_ =	shalt  }
0x51: {  	_ =	shalt  }
0x52: {  	_ =	shalt  }
0x53: {  	_ =	shalt  }
0x54: {  	_ =	shalt  }
0x55: {  	_ =	shalt  }
0x56: {  	_ =	shalt  }
0x57: {  	_ =	shalt  }
0x58: {  	_ =	shalt  }
0x59: {  	_ =	shalt  }
0x5a: {  	_ =	shalt  }
0x5b: {  	_ =	shalt  }
0x5c: {  	_ =	shalt  }
0x5d: {  	_ =	shalt  }
0x5e: {  	_ =	shalt  }
0x5f: {  	_ =	shalt  }
0x60: {  	_ =	shalt  }
0x61: {  	_ =	shalt  }
0x62: {  	_ =	shalt  }
0x63: {  	_ =	shalt  }
0x64: {  	_ =	shalt  }
0x65: {  	_ =	shalt  }
0x66: {  	_ =	shalt  }
0x67: {  	_ =	shalt  }
0x68: {  	_ =	shalt  }
0x69: {  	_ =	shalt  }
0x6a: {  	_ =	shalt  }
0x6b: {  	_ =	shalt  }
0x6c: {  	_ =	shalt  }
0x6d: {  	_ =	shalt  }
0x6e: {  	_ =	shalt  }
0x6f: {  	_ =	shalt  }
0x70: {  	_ =	shalt  }
0x71: {  	_ =	shalt  }
0x72: {  	_ =	shalt  }
0x73: {  	_ =	shalt  }
0x74: {  	_ =	shalt  }
0x75: {  	_ =	shalt  }
0x76: {  	_ =	shalt  }
0x77: {  	_ =	shalt  }
0x78: {  	_ =	shalt  }
0x79: {  	_ =	shalt  }
0x7a: {  	_ =	shalt  }
0x7b: {  	_ =	shalt  }
0x7c: {  	_ =	shalt  }
0x7d: {  	_ =	shalt  }
0x7e: {  	_ =	shalt  }
0x7f: {  	_ =	shalt  }
0x80: {  	_ =	shalt  }
0x81: {  	_ =	shalt  }
0x82: {  	_ =	shalt  }
0x83: {  	_ =	shalt  }
0x84: {  	_ =	shalt  }
0x85: {  	_ =	shalt  }
0x86: {  	_ =	shalt  }
0x87: {  	_ =	shalt  }
.Lfunc_end0:
.L_simem_size_0:
called_computation_lowered:
.L_overlay_start_0:
0x88: {  	s2 =	sld [smem:$0x3FD9]  }
0x89: {  	s3 =	sld [smem:$0x3FFE];
	_ =	sdelay $0x1  }
0x8a: {  	s1 =	srdreg.scid  }
0x8b: {  	s0 =	sand.u32 $0x1, s1  }
0x8c: {  	s18 =	sshll.u32 s0, $0xA;
	s2 =	sadd.s32 s3, s2  }
0x8d: {  	s2 =	sadd.s32 s2, s18  }
0x8e: {  	[smem:$0x3FC4] =	sst s2  }
0x8f: {  	_ = 	snop  }
0x90: {  	s2 =	sld [smem:$0x3FC9]  }
0x91: {  	s19 =	sld [smem:$0x3FC8]  }
0x92: {  	s4 =	sld [smem:$0x3FC7]  }
0x93: {  	s5 =	sld [smem:$0x3FC6]  }
0x94: {  	s6 =	sld [smem:$0x3FD0];
	(tm) =	ssettm $0x1  }
0x95: {  	s7 =	sld [smem:$0x3FFB];
	_ =	sdelay $0x3  }
0x96: {  	_ =	strace s7  }
0x97: {  	s7 =	sld [smem:$0x3FFC];
	_ =	sdelay $0x3  }
0x98: {  	_ =	strace s7  }
0x99: {  	s7 =	sld [smem:$0x3FFD];
	_ =	sdelay $0x3  }
0x9a: {  	_ =	strace s7  }
0x9b: {  	_ =	strace $0x8FFFFFFF  }
0x9c: {  	s20 =	sld [smem:$0x3FDB];
	_ =	sdelay $0x1  }
0x9d: {  	s8 =	simm.s32 $_scs_section_size  }
0x9e: {  	s9 =	simm.s32 $_size__tile_overlayer_lowered;
	s10 =	simm.s32 $_tile_overlayer_lowered  }
0x9f: {  	s23 =	simm.s32 $0x1BFF;
	s22 =	sshll.u32 s10, $0x1;
	s7 =	sadd.s32 s8, s20  }
0xa0: {  	s11 =	simm.s32 $0x0;
	s21 =	sshll.u32 s9, $0x1;
	s9 =	sadd.s32 s22, s7  }
0xa1: {  	[timem:s11], [sflag:s23] =	dma.local [hbm:s9], s21  }
0xa2: {  	_ =	swait.ge [sflag:s23], s21  }
0xa3: {  	s8 =	ssub.s32 $0x0, s21;
	[sflag:s23] =	ssyncset.done $0x0  }
0xa4: {  	[sflag:s23] =	ssyncadd.s32 s8;
	_ =	sdelay $0x1  }
0xa5: {  	s24 =	simm.s32 $0x1B8B  }
0xa6: {  	_ =	swait.ge [sflag:s24], $0x1  }
0xa7: {  	[sflag:s24] =	ssyncset.done $0x0  }
0xa8: {  	s25 =	simm.s32 $0x1B8E;
	[sflag:s24] =	ssyncadd.s32 $0xFFFFFFFF  }
0xa9: {  	s26 =	simm.s32 $execute0_lowered;
	[smem:$0x3FD2] =	sst s25  }
0xaa: {  	s8 =	sshll.u32 s26, $0x1;
	_ =	strace $0x80000046;
	[dreg:$0x1] =	wrdreg $0xFFFFFFFF  }
0xab: {  	s28 =	simm.s32 $_size_execute0_lowered;
	s7 =	sadd.s32 s7, s8;
	[dreg:$0x0] =	wrdreg $0x0  }
0xac: {  	s8 =	sshll.u32 s28, $0x1;
	[dreg:$0x2] =	wrdreg s7  }
0xad: {  	[dreg:$0x3] =	wrdreg s8  }
0xae: {  	[dreg:$0x4] =	wrdreg $0xC0  }
0xaf: {  	_ =	task [dreg:s11], $0x5FFFF  }
0xb0: {  	[dreg:$0x1] =	wrdreg $0xFFFFFFFF  }
0xb1: {  	[dreg:$0x0] =	wrdreg $0x60  }
0xb2: {  	[dreg:$0x2] =	wrdreg s2  }
0xb3: {  	[dreg:$0x3] =	wrdreg s19  }
0xb4: {  	[dreg:$0x4] =	wrdreg s4  }
0xb5: {  	[dreg:$0x5] =	wrdreg s5  }
0xb6: {  	[dreg:$0x6] =	wrdreg s6  }
0xb7: {  	[dreg:$0x7] =	wrdreg $0xA9800  }
0xb8: {  	[dreg:$0x8] =	wrdreg $0x9  }
0xb9: {  	_ =	task.clear_ibuf [dreg:s11], $0x9FFFF;
	_ =	strace $0x90000046  }
0xba: {  	s29 =	simm.s32 $0x9;
	_ =	strace $0x80000048  }
0xbb: {  	_ =	swait.ge [sflag:s29], $0x1  }
0xbc: {  	[sflag:s29] =	ssyncadd.s32 $0xFFFFFFFF  }
0xbd: {  	_ =	strace $0x90000048  }
0xbe: {  	_ =	sfence  }
0xbf: {  	s30 =	sld [smem:$0x0];
	_ =	sdelay $0x2  }
0xc0: {  	s31 =	sshll.u32 s1, $0xD;
	s1 =	sshrl.u32 s1, $0x2  }
0xc1: {  	s3 =	sand.u32 $0x4000, s31;
	s1 =	sadd.s32 s1, s30  }
0xc2: {  	s0 =	sor.u32 s3, s0;
	s1 =	sshll.u32 s1, $0x11  }
0xc3: {  	s0 =	sor.u32 s1, s0  }
0xc4: {  	s0 =	sadd.s32 $0x8F2B, s0  }
0xc5: {  	[sflag:s0] =	ssyncadd.remote.s32 $0x1  }
0xc6: {  	_ =	sfence.sel $0xFFFF  }
0xc7: {  	[dreg:$0x0] =	wrdreg $0xFFFFFFFF;
	(pc) =	sbr.abs _section_cstart, $3  }
0xc8: {  	[dreg:$0x1] =	wrdreg $0xFFFFFFFF  }
0xc9: {  	_ =	task.clear_ibuf [dreg:s11], $0x2FFFF;
	_ =	strace $0x9FFFFFFF  }
0xca: {  	(tm) =	ssettm $0x7FFFFFFF  }
0xcb: {  	_ =	shalt  }
tec
execute0_lowered:
.L_overlay_start_1:
0x0: {  	(tag) =	ssettag $0x1  }
0x1: {  	s1 =	rddreg [dreg:$0x0]  }
0x2: {  	s2 =	rddreg [dreg:$0x1]  }
0x3: {  	s3 =	rddreg [dreg:$0x2]  }
0x4: {  	s4 =	rddreg [dreg:$0x3]  }
0x5: {  	s0 =	rddreg [dreg:$0x4]  }
0x6: {  	s6 =	rddreg [dreg:$0x5]  }
0x7: {  	s7 =	simm.s32 $0x0;
	s8 =	srdreg.scid;
	s5 =	stileid.u32  }
0x8: {  	s28 =	simm.s32 $0x2;
	s29 =	simm.s32 $0x180;
	s30 =	simm.s32 $0x1  }
0x9: {  	s31 =	simm.s32 $0x0;
	[smem:$0x7FF] =	sst s7;
	s25 =	smul.u32 $0x4E000, s5  }
0xa: {  	s13 =	sand.u32 $0x1, s8;
	s10 =	smul.u32 $0x13800, s5;
	p0 =	sne.s32 s5, $0xF  }
0xb: {  	_ =	strace $0x80000047;
	s9 =	ssub.s32 $0x2, s13;
	s14 =	smul.u32 $0x138800, s13  }
0xc: {  	s11 =	sshrl.u32 s9, $0x1;
	s8 =	sshrl.u32 s25, $0x2;
	s15 =	sadd.s32 $0x6800, s10  }
0xd: {  	s17 =	sadd.s32 $0xD000, s10;
	s16 =	ssub.s32 s9, s11;
	s8 =	sadd.s32 s8, s6  }
0xe: {  	s9 =	sadd.s32 s15, s6;
	s12 =	sadd.s32 s10, s14;
	s10 =	sadd.s32 s17, s6  }
0xf: {  	s15 =	sadd.s32 s14, s15;
	s17 =	sadd.s32 s14, s17;
	s14 =	sshrl.u32 s14, $0x3  }
0x10: {  	s11 =	sadd.s32 $0x138000, s6;
	s18 =	sshrl.u32 s12, $0x3;
	s26 =	sadd.s32 s0, s14  }
0x11: {  	s12 =	smul.u32 $0x9C4, s13;
	s15 =	sshrl.u32 s15, $0x3;
	s21 =	sadd.s32 $0x27000, s26  }
0x12: {  	s17 =	sshrl.u32 s17, $0x3;
	s19 =	sadd.s32 s0, s18;
	[dreg:$0x9] =	wrdreg s21  }
0x13: {  	s13 =	smul.u32 $0x4E200, s13;
	s20 =	sadd.s32 s0, s15;
	[dreg:$0x7] =	wrdreg s19  }
0x14: {  	s15 =	sadd.s32 s0, s17;
	s25 =	sadd.s32 $0x75200, s26;
	[dreg:$0x8] =	wrdreg s20  }
.Ltmp0:
0x15: {  	s26 =	smax.u32 s16, $0x1;
	[dreg:$0xd] =	wrdreg s25;
	(pc) =	sbr.rel .LBB2_1-.Ltmp0, $4  }
0x16: {  	s17 =	sadd.s32 $0x9C400, s13;
	s22 =	sadd.s32 $0x4E200, s19;
	[dreg:$0xe] =	wrdreg s26  }
0x17: {  	s23 =	sadd.s32 $0x4E200, s20;
	s24 =	sadd.s32 $0x4E200, s15;
	[dreg:$0xa] =	wrdreg s22  }
0x18: {  	s25 =	simm.s32 $0x80;
	s26 =	simm.s32 $0x100;
	[dreg:$0xb] =	wrdreg s23  }
0x19: {  	v0 =	vimm.f32 $0.0e+00;
	[dreg:$0xc] =	wrdreg s24;
	s23 =	simm.s32 $0x4180;
	s24 =	simm.s32 $0x3  }
.LBB2_15:
0x1a: {  	[bflag:$0x0] =	sbarrier.arrive $0xFFFF  }
0x1b: {  	s13 =	rddreg [dreg:$0xa]  }
0x1c: {  	[hbm:s13], [sflag:s0] =	dma.local [spmem:s16], $0xD00  }
0x1d: {  	_ =	swait.ge [sflag:s24], $0xD00  }
0x1e: {  	[sflag:s24] =	ssyncset.done $0x0  }
0x1f: {  	s16 =	rddreg [dreg:$0xb];
	[sflag:s24] =	ssyncadd.s32 $0xFFFFF300  }
0x20: {  	[hbm:s16], [sflag:s0] =	dma.local [spmem:s18], $0xD00  }
0x21: {  	_ =	swait.ge [sflag:s24], $0xD00  }
0x22: {  	[sflag:s24] =	ssyncset.done $0x0  }
0x23: {  	s21 =	rddreg [dreg:$0xc];
	[sflag:s24] =	ssyncadd.s32 $0xFFFFF300  }
0x24: {  	[hbm:s21], [sflag:s0] =	dma.local [spmem:s19], $0xD00  }
0x25: {  	_ =	swait.ge [sflag:s24], $0xD00  }
0x26: {  	[sflag:s24] =	ssyncset.done $0x0  }
0x27: {  	s13 =	rddreg [dreg:$0xd];
	[sflag:s24] =	ssyncadd.s32 $0xFFFFF300  }
0x28: {  	[hbm:s13], [sflag:s0] =	dma.local @!p0 [spmem:s20], $0x100  }
0x29: {  	s0 =	simm.s32 @!p0 $0x3  }
0x2a: {  	_ =	swait.ge @!p0 [sflag:s0], $0x100  }
0x2b: {  	s31 =	sadd.s32 $0x1, s31;
	s22 =	rddreg [dreg:$0xe]  }
0x2c: {  	p1 =	sne.s32 s31, s22  }
.Ltmp1:
0x2d: {  	_ = 	snop;
	(pc) =	sbr.rel @!p1 .LBB2_16-.Ltmp1, $3  }
0x2e: {  	[sflag:s0] =	ssyncset.done @!p0 $0x0  }
0x2f: {  	[sflag:s0] =	ssyncadd.s32 @!p0 $0xFFFFFF00  }
0x30: {  	[bflag:$0x0] =	sbarrier.arrive $0xFFFF;
	_ =	sdelay $0x1  }
.LBB2_1:
0x31: {  	s0 =	simm.s32 $0x0;
	s13 =	simm.s32 $0x200  }
.LBB2_2:
0x32: {  	p1 =	sne.s32 s13, $0x19E00;
	[tilespmem:s0+$0x41F0] =	vst v0  }
0x33: {  	[tilespmem:s0+$0x4180] =	vst v0  }
0x34: {  	[tilespmem:s0+$0x4190] =	vst v0  }
.Ltmp2:
0x35: {  	[tilespmem:s0+$0x41A0] =	vst v0;
	(pc) =	sbr.rel @p1 .LBB2_2-.Ltmp2, $4  }
0x36: {  	[tilespmem:s0+$0x41B0] =	vst v0  }
0x37: {  	[tilespmem:s0+$0x41C0] =	vst v0  }
0x38: {  	[tilespmem:s0+$0x41D0] =	vst v0  }
0x39: {  	[tilespmem:s0+$0x41E0] =	vst v0;
	s0 =	sshra.s32 s13, $0x2;
	s13 =	sadd.s32 $0x200, s13  }
0x3a: {  	[tilespmem:s0+$0x41F0] =	vst v0  }
0x3b: {  	[tilespmem:s0+$0x4180] =	vst v0  }
0x3c: {  	[tilespmem:s0+$0x4190] =	vst v0  }
0x3d: {  	[tilespmem:s0+$0x41A0] =	vst v0  }
0x3e: {  	[tilespmem:s0+$0x41B0] =	vst v0  }
0x3f: {  	[tilespmem:s0+$0x41C0] =	vst v0  }
0x40: {  	[tilespmem:s0+$0x41D0] =	vst v0  }
0x41: {  	[tilespmem:s0+$0x41E0] =	vst v0  }
0x42: {  	[spmem:s8] =	stream.linear.scatter [tilespmem:s23], [sflag:$0x3], $0x6800, $0x38;
	[tilespmem:$0x1E200] =	vst v63  }
0x43: {  	_ =	swait.ge [sflag:s24], $0x6800  }
0x44: {  	[sflag:s24] =	ssyncset.done $0x0  }
0x45: {  	[sflag:s24] =	ssyncadd.s32 $0xFFFF9800  }
0x46: {  	[spmem:s9] =	stream.linear.scatter [tilespmem:s23], [sflag:$0x3], $0x6800, $0x38;
	[tilespmem:$0x1E200] =	vst v63  }
0x47: {  	_ =	swait.ge [sflag:s24], $0x6800  }
0x48: {  	[sflag:s24] =	ssyncset.done $0x0  }
0x49: {  	[sflag:s24] =	ssyncadd.s32 $0xFFFF9800  }
0x4a: {  	[spmem:s10] =	stream.linear.scatter [tilespmem:s23], [sflag:$0x3], $0x6800, $0x38;
	[tilespmem:$0x1E200] =	vst v63  }
0x4b: {  	_ =	swait.ge [sflag:s24], $0x6800  }
0x4c: {  	[sflag:s24] =	ssyncset.done $0x0  }
0x4d: {  	s0 =	simm.s32 @!p0 $0x4180;
	[sflag:s24] =	ssyncadd.s32 $0xFFFF9800  }
0x4e: {  	[spmem:s11] =	stream.linear.scatter @!p0 [tilespmem:s0], [sflag:$0x3], $0x800, $0x38;
	[tilespmem:$0x1E200] =	vst v63  }
0x4f: {  	s0 =	simm.s32 @!p0 $0x3  }
.Ltmp3:
0x50: {  	_ =	swait.ge @!p0 [sflag:s0], $0x800;
	(pc) =	sbr.rel .LBB2_4-.Ltmp3, $4  }
0x51: {  	[sflag:s0] =	ssyncset.done @!p0 $0x0  }
0x52: {  	[sflag:s0] =	ssyncadd.s32 @!p0 $0xFFFFF800  }
0x53: {  	[bflag:$0x0] =	sbarrier.arrive $0xFFFF  }
0x54: {  	s0 =	simm.s32 $0x0  }
.LBB2_8:
0x55: {  	s0 =	sadd.s32 $0x1, s0  }
0x56: {  	p1 =	sne.s32 s0, $0x9D  }
.Ltmp4:
0x57: {  	_ = 	snop;
	(pc) =	sbr.rel @!p1 .LBB2_9-.Ltmp4, $1  }
0x58: {  	_ =	sdelay $0x3  }
.LBB2_4:
0x59: {  	s13 =	sshll.u32 s0, $0x4  }
0x5a: {  	s13 =	sor.u32 s5, s13  }
0x5b: {  	p1 =	sgt.u32 s13, $0x9C3  }
.Ltmp5:
0x5c: {  	_ = 	snop;
	(pc) =	sbr.rel @p1 .LBB2_8-.Ltmp5, $1  }
0x5d: {  	_ =	sdelay $0x3  }
0x5e: {  	s13 =	sadd.s32 s12, s13  }
0x5f: {  	s13 =	sshll.u32 s13, $0x4  }
0x60: {  	s16 =	simm.s32 $0x0;
	s18 =	sadd.s32 s2, s13  }
0x61: {  	[tilespmem:s16], [sflag:$0x2] =	stream.linear.gather [hbm4b:s18+s16], $0x80, $0x38;
	[tilespmem:$0x1E200] =	vst v63  }
0x62: {  	s22 =	sadd.s32 s3, s13  }
0x63: {  	[tilespmem:s25], [sflag:$0x2] =	stream.linear.gather [hbm4b:s22+s16], $0x80, $0x38;
	[tilespmem:$0x1E200] =	vst v63  }
0x64: {  	s13 =	sadd.s32 s4, s13  }
0x65: {  	[tilespmem:s26], [sflag:$0x2] =	stream.linear.gather [hbm4b:s13+s16], $0x80, $0x38;
	[tilespmem:$0x1E200] =	vst v63  }
0x66: {  	_ =	swait.ge [sflag:s28], $0x80  }
0x67: {  	[sflag:s28] =	ssyncset.done $0x0  }
0x68: {  	[sflag:s28] =	ssyncadd.s32 $0xFFFFFF80  }
0x69: {  	_ =	swait.ge [sflag:s28], $0x80  }
0x6a: {  	[sflag:s28] =	ssyncset.done $0x0  }
0x6b: {  	[sflag:s28] =	ssyncadd.s32 $0xFFFFFF80  }
0x6c: {  	_ =	swait.ge [sflag:s28], $0x80  }
0x6d: {  	[sflag:s28] =	ssyncset.done $0x0  }
0x6e: {  	[sflag:s28] =	ssyncadd.s32 $0xFFFFFF80  }
0x6f: {  	[tilespmem:s29], [sflag:$0x1] =	stream.indirect.gather [hbm4b:s1+s25], $0x80, s25, s25, $0xb8;
	[tilespmem:$0x1E200] =	vst v63  }
0x70: {  	_ =	swait.ge [sflag:s30], $0x4000  }
0x71: {  	[sflag:s30] =	ssyncset.done $0x0  }
0x72: {  	[sflag:s30] =	ssyncadd.s32 $0xFFFFC000  }
.LBB2_6:
0x73: {  	s13 =	sshll.u32 s16, $0x4  }
0x74: {  	s13 =	sand.u32 $0x3FFFFFF0, s13  }
0x75: {  	s22 =	sshll.u32 s16, $0xB;
	v1 =	vld [tilespmem:s13+$0x100]  }
0x76: {  	s18 =	sand.u32 $0x3FFFF800, s22  }
0x77: {  	v2 =	vld [tilespmem:s18+$0x180]  }
0x78: {  	v3 =	vld [tilespmem:s18+$0x190]  }
0x79: {  	v4 =	vld [tilespmem:s18+$0x1A0]  }
0x7a: {  	v6 =	vld [tilespmem:s18+$0x1B0];
	v5 =	vbroadcast v1, $0x0  }
0x7b: {  	v7 =	vld [tilespmem:s18+$0x1C0]  }
0x7c: {  	v8 =	vld [tilespmem:s18+$0x1D0];
	v2 =	vmul.f32 v5, v2  }
0x7d: {  	v9 =	vld [tilespmem:s18+$0x1E0];
	v3 =	vmul.f32 v3, v5  }
0x7e: {  	v34 =	vld [tilespmem:s18+$0x1F0];
	[tilespmem:s18+$0x180] =	vst v2;
	v2 =	vmul.f32 v4, v5  }
0x7f: {  	v35 =	vld [tilespmem:s18+$0x200];
	[tilespmem:s18+$0x190] =	vst v3;
	v3 =	vmul.f32 v6, v5  }
0x80: {  	v36 =	vld [tilespmem:s18+$0x210];
	[tilespmem:s18+$0x1A0] =	vst v2;
	v2 =	vmul.f32 v7, v5  }
0x81: {  	v37 =	vld [tilespmem:s18+$0x220];
	[tilespmem:s18+$0x1B0] =	vst v3;
	v3 =	vmul.f32 v8, v5  }
0x82: {  	v10 =	vld [tilespmem:s18+$0x230];
	v38 =	vbroadcast v1, $0x1;
	[tilespmem:s18+$0x1C0] =	vst v2;
	v2 =	vmul.f32 v9, v5  }
0x83: {  	v39 =	vld [tilespmem:s18+$0x240];
	[tilespmem:s18+$0x1D0] =	vst v3;
	v3 =	vmul.f32 v34, v5  }
0x84: {  	v40 =	vld [tilespmem:s18+$0x250];
	[tilespmem:s18+$0x1E0] =	vst v2;
	v2 =	vmul.f32 v35, v38  }
0x85: {  	v41 =	vld [tilespmem:s18+$0x260];
	[tilespmem:s18+$0x1F0] =	vst v3;
	v3 =	vmul.f32 v36, v38  }
0x86: {  	v42 =	vld [tilespmem:s18+$0x270];
	[tilespmem:s18+$0x200] =	vst v2;
	v2 =	vmul.f32 v37, v38  }
0x87: {  	v43 =	vld [tilespmem:s18+$0x280];
	[tilespmem:s18+$0x210] =	vst v3;
	v3 =	vmul.f32 v10, v38  }
0x88: {  	v44 =	vld [tilespmem:s18+$0x290];
	[tilespmem:s18+$0x220] =	vst v2;
	v2 =	vmul.f32 v39, v38  }
0x89: {  	v45 =	vld [tilespmem:s18+$0x2A0];
	[tilespmem:s18+$0x230] =	vst v3;
	v3 =	vmul.f32 v40, v38  }
0x8a: {  	v47 =	vld [tilespmem:s18+$0x2B0];
	v46 =	vbroadcast v1, $0x2;
	[tilespmem:s18+$0x240] =	vst v2;
	v2 =	vmul.f32 v41, v38  }
0x8b: {  	v48 =	vld [tilespmem:s18+$0x2C0];
	[tilespmem:s18+$0x250] =	vst v3;
	v3 =	vmul.f32 v42, v38  }
0x8c: {  	v49 =	vld [tilespmem:s18+$0x2D0];
	[tilespmem:s18+$0x260] =	vst v2;
	v2 =	vmul.f32 v43, v46  }
0x8d: {  	v50 =	vld [tilespmem:s18+$0x2E0];
	[tilespmem:s18+$0x270] =	vst v3;
	v3 =	vmul.f32 v44, v46  }
0x8e: {  	v51 =	vld [tilespmem:s18+$0x2F0];
	[tilespmem:s18+$0x280] =	vst v2;
	v2 =	vmul.f32 v45, v46  }
0x8f: {  	v52 =	vld [tilespmem:s18+$0x300];
	[tilespmem:s18+$0x290] =	vst v3;
	v3 =	vmul.f32 v47, v46  }
0x90: {  	v53 =	vld [tilespmem:s18+$0x310];
	[tilespmem:s18+$0x2A0] =	vst v2;
	v2 =	vmul.f32 v48, v46  }
0x91: {  	v54 =	vld [tilespmem:s18+$0x320];
	[tilespmem:s18+$0x2B0] =	vst v3;
	v3 =	vmul.f32 v49, v46  }
0x92: {  	v56 =	vld [tilespmem:s18+$0x330];
	v55 =	vbroadcast v1, $0x3;
	[tilespmem:s18+$0x2C0] =	vst v2;
	v2 =	vmul.f32 v50, v46  }
0x93: {  	v57 =	vld [tilespmem:s18+$0x340];
	[tilespmem:s18+$0x2D0] =	vst v3;
	v3 =	vmul.f32 v51, v46  }
0x94: {  	v58 =	vld [tilespmem:s18+$0x350];
	[tilespmem:s18+$0x2E0] =	vst v2;
	v2 =	vmul.f32 v52, v55  }
0x95: {  	v59 =	vld [tilespmem:s18+$0x360];
	[tilespmem:s18+$0x2F0] =	vst v3;
	v3 =	vmul.f32 v53, v55  }
0x96: {  	v60 =	vld [tilespmem:s18+$0x370];
	[tilespmem:s18+$0x300] =	vst v2;
	v2 =	vmul.f32 v54, v55  }
0x97: {  	v61 =	vld [tilespmem:s18+$0x380];
	[tilespmem:s18+$0x310] =	vst v3;
	v3 =	vmul.f32 v56, v55  }
0x98: {  	v62 =	vld [tilespmem:s18+$0x390];
	[tilespmem:s18+$0x320] =	vst v2;
	v2 =	vmul.f32 v57, v55  }
0x99: {  	v63 =	vld [tilespmem:s18+$0x3A0];
	[tilespmem:s18+$0x330] =	vst v3;
	v3 =	vmul.f32 v58, v55  }
0x9a: {  	v13 =	vld [tilespmem:s18+$0x3B0];
	v12 =	vbroadcast v1, $0x4;
	[tilespmem:s18+$0x340] =	vst v2;
	v2 =	vmul.f32 v59, v55  }
0x9b: {  	v14 =	vld [tilespmem:s18+$0x3C0];
	[tilespmem:s18+$0x350] =	vst v3;
	v3 =	vmul.f32 v60, v55  }
0x9c: {  	v15 =	vld [tilespmem:s18+$0x3D0];
	[tilespmem:s18+$0x360] =	vst v2;
	v2 =	vmul.f32 v61, v12  }
0x9d: {  	v16 =	vld [tilespmem:s18+$0x3E0];
	[tilespmem:s18+$0x370] =	vst v3;
	v3 =	vmul.f32 v62, v12  }
0x9e: {  	v17 =	vld [tilespmem:s18+$0x3F0];
	[tilespmem:s18+$0x380] =	vst v2;
	v2 =	vmul.f32 v63, v12  }
0x9f: {  	v18 =	vld [tilespmem:s18+$0x400];
	[tilespmem:s18+$0x390] =	vst v3;
	v3 =	vmul.f32 v13, v12  }
0xa0: {  	v19 =	vld [tilespmem:s18+$0x410];
	[tilespmem:s18+$0x3A0] =	vst v2;
	v2 =	vmul.f32 v14, v12  }
0xa1: {  	v20 =	vld [tilespmem:s18+$0x420];
	[tilespmem:s18+$0x3B0] =	vst v3;
	v3 =	vmul.f32 v15, v12  }
0xa2: {  	v22 =	vld [tilespmem:s18+$0x430];
	v21 =	vbroadcast v1, $0x5;
	[tilespmem:s18+$0x3C0] =	vst v2;
	v2 =	vmul.f32 v16, v12  }
0xa3: {  	v23 =	vld [tilespmem:s18+$0x440];
	[tilespmem:s18+$0x3D0] =	vst v3;
	v3 =	vmul.f32 v17, v12  }
0xa4: {  	v24 =	vld [tilespmem:s18+$0x450];
	[tilespmem:s18+$0x3E0] =	vst v2;
	v2 =	vmul.f32 v18, v21  }
0xa5: {  	v25 =	vld [tilespmem:s18+$0x460];
	[tilespmem:s18+$0x3F0] =	vst v3;
	v3 =	vmul.f32 v19, v21  }
0xa6: {  	v26 =	vld [tilespmem:s18+$0x470];
	[tilespmem:s18+$0x400] =	vst v2;
	v2 =	vmul.f32 v20, v21  }
0xa7: {  	v27 =	vld [tilespmem:s18+$0x480];
	[tilespmem:s18+$0x410] =	vst v3;
	v3 =	vmul.f32 v22, v21  }
0xa8: {  	v28 =	vld [tilespmem:s18+$0x490];
	[tilespmem:s18+$0x420] =	vst v2;
	v2 =	vmul.f32 v23, v21  }
0xa9: {  	v29 =	vld [tilespmem:s18+$0x4A0];
	[tilespmem:s18+$0x430] =	vst v3;
	v3 =	vmul.f32 v24, v21  }
0xaa: {  	v31 =	vld [tilespmem:s18+$0x4B0];
	v30 =	vbroadcast v1, $0x6;
	[tilespmem:s18+$0x440] =	vst v2;
	v2 =	vmul.f32 v25, v21  }
0xab: {  	v32 =	vld [tilespmem:s18+$0x4C0];
	[tilespmem:s18+$0x450] =	vst v3;
	v3 =	vmul.f32 v26, v21  }
0xac: {  	v33 =	vld [tilespmem:s18+$0x4D0];
	[tilespmem:s18+$0x460] =	vst v2;
	v2 =	vmul.f32 v27, v30  }
0xad: {  	v34 =	vld [tilespmem:s18+$0x4E0];
	[tilespmem:s18+$0x470] =	vst v3;
	v3 =	vmul.f32 v28, v30  }
0xae: {  	v35 =	vld [tilespmem:s18+$0x4F0];
	[tilespmem:s18+$0x480] =	vst v2;
	v2 =	vmul.f32 v29, v30  }
0xaf: {  	v36 =	vld [tilespmem:s18+$0x500];
	[tilespmem:s18+$0x490] =	vst v3;
	v3 =	vmul.f32 v31, v30  }
0xb0: {  	v37 =	vld [tilespmem:s18+$0x510];
	[tilespmem:s18+$0x4A0] =	vst v2;
	v2 =	vmul.f32 v32, v30  }
0xb1: {  	v38 =	vld [tilespmem:s18+$0x520];
	[tilespmem:s18+$0x4B0] =	vst v3;
	v3 =	vmul.f32 v33, v30  }
0xb2: {  	v39 =	vbroadcast v1, $0x7;
	v40 =	vld [tilespmem:s18+$0x530];
	[tilespmem:s18+$0x4C0] =	vst v2;
	v2 =	vmul.f32 v34, v30  }
0xb3: {  	v41 =	vld [tilespmem:s18+$0x540];
	[tilespmem:s18+$0x4D0] =	vst v3;
	v3 =	vmul.f32 v35, v30  }
0xb4: {  	v42 =	vld [tilespmem:s18+$0x550];
	[tilespmem:s18+$0x4E0] =	vst v2;
	v2 =	vmul.f32 v36, v39  }
0xb5: {  	v43 =	vld [tilespmem:s18+$0x560];
	[tilespmem:s18+$0x4F0] =	vst v3;
	v3 =	vmul.f32 v37, v39  }
0xb6: {  	v44 =	vld [tilespmem:s18+$0x570];
	[tilespmem:s18+$0x500] =	vst v2;
	v2 =	vmul.f32 v38, v39  }
0xb7: {  	v45 =	vld [tilespmem:s18+$0x580];
	[tilespmem:s18+$0x510] =	vst v3;
	v3 =	vmul.f32 v40, v39  }
0xb8: {  	v46 =	vld [tilespmem:s18+$0x590];
	[tilespmem:s18+$0x520] =	vst v2;
	v2 =	vmul.f32 v41, v39  }
0xb9: {  	v47 =	vld [tilespmem:s18+$0x5A0];
	[tilespmem:s18+$0x530] =	vst v3;
	v3 =	vmul.f32 v42, v39  }
0xba: {  	v48 =	vbroadcast v1, $0x8;
	v49 =	vld [tilespmem:s18+$0x5B0];
	[tilespmem:s18+$0x540] =	vst v2;
	v2 =	vmul.f32 v43, v39  }
0xbb: {  	v50 =	vld [tilespmem:s18+$0x5C0];
	[tilespmem:s18+$0x550] =	vst v3;
	v3 =	vmul.f32 v44, v39  }
0xbc: {  	v51 =	vld [tilespmem:s18+$0x5D0];
	[tilespmem:s18+$0x560] =	vst v2;
	v2 =	vmul.f32 v45, v48  }
0xbd: {  	v52 =	vld [tilespmem:s18+$0x5E0];
	[tilespmem:s18+$0x570] =	vst v3;
	v3 =	vmul.f32 v46, v48  }
0xbe: {  	v53 =	vld [tilespmem:s18+$0x5F0];
	[tilespmem:s18+$0x580] =	vst v2;
	v2 =	vmul.f32 v47, v48  }
0xbf: {  	v54 =	vld [tilespmem:s18+$0x600];
	[tilespmem:s18+$0x590] =	vst v3;
	v3 =	vmul.f32 v49, v48  }
0xc0: {  	v55 =	vld [tilespmem:s18+$0x610];
	[tilespmem:s18+$0x5A0] =	vst v2;
	v2 =	vmul.f32 v50, v48  }
0xc1: {  	v56 =	vld [tilespmem:s18+$0x620];
	[tilespmem:s18+$0x5B0] =	vst v3;
	v3 =	vmul.f32 v51, v48  }
0xc2: {  	v57 =	vbroadcast v1, $0x9;
	v58 =	vld [tilespmem:s18+$0x630];
	[tilespmem:s18+$0x5C0] =	vst v2;
	v2 =	vmul.f32 v52, v48  }
0xc3: {  	v59 =	vld [tilespmem:s18+$0x640];
	[tilespmem:s18+$0x5D0] =	vst v3;
	v3 =	vmul.f32 v53, v48  }
0xc4: {  	v60 =	vld [tilespmem:s18+$0x650];
	[tilespmem:s18+$0x5E0] =	vst v2;
	v2 =	vmul.f32 v54, v57  }
0xc5: {  	v61 =	vld [tilespmem:s18+$0x660];
	[tilespmem:s18+$0x5F0] =	vst v3;
	v3 =	vmul.f32 v55, v57  }
0xc6: {  	v62 =	vld [tilespmem:s18+$0x670];
	[tilespmem:s18+$0x600] =	vst v2;
	v2 =	vmul.f32 v56, v57  }
0xc7: {  	v63 =	vld [tilespmem:s18+$0x680];
	[tilespmem:s18+$0x610] =	vst v3;
	v3 =	vmul.f32 v58, v57  }
0xc8: {  	v12 =	vld [tilespmem:s18+$0x690];
	[tilespmem:s18+$0x620] =	vst v2;
	v2 =	vmul.f32 v59, v57  }
0xc9: {  	v13 =	vld [tilespmem:s18+$0x6A0];
	[tilespmem:s18+$0x630] =	vst v3;
	v3 =	vmul.f32 v60, v57  }
0xca: {  	v14 =	vbroadcast v1, $0xA;
	v15 =	vld [tilespmem:s18+$0x6B0];
	[tilespmem:s18+$0x640] =	vst v2;
	v2 =	vmul.f32 v61, v57  }
0xcb: {  	v16 =	vld [tilespmem:s18+$0x6C0];
	[tilespmem:s18+$0x650] =	vst v3;
	v3 =	vmul.f32 v62, v57  }
0xcc: {  	v17 =	vld [tilespmem:s18+$0x6D0];
	[tilespmem:s18+$0x660] =	vst v2;
	v2 =	vmul.f32 v63, v14  }
0xcd: {  	v18 =	vld [tilespmem:s18+$0x6E0];
	[tilespmem:s18+$0x670] =	vst v3;
	v3 =	vmul.f32 v12, v14  }
0xce: {  	v19 =	vld [tilespmem:s18+$0x6F0];
	[tilespmem:s18+$0x680] =	vst v2;
	v2 =	vmul.f32 v13, v14  }
0xcf: {  	v20 =	vld [tilespmem:s18+$0x700];
	[tilespmem:s18+$0x690] =	vst v3;
	v3 =	vmul.f32 v15, v14  }
0xd0: {  	v21 =	vld [tilespmem:s18+$0x710];
	[tilespmem:s18+$0x6A0] =	vst v2;
	v2 =	vmul.f32 v16, v14  }
0xd1: {  	v22 =	vld [tilespmem:s18+$0x720];
	[tilespmem:s18+$0x6B0] =	vst v3;
	v3 =	vmul.f32 v17, v14  }
0xd2: {  	v23 =	vbroadcast v1, $0xB;
	v24 =	vld [tilespmem:s18+$0x730];
	[tilespmem:s18+$0x6C0] =	vst v2;
	v2 =	vmul.f32 v18, v14  }
0xd3: {  	v25 =	vld [tilespmem:s18+$0x740];
	[tilespmem:s18+$0x6D0] =	vst v3;
	v3 =	vmul.f32 v19, v14  }
0xd4: {  	v26 =	vld [tilespmem:s18+$0x750];
	[tilespmem:s18+$0x6E0] =	vst v2;
	v2 =	vmul.f32 v20, v23  }
0xd5: {  	v27 =	vld [tilespmem:s18+$0x760];
	[tilespmem:s18+$0x6F0] =	vst v3;
	v3 =	vmul.f32 v21, v23  }
0xd6: {  	v28 =	vld [tilespmem:s18+$0x770];
	[tilespmem:s18+$0x700] =	vst v2;
	v2 =	vmul.f32 v22, v23  }
0xd7: {  	v29 =	vld [tilespmem:s18+$0x780];
	[tilespmem:s18+$0x710] =	vst v3;
	v3 =	vmul.f32 v24, v23  }
0xd8: {  	v30 =	vld [tilespmem:s18+$0x790];
	[tilespmem:s18+$0x720] =	vst v2;
	v2 =	vmul.f32 v25, v23  }
0xd9: {  	v31 =	vld [tilespmem:s18+$0x7A0];
	[tilespmem:s18+$0x730] =	vst v3;
	v3 =	vmul.f32 v26, v23  }
0xda: {  	v32 =	vbroadcast v1, $0xC;
	v33 =	vld [tilespmem:s18+$0x7B0];
	[tilespmem:s18+$0x740] =	vst v2;
	v2 =	vmul.f32 v27, v23  }
0xdb: {  	v34 =	vld [tilespmem:s18+$0x7C0];
	[tilespmem:s18+$0x750] =	vst v3;
	v3 =	vmul.f32 v28, v23  }
0xdc: {  	v35 =	vld [tilespmem:s18+$0x7D0];
	[tilespmem:s18+$0x760] =	vst v2;
	v2 =	vmul.f32 v29, v32  }
0xdd: {  	v36 =	vld [tilespmem:s18+$0x7E0];
	[tilespmem:s18+$0x770] =	vst v3;
	v3 =	vmul.f32 v30, v32  }
0xde: {  	v37 =	vld [tilespmem:s18+$0x7F0];
	[tilespmem:s18+$0x780] =	vst v2;
	v2 =	vmul.f32 v31, v32  }
0xdf: {  	v38 =	vld [tilespmem:s18+$0x800];
	[tilespmem:s18+$0x790] =	vst v3;
	v3 =	vmul.f32 v33, v32  }
0xe0: {  	v39 =	vld [tilespmem:s18+$0x810];
	[tilespmem:s18+$0x7A0] =	vst v2;
	v2 =	vmul.f32 v34, v32  }
0xe1: {  	v40 =	vld [tilespmem:s18+$0x820];
	[tilespmem:s18+$0x7B0] =	vst v3;
	v3 =	vmul.f32 v35, v32  }
0xe2: {  	v41 =	vbroadcast v1, $0xD;
	v42 =	vld [tilespmem:s18+$0x830];
	[tilespmem:s18+$0x7C0] =	vst v2;
	v2 =	vmul.f32 v36, v32  }
0xe3: {  	v43 =	vld [tilespmem:s18+$0x840];
	[tilespmem:s18+$0x7D0] =	vst v3;
	v3 =	vmul.f32 v37, v32  }
0xe4: {  	v44 =	vld [tilespmem:s18+$0x850];
	[tilespmem:s18+$0x7E0] =	vst v2;
	v2 =	vmul.f32 v38, v41  }
0xe5: {  	v45 =	vld [tilespmem:s18+$0x860];
	[tilespmem:s18+$0x7F0] =	vst v3;
	v3 =	vmul.f32 v39, v41  }
0xe6: {  	v46 =	vld [tilespmem:s18+$0x870];
	[tilespmem:s18+$0x800] =	vst v2;
	v2 =	vmul.f32 v40, v41  }
0xe7: {  	v47 =	vld [tilespmem:s18+$0x880];
	[tilespmem:s18+$0x810] =	vst v3;
	v3 =	vmul.f32 v42, v41  }
0xe8: {  	v48 =	vld [tilespmem:s18+$0x890];
	[tilespmem:s18+$0x820] =	vst v2;
	v2 =	vmul.f32 v43, v41  }
0xe9: {  	v49 =	vld [tilespmem:s18+$0x8A0];
	[tilespmem:s18+$0x830] =	vst v3;
	v3 =	vmul.f32 v44, v41  }
0xea: {  	v50 =	vbroadcast v1, $0xE;
	v51 =	vld [tilespmem:s18+$0x8B0];
	[tilespmem:s18+$0x840] =	vst v2;
	v2 =	vmul.f32 v45, v41  }
0xeb: {  	v52 =	vld [tilespmem:s18+$0x8C0];
	[tilespmem:s18+$0x850] =	vst v3;
	v3 =	vmul.f32 v46, v41  }
0xec: {  	v53 =	vld [tilespmem:s18+$0x8D0];
	[tilespmem:s18+$0x860] =	vst v2;
	v2 =	vmul.f32 v47, v50  }
0xed: {  	v54 =	vld [tilespmem:s18+$0x8E0];
	[tilespmem:s18+$0x870] =	vst v3;
	v3 =	vmul.f32 v48, v50  }
0xee: {  	v55 =	vld [tilespmem:s18+$0x8F0];
	[tilespmem:s18+$0x880] =	vst v2;
	v2 =	vmul.f32 v49, v50  }
0xef: {  	v56 =	vld [tilespmem:s18+$0x900];
	[tilespmem:s18+$0x890] =	vst v3;
	v3 =	vmul.f32 v51, v50  }
0xf0: {  	v57 =	vld [tilespmem:s18+$0x910];
	[tilespmem:s18+$0x8A0] =	vst v2;
	v2 =	vmul.f32 v52, v50  }
0xf1: {  	v58 =	vld [tilespmem:s18+$0x920];
	[tilespmem:s18+$0x8B0] =	vst v3;
	v3 =	vmul.f32 v53, v50  }
0xf2: {  	v1 =	vbroadcast v1, $0xF;
	v59 =	vld [tilespmem:s18+$0x930];
	[tilespmem:s18+$0x8C0] =	vst v2;
	v2 =	vmul.f32 v54, v50  }
0xf3: {  	v60 =	vld [tilespmem:s18+$0x940];
	[tilespmem:s18+$0x8D0] =	vst v3;
	v3 =	vmul.f32 v55, v50  }
0xf4: {  	v61 =	vld [tilespmem:s18+$0x950];
	[tilespmem:s18+$0x8E0] =	vst v2;
	v2 =	vmul.f32 v56, v1  }
0xf5: {  	v62 =	vld [tilespmem:s18+$0x960];
	[tilespmem:s18+$0x8F0] =	vst v3;
	v3 =	vmul.f32 v57, v1  }
0xf6: {  	v63 =	vld [tilespmem:s18+$0x970];
	[tilespmem:s18+$0x900] =	vst v2;
	v2 =	vmul.f32 v58, v1  }
0xf7: {  	[tilespmem:s18+$0x910] =	vst v3;
	v3 =	vmul.f32 v59, v1  }
0xf8: {  	p1 =	sne.s32 s16, $0x7;
	[tilespmem:s18+$0x920] =	vst v2;
	v2 =	vmul.f32 v60, v1  }
.Ltmp6:
0xf9: {  	[tilespmem:s18+$0x930] =	vst v3;
	v3 =	vmul.f32 v61, v1;
	(pc) =	sbr.rel @p1 .LBB2_6-.Ltmp6, $4  }
0xfa: {  	[tilespmem:s18+$0x940] =	vst v2;
	v2 =	vmul.f32 v62, v1  }
0xfb: {  	[tilespmem:s18+$0x950] =	vst v3;
	v1 =	vmul.f32 v63, v1  }
0xfc: {  	[tilespmem:s18+$0x960] =	vst v2  }
0xfd: {  	s16 =	sadd.s32 $0x1, s16;
	[tilespmem:s18+$0x970] =	vst v1  }
.Ltmp7:
0xfe: {  	(pc) =	sbr.rel .LBB2_8-.Ltmp7, $4  }
0xff: {  	[spmem:s6] =	stream.indirect.scatter.add.f32 [tilespmem:s29], [sflag:$0x3], $0x80, s7, s25, $0xb8;
	[tilespmem:$0x1E200] =	vst v63  }
0x100: {  	_ =	swait.ge [sflag:s24], $0x4000  }
0x101: {  	[sflag:s24] =	ssyncset.done $0x0  }
0x102: {  	[sflag:s24] =	ssyncadd.s32 $0xFFFFC000  }
.LBB2_9:
0x103: {  	s0 =	sshll.u32 s5, $0x6;
	[bflag:$0x0] =	sbarrier.arrive $0xFFFF  }
0x104: {  	s16 =	sshrl.u32 s8, $0x3;
	s0 =	sor.u32 $0x1C03, s0;
	s13 =	rddreg [dreg:$0x7]  }
0x105: {  	[hbm:s13], [sflag:s0] =	dma.local [spmem:s16], $0xD00  }
0x106: {  	_ =	swait.ge [sflag:s24], $0xD00  }
0x107: {  	[sflag:s24] =	ssyncset.done $0x0  }
0x108: {  	s18 =	sshrl.u32 s9, $0x3;
	s22 =	rddreg [dreg:$0x8];
	[sflag:s24] =	ssyncadd.s32 $0xFFFFF300  }
0x109: {  	[hbm:s22], [sflag:s0] =	dma.local [spmem:s18], $0xD00  }
0x10a: {  	_ =	swait.ge [sflag:s24], $0xD00  }
0x10b: {  	[sflag:s24] =	ssyncset.done $0x0  }
0x10c: {  	s19 =	sshrl.u32 s10, $0x3;
	[sflag:s24] =	ssyncadd.s32 $0xFFFFF300  }
0x10d: {  	[hbm:s15], [sflag:s0] =	dma.local [spmem:s19], $0xD00  }
0x10e: {  	_ =	swait.ge [sflag:s24], $0xD00  }
0x10f: {  	[sflag:s24] =	ssyncset.done $0x0  }
0x110: {  	s20 =	sshrl.u32 @!p0 s11, $0x3;
	s13 =	rddreg [dreg:$0x9];
	[sflag:s24] =	ssyncadd.s32 $0xFFFFF300  }
0x111: {  	[hbm:s13], [sflag:s0] =	dma.local @!p0 [spmem:s20], $0x100  }
0x112: {  	s13 =	simm.s32 @!p0 $0x3  }
0x113: {  	_ =	swait.ge @!p0 [sflag:s13], $0x100  }
0x114: {  	[sflag:s13] =	ssyncset.done @!p0 $0x0  }
0x115: {  	[sflag:s13] =	ssyncadd.s32 @!p0 $0xFFFFFF00  }
0x116: {  	[bflag:$0x0] =	sbarrier.arrive $0xFFFF  }
0x117: {  	[spmem:s8] =	stream.linear.scatter [tilespmem:s23], [sflag:$0x3], $0x6800, $0x38;
	[tilespmem:$0x1E200] =	vst v63  }
0x118: {  	_ =	swait.ge [sflag:s24], $0x6800  }
0x119: {  	[sflag:s24] =	ssyncset.done $0x0  }
0x11a: {  	[sflag:s24] =	ssyncadd.s32 $0xFFFF9800  }
0x11b: {  	[spmem:s9] =	stream.linear.scatter [tilespmem:s23], [sflag:$0x3], $0x6800, $0x38;
	[tilespmem:$0x1E200] =	vst v63  }
0x11c: {  	_ =	swait.ge [sflag:s24], $0x6800  }
0x11d: {  	[sflag:s24] =	ssyncset.done $0x0  }
0x11e: {  	[sflag:s24] =	ssyncadd.s32 $0xFFFF9800  }
0x11f: {  	[spmem:s10] =	stream.linear.scatter [tilespmem:s23], [sflag:$0x3], $0x6800, $0x38;
	[tilespmem:$0x1E200] =	vst v63  }
0x120: {  	_ =	swait.ge [sflag:s24], $0x6800  }
0x121: {  	[sflag:s24] =	ssyncset.done $0x0  }
0x122: {  	s21 =	simm.s32 @!p0 $0x4180;
	[sflag:s24] =	ssyncadd.s32 $0xFFFF9800  }
0x123: {  	[spmem:s11] =	stream.linear.scatter @!p0 [tilespmem:s21], [sflag:$0x3], $0x800, $0x38;
	[tilespmem:$0x1E200] =	vst v63  }
.Ltmp8:
0x124: {  	_ =	swait.ge @!p0 [sflag:s13], $0x800;
	(pc) =	sbr.rel .LBB2_10-.Ltmp8, $4  }
0x125: {  	[sflag:s13] =	ssyncset.done @!p0 $0x0  }
0x126: {  	[sflag:s13] =	ssyncadd.s32 @!p0 $0xFFFFF800  }
0x127: {  	[bflag:$0x0] =	sbarrier.arrive $0xFFFF  }
0x128: {  	s21 =	simm.s32 $0x0  }
.LBB2_14:
0x129: {  	s21 =	sadd.s32 $0x1, s21  }
0x12a: {  	p1 =	sne.s32 s21, $0x9D  }
.Ltmp9:
0x12b: {  	_ = 	snop;
	(pc) =	sbr.rel @!p1 .LBB2_15-.Ltmp9, $1  }
0x12c: {  	_ =	sdelay $0x3  }
.LBB2_10:
0x12d: {  	s13 =	sshll.u32 s21, $0x4  }
0x12e: {  	s13 =	sor.u32 s5, s13  }
0x12f: {  	p1 =	sgt.u32 s13, $0x9C3  }
.Ltmp10:
0x130: {  	_ = 	snop;
	(pc) =	sbr.rel @p1 .LBB2_14-.Ltmp10, $1  }
0x131: {  	_ =	sdelay $0x3  }
0x132: {  	s13 =	sshll.u32 s13, $0x7  }
0x133: {  	s13 =	sadd.s32 s13, s17  }
0x134: {  	s13 =	sshrl.u32 s13, $0x3  }
0x135: {  	s22 =	simm.s32 $0x0;
	s14 =	sadd.s32 s2, s13  }
0x136: {  	[tilespmem:s22], [sflag:$0x2] =	stream.linear.gather [hbm4b:s14+s22], $0x80, $0x38;
	[tilespmem:$0x1E200] =	vst v63  }
0x137: {  	s14 =	sadd.s32 s3, s13  }
0x138: {  	[tilespmem:s25], [sflag:$0x2] =	stream.linear.gather [hbm4b:s14+s22], $0x80, $0x38;
	[tilespmem:$0x1E200] =	vst v63  }
0x139: {  	s13 =	sadd.s32 s4, s13  }
0x13a: {  	[tilespmem:s26], [sflag:$0x2] =	stream.linear.gather [hbm4b:s13+s22], $0x80, $0x38;
	[tilespmem:$0x1E200] =	vst v63  }
0x13b: {  	_ =	swait.ge [sflag:s28], $0x80  }
0x13c: {  	[sflag:s28] =	ssyncset.done $0x0  }
0x13d: {  	[sflag:s28] =	ssyncadd.s32 $0xFFFFFF80  }
0x13e: {  	_ =	swait.ge [sflag:s28], $0x80  }
0x13f: {  	[sflag:s28] =	ssyncset.done $0x0  }
0x140: {  	[sflag:s28] =	ssyncadd.s32 $0xFFFFFF80  }
0x141: {  	_ =	swait.ge [sflag:s28], $0x80  }
0x142: {  	[sflag:s28] =	ssyncset.done $0x0  }
0x143: {  	[sflag:s28] =	ssyncadd.s32 $0xFFFFFF80  }
0x144: {  	[tilespmem:s29], [sflag:$0x1] =	stream.indirect.gather [hbm4b:s1+s25], $0x80, s25, s25, $0xb8;
	[tilespmem:$0x1E200] =	vst v63  }
0x145: {  	_ =	swait.ge [sflag:s30], $0x4000  }
0x146: {  	[sflag:s30] =	ssyncset.done $0x0  }
0x147: {  	[sflag:s30] =	ssyncadd.s32 $0xFFFFC000  }
.LBB2_12:
0x148: {  	s13 =	sshll.u32 s22, $0x4  }
0x149: {  	s13 =	sand.u32 $0x3FFFFFF0, s13  }
0x14a: {  	s14 =	sshll.u32 s22, $0xB;
	v1 =	vld [tilespmem:s13+$0x100]  }
0x14b: {  	s13 =	sand.u32 $0x3FFFF800, s14  }
0x14c: {  	v2 =	vld [tilespmem:s13+$0x180]  }
0x14d: {  	v3 =	vld [tilespmem:s13+$0x190]  }
0x14e: {  	v4 =	vld [tilespmem:s13+$0x1A0]  }
0x14f: {  	v6 =	vld [tilespmem:s13+$0x1B0];
	v5 =	vbroadcast v1, $0x0  }
0x150: {  	v7 =	vld [tilespmem:s13+$0x1C0]  }
0x151: {  	v8 =	vld [tilespmem:s13+$0x1D0];
	v2 =	vmul.f32 v5, v2  }
0x152: {  	v9 =	vld [tilespmem:s13+$0x1E0];
	v3 =	vmul.f32 v3, v5  }
0x153: {  	v34 =	vld [tilespmem:s13+$0x1F0];
	[tilespmem:s13+$0x180] =	vst v2;
	v2 =	vmul.f32 v4, v5  }
0x154: {  	v35 =	vld [tilespmem:s13+$0x200];
	[tilespmem:s13+$0x190] =	vst v3;
	v3 =	vmul.f32 v6, v5  }
0x155: {  	v36 =	vld [tilespmem:s13+$0x210];
	[tilespmem:s13+$0x1A0] =	vst v2;
	v2 =	vmul.f32 v7, v5  }
0x156: {  	v37 =	vld [tilespmem:s13+$0x220];
	[tilespmem:s13+$0x1B0] =	vst v3;
	v3 =	vmul.f32 v8, v5  }
0x157: {  	v10 =	vld [tilespmem:s13+$0x230];
	v38 =	vbroadcast v1, $0x1;
	[tilespmem:s13+$0x1C0] =	vst v2;
	v2 =	vmul.f32 v9, v5  }
0x158: {  	v39 =	vld [tilespmem:s13+$0x240];
	[tilespmem:s13+$0x1D0] =	vst v3;
	v3 =	vmul.f32 v34, v5  }
0x159: {  	v40 =	vld [tilespmem:s13+$0x250];
	[tilespmem:s13+$0x1E0] =	vst v2;
	v2 =	vmul.f32 v35, v38  }
0x15a: {  	v41 =	vld [tilespmem:s13+$0x260];
	[tilespmem:s13+$0x1F0] =	vst v3;
	v3 =	vmul.f32 v36, v38  }
0x15b: {  	v42 =	vld [tilespmem:s13+$0x270];
	[tilespmem:s13+$0x200] =	vst v2;
	v2 =	vmul.f32 v37, v38  }
0x15c: {  	v43 =	vld [tilespmem:s13+$0x280];
	[tilespmem:s13+$0x210] =	vst v3;
	v3 =	vmul.f32 v10, v38  }
0x15d: {  	v44 =	vld [tilespmem:s13+$0x290];
	[tilespmem:s13+$0x220] =	vst v2;
	v2 =	vmul.f32 v39, v38  }
0x15e: {  	v45 =	vld [tilespmem:s13+$0x2A0];
	[tilespmem:s13+$0x230] =	vst v3;
	v3 =	vmul.f32 v40, v38  }
0x15f: {  	v47 =	vld [tilespmem:s13+$0x2B0];
	v46 =	vbroadcast v1, $0x2;
	[tilespmem:s13+$0x240] =	vst v2;
	v2 =	vmul.f32 v41, v38  }
0x160: {  	v48 =	vld [tilespmem:s13+$0x2C0];
	[tilespmem:s13+$0x250] =	vst v3;
	v3 =	vmul.f32 v42, v38  }
0x161: {  	v49 =	vld [tilespmem:s13+$0x2D0];
	[tilespmem:s13+$0x260] =	vst v2;
	v2 =	vmul.f32 v43, v46  }
0x162: {  	v50 =	vld [tilespmem:s13+$0x2E0];
	[tilespmem:s13+$0x270] =	vst v3;
	v3 =	vmul.f32 v44, v46  }
0x163: {  	v51 =	vld [tilespmem:s13+$0x2F0];
	[tilespmem:s13+$0x280] =	vst v2;
	v2 =	vmul.f32 v45, v46  }
0x164: {  	v52 =	vld [tilespmem:s13+$0x300];
	[tilespmem:s13+$0x290] =	vst v3;
	v3 =	vmul.f32 v47, v46  }
0x165: {  	v53 =	vld [tilespmem:s13+$0x310];
	[tilespmem:s13+$0x2A0] =	vst v2;
	v2 =	vmul.f32 v48, v46  }
0x166: {  	v54 =	vld [tilespmem:s13+$0x320];
	[tilespmem:s13+$0x2B0] =	vst v3;
	v3 =	vmul.f32 v49, v46  }
0x167: {  	v56 =	vld [tilespmem:s13+$0x330];
	v55 =	vbroadcast v1, $0x3;
	[tilespmem:s13+$0x2C0] =	vst v2;
	v2 =	vmul.f32 v50, v46  }
0x168: {  	v57 =	vld [tilespmem:s13+$0x340];
	[tilespmem:s13+$0x2D0] =	vst v3;
	v3 =	vmul.f32 v51, v46  }
0x169: {  	v58 =	vld [tilespmem:s13+$0x350];
	[tilespmem:s13+$0x2E0] =	vst v2;
	v2 =	vmul.f32 v52, v55  }
0x16a: {  	v59 =	vld [tilespmem:s13+$0x360];
	[tilespmem:s13+$0x2F0] =	vst v3;
	v3 =	vmul.f32 v53, v55  }
0x16b: {  	v60 =	vld [tilespmem:s13+$0x370];
	[tilespmem:s13+$0x300] =	vst v2;
	v2 =	vmul.f32 v54, v55  }
0x16c: {  	v61 =	vld [tilespmem:s13+$0x380];
	[tilespmem:s13+$0x310] =	vst v3;
	v3 =	vmul.f32 v56, v55  }
0x16d: {  	v62 =	vld [tilespmem:s13+$0x390];
	[tilespmem:s13+$0x320] =	vst v2;
	v2 =	vmul.f32 v57, v55  }
0x16e: {  	v63 =	vld [tilespmem:s13+$0x3A0];
	[tilespmem:s13+$0x330] =	vst v3;
	v3 =	vmul.f32 v58, v55  }
0x16f: {  	v13 =	vld [tilespmem:s13+$0x3B0];
	v12 =	vbroadcast v1, $0x4;
	[tilespmem:s13+$0x340] =	vst v2;
	v2 =	vmul.f32 v59, v55  }
0x170: {  	v14 =	vld [tilespmem:s13+$0x3C0];
	[tilespmem:s13+$0x350] =	vst v3;
	v3 =	vmul.f32 v60, v55  }
0x171: {  	v15 =	vld [tilespmem:s13+$0x3D0];
	[tilespmem:s13+$0x360] =	vst v2;
	v2 =	vmul.f32 v61, v12  }
0x172: {  	v16 =	vld [tilespmem:s13+$0x3E0];
	[tilespmem:s13+$0x370] =	vst v3;
	v3 =	vmul.f32 v62, v12  }
0x173: {  	v17 =	vld [tilespmem:s13+$0x3F0];
	[tilespmem:s13+$0x380] =	vst v2;
	v2 =	vmul.f32 v63, v12  }
0x174: {  	v18 =	vld [tilespmem:s13+$0x400];
	[tilespmem:s13+$0x390] =	vst v3;
	v3 =	vmul.f32 v13, v12  }
0x175: {  	v19 =	vld [tilespmem:s13+$0x410];
	[tilespmem:s13+$0x3A0] =	vst v2;
	v2 =	vmul.f32 v14, v12  }
0x176: {  	v20 =	vld [tilespmem:s13+$0x420];
	[tilespmem:s13+$0x3B0] =	vst v3;
	v3 =	vmul.f32 v15, v12  }
0x177: {  	v22 =	vld [tilespmem:s13+$0x430];
	v21 =	vbroadcast v1, $0x5;
	[tilespmem:s13+$0x3C0] =	vst v2;
	v2 =	vmul.f32 v16, v12  }
0x178: {  	v23 =	vld [tilespmem:s13+$0x440];
	[tilespmem:s13+$0x3D0] =	vst v3;
	v3 =	vmul.f32 v17, v12  }
0x179: {  	v24 =	vld [tilespmem:s13+$0x450];
	[tilespmem:s13+$0x3E0] =	vst v2;
	v2 =	vmul.f32 v18, v21  }
0x17a: {  	v25 =	vld [tilespmem:s13+$0x460];
	[tilespmem:s13+$0x3F0] =	vst v3;
	v3 =	vmul.f32 v19, v21  }
0x17b: {  	v26 =	vld [tilespmem:s13+$0x470];
	[tilespmem:s13+$0x400] =	vst v2;
	v2 =	vmul.f32 v20, v21  }
0x17c: {  	v27 =	vld [tilespmem:s13+$0x480];
	[tilespmem:s13+$0x410] =	vst v3;
	v3 =	vmul.f32 v22, v21  }
0x17d: {  	v28 =	vld [tilespmem:s13+$0x490];
	[tilespmem:s13+$0x420] =	vst v2;
	v2 =	vmul.f32 v23, v21  }
0x17e: {  	v29 =	vld [tilespmem:s13+$0x4A0];
	[tilespmem:s13+$0x430] =	vst v3;
	v3 =	vmul.f32 v24, v21  }
0x17f: {  	v31 =	vld [tilespmem:s13+$0x4B0];
	v30 =	vbroadcast v1, $0x6;
	[tilespmem:s13+$0x440] =	vst v2;
	v2 =	vmul.f32 v25, v21  }
0x180: {  	v32 =	vld [tilespmem:s13+$0x4C0];
	[tilespmem:s13+$0x450] =	vst v3;
	v3 =	vmul.f32 v26, v21  }
0x181: {  	v33 =	vld [tilespmem:s13+$0x4D0];
	[tilespmem:s13+$0x460] =	vst v2;
	v2 =	vmul.f32 v27, v30  }
0x182: {  	v34 =	vld [tilespmem:s13+$0x4E0];
	[tilespmem:s13+$0x470] =	vst v3;
	v3 =	vmul.f32 v28, v30  }
0x183: {  	v35 =	vld [tilespmem:s13+$0x4F0];
	[tilespmem:s13+$0x480] =	vst v2;
	v2 =	vmul.f32 v29, v30  }
0x184: {  	v36 =	vld [tilespmem:s13+$0x500];
	[tilespmem:s13+$0x490] =	vst v3;
	v3 =	vmul.f32 v31, v30  }
0x185: {  	v37 =	vld [tilespmem:s13+$0x510];
	[tilespmem:s13+$0x4A0] =	vst v2;
	v2 =	vmul.f32 v32, v30  }
0x186: {  	v38 =	vld [tilespmem:s13+$0x520];
	[tilespmem:s13+$0x4B0] =	vst v3;
	v3 =	vmul.f32 v33, v30  }
0x187: {  	v39 =	vbroadcast v1, $0x7;
	v40 =	vld [tilespmem:s13+$0x530];
	[tilespmem:s13+$0x4C0] =	vst v2;
	v2 =	vmul.f32 v34, v30  }
0x188: {  	v41 =	vld [tilespmem:s13+$0x540];
	[tilespmem:s13+$0x4D0] =	vst v3;
	v3 =	vmul.f32 v35, v30  }
0x189: {  	v42 =	vld [tilespmem:s13+$0x550];
	[tilespmem:s13+$0x4E0] =	vst v2;
	v2 =	vmul.f32 v36, v39  }
0x18a: {  	v43 =	vld [tilespmem:s13+$0x560];
	[tilespmem:s13+$0x4F0] =	vst v3;
	v3 =	vmul.f32 v37, v39  }
0x18b: {  	v44 =	vld [tilespmem:s13+$0x570];
	[tilespmem:s13+$0x500] =	vst v2;
	v2 =	vmul.f32 v38, v39  }
0x18c: {  	v45 =	vld [tilespmem:s13+$0x580];
	[tilespmem:s13+$0x510] =	vst v3;
	v3 =	vmul.f32 v40, v39  }
0x18d: {  	v46 =	vld [tilespmem:s13+$0x590];
	[tilespmem:s13+$0x520] =	vst v2;
	v2 =	vmul.f32 v41, v39  }
0x18e: {  	v47 =	vld [tilespmem:s13+$0x5A0];
	[tilespmem:s13+$0x530] =	vst v3;
	v3 =	vmul.f32 v42, v39  }
0x18f: {  	v48 =	vbroadcast v1, $0x8;
	v49 =	vld [tilespmem:s13+$0x5B0];
	[tilespmem:s13+$0x540] =	vst v2;
	v2 =	vmul.f32 v43, v39  }
0x190: {  	v50 =	vld [tilespmem:s13+$0x5C0];
	[tilespmem:s13+$0x550] =	vst v3;
	v3 =	vmul.f32 v44, v39  }
0x191: {  	v51 =	vld [tilespmem:s13+$0x5D0];
	[tilespmem:s13+$0x560] =	vst v2;
	v2 =	vmul.f32 v45, v48  }
0x192: {  	v52 =	vld [tilespmem:s13+$0x5E0];
	[tilespmem:s13+$0x570] =	vst v3;
	v3 =	vmul.f32 v46, v48  }
0x193: {  	v53 =	vld [tilespmem:s13+$0x5F0];
	[tilespmem:s13+$0x580] =	vst v2;
	v2 =	vmul.f32 v47, v48  }
0x194: {  	v54 =	vld [tilespmem:s13+$0x600];
	[tilespmem:s13+$0x590] =	vst v3;
	v3 =	vmul.f32 v49, v48  }
0x195: {  	v55 =	vld [tilespmem:s13+$0x610];
	[tilespmem:s13+$0x5A0] =	vst v2;
	v2 =	vmul.f32 v50, v48  }
0x196: {  	v56 =	vld [tilespmem:s13+$0x620];
	[tilespmem:s13+$0x5B0] =	vst v3;
	v3 =	vmul.f32 v51, v48  }
0x197: {  	v57 =	vbroadcast v1, $0x9;
	v58 =	vld [tilespmem:s13+$0x630];
	[tilespmem:s13+$0x5C0] =	vst v2;
	v2 =	vmul.f32 v52, v48  }
0x198: {  	v59 =	vld [tilespmem:s13+$0x640];
	[tilespmem:s13+$0x5D0] =	vst v3;
	v3 =	vmul.f32 v53, v48  }
0x199: {  	v60 =	vld [tilespmem:s13+$0x650];
	[tilespmem:s13+$0x5E0] =	vst v2;
	v2 =	vmul.f32 v54, v57  }
0x19a: {  	v61 =	vld [tilespmem:s13+$0x660];
	[tilespmem:s13+$0x5F0] =	vst v3;
	v3 =	vmul.f32 v55, v57  }
0x19b: {  	v62 =	vld [tilespmem:s13+$0x670];
	[tilespmem:s13+$0x600] =	vst v2;
	v2 =	vmul.f32 v56, v57  }
0x19c: {  	v63 =	vld [tilespmem:s13+$0x680];
	[tilespmem:s13+$0x610] =	vst v3;
	v3 =	vmul.f32 v58, v57  }
0x19d: {  	v12 =	vld [tilespmem:s13+$0x690];
	[tilespmem:s13+$0x620] =	vst v2;
	v2 =	vmul.f32 v59, v57  }
0x19e: {  	v13 =	vld [tilespmem:s13+$0x6A0];
	[tilespmem:s13+$0x630] =	vst v3;
	v3 =	vmul.f32 v60, v57  }
0x19f: {  	v14 =	vbroadcast v1, $0xA;
	v15 =	vld [tilespmem:s13+$0x6B0];
	[tilespmem:s13+$0x640] =	vst v2;
	v2 =	vmul.f32 v61, v57  }
0x1a0: {  	v16 =	vld [tilespmem:s13+$0x6C0];
	[tilespmem:s13+$0x650] =	vst v3;
	v3 =	vmul.f32 v62, v57  }
0x1a1: {  	v17 =	vld [tilespmem:s13+$0x6D0];
	[tilespmem:s13+$0x660] =	vst v2;
	v2 =	vmul.f32 v63, v14  }
0x1a2: {  	v18 =	vld [tilespmem:s13+$0x6E0];
	[tilespmem:s13+$0x670] =	vst v3;
	v3 =	vmul.f32 v12, v14  }
0x1a3: {  	v19 =	vld [tilespmem:s13+$0x6F0];
	[tilespmem:s13+$0x680] =	vst v2;
	v2 =	vmul.f32 v13, v14  }
0x1a4: {  	v20 =	vld [tilespmem:s13+$0x700];
	[tilespmem:s13+$0x690] =	vst v3;
	v3 =	vmul.f32 v15, v14  }
0x1a5: {  	v21 =	vld [tilespmem:s13+$0x710];
	[tilespmem:s13+$0x6A0] =	vst v2;
	v2 =	vmul.f32 v16, v14  }
0x1a6: {  	v22 =	vld [tilespmem:s13+$0x720];
	[tilespmem:s13+$0x6B0] =	vst v3;
	v3 =	vmul.f32 v17, v14  }
0x1a7: {  	v23 =	vbroadcast v1, $0xB;
	v24 =	vld [tilespmem:s13+$0x730];
	[tilespmem:s13+$0x6C0] =	vst v2;
	v2 =	vmul.f32 v18, v14  }
0x1a8: {  	v25 =	vld [tilespmem:s13+$0x740];
	[tilespmem:s13+$0x6D0] =	vst v3;
	v3 =	vmul.f32 v19, v14  }
0x1a9: {  	v26 =	vld [tilespmem:s13+$0x750];
	[tilespmem:s13+$0x6E0] =	vst v2;
	v2 =	vmul.f32 v20, v23  }
0x1aa: {  	v27 =	vld [tilespmem:s13+$0x760];
	[tilespmem:s13+$0x6F0] =	vst v3;
	v3 =	vmul.f32 v21, v23  }
0x1ab: {  	v28 =	vld [tilespmem:s13+$0x770];
	[tilespmem:s13+$0x700] =	vst v2;
	v2 =	vmul.f32 v22, v23  }
0x1ac: {  	v29 =	vld [tilespmem:s13+$0x780];
	[tilespmem:s13+$0x710] =	vst v3;
	v3 =	vmul.f32 v24, v23  }
0x1ad: {  	v30 =	vld [tilespmem:s13+$0x790];
	[tilespmem:s13+$0x720] =	vst v2;
	v2 =	vmul.f32 v25, v23  }
0x1ae: {  	v31 =	vld [tilespmem:s13+$0x7A0];
	[tilespmem:s13+$0x730] =	vst v3;
	v3 =	vmul.f32 v26, v23  }
0x1af: {  	v32 =	vbroadcast v1, $0xC;
	v33 =	vld [tilespmem:s13+$0x7B0];
	[tilespmem:s13+$0x740] =	vst v2;
	v2 =	vmul.f32 v27, v23  }
0x1b0: {  	v34 =	vld [tilespmem:s13+$0x7C0];
	[tilespmem:s13+$0x750] =	vst v3;
	v3 =	vmul.f32 v28, v23  }
0x1b1: {  	v35 =	vld [tilespmem:s13+$0x7D0];
	[tilespmem:s13+$0x760] =	vst v2;
	v2 =	vmul.f32 v29, v32  }
0x1b2: {  	v36 =	vld [tilespmem:s13+$0x7E0];
	[tilespmem:s13+$0x770] =	vst v3;
	v3 =	vmul.f32 v30, v32  }
0x1b3: {  	v37 =	vld [tilespmem:s13+$0x7F0];
	[tilespmem:s13+$0x780] =	vst v2;
	v2 =	vmul.f32 v31, v32  }
0x1b4: {  	v38 =	vld [tilespmem:s13+$0x800];
	[tilespmem:s13+$0x790] =	vst v3;
	v3 =	vmul.f32 v33, v32  }
0x1b5: {  	v39 =	vld [tilespmem:s13+$0x810];
	[tilespmem:s13+$0x7A0] =	vst v2;
	v2 =	vmul.f32 v34, v32  }
0x1b6: {  	v40 =	vld [tilespmem:s13+$0x820];
	[tilespmem:s13+$0x7B0] =	vst v3;
	v3 =	vmul.f32 v35, v32  }
0x1b7: {  	v41 =	vbroadcast v1, $0xD;
	v42 =	vld [tilespmem:s13+$0x830];
	[tilespmem:s13+$0x7C0] =	vst v2;
	v2 =	vmul.f32 v36, v32  }
0x1b8: {  	v43 =	vld [tilespmem:s13+$0x840];
	[tilespmem:s13+$0x7D0] =	vst v3;
	v3 =	vmul.f32 v37, v32  }
0x1b9: {  	v44 =	vld [tilespmem:s13+$0x850];
	[tilespmem:s13+$0x7E0] =	vst v2;
	v2 =	vmul.f32 v38, v41  }
0x1ba: {  	v45 =	vld [tilespmem:s13+$0x860];
	[tilespmem:s13+$0x7F0] =	vst v3;
	v3 =	vmul.f32 v39, v41  }
0x1bb: {  	v46 =	vld [tilespmem:s13+$0x870];
	[tilespmem:s13+$0x800] =	vst v2;
	v2 =	vmul.f32 v40, v41  }
0x1bc: {  	v47 =	vld [tilespmem:s13+$0x880];
	[tilespmem:s13+$0x810] =	vst v3;
	v3 =	vmul.f32 v42, v41  }
0x1bd: {  	v48 =	vld [tilespmem:s13+$0x890];
	[tilespmem:s13+$0x820] =	vst v2;
	v2 =	vmul.f32 v43, v41  }
0x1be: {  	v49 =	vld [tilespmem:s13+$0x8A0];
	[tilespmem:s13+$0x830] =	vst v3;
	v3 =	vmul.f32 v44, v41  }
0x1bf: {  	v50 =	vbroadcast v1, $0xE;
	v51 =	vld [tilespmem:s13+$0x8B0];
	[tilespmem:s13+$0x840] =	vst v2;
	v2 =	vmul.f32 v45, v41  }
0x1c0: {  	v52 =	vld [tilespmem:s13+$0x8C0];
	[tilespmem:s13+$0x850] =	vst v3;
	v3 =	vmul.f32 v46, v41  }
0x1c1: {  	v53 =	vld [tilespmem:s13+$0x8D0];
	[tilespmem:s13+$0x860] =	vst v2;
	v2 =	vmul.f32 v47, v50  }
0x1c2: {  	v54 =	vld [tilespmem:s13+$0x8E0];
	[tilespmem:s13+$0x870] =	vst v3;
	v3 =	vmul.f32 v48, v50  }
0x1c3: {  	v55 =	vld [tilespmem:s13+$0x8F0];
	[tilespmem:s13+$0x880] =	vst v2;
	v2 =	vmul.f32 v49, v50  }
0x1c4: {  	v56 =	vld [tilespmem:s13+$0x900];
	[tilespmem:s13+$0x890] =	vst v3;
	v3 =	vmul.f32 v51, v50  }
0x1c5: {  	v57 =	vld [tilespmem:s13+$0x910];
	[tilespmem:s13+$0x8A0] =	vst v2;
	v2 =	vmul.f32 v52, v50  }
0x1c6: {  	v58 =	vld [tilespmem:s13+$0x920];
	[tilespmem:s13+$0x8B0] =	vst v3;
	v3 =	vmul.f32 v53, v50  }
0x1c7: {  	v1 =	vbroadcast v1, $0xF;
	v59 =	vld [tilespmem:s13+$0x930];
	[tilespmem:s13+$0x8C0] =	vst v2;
	v2 =	vmul.f32 v54, v50  }
0x1c8: {  	v60 =	vld [tilespmem:s13+$0x940];
	[tilespmem:s13+$0x8D0] =	vst v3;
	v3 =	vmul.f32 v55, v50  }
0x1c9: {  	v61 =	vld [tilespmem:s13+$0x950];
	[tilespmem:s13+$0x8E0] =	vst v2;
	v2 =	vmul.f32 v56, v1  }
0x1ca: {  	v62 =	vld [tilespmem:s13+$0x960];
	[tilespmem:s13+$0x8F0] =	vst v3;
	v3 =	vmul.f32 v57, v1  }
0x1cb: {  	v63 =	vld [tilespmem:s13+$0x970];
	[tilespmem:s13+$0x900] =	vst v2;
	v2 =	vmul.f32 v58, v1  }
0x1cc: {  	[tilespmem:s13+$0x910] =	vst v3;
	v3 =	vmul.f32 v59, v1  }
0x1cd: {  	p1 =	sne.s32 s22, $0x7;
	[tilespmem:s13+$0x920] =	vst v2;
	v2 =	vmul.f32 v60, v1  }
.Ltmp11:
0x1ce: {  	[tilespmem:s13+$0x930] =	vst v3;
	v3 =	vmul.f32 v61, v1;
	(pc) =	sbr.rel @p1 .LBB2_12-.Ltmp11, $4  }
0x1cf: {  	[tilespmem:s13+$0x940] =	vst v2;
	v2 =	vmul.f32 v62, v1  }
0x1d0: {  	[tilespmem:s13+$0x950] =	vst v3;
	v1 =	vmul.f32 v63, v1  }
0x1d1: {  	[tilespmem:s13+$0x960] =	vst v2  }
0x1d2: {  	s22 =	sadd.s32 $0x1, s22;
	[tilespmem:s13+$0x970] =	vst v1  }
.Ltmp12:
0x1d3: {  	(pc) =	sbr.rel .LBB2_14-.Ltmp12, $4  }
0x1d4: {  	[spmem:s6] =	stream.indirect.scatter.add.f32 [tilespmem:s29], [sflag:$0x3], $0x80, s7, s25, $0xb8;
	[tilespmem:$0x1E200] =	vst v63  }
0x1d5: {  	_ =	swait.ge [sflag:s24], $0x4000  }
0x1d6: {  	[sflag:s24] =	ssyncset.done $0x0  }
0x1d7: {  	[sflag:s24] =	ssyncadd.s32 $0xFFFFC000  }
.LBB2_16:
0x1d8: {  	_ =	sfence.sel $0x180000  }
0x1d9: {  	[bflag:$0x0] =	sbarrier.arrive $0xFFFF  }
0x1da: {  	_ =	strace $0x90000047  }
0x1db: {  	[bflag:$0x2] =	sbarrier.arrive $0xFFFF  }
0x1dc: {  	p0 =	sne.s32 s5, $0x0;
	s0 =	rddreg [dreg:$0x6]  }
0x1dd: {  	s0 =	sadd.s32 @!p0 $0x100000, s0  }
0x1de: {  	[sflag:s0] =	ssyncadd.tile.s32 @!p0 $0x1;
	_ =	shalt  }
.Lfunc_end2:
_tile_overlayer_lowered:
.L_overlay_start_2:
0x1df: {  	(tag) =	ssettag $0x2  }
0x1e0: {  	s0 =	rddreg [dreg:$0x0];
	s2 =	stileid.u32  }
0x1e1: {  	s1 =	rddreg [dreg:$0x1];
	p0 =	sne.s32 s2, $0x0  }
0x1e2: {  	s3 =	rddreg [dreg:$0x2];
	[bflag:$0x3] =	sbarrier.arrive $0xFFFF;
	s2 =	simm.s32 @!p0 $0x1C03  }
0x1e3: {  	[timem:s3], [sflag:s2] =	dma.local @!p0 [hbm:s0], s1  }
0x1e4: {  	s0 =	simm.s32 @!p0 $0x3  }
0x1e5: {  	_ =	swait.ge @!p0 [sflag:s0], s1  }
0x1e6: {  	s1 =	ssub.s32 @!p0 $0x0, s1;
	[sflag:s0] =	ssyncset.done @!p0 $0x0  }
0x1e7: {  	[sflag:s0] =	ssyncadd.s32 @!p0 s1  }
0x1e8: {  	[bflag:$0x3] =	sbarrier.arrive $0xFFFF  }
0x1e9: {  	_ =	shalt  }

</sc_bundles>
